<compile_context>
chip_gen: v7x
topology: tpu7x:2x2x1
jax: 0.10.2.dev20260603
libtpu: 0.0.44.dev20260713+nightly
codegen_flags: <defaults>
</compile_context>

<pallas_src>
import functools

import jax
import jax.numpy as jnp
from jax import lax
from jax.experimental import pallas as pl
from jax.experimental.pallas import tpu as pltpu
from jax.experimental.pallas import tpu_sc as plsc

H = 4096
W = 4096
NBINS = 1024
NC = 2
NS = 16
NW = NC * NS
ROWS_PER_W = H // NW
R = 8
BLOCKS = ROWS_PER_W // R
L = 16
CHUNKS = W // L
BUFLEN = (R + 1) * W + L

_mesh = plsc.VectorSubcoreMesh(core_axis_name="c", subcore_axis_name="s")


def _to_bin(v):
    y = v * jnp.float32(NBINS - 1)
    ti = y.astype(jnp.int32)
    return jnp.where(ti.astype(jnp.float32) < y, ti + 1, ti)


@functools.partial(
    pl.kernel,
    out_type=jax.ShapeDtypeStruct((NW, NBINS), jnp.int32),
    mesh=_mesh,
    compiler_params=pltpu.CompilerParams(needs_layout_passes=False),
    scratch_types=[
        pltpu.VMEM((BUFLEN,), jnp.float32),
        pltpu.VMEM((BUFLEN,), jnp.float32),
        pltpu.VMEM((L * NBINS,), jnp.int32),
        pltpu.VMEM((NBINS,), jnp.int32),
        pltpu.SemaphoreType.DMA,
        pltpu.SemaphoreType.DMA,
    ],
)
def _hist_kernel(img_hbm, out_hbm, fbuf_a, fbuf_b, hist, obuf, sem_a, sem_b):
    wid = lax.axis_index("s") * NC + lax.axis_index("c")

    iota16 = lax.iota(jnp.int32, L)
    iota_u = lax.iota(jnp.uint32, L)
    ones = jnp.ones((L,), jnp.int32)
    mones = -ones
    zeros = jnp.zeros((L,), jnp.int32)
    mlast = iota16 < (L - 1)
    shift1 = jnp.minimum(iota16 + 1, L - 1)
    zero_idx = jnp.zeros((L,), jnp.int32)


    def dma_rows(bb, buf, sem):
        row0 = wid * ROWS_PER_W + bb * R
        copies = [
            pltpu.make_async_copy(img_hbm.at[row0 + r],
                                  buf.at[pl.ds(r * W, W)], sem)
            for r in range(R)
        ]
        halo = pltpu.make_async_copy(img_hbm.at[row0 + R],
                                     buf.at[pl.ds(R * W, W)], sem)
        return copies, halo, row0 + R < H

    def start_dma(bb, buf, sem):
        copies, halo, has_halo = dma_rows(bb, buf, sem)
        for c in copies:
            c.start()

        @pl.when(has_halo)
        def _():
            halo.start()

    def wait_dma(bb, buf, sem):
        copies, halo, has_halo = dma_rows(bb, buf, sem)
        for c in copies:
            c.wait()

        @pl.when(has_halo)
        def _():
            halo.wait()

    def process(bb, buf):
        row0 = wid * ROWS_PER_W + bb * R
        fast = row0 + R < H

        def conv_chunk(off):
            b = _to_bin(buf[pl.ds(off, L)])
            return plsc.bitcast((b << 4) | iota16, jnp.uint32)

        def scat(idx_u, val, mask=None):
            plsc.addupdate_scatter(hist, [plsc.bitcast(idx_u, jnp.int32)],
                                   val, mask=mask)

        def retag(idx_u):
            return (idx_u & jnp.uint32(0xFFFFFFF0)) | iota_u

        RH = R // 2

        def col_scatter(prev, sh, edge_mask):
            iy = [jnp.maximum(prev[i], sh[i]) for i in range(RH + 1)]
            for i in range(RH):
                ix = jnp.maximum(prev[i], prev[i + 1])
                isq = jnp.maximum(iy[i], iy[i + 1])
                scat(prev[i], ones)
                scat(ix, mones)
                scat(retag(iy[i]), mones, mask=edge_mask)
                scat(retag(isq), ones, mask=edge_mask)

        def walk(r0):
            def load_col(jb):
                return tuple(conv_chunk(jb + (r0 + i) * W)
                             for i in range(RH + 1))

            first = load_col(0)

            @plsc.parallel_loop(1, CHUNKS, carry=first)
            def chunkf(c, prev):
                cur = load_col(c * L)
                sh = [
                    jnp.where(
                        mlast,
                        prev[i].at[shift1].get(mode="promise_in_bounds"),
                        cur[i].at[zero_idx].get(mode="promise_in_bounds"),
                    )
                    for i in range(RH + 1)
                ]
                col_scatter(prev, sh, None)
                return cur

            last = chunkf
            sh = [last[i].at[shift1].get(mode="promise_in_bounds")
                  for i in range(RH + 1)]
            col_scatter(last, sh, mlast)

        @pl.when(fast)
        def _fast():
            walk(0)
            walk(RH)

        @pl.when(jnp.logical_not(fast))
        def _slow():
            @plsc.parallel_loop(0, (R * W) // L, unroll=4)
            def conv(t):
                off = t * L
                buf[pl.ds(off, L)] = plsc.bitcast(conv_chunk(off),
                                                  jnp.float32)

            def bins(off):
                return plsc.bitcast(buf[pl.ds(off, L)], jnp.uint32)

            def rowf(r, c0):
                gi = row0 + r

                @pl.when(gi < H - 1)
                def _full_row():
                    @plsc.parallel_loop(0, CHUNKS - 1, unroll=5)
                    def chunkf(c):
                        base = r * W + c * L
                        ia = bins(base)
                        iar = bins(base + 1)
                        iad = bins(base + W)
                        iadr = bins(base + W + 1)
                        ix = jnp.maximum(ia, iad)
                        iy = jnp.maximum(ia, iar)
                        isq = jnp.maximum(iy, jnp.maximum(iad, iadr))
                        scat(ia, ones)
                        scat(ix, mones)
                        scat(retag(iy), mones)
                        scat(retag(isq), ones)

                    base = r * W + (CHUNKS - 1) * L
                    ia = bins(base)
                    iar = bins(base + 1)
                    iad = bins(base + W)
                    iadr = bins(base + W + 1)
                    ix = jnp.maximum(ia, iad)
                    iy = jnp.maximum(ia, iar)
                    isq = jnp.maximum(iy, jnp.maximum(iad, iadr))
                    scat(ia, ones)
                    scat(ix, mones)
                    scat(retag(iy), mones, mask=mlast)
                    scat(retag(isq), ones, mask=mlast)

                @pl.when(gi == H - 1)
                def _last_row():
                    @plsc.parallel_loop(0, CHUNKS - 1, unroll=5)
                    def chunkv(c):
                        base = r * W + c * L
                        ia = bins(base)
                        iar = bins(base + 1)
                        scat(ia, ones)
                        scat(retag(jnp.maximum(ia, iar)), mones)

                    base = r * W + (CHUNKS - 1) * L
                    ia = bins(base)
                    iar = bins(base + 1)
                    scat(ia, ones)
                    scat(retag(jnp.maximum(ia, iar)), mones, mask=mlast)

                return c0

            lax.fori_loop(0, R, rowf, 0)

    start_dma(0, fbuf_a, sem_a)

    def zero_hist(i, carry):
        hist[pl.ds(i * L, L)] = zeros
        return carry

    lax.fori_loop(0, (L * NBINS) // L, zero_hist, 0)

    def outer(k, carry):
        b0 = 2 * k
        wait_dma(b0, fbuf_a, sem_a)
        start_dma(b0 + 1, fbuf_b, sem_b)
        plsc.subcore_barrier()
        process(b0, fbuf_a)
        wait_dma(b0 + 1, fbuf_b, sem_b)

        @pl.when(b0 + 2 < BLOCKS)
        def _():
            start_dma(b0 + 2, fbuf_a, sem_a)

        plsc.subcore_barrier()
        process(b0 + 1, fbuf_b)
        return carry

    lax.fori_loop(0, BLOCKS // 2, outer, 0)

    gidx = iota16 * L

    def fold(cidx, carry):
        acc = plsc.load_gather(hist, [gidx + cidx * (L * L)])
        for lane in range(1, L):
            acc = acc + plsc.load_gather(hist, [gidx + (cidx * (L * L) + lane)])
        obuf[pl.ds(cidx * L, L)] = acc
        return carry

    lax.fori_loop(0, NBINS // L, fold, 0)
    pltpu.sync_copy(obuf, out_hbm.at[wid])


@functools.partial(
    pl.kernel,
    out_type=jax.ShapeDtypeStruct((NBINS,), jnp.int32),
    mesh=_mesh,
    compiler_params=pltpu.CompilerParams(needs_layout_passes=False),
    scratch_types=[
        pltpu.VMEM((NW, NBINS), jnp.int32),
        pltpu.VMEM((NBINS,), jnp.int32),
    ],
)
def _finalize_kernel(part_hbm, out_hbm, pbuf, obuf):
    wid = lax.axis_index("s") * NC + lax.axis_index("c")

    onehot0 = (lax.iota(jnp.int32, L) == 0).astype(jnp.int32)
    fifteen = jnp.full((L,), L - 1, jnp.int32)

    @pl.when(wid == 0)
    def _():
        pltpu.sync_copy(part_hbm, pbuf)

        def chunk(cidx, carry_vec):
            off = cidx * L
            acc = pbuf[0, pl.ds(off, L)]
            for w in range(1, NW):
                acc = acc + pbuf[w, pl.ds(off, L)]
            acc = acc + carry_vec * onehot0
            cum = plsc.cumsum(acc)
            obuf[pl.ds(off, L)] = cum
            return cum.at[fifteen].get(mode="promise_in_bounds")

        lax.fori_loop(0, NBINS // L, chunk, jnp.zeros((L,), jnp.int32))
        pltpu.sync_copy(obuf, out_hbm)


def kernel(img_arr):
    part = _hist_kernel(img_arr)
    return _finalize_kernel(part)

# --- scband reference (transcript-rebuilt; emitter-appended) ---
"""Pipeline reference for scband-image-ecf-2-d-45457933861131 (READ-ONLY COPY).

The authoritative reference and input builder live on the scoring server;
editing this copy changes nothing except your own understanding.
"""

import jax, jax.numpy as jnp
import numpy as np

NUM_VALS = 1024


def setup_inputs(seed: int = 0) -> dict:
    key = jax.random.key(seed)
    img_arr = jax.random.uniform(key, (4096, 4096), dtype=jnp.float32)
    return {"img_arr": img_arr}


def _cell_values_2d(arr):
    arr = arr.astype(jnp.float32)
    vertex_values = arr.reshape(-1)
    x_edge_values = jnp.maximum(arr[1:, :], arr[:-1, :])
    y_edge_values = jnp.maximum(arr[:, 1:], arr[:, :-1])
    edge_values = jnp.concatenate([x_edge_values.reshape(-1), y_edge_values.reshape(-1)], axis=0)
    square_values = jnp.maximum(y_edge_values[1:, :], y_edge_values[:-1, :]).reshape(-1)
    return vertex_values, edge_values, square_values


def reference(img_arr):
    n = NUM_VALS
    vertex_values, edge_values, square_values = _cell_values_2d(img_arr)
    vertex_indices = jnp.ceil(vertex_values * (n - 1)).astype(jnp.int32)
    edge_indices = jnp.ceil(edge_values * (n - 1)).astype(jnp.int32)
    square_indices = jnp.ceil(square_values * (n - 1)).astype(jnp.int32)
    diff_ecf = jnp.zeros((n,), dtype=jnp.int32)
    diff_ecf = diff_ecf.at[vertex_indices].add(jnp.ones(vertex_indices.shape[0], dtype=jnp.int32))
    diff_ecf = diff_ecf.at[edge_indices].add(-jnp.ones(edge_indices.shape[0], dtype=jnp.int32))
    diff_ecf = diff_ecf.at[square_indices].add(jnp.ones(square_indices.shape[0], dtype=jnp.int32))
    return jnp.cumsum(diff_ecf, axis=0)

if __name__ == "__main__":
    import jax
    _d = setup_inputs()
    print(jax.jit(kernel)(*tuple(_d.values())))

</pallas_src>

<mosaic_0001>
#map = affine_map<(d0, d1) -> (0, 0)>
module attributes {stable_mosaic.version = 14 : i64} {
  func.func @_hist_kernel(%arg0: i32, %arg1: i32, %arg2: memref<4096x4096xf32, #tpu.memory_space<hbm>>, %arg3: memref<32x1024xi32, #tpu.memory_space<hbm>>, %arg4: memref<36880xf32, #tpu.memory_space<vmem>>, %arg5: memref<36880xf32, #tpu.memory_space<vmem>>, %arg6: memref<16384xi32, #tpu.memory_space<vmem>>, %arg7: memref<1024xi32, #tpu.memory_space<vmem>>, %arg8: memref<!tpu.dma_semaphore, #tpu.memory_space<semaphore_mem>>, %arg9: memref<!tpu.dma_semaphore, #tpu.memory_space<semaphore_mem>>) attributes {dimension_semantics = [#tpu.dimension_semantics<core_parallel>, #tpu.dimension_semantics<subcore_parallel>], iteration_bounds = array<i64: 2, 16>, scalar_prefetch = 0 : i64, scratch_operands = 6 : i64, tpu.core_type = #tpu.core_type<sc_vector_subcore>, window_params = [{transform_indices = #map}, {transform_indices = #map}]} {
    %mul3A = arith.constant 2 : i32
    %mul3A_0 = arith.muli %arg1, %mul3A : i32
    %add3A = arith.addi %mul3A_0, %arg0 : i32
    %iota3A = tpu.iota {dimensions = array<i32: 0>} : vector<16xi32>
    %iota3A_1 = tpu.iota {dimensions = array<i32: 0>} : vector<16xi32>
    %broadcast_in_dim3A = arith.constant 1 : i32
    %broadcast_in_dim3A_2 = vector.broadcast %broadcast_in_dim3A : i32 to vector<16xi32>
    %neg3A = arith.constant 0 : i32
    %neg3A_3 = vector.broadcast %neg3A : i32 to vector<16xi32>
    %neg3A_4 = arith.subi %neg3A_3, %broadcast_in_dim3A_2 : vector<16xi32>
    %broadcast_in_dim3A_5 = arith.constant 0 : i32
    %broadcast_in_dim3A_6 = vector.broadcast %broadcast_in_dim3A_5 : i32 to vector<16xi32>
    %lt3A = arith.constant 15 : i32
    %lt3A_7 = vector.broadcast %lt3A : i32 to vector<16xi32>
    %lt3A_8 = arith.cmpi slt, %iota3A, %lt3A_7 : vector<16xi32>
    %add3A_9 = arith.constant 1 : i32
    %add3A_10 = vector.broadcast %add3A_9 : i32 to vector<16xi32>
    %add3A_11 = arith.addi %iota3A, %add3A_10 : vector<16xi32>
    %min3A = arith.constant 15 : i32
    %min3A_12 = vector.broadcast %min3A : i32 to vector<16xi32>
    %min3A_13 = arith.minsi %add3A_11, %min3A_12 : vector<16xi32>
    %broadcast_in_dim3A_14 = arith.constant 0 : i32
    %broadcast_in_dim3A_15 = vector.broadcast %broadcast_in_dim3A_14 : i32 to vector<16xi32>
    %mul3A_16 = arith.constant 128 : i32
    %mul3A_17 = arith.muli %add3A, %mul3A_16 : i32
    %add3A_18 = arith.constant 0 : i32
    %add3A_19 = arith.addi %mul3A_17, %add3A_18 : i32
    %add3A_20 = arith.constant 0 : i32
    %add3A_21 = arith.addi %add3A_19, %add3A_20 : i32
    %add3A_22 = arith.constant 1 : i32
    %add3A_23 = arith.addi %add3A_19, %add3A_22 : i32
    %add3A_24 = arith.constant 2 : i32
    %add3A_25 = arith.addi %add3A_19, %add3A_24 : i32
    %add3A_26 = arith.constant 3 : i32
    %add3A_27 = arith.addi %add3A_19, %add3A_26 : i32
    %add3A_28 = arith.constant 4 : i32
    %add3A_29 = arith.addi %add3A_19, %add3A_28 : i32
    %add3A_30 = arith.constant 5 : i32
    %add3A_31 = arith.addi %add3A_19, %add3A_30 : i32
    %add3A_32 = arith.constant 6 : i32
    %add3A_33 = arith.addi %add3A_19, %add3A_32 : i32
    %add3A_34 = arith.constant 7 : i32
    %add3A_35 = arith.addi %add3A_19, %add3A_34 : i32
    %add3A_36 = arith.constant 8 : i32
    %add3A_37 = arith.addi %add3A_19, %add3A_36 : i32
    %add3A_38 = arith.constant 8 : i32
    %add3A_39 = arith.addi %add3A_19, %add3A_38 : i32
    %lt3A_40 = arith.constant 4096 : i32
    %lt3A_41 = arith.cmpi slt, %add3A_39, %lt3A_40 : i32
    %dma_start3A = arith.constant 0 : i32
    %dma_start3A_42 = tpu.memref_slice %arg4[%dma_start3A] : memref<36880xf32, #tpu.memory_space<vmem>> -> memref<4096xf32, #tpu.memory_space<vmem>>
    %dma_start3A_43 = arith.constant 0 : i32
    %dma_start3A_44 = tpu.memref_slice %arg2[%add3A_21, %dma_start3A_43] : memref<4096x4096xf32, #tpu.memory_space<hbm>> -> memref<1x4096xf32, #tpu.memory_space<hbm>>
    %dma_start3A_45 = tpu.memref_squeeze %dma_start3A_44 : memref<1x4096xf32, #tpu.memory_space<hbm>> -> memref<4096xf32, #tpu.memory_space<hbm>>
    %dma_start3A_46 = arith.constant 0 : i32
    %dma_start3A_47 = tpu.memref_slice %arg4[%dma_start3A_46] : memref<36880xf32, #tpu.memory_space<vmem>> -> memref<4096xf32, #tpu.memory_space<vmem>>
    %dma_start3A_48 = arith.constant 0 : i32
    %dma_start3A_49 = tpu.memref_slice %arg2[%add3A_21, %dma_start3A_48] : memref<4096x4096xf32, #tpu.memory_space<hbm>> -> memref<1x4096xf32, #tpu.memory_space<hbm>>
    %dma_start3A_50 = tpu.memref_squeeze %dma_start3A_49 : memref<1x4096xf32, #tpu.memory_space<hbm>> -> memref<4096xf32, #tpu.memory_space<hbm>>
    tpu.enqueue_dma source(%dma_start3A_50 : memref<4096xf32, #tpu.memory_space<hbm>>) target(%dma_start3A_47 : memref<4096xf32, #tpu.memory_space<vmem>>) target_semaphore(%arg8 : memref<!tpu.dma_semaphore, #tpu.memory_space<semaphore_mem>>)
    %dma_start3A_51 = arith.constant 4096 : i32
    %dma_start3A_52 = tpu.memref_slice %arg4[%dma_start3A_51] : memref<36880xf32, #tpu.memory_space<vmem>> -> memref<4096xf32, #tpu.memory_space<vmem>>
    %dma_start3A_53 = arith.constant 0 : i32
    %dma_start3A_54 = tpu.memref_slice %arg2[%add3A_23, %dma_start3A_53] : memref<4096x4096xf32, #tpu.memory_space<hbm>> -> memref<1x4096xf32, #tpu.memory_space<hbm>>
    %dma_start3A_55 = tpu.memref_squeeze %dma_start3A_54 : memref<1x4096xf32, #tpu.memory_space<hbm>> -> memref<4096xf32, #tpu.memory_space<hbm>>
    %dma_start3A_56 = arith.constant 4096 : i32
    %dma_start3A_57 = tpu.memref_slice %arg4[%dma_start3A_56] : memref<36880xf32, #tpu.memory_space<vmem>> -> memref<4096xf32, #tpu.memory_space<vmem>>
    %dma_start3A_58 = arith.constant 0 : i32
    %dma_start3A_59 = tpu.memref_slice %arg2[%add3A_23, %dma_start3A_58] : memref<4096x4096xf32, #tpu.memory_space<hbm>> -> memref<1x4096xf32, #tpu.memory_space<hbm>>
    %dma_start3A_60 = tpu.memref_squeeze %dma_start3A_59 : memref<1x4096xf32, #tpu.memory_space<hbm>> -> memref<4096xf32, #tpu.memory_space<hbm>>
    tpu.enqueue_dma source(%dma_start3A_60 : memref<4096xf32, #tpu.memory_space<hbm>>) target(%dma_start3A_57 : memref<4096xf32, #tpu.memory_space<vmem>>) target_semaphore(%arg8 : memref<!tpu.dma_semaphore, #tpu.memory_space<semaphore_mem>>)
    %dma_start3A_61 = arith.constant 8192 : i32
    %dma_start3A_62 = tpu.memref_slice %arg4[%dma_start3A_61] : memref<36880xf32, #tpu.memory_space<vmem>> -> memref<4096xf32, #tpu.memory_space<vmem>>
    %dma_start3A_63 = arith.constant 0 : i32
    %dma_start3A_64 = tpu.memref_slice %arg2[%add3A_25, %dma_start3A_63] : memref<4096x4096xf32, #tpu.memory_space<hbm>> -> memref<1x4096xf32, #tpu.memory_space<hbm>>
    %dma_start3A_65 = tpu.memref_squeeze %dma_start3A_64 : memref<1x4096xf32, #tpu.memory_space<hbm>> -> memref<4096xf32, #tpu.memory_space<hbm>>
    %dma_start3A_66 = arith.constant 8192 : i32
    %dma_start3A_67 = tpu.memref_slice %arg4[%dma_start3A_66] : memref<36880xf32, #tpu.memory_space<vmem>> -> memref<4096xf32, #tpu.memory_space<vmem>>
    %dma_start3A_68 = arith.constant 0 : i32
    %dma_start3A_69 = tpu.memref_slice %arg2[%add3A_25, %dma_start3A_68] : memref<4096x4096xf32, #tpu.memory_space<hbm>> -> memref<1x4096xf32, #tpu.memory_space<hbm>>
    %dma_start3A_70 = tpu.memref_squeeze %dma_start3A_69 : memref<1x4096xf32, #tpu.memory_space<hbm>> -> memref<4096xf32, #tpu.memory_space<hbm>>
    tpu.enqueue_dma source(%dma_start3A_70 : memref<4096xf32, #tpu.memory_space<hbm>>) target(%dma_start3A_67 : memref<4096xf32, #tpu.memory_space<vmem>>) target_semaphore(%arg8 : memref<!tpu.dma_semaphore, #tpu.memory_space<semaphore_mem>>)
    %dma_start3A_71 = arith.constant 12288 : i32
    %dma_start3A_72 = tpu.memref_slice %arg4[%dma_start3A_71] : memref<36880xf32, #tpu.memory_space<vmem>> -> memref<4096xf32, #tpu.memory_space<vmem>>
    %dma_start3A_73 = arith.constant 0 : i32
    %dma_start3A_74 = tpu.memref_slice %arg2[%add3A_27, %dma_start3A_73] : memref<4096x4096xf32, #tpu.memory_space<hbm>> -> memref<1x4096xf32, #tpu.memory_space<hbm>>
    %dma_start3A_75 = tpu.memref_squeeze %dma_start3A_74 : memref<1x4096xf32, #tpu.memory_space<hbm>> -> memref<4096xf32, #tpu.memory_space<hbm>>
    %dma_start3A_76 = arith.constant 12288 : i32
    %dma_start3A_77 = tpu.memref_slice %arg4[%dma_start3A_76] : memref<36880xf32, #tpu.memory_space<vmem>> -> memref<4096xf32, #tpu.memory_space<vmem>>
    %dma_start3A_78 = arith.constant 0 : i32
    %dma_start3A_79 = tpu.memref_slice %arg2[%add3A_27, %dma_start3A_78] : memref<4096x4096xf32, #tpu.memory_space<hbm>> -> memref<1x4096xf32, #tpu.memory_space<hbm>>
    %dma_start3A_80 = tpu.memref_squeeze %dma_start3A_79 : memref<1x4096xf32, #tpu.memory_space<hbm>> -> memref<4096xf32, #tpu.memory_space<hbm>>
    tpu.enqueue_dma source(%dma_start3A_80 : memref<4096xf32, #tpu.memory_space<hbm>>) target(%dma_start3A_77 : memref<4096xf32, #tpu.memory_space<vmem>>) target_semaphore(%arg8 : memref<!tpu.dma_semaphore, #tpu.memory_space<semaphore_mem>>)
    %dma_start3A_81 = arith.constant 16384 : i32
    %dma_start3A_82 = tpu.memref_slice %arg4[%dma_start3A_81] : memref<36880xf32, #tpu.memory_space<vmem>> -> memref<4096xf32, #tpu.memory_space<vmem>>
    %dma_start3A_83 = arith.constant 0 : i32
    %dma_start3A_84 = tpu.memref_slice %arg2[%add3A_29, %dma_start3A_83] : memref<4096x4096xf32, #tpu.memory_space<hbm>> -> memref<1x4096xf32, #tpu.memory_space<hbm>>
    %dma_start3A_85 = tpu.memref_squeeze %dma_start3A_84 : memref<1x4096xf32, #tpu.memory_space<hbm>> -> memref<4096xf32, #tpu.memory_space<hbm>>
    %dma_start3A_86 = arith.constant 16384 : i32
    %dma_start3A_87 = tpu.memref_slice %arg4[%dma_start3A_86] : memref<36880xf32, #tpu.memory_space<vmem>> -> memref<4096xf32, #tpu.memory_space<vmem>>
    %dma_start3A_88 = arith.constant 0 : i32
    %dma_start3A_89 = tpu.memref_slice %arg2[%add3A_29, %dma_start3A_88] : memref<4096x4096xf32, #tpu.memory_space<hbm>> -> memref<1x4096xf32, #tpu.memory_space<hbm>>
    %dma_start3A_90 = tpu.memref_squeeze %dma_start3A_89 : memref<1x4096xf32, #tpu.memory_space<hbm>> -> memref<4096xf32, #tpu.memory_space<hbm>>
    tpu.enqueue_dma source(%dma_start3A_90 : memref<4096xf32, #tpu.memory_space<hbm>>) target(%dma_start3A_87 : memref<4096xf32, #tpu.memory_space<vmem>>) target_semaphore(%arg8 : memref<!tpu.dma_semaphore, #tpu.memory_space<semaphore_mem>>)
    %dma_start3A_91 = arith.constant 20480 : i32
    %dma_start3A_92 = tpu.memref_slice %arg4[%dma_start3A_91] : memref<36880xf32, #tpu.memory_space<vmem>> -> memref<4096xf32, #tpu.memory_space<vmem>>
    %dma_start3A_93 = arith.constant 0 : i32
    %dma_start3A_94 = tpu.memref_slice %arg2[%add3A_31, %dma_start3A_93] : memref<4096x4096xf32, #tpu.memory_space<hbm>> -> memref<1x4096xf32, #tpu.memory_space<hbm>>
    %dma_start3A_95 = tpu.memref_squeeze %dma_start3A_94 : memref<1x4096xf32, #tpu.memory_space<hbm>> -> memref<4096xf32, #tpu.memory_space<hbm>>
    %dma_start3A_96 = arith.constant 20480 : i32
    %dma_start3A_97 = tpu.memref_slice %arg4[%dma_start3A_96] : memref<36880xf32, #tpu.memory_space<vmem>> -> memref<4096xf32, #tpu.memory_space<vmem>>
    %dma_start3A_98 = arith.constant 0 : i32
    %dma_start3A_99 = tpu.memref_slice %arg2[%add3A_31, %dma_start3A_98] : memref<4096x4096xf32, #tpu.memory_space<hbm>> -> memref<1x4096xf32, #tpu.memory_space<hbm>>
    %dma_start3A_100 = tpu.memref_squeeze %dma_start3A_99 : memref<1x4096xf32, #tpu.memory_space<hbm>> -> memref<4096xf32, #tpu.memory_space<hbm>>
    tpu.enqueue_dma source(%dma_start3A_100 : memref<4096xf32, #tpu.memory_space<hbm>>) target(%dma_start3A_97 : memref<4096xf32, #tpu.memory_space<vmem>>) target_semaphore(%arg8 : memref<!tpu.dma_semaphore, #tpu.memory_space<semaphore_mem>>)
    %dma_start3A_101 = arith.constant 24576 : i32
    %dma_start3A_102 = tpu.memref_slice %arg4[%dma_start3A_101] : memref<36880xf32, #tpu.memory_space<vmem>> -> memref<4096xf32, #tpu.memory_space<vmem>>
    %dma_start3A_103 = arith.constant 0 : i32
    %dma_start3A_104 = tpu.memref_slice %arg2[%add3A_33, %dma_start3A_103] : memref<4096x4096xf32, #tpu.memory_space<hbm>> -> memref<1x4096xf32, #tpu.memory_space<hbm>>
    %dma_start3A_105 = tpu.memref_squeeze %dma_start3A_104 : memref<1x4096xf32, #tpu.memory_space<hbm>> -> memref<4096xf32, #tpu.memory_space<hbm>>
    %dma_start3A_106 = arith.constant 24576 : i32
    %dma_start3A_107 = tpu.memref_slice %arg4[%dma_start3A_106] : memref<36880xf32, #tpu.memory_space<vmem>> -> memref<4096xf32, #tpu.memory_space<vmem>>
    %dma_start3A_108 = arith.constant 0 : i32
    %dma_start3A_109 = tpu.memref_slice %arg2[%add3A_33, %dma_start3A_108] : memref<4096x4096xf32, #tpu.memory_space<hbm>> -> memref<1x4096xf32, #tpu.memory_space<hbm>>
    %dma_start3A_110 = tpu.memref_squeeze %dma_start3A_109 : memref<1x4096xf32, #tpu.memory_space<hbm>> -> memref<4096xf32, #tpu.memory_space<hbm>>
    tpu.enqueue_dma source(%dma_start3A_110 : memref<4096xf32, #tpu.memory_space<hbm>>) target(%dma_start3A_107 : memref<4096xf32, #tpu.memory_space<vmem>>) target_semaphore(%arg8 : memref<!tpu.dma_semaphore, #tpu.memory_space<semaphore_mem>>)
    %dma_start3A_111 = arith.constant 28672 : i32
    %dma_start3A_112 = tpu.memref_slice %arg4[%dma_start3A_111] : memref<36880xf32, #tpu.memory_space<vmem>> -> memref<4096xf32, #tpu.memory_space<vmem>>
    %dma_start3A_113 = arith.constant 0 : i32
    %dma_start3A_114 = tpu.memref_slice %arg2[%add3A_35, %dma_start3A_113] : memref<4096x4096xf32, #tpu.memory_space<hbm>> -> memref<1x4096xf32, #tpu.memory_space<hbm>>
    %dma_start3A_115 = tpu.memref_squeeze %dma_start3A_114 : memref<1x4096xf32, #tpu.memory_space<hbm>> -> memref<4096xf32, #tpu.memory_space<hbm>>
    %dma_start3A_116 = arith.constant 28672 : i32
    %dma_start3A_117 = tpu.memref_slice %arg4[%dma_start3A_116] : memref<36880xf32, #tpu.memory_space<vmem>> -> memref<4096xf32, #tpu.memory_space<vmem>>
    %dma_start3A_118 = arith.constant 0 : i32
    %dma_start3A_119 = tpu.memref_slice %arg2[%add3A_35, %dma_start3A_118] : memref<4096x4096xf32, #tpu.memory_space<hbm>> -> memref<1x4096xf32, #tpu.memory_space<hbm>>
    %dma_start3A_120 = tpu.memref_squeeze %dma_start3A_119 : memref<1x4096xf32, #tpu.memory_space<hbm>> -> memref<4096xf32, #tpu.memory_space<hbm>>
    tpu.enqueue_dma source(%dma_start3A_120 : memref<4096xf32, #tpu.memory_space<hbm>>) target(%dma_start3A_117 : memref<4096xf32, #tpu.memory_space<vmem>>) target_semaphore(%arg8 : memref<!tpu.dma_semaphore, #tpu.memory_space<semaphore_mem>>)
    %convert_element_type3A = arith.extui %lt3A_41 : i1 to i32
    %cond3A = arith.constant 0 : i32
    %cond3A_121 = arith.cmpi ne, %convert_element_type3A, %cond3A : i32
    scf.if %cond3A_121 {
      %dma_start3A_142 = arith.constant 32768 : i32
      %dma_start3A_143 = tpu.memref_slice %arg4[%dma_start3A_142] : memref<36880xf32, #tpu.memory_space<vmem>> -> memref<4096xf32, #tpu.memory_space<vmem>>
      %dma_start3A_144 = arith.constant 0 : i32
      %dma_start3A_145 = tpu.memref_slice %arg2[%add3A_37, %dma_start3A_144] : memref<4096x4096xf32, #tpu.memory_space<hbm>> -> memref<1x4096xf32, #tpu.memory_space<hbm>>
      %dma_start3A_146 = tpu.memref_squeeze %dma_start3A_145 : memref<1x4096xf32, #tpu.memory_space<hbm>> -> memref<4096xf32, #tpu.memory_space<hbm>>
      %dma_start3A_147 = arith.constant 32768 : i32
      %dma_start3A_148 = tpu.memref_slice %arg4[%dma_start3A_147] : memref<36880xf32, #tpu.memory_space<vmem>> -> memref<4096xf32, #tpu.memory_space<vmem>>
      %dma_start3A_149 = arith.constant 0 : i32
      %dma_start3A_150 = tpu.memref_slice %arg2[%add3A_37, %dma_start3A_149] : memref<4096x4096xf32, #tpu.memory_space<hbm>> -> memref<1x4096xf32, #tpu.memory_space<hbm>>
      %dma_start3A_151 = tpu.memref_squeeze %dma_start3A_150 : memref<1x4096xf32, #tpu.memory_space<hbm>> -> memref<4096xf32, #tpu.memory_space<hbm>>
      tpu.enqueue_dma source(%dma_start3A_151 : memref<4096xf32, #tpu.memory_space<hbm>>) target(%dma_start3A_148 : memref<4096xf32, #tpu.memory_space<vmem>>) target_semaphore(%arg8 : memref<!tpu.dma_semaphore, #tpu.memory_space<semaphore_mem>>)
    } else {
    }
    %scan3A = arith.constant 0 : i32
    %scan3A_122 = arith.constant 0 : i32
    %scan3A_123 = arith.constant 1024 : i32
    %scan3A_124 = arith.addi %scan3A_122, %scan3A_123 : i32
    %scan3A_125 = arith.constant 1 : i32
    scf.for %scan3A_142 = %scan3A_122 to %scan3A_124 step %scan3A_125  : i32 {
      %mul3A_143 = arith.constant 16 : i32
      %mul3A_144 = arith.muli %scan3A_142, %mul3A_143 : i32
      %swap3A = arith.index_cast %mul3A_144 : i32 to index
      %swap3A_145 = tpu.vector_load %arg6[%swap3A] {strides = array<i32>} : memref<16384xi32, #tpu.memory_space<vmem>>, vector<16xi32>,
      tpu.vector_store %arg6[%swap3A], %broadcast_in_dim3A_6 {strides = array<i32>} : memref<16384xi32, #tpu.memory_space<vmem>>, vector<16xi32>,
    }
    %scan3A_126 = arith.constant 1024 : i32
    %scan3A_127 = arith.constant 0 : i32
    %scan3A_128 = arith.constant 0 : i32
    %scan3A_129 = arith.constant 8 : i32
    %scan3A_130 = arith.addi %scan3A_128, %scan3A_129 : i32
    %scan3A_131 = arith.constant 1 : i32
    scf.for %scan3A_142 = %scan3A_128 to %scan3A_130 step %scan3A_131  : i32 {
      %mul3A_143 = arith.constant 2 : i32
      %mul3A_144 = arith.muli %mul3A_143, %scan3A_142 : i32
      %mul3A_145 = arith.constant 128 : i32
      %mul3A_146 = arith.muli %add3A, %mul3A_145 : i32
      %mul3A_147 = arith.constant 8 : i32
      %mul3A_148 = arith.muli %mul3A_144, %mul3A_147 : i32
      %add3A_149 = arith.addi %mul3A_146, %mul3A_148 : i32
      %add3A_150 = arith.constant 0 : i32
      %add3A_151 = arith.addi %add3A_149, %add3A_150 : i32
      %add3A_152 = arith.constant 1 : i32
      %add3A_153 = arith.addi %add3A_149, %add3A_152 : i32
      %add3A_154 = arith.constant 2 : i32
      %add3A_155 = arith.addi %add3A_149, %add3A_154 : i32
      %add3A_156 = arith.constant 3 : i32
      %add3A_157 = arith.addi %add3A_149, %add3A_156 : i32
      %add3A_158 = arith.constant 4 : i32
      %add3A_159 = arith.addi %add3A_149, %add3A_158 : i32
      %add3A_160 = arith.constant 5 : i32
      %add3A_161 = arith.addi %add3A_149, %add3A_160 : i32
      %add3A_162 = arith.constant 6 : i32
      %add3A_163 = arith.addi %add3A_149, %add3A_162 : i32
      %add3A_164 = arith.constant 7 : i32
      %add3A_165 = arith.addi %add3A_149, %add3A_164 : i32
      %add3A_166 = arith.constant 8 : i32
      %add3A_167 = arith.addi %add3A_149, %add3A_166 : i32
      %add3A_168 = arith.constant 8 : i32
      %add3A_169 = arith.addi %add3A_149, %add3A_168 : i32
      %lt3A_170 = arith.constant 4096 : i32
      %lt3A_171 = arith.cmpi slt, %add3A_169, %lt3A_170 : i32
      %dma_wait3A = arith.constant 0 : i32
      %dma_wait3A_172 = tpu.memref_slice %arg4[%dma_wait3A] : memref<36880xf32, #tpu.memory_space<vmem>> -> memref<4096xf32, #tpu.memory_space<vmem>>
      %dma_wait3A_173 = arith.constant 0 : i32
      %dma_wait3A_174 = tpu.memref_slice %arg2[%add3A_151, %dma_wait3A_173] : memref<4096x4096xf32, #tpu.memory_space<hbm>> -> memref<1x4096xf32, #tpu.memory_space<hbm>>
      %dma_wait3A_175 = tpu.memref_squeeze %dma_wait3A_174 : memref<1x4096xf32, #tpu.memory_space<hbm>> -> memref<4096xf32, #tpu.memory_space<hbm>>
      %dma_wait3A_176 = arith.constant 0 : i32
      %dma_wait3A_177 = tpu.memref_slice %arg4[%dma_wait3A_176] : memref<36880xf32, #tpu.memory_space<vmem>> -> memref<4096xf32, #tpu.memory_space<vmem>>
      %dma_wait3A_178 = arith.constant 0 : i32
      %dma_wait3A_179 = tpu.memref_slice %arg2[%add3A_151, %dma_wait3A_178] : memref<4096x4096xf32, #tpu.memory_space<hbm>> -> memref<1x4096xf32, #tpu.memory_space<hbm>>
      %dma_wait3A_180 = tpu.memref_squeeze %dma_wait3A_179 : memref<1x4096xf32, #tpu.memory_space<hbm>> -> memref<4096xf32, #tpu.memory_space<hbm>>
      tpu.wait_dma2 semaphore(%arg8 : memref<!tpu.dma_semaphore, #tpu.memory_space<semaphore_mem>>) src(%dma_wait3A_180 : memref<4096xf32, #tpu.memory_space<hbm>>) dst(%dma_wait3A_177 : memref<4096xf32, #tpu.memory_space<vmem>>)
      %dma_wait3A_181 = arith.constant 4096 : i32
      %dma_wait3A_182 = tpu.memref_slice %arg4[%dma_wait3A_181] : memref<36880xf32, #tpu.memory_space<vmem>> -> memref<4096xf32, #tpu.memory_space<vmem>>
      %dma_wait3A_183 = arith.constant 0 : i32
      %dma_wait3A_184 = tpu.memref_slice %arg2[%add3A_153, %dma_wait3A_183] : memref<4096x4096xf32, #tpu.memory_space<hbm>> -> memref<1x4096xf32, #tpu.memory_space<hbm>>
      %dma_wait3A_185 = tpu.memref_squeeze %dma_wait3A_184 : memref<1x4096xf32, #tpu.memory_space<hbm>> -> memref<4096xf32, #tpu.memory_space<hbm>>
      %dma_wait3A_186 = arith.constant 4096 : i32
      %dma_wait3A_187 = tpu.memref_slice %arg4[%dma_wait3A_186] : memref<36880xf32, #tpu.memory_space<vmem>> -> memref<4096xf32, #tpu.memory_space<vmem>>
      %dma_wait3A_188 = arith.constant 0 : i32
      %dma_wait3A_189 = tpu.memref_slice %arg2[%add3A_153, %dma_wait3A_188] : memref<4096x4096xf32, #tpu.memory_space<hbm>> -> memref<1x4096xf32, #tpu.memory_space<hbm>>
      %dma_wait3A_190 = tpu.memref_squeeze %dma_wait3A_189 : memref<1x4096xf32, #tpu.memory_space<hbm>> -> memref<4096xf32, #tpu.memory_space<hbm>>
      tpu.wait_dma2 semaphore(%arg8 : memref<!tpu.dma_semaphore, #tpu.memory_space<semaphore_mem>>) src(%dma_wait3A_190 : memref<4096xf32, #tpu.memory_space<hbm>>) dst(%dma_wait3A_187 : memref<4096xf32, #tpu.memory_space<vmem>>)
      %dma_wait3A_191 = arith.constant 8192 : i32
      %dma_wait3A_192 = tpu.memref_slice %arg4[%dma_wait3A_191] : memref<36880xf32, #tpu.memory_space<vmem>> -> memref<4096xf32, #tpu.memory_space<vmem>>
      %dma_wait3A_193 = arith.constant 0 : i32
      %dma_wait3A_194 = tpu.memref_slice %arg2[%add3A_155, %dma_wait3A_193] : memref<4096x4096xf32, #tpu.memory_space<hbm>> -> memref<1x4096xf32, #tpu.memory_space<hbm>>
      %dma_wait3A_195 = tpu.memref_squeeze %dma_wait3A_194 : memref<1x4096xf32, #tpu.memory_space<hbm>> -> memref<4096xf32, #tpu.memory_space<hbm>>
      %dma_wait3A_196 = arith.constant 8192 : i32
      %dma_wait3A_197 = tpu.memref_slice %arg4[%dma_wait3A_196] : memref<36880xf32, #tpu.memory_space<vmem>> -> memref<4096xf32, #tpu.memory_space<vmem>>
      %dma_wait3A_198 = arith.constant 0 : i32
      %dma_wait3A_199 = tpu.memref_slice %arg2[%add3A_155, %dma_wait3A_198] : memref<4096x4096xf32, #tpu.memory_space<hbm>> -> memref<1x4096xf32, #tpu.memory_space<hbm>>
      %dma_wait3A_200 = tpu.memref_squeeze %dma_wait3A_199 : memref<1x4096xf32, #tpu.memory_space<hbm>> -> memref<4096xf32, #tpu.memory_space<hbm>>
      tpu.wait_dma2 semaphore(%arg8 : memref<!tpu.dma_semaphore, #tpu.memory_space<semaphore_mem>>) src(%dma_wait3A_200 : memref<4096xf32, #tpu.memory_space<hbm>>) dst(%dma_wait3A_197 : memref<4096xf32, #tpu.memory_space<vmem>>)
      %dma_wait3A_201 = arith.constant 12288 : i32
      %dma_wait3A_202 = tpu.memref_slice %arg4[%dma_wait3A_201] : memref<36880xf32, #tpu.memory_space<vmem>> -> memref<4096xf32, #tpu.memory_space<vmem>>
      %dma_wait3A_203 = arith.constant 0 : i32
      %dma_wait3A_204 = tpu.memref_slice %arg2[%add3A_157, %dma_wait3A_203] : memref<4096x4096xf32, #tpu.memory_space<hbm>> -> memref<1x4096xf32, #tpu.memory_space<hbm>>
      %dma_wait3A_205 = tpu.memref_squeeze %dma_wait3A_204 : memref<1x4096xf32, #tpu.memory_space<hbm>> -> memref<4096xf32, #tpu.memory_space<hbm>>
      %dma_wait3A_206 = arith.constant 12288 : i32
      %dma_wait3A_207 = tpu.memref_slice %arg4[%dma_wait3A_206] : memref<36880xf32, #tpu.memory_space<vmem>> -> memref<4096xf32, #tpu.memory_space<vmem>>
      %dma_wait3A_208 = arith.constant 0 : i32
      %dma_wait3A_209 = tpu.memref_slice %arg2[%add3A_157, %dma_wait3A_208] : memref<4096x4096xf32, #tpu.memory_space<hbm>> -> memref<1x4096xf32, #tpu.memory_space<hbm>>
      %dma_wait3A_210 = tpu.memref_squeeze %dma_wait3A_209 : memref<1x4096xf32, #tpu.memory_space<hbm>> -> memref<4096xf32, #tpu.memory_space<hbm>>
      tpu.wait_dma2 semaphore(%arg8 : memref<!tpu.dma_semaphore, #tpu.memory_space<semaphore_mem>>) src(%dma_wait3A_210 : memref<4096xf32, #tpu.memory_space<hbm>>) dst(%dma_wait3A_207 : memref<4096xf32, #tpu.memory_space<vmem>>)
      %dma_wait3A_211 = arith.constant 16384 : i32
      %dma_wait3A_212 = tpu.memref_slice %arg4[%dma_wait3A_211] : memref<36880xf32, #tpu.memory_space<vmem>> -> memref<4096xf32, #tpu.memory_space<vmem>>
      %dma_wait3A_213 = arith.constant 0 : i32
      %dma_wait3A_214 = tpu.memref_slice %arg2[%add3A_159, %dma_wait3A_213] : memref<4096x4096xf32, #tpu.memory_space<hbm>> -> memref<1x4096xf32, #tpu.memory_space<hbm>>
      %dma_wait3A_215 = tpu.memref_squeeze %dma_wait3A_214 : memref<1x4096xf32, #tpu.memory_space<hbm>> -> memref<4096xf32, #tpu.memory_space<hbm>>
      %dma_wait3A_216 = arith.constant 16384 : i32
      %dma_wait3A_217 = tpu.memref_slice %arg4[%dma_wait3A_216] : memref<36880xf32, #tpu.memory_space<vmem>> -> memref<4096xf32, #tpu.memory_space<vmem>>
      %dma_wait3A_218 = arith.constant 0 : i32
      %dma_wait3A_219 = tpu.memref_slice %arg2[%add3A_159, %dma_wait3A_218] : memref<4096x4096xf32, #tpu.memory_space<hbm>> -> memref<1x4096xf32, #tpu.memory_space<hbm>>
      %dma_wait3A_220 = tpu.memref_squeeze %dma_wait3A_219 : memref<1x4096xf32, #tpu.memory_space<hbm>> -> memref<4096xf32, #tpu.memory_space<hbm>>
      tpu.wait_dma2 semaphore(%arg8 : memref<!tpu.dma_semaphore, #tpu.memory_space<semaphore_mem>>) src(%dma_wait3A_220 : memref<4096xf32, #tpu.memory_space<hbm>>) dst(%dma_wait3A_217 : memref<4096xf32, #tpu.memory_space<vmem>>)
      %dma_wait3A_221 = arith.constant 20480 : i32
      %dma_wait3A_222 = tpu.memref_slice %arg4[%dma_wait3A_221] : memref<36880xf32, #tpu.memory_space<vmem>> -> memref<4096xf32, #tpu.memory_space<vmem>>
      %dma_wait3A_223 = arith.constant 0 : i32
      %dma_wait3A_224 = tpu.memref_slice %arg2[%add3A_161, %dma_wait3A_223] : memref<4096x4096xf32, #tpu.memory_space<hbm>> -> memref<1x4096xf32, #tpu.memory_space<hbm>>
      %dma_wait3A_225 = tpu.memref_squeeze %dma_wait3A_224 : memref<1x4096xf32, #tpu.memory_space<hbm>> -> memref<4096xf32, #tpu.memory_space<hbm>>
      %dma_wait3A_226 = arith.constant 20480 : i32
      %dma_wait3A_227 = tpu.memref_slice %arg4[%dma_wait3A_226] : memref<36880xf32, #tpu.memory_space<vmem>> -> memref<4096xf32, #tpu.memory_space<vmem>>
      %dma_wait3A_228 = arith.constant 0 : i32
      %dma_wait3A_229 = tpu.memref_slice %arg2[%add3A_161, %dma_wait3A_228] : memref<4096x4096xf32, #tpu.memory_space<hbm>> -> memref<1x4096xf32, #tpu.memory_space<hbm>>
      %dma_wait3A_230 = tpu.memref_squeeze %dma_wait3A_229 : memref<1x4096xf32, #tpu.memory_space<hbm>> -> memref<4096xf32, #tpu.memory_space<hbm>>
      tpu.wait_dma2 semaphore(%arg8 : memref<!tpu.dma_semaphore, #tpu.memory_space<semaphore_mem>>) src(%dma_wait3A_230 : memref<4096xf32, #tpu.memory_space<hbm>>) dst(%dma_wait3A_227 : memref<4096xf32, #tpu.memory_space<vmem>>)
      %dma_wait3A_231 = arith.constant 24576 : i32
      %dma_wait3A_232 = tpu.memref_slice %arg4[%dma_wait3A_231] : memref<36880xf32, #tpu.memory_space<vmem>> -> memref<4096xf32, #tpu.memory_space<vmem>>
      %dma_wait3A_233 = arith.constant 0 : i32
      %dma_wait3A_234 = tpu.memref_slice %arg2[%add3A_163, %dma_wait3A_233] : memref<4096x4096xf32, #tpu.memory_space<hbm>> -> memref<1x4096xf32, #tpu.memory_space<hbm>>
      %dma_wait3A_235 = tpu.memref_squeeze %dma_wait3A_234 : memref<1x4096xf32, #tpu.memory_space<hbm>> -> memref<4096xf32, #tpu.memory_space<hbm>>
      %dma_wait3A_236 = arith.constant 24576 : i32
      %dma_wait3A_237 = tpu.memref_slice %arg4[%dma_wait3A_236] : memref<36880xf32, #tpu.memory_space<vmem>> -> memref<4096xf32, #tpu.memory_space<vmem>>
      %dma_wait3A_238 = arith.constant 0 : i32
      %dma_wait3A_239 = tpu.memref_slice %arg2[%add3A_163, %dma_wait3A_238] : memref<4096x4096xf32, #tpu.memory_space<hbm>> -> memref<1x4096xf32, #tpu.memory_space<hbm>>
      %dma_wait3A_240 = tpu.memref_squeeze %dma_wait3A_239 : memref<1x4096xf32, #tpu.memory_space<hbm>> -> memref<4096xf32, #tpu.memory_space<hbm>>
      tpu.wait_dma2 semaphore(%arg8 : memref<!tpu.dma_semaphore, #tpu.memory_space<semaphore_mem>>) src(%dma_wait3A_240 : memref<4096xf32, #tpu.memory_space<hbm>>) dst(%dma_wait3A_237 : memref<4096xf32, #tpu.memory_space<vmem>>)
      %dma_wait3A_241 = arith.constant 28672 : i32
      %dma_wait3A_242 = tpu.memref_slice %arg4[%dma_wait3A_241] : memref<36880xf32, #tpu.memory_space<vmem>> -> memref<4096xf32, #tpu.memory_space<vmem>>
      %dma_wait3A_243 = arith.constant 0 : i32
      %dma_wait3A_244 = tpu.memref_slice %arg2[%add3A_165, %dma_wait3A_243] : memref<4096x4096xf32, #tpu.memory_space<hbm>> -> memref<1x4096xf32, #tpu.memory_space<hbm>>
      %dma_wait3A_245 = tpu.memref_squeeze %dma_wait3A_244 : memref<1x4096xf32, #tpu.memory_space<hbm>> -> memref<4096xf32, #tpu.memory_space<hbm>>
      %dma_wait3A_246 = arith.constant 28672 : i32
      %dma_wait3A_247 = tpu.memref_slice %arg4[%dma_wait3A_246] : memref<36880xf32, #tpu.memory_space<vmem>> -> memref<4096xf32, #tpu.memory_space<vmem>>
      %dma_wait3A_248 = arith.constant 0 : i32
      %dma_wait3A_249 = tpu.memref_slice %arg2[%add3A_165, %dma_wait3A_248] : memref<4096x4096xf32, #tpu.memory_space<hbm>> -> memref<1x4096xf32, #tpu.memory_space<hbm>>
      %dma_wait3A_250 = tpu.memref_squeeze %dma_wait3A_249 : memref<1x4096xf32, #tpu.memory_space<hbm>> -> memref<4096xf32, #tpu.memory_space<hbm>>
      tpu.wait_dma2 semaphore(%arg8 : memref<!tpu.dma_semaphore, #tpu.memory_space<semaphore_mem>>) src(%dma_wait3A_250 : memref<4096xf32, #tpu.memory_space<hbm>>) dst(%dma_wait3A_247 : memref<4096xf32, #tpu.memory_space<vmem>>)
      %convert_element_type3A_251 = arith.extui %lt3A_171 : i1 to i32
      %cond3A_252 = arith.constant 0 : i32
      %cond3A_253 = arith.cmpi ne, %convert_element_type3A_251, %cond3A_252 : i32
      scf.if %cond3A_253 {
        %dma_wait3A_521 = arith.constant 32768 : i32
        %dma_wait3A_522 = tpu.memref_slice %arg4[%dma_wait3A_521] : memref<36880xf32, #tpu.memory_space<vmem>> -> memref<4096xf32, #tpu.memory_space<vmem>>
        %dma_wait3A_523 = arith.constant 0 : i32
        %dma_wait3A_524 = tpu.memref_slice %arg2[%add3A_167, %dma_wait3A_523] : memref<4096x4096xf32, #tpu.memory_space<hbm>> -> memref<1x4096xf32, #tpu.memory_space<hbm>>
        %dma_wait3A_525 = tpu.memref_squeeze %dma_wait3A_524 : memref<1x4096xf32, #tpu.memory_space<hbm>> -> memref<4096xf32, #tpu.memory_space<hbm>>
        %dma_wait3A_526 = arith.constant 32768 : i32
        %dma_wait3A_527 = tpu.memref_slice %arg4[%dma_wait3A_526] : memref<36880xf32, #tpu.memory_space<vmem>> -> memref<4096xf32, #tpu.memory_space<vmem>>
        %dma_wait3A_528 = arith.constant 0 : i32
        %dma_wait3A_529 = tpu.memref_slice %arg2[%add3A_167, %dma_wait3A_528] : memref<4096x4096xf32, #tpu.memory_space<hbm>> -> memref<1x4096xf32, #tpu.memory_space<hbm>>
        %dma_wait3A_530 = tpu.memref_squeeze %dma_wait3A_529 : memref<1x4096xf32, #tpu.memory_space<hbm>> -> memref<4096xf32, #tpu.memory_space<hbm>>
        tpu.wait_dma2 semaphore(%arg8 : memref<!tpu.dma_semaphore, #tpu.memory_space<semaphore_mem>>) src(%dma_wait3A_530 : memref<4096xf32, #tpu.memory_space<hbm>>) dst(%dma_wait3A_527 : memref<4096xf32, #tpu.memory_space<vmem>>)
      } else {
      }
      %add3A_254 = arith.constant 1 : i32
      %add3A_255 = arith.addi %mul3A_144, %add3A_254 : i32
      %mul3A_256 = arith.constant 128 : i32
      %mul3A_257 = arith.muli %add3A, %mul3A_256 : i32
      %mul3A_258 = arith.constant 8 : i32
      %mul3A_259 = arith.muli %add3A_255, %mul3A_258 : i32
      %add3A_260 = arith.addi %mul3A_257, %mul3A_259 : i32
      %add3A_261 = arith.constant 0 : i32
      %add3A_262 = arith.addi %add3A_260, %add3A_261 : i32
      %add3A_263 = arith.constant 1 : i32
      %add3A_264 = arith.addi %add3A_260, %add3A_263 : i32
      %add3A_265 = arith.constant 2 : i32
      %add3A_266 = arith.addi %add3A_260, %add3A_265 : i32
      %add3A_267 = arith.constant 3 : i32
      %add3A_268 = arith.addi %add3A_260, %add3A_267 : i32
      %add3A_269 = arith.constant 4 : i32
      %add3A_270 = arith.addi %add3A_260, %add3A_269 : i32
      %add3A_271 = arith.constant 5 : i32
      %add3A_272 = arith.addi %add3A_260, %add3A_271 : i32
      %add3A_273 = arith.constant 6 : i32
      %add3A_274 = arith.addi %add3A_260, %add3A_273 : i32
      %add3A_275 = arith.constant 7 : i32
      %add3A_276 = arith.addi %add3A_260, %add3A_275 : i32
      %add3A_277 = arith.constant 8 : i32
      %add3A_278 = arith.addi %add3A_260, %add3A_277 : i32
      %add3A_279 = arith.constant 8 : i32
      %add3A_280 = arith.addi %add3A_260, %add3A_279 : i32
      %lt3A_281 = arith.constant 4096 : i32
      %lt3A_282 = arith.cmpi slt, %add3A_280, %lt3A_281 : i32
      %dma_start3A_283 = arith.constant 0 : i32
      %dma_start3A_284 = tpu.memref_slice %arg5[%dma_start3A_283] : memref<36880xf32, #tpu.memory_space<vmem>> -> memref<4096xf32, #tpu.memory_space<vmem>>
      %dma_start3A_285 = arith.constant 0 : i32
      %dma_start3A_286 = tpu.memref_slice %arg2[%add3A_262, %dma_start3A_285] : memref<4096x4096xf32, #tpu.memory_space<hbm>> -> memref<1x4096xf32, #tpu.memory_space<hbm>>
      %dma_start3A_287 = tpu.memref_squeeze %dma_start3A_286 : memref<1x4096xf32, #tpu.memory_space<hbm>> -> memref<4096xf32, #tpu.memory_space<hbm>>
      %dma_start3A_288 = arith.constant 0 : i32
      %dma_start3A_289 = tpu.memref_slice %arg5[%dma_start3A_288] : memref<36880xf32, #tpu.memory_space<vmem>> -> memref<4096xf32, #tpu.memory_space<vmem>>
      %dma_start3A_290 = arith.constant 0 : i32
      %dma_start3A_291 = tpu.memref_slice %arg2[%add3A_262, %dma_start3A_290] : memref<4096x4096xf32, #tpu.memory_space<hbm>> -> memref<1x4096xf32, #tpu.memory_space<hbm>>
      %dma_start3A_292 = tpu.memref_squeeze %dma_start3A_291 : memref<1x4096xf32, #tpu.memory_space<hbm>> -> memref<4096xf32, #tpu.memory_space<hbm>>
      tpu.enqueue_dma source(%dma_start3A_292 : memref<4096xf32, #tpu.memory_space<hbm>>) target(%dma_start3A_289 : memref<4096xf32, #tpu.memory_space<vmem>>) target_semaphore(%arg9 : memref<!tpu.dma_semaphore, #tpu.memory_space<semaphore_mem>>)
      %dma_start3A_293 = arith.constant 4096 : i32
      %dma_start3A_294 = tpu.memref_slice %arg5[%dma_start3A_293] : memref<36880xf32, #tpu.memory_space<vmem>> -> memref<4096xf32, #tpu.memory_space<vmem>>
      %dma_start3A_295 = arith.constant 0 : i32
      %dma_start3A_296 = tpu.memref_slice %arg2[%add3A_264, %dma_start3A_295] : memref<4096x4096xf32, #tpu.memory_space<hbm>> -> memref<1x4096xf32, #tpu.memory_space<hbm>>
      %dma_start3A_297 = tpu.memref_squeeze %dma_start3A_296 : memref<1x4096xf32, #tpu.memory_space<hbm>> -> memref<4096xf32, #tpu.memory_space<hbm>>
      %dma_start3A_298 = arith.constant 4096 : i32
      %dma_start3A_299 = tpu.memref_slice %arg5[%dma_start3A_298] : memref<36880xf32, #tpu.memory_space<vmem>> -> memref<4096xf32, #tpu.memory_space<vmem>>
      %dma_start3A_300 = arith.constant 0 : i32
      %dma_start3A_301 = tpu.memref_slice %arg2[%add3A_264, %dma_start3A_300] : memref<4096x4096xf32, #tpu.memory_space<hbm>> -> memref<1x4096xf32, #tpu.memory_space<hbm>>
      %dma_start3A_302 = tpu.memref_squeeze %dma_start3A_301 : memref<1x4096xf32, #tpu.memory_space<hbm>> -> memref<4096xf32, #tpu.memory_space<hbm>>
      tpu.enqueue_dma source(%dma_start3A_302 : memref<4096xf32, #tpu.memory_space<hbm>>) target(%dma_start3A_299 : memref<4096xf32, #tpu.memory_space<vmem>>) target_semaphore(%arg9 : memref<!tpu.dma_semaphore, #tpu.memory_space<semaphore_mem>>)
      %dma_start3A_303 = arith.constant 8192 : i32
      %dma_start3A_304 = tpu.memref_slice %arg5[%dma_start3A_303] : memref<36880xf32, #tpu.memory_space<vmem>> -> memref<4096xf32, #tpu.memory_space<vmem>>
      %dma_start3A_305 = arith.constant 0 : i32
      %dma_start3A_306 = tpu.memref_slice %arg2[%add3A_266, %dma_start3A_305] : memref<4096x4096xf32, #tpu.memory_space<hbm>> -> memref<1x4096xf32, #tpu.memory_space<hbm>>
      %dma_start3A_307 = tpu.memref_squeeze %dma_start3A_306 : memref<1x4096xf32, #tpu.memory_space<hbm>> -> memref<4096xf32, #tpu.memory_space<hbm>>
      %dma_start3A_308 = arith.constant 8192 : i32
      %dma_start3A_309 = tpu.memref_slice %arg5[%dma_start3A_308] : memref<36880xf32, #tpu.memory_space<vmem>> -> memref<4096xf32, #tpu.memory_space<vmem>>
      %dma_start3A_310 = arith.constant 0 : i32
      %dma_start3A_311 = tpu.memref_slice %arg2[%add3A_266, %dma_start3A_310] : memref<4096x4096xf32, #tpu.memory_space<hbm>> -> memref<1x4096xf32, #tpu.memory_space<hbm>>
      %dma_start3A_312 = tpu.memref_squeeze %dma_start3A_311 : memref<1x4096xf32, #tpu.memory_space<hbm>> -> memref<4096xf32, #tpu.memory_space<hbm>>
      tpu.enqueue_dma source(%dma_start3A_312 : memref<4096xf32, #tpu.memory_space<hbm>>) target(%dma_start3A_309 : memref<4096xf32, #tpu.memory_space<vmem>>) target_semaphore(%arg9 : memref<!tpu.dma_semaphore, #tpu.memory_space<semaphore_mem>>)
      %dma_start3A_313 = arith.constant 12288 : i32
      %dma_start3A_314 = tpu.memref_slice %arg5[%dma_start3A_313] : memref<36880xf32, #tpu.memory_space<vmem>> -> memref<4096xf32, #tpu.memory_space<vmem>>
      %dma_start3A_315 = arith.constant 0 : i32
      %dma_start3A_316 = tpu.memref_slice %arg2[%add3A_268, %dma_start3A_315] : memref<4096x4096xf32, #tpu.memory_space<hbm>> -> memref<1x4096xf32, #tpu.memory_space<hbm>>
      %dma_start3A_317 = tpu.memref_squeeze %dma_start3A_316 : memref<1x4096xf32, #tpu.memory_space<hbm>> -> memref<4096xf32, #tpu.memory_space<hbm>>
      %dma_start3A_318 = arith.constant 12288 : i32
      %dma_start3A_319 = tpu.memref_slice %arg5[%dma_start3A_318] : memref<36880xf32, #tpu.memory_space<vmem>> -> memref<4096xf32, #tpu.memory_space<vmem>>
      %dma_start3A_320 = arith.constant 0 : i32
      %dma_start3A_321 = tpu.memref_slice %arg2[%add3A_268, %dma_start3A_320] : memref<4096x4096xf32, #tpu.memory_space<hbm>> -> memref<1x4096xf32, #tpu.memory_space<hbm>>
      %dma_start3A_322 = tpu.memref_squeeze %dma_start3A_321 : memref<1x4096xf32, #tpu.memory_space<hbm>> -> memref<4096xf32, #tpu.memory_space<hbm>>
      tpu.enqueue_dma source(%dma_start3A_322 : memref<4096xf32, #tpu.memory_space<hbm>>) target(%dma_start3A_319 : memref<4096xf32, #tpu.memory_space<vmem>>) target_semaphore(%arg9 : memref<!tpu.dma_semaphore, #tpu.memory_space<semaphore_mem>>)
      %dma_start3A_323 = arith.constant 16384 : i32
      %dma_start3A_324 = tpu.memref_slice %arg5[%dma_start3A_323] : memref<36880xf32, #tpu.memory_space<vmem>> -> memref<4096xf32, #tpu.memory_space<vmem>>
      %dma_start3A_325 = arith.constant 0 : i32
      %dma_start3A_326 = tpu.memref_slice %arg2[%add3A_270, %dma_start3A_325] : memref<4096x4096xf32, #tpu.memory_space<hbm>> -> memref<1x4096xf32, #tpu.memory_space<hbm>>
      %dma_start3A_327 = tpu.memref_squeeze %dma_start3A_326 : memref<1x4096xf32, #tpu.memory_space<hbm>> -> memref<4096xf32, #tpu.memory_space<hbm>>
      %dma_start3A_328 = arith.constant 16384 : i32
      %dma_start3A_329 = tpu.memref_slice %arg5[%dma_start3A_328] : memref<36880xf32, #tpu.memory_space<vmem>> -> memref<4096xf32, #tpu.memory_space<vmem>>
      %dma_start3A_330 = arith.constant 0 : i32
      %dma_start3A_331 = tpu.memref_slice %arg2[%add3A_270, %dma_start3A_330] : memref<4096x4096xf32, #tpu.memory_space<hbm>> -> memref<1x4096xf32, #tpu.memory_space<hbm>>
      %dma_start3A_332 = tpu.memref_squeeze %dma_start3A_331 : memref<1x4096xf32, #tpu.memory_space<hbm>> -> memref<4096xf32, #tpu.memory_space<hbm>>
      tpu.enqueue_dma source(%dma_start3A_332 : memref<4096xf32, #tpu.memory_space<hbm>>) target(%dma_start3A_329 : memref<4096xf32, #tpu.memory_space<vmem>>) target_semaphore(%arg9 : memref<!tpu.dma_semaphore, #tpu.memory_space<semaphore_mem>>)
      %dma_start3A_333 = arith.constant 20480 : i32
      %dma_start3A_334 = tpu.memref_slice %arg5[%dma_start3A_333] : memref<36880xf32, #tpu.memory_space<vmem>> -> memref<4096xf32, #tpu.memory_space<vmem>>
      %dma_start3A_335 = arith.constant 0 : i32
      %dma_start3A_336 = tpu.memref_slice %arg2[%add3A_272, %dma_start3A_335] : memref<4096x4096xf32, #tpu.memory_space<hbm>> -> memref<1x4096xf32, #tpu.memory_space<hbm>>
      %dma_start3A_337 = tpu.memref_squeeze %dma_start3A_336 : memref<1x4096xf32, #tpu.memory_space<hbm>> -> memref<4096xf32, #tpu.memory_space<hbm>>
      %dma_start3A_338 = arith.constant 20480 : i32
      %dma_start3A_339 = tpu.memref_slice %arg5[%dma_start3A_338] : memref<36880xf32, #tpu.memory_space<vmem>> -> memref<4096xf32, #tpu.memory_space<vmem>>
      %dma_start3A_340 = arith.constant 0 : i32
      %dma_start3A_341 = tpu.memref_slice %arg2[%add3A_272, %dma_start3A_340] : memref<4096x4096xf32, #tpu.memory_space<hbm>> -> memref<1x4096xf32, #tpu.memory_space<hbm>>
      %dma_start3A_342 = tpu.memref_squeeze %dma_start3A_341 : memref<1x4096xf32, #tpu.memory_space<hbm>> -> memref<4096xf32, #tpu.memory_space<hbm>>
      tpu.enqueue_dma source(%dma_start3A_342 : memref<4096xf32, #tpu.memory_space<hbm>>) target(%dma_start3A_339 : memref<4096xf32, #tpu.memory_space<vmem>>) target_semaphore(%arg9 : memref<!tpu.dma_semaphore, #tpu.memory_space<semaphore_mem>>)
      %dma_start3A_343 = arith.constant 24576 : i32
      %dma_start3A_344 = tpu.memref_slice %arg5[%dma_start3A_343] : memref<36880xf32, #tpu.memory_space<vmem>> -> memref<4096xf32, #tpu.memory_space<vmem>>
      %dma_start3A_345 = arith.constant 0 : i32
      %dma_start3A_346 = tpu.memref_slice %arg2[%add3A_274, %dma_start3A_345] : memref<4096x4096xf32, #tpu.memory_space<hbm>> -> memref<1x4096xf32, #tpu.memory_space<hbm>>
      %dma_start3A_347 = tpu.memref_squeeze %dma_start3A_346 : memref<1x4096xf32, #tpu.memory_space<hbm>> -> memref<4096xf32, #tpu.memory_space<hbm>>
      %dma_start3A_348 = arith.constant 24576 : i32
      %dma_start3A_349 = tpu.memref_slice %arg5[%dma_start3A_348] : memref<36880xf32, #tpu.memory_space<vmem>> -> memref<4096xf32, #tpu.memory_space<vmem>>
      %dma_start3A_350 = arith.constant 0 : i32
      %dma_start3A_351 = tpu.memref_slice %arg2[%add3A_274, %dma_start3A_350] : memref<4096x4096xf32, #tpu.memory_space<hbm>> -> memref<1x4096xf32, #tpu.memory_space<hbm>>
      %dma_start3A_352 = tpu.memref_squeeze %dma_start3A_351 : memref<1x4096xf32, #tpu.memory_space<hbm>> -> memref<4096xf32, #tpu.memory_space<hbm>>
      tpu.enqueue_dma source(%dma_start3A_352 : memref<4096xf32, #tpu.memory_space<hbm>>) target(%dma_start3A_349 : memref<4096xf32, #tpu.memory_space<vmem>>) target_semaphore(%arg9 : memref<!tpu.dma_semaphore, #tpu.memory_space<semaphore_mem>>)
      %dma_start3A_353 = arith.constant 28672 : i32
      %dma_start3A_354 = tpu.memref_slice %arg5[%dma_start3A_353] : memref<36880xf32, #tpu.memory_space<vmem>> -> memref<4096xf32, #tpu.memory_space<vmem>>
      %dma_start3A_355 = arith.constant 0 : i32
      %dma_start3A_356 = tpu.memref_slice %arg2[%add3A_276, %dma_start3A_355] : memref<4096x4096xf32, #tpu.memory_space<hbm>> -> memref<1x4096xf32, #tpu.memory_space<hbm>>
      %dma_start3A_357 = tpu.memref_squeeze %dma_start3A_356 : memref<1x4096xf32, #tpu.memory_space<hbm>> -> memref<4096xf32, #tpu.memory_space<hbm>>
      %dma_start3A_358 = arith.constant 28672 : i32
      %dma_start3A_359 = tpu.memref_slice %arg5[%dma_start3A_358] : memref<36880xf32, #tpu.memory_space<vmem>> -> memref<4096xf32, #tpu.memory_space<vmem>>
      %dma_start3A_360 = arith.constant 0 : i32
      %dma_start3A_361 = tpu.memref_slice %arg2[%add3A_276, %dma_start3A_360] : memref<4096x4096xf32, #tpu.memory_space<hbm>> -> memref<1x4096xf32, #tpu.memory_space<hbm>>
      %dma_start3A_362 = tpu.memref_squeeze %dma_start3A_361 : memref<1x4096xf32, #tpu.memory_space<hbm>> -> memref<4096xf32, #tpu.memory_space<hbm>>
      tpu.enqueue_dma source(%dma_start3A_362 : memref<4096xf32, #tpu.memory_space<hbm>>) target(%dma_start3A_359 : memref<4096xf32, #tpu.memory_space<vmem>>) target_semaphore(%arg9 : memref<!tpu.dma_semaphore, #tpu.memory_space<semaphore_mem>>)
      %convert_element_type3A_363 = arith.extui %lt3A_282 : i1 to i32
      %cond3A_364 = arith.constant 0 : i32
      %cond3A_365 = arith.cmpi ne, %convert_element_type3A_363, %cond3A_364 : i32
      scf.if %cond3A_365 {
        %dma_start3A_521 = arith.constant 32768 : i32
        %dma_start3A_522 = tpu.memref_slice %arg5[%dma_start3A_521] : memref<36880xf32, #tpu.memory_space<vmem>> -> memref<4096xf32, #tpu.memory_space<vmem>>
        %dma_start3A_523 = arith.constant 0 : i32
        %dma_start3A_524 = tpu.memref_slice %arg2[%add3A_278, %dma_start3A_523] : memref<4096x4096xf32, #tpu.memory_space<hbm>> -> memref<1x4096xf32, #tpu.memory_space<hbm>>
        %dma_start3A_525 = tpu.memref_squeeze %dma_start3A_524 : memref<1x4096xf32, #tpu.memory_space<hbm>> -> memref<4096xf32, #tpu.memory_space<hbm>>
        %dma_start3A_526 = arith.constant 32768 : i32
        %dma_start3A_527 = tpu.memref_slice %arg5[%dma_start3A_526] : memref<36880xf32, #tpu.memory_space<vmem>> -> memref<4096xf32, #tpu.memory_space<vmem>>
        %dma_start3A_528 = arith.constant 0 : i32
        %dma_start3A_529 = tpu.memref_slice %arg2[%add3A_278, %dma_start3A_528] : memref<4096x4096xf32, #tpu.memory_space<hbm>> -> memref<1x4096xf32, #tpu.memory_space<hbm>>
        %dma_start3A_530 = tpu.memref_squeeze %dma_start3A_529 : memref<1x4096xf32, #tpu.memory_space<hbm>> -> memref<4096xf32, #tpu.memory_space<hbm>>
        tpu.enqueue_dma source(%dma_start3A_530 : memref<4096xf32, #tpu.memory_space<hbm>>) target(%dma_start3A_527 : memref<4096xf32, #tpu.memory_space<vmem>>) target_semaphore(%arg9 : memref<!tpu.dma_semaphore, #tpu.memory_space<semaphore_mem>>)
      } else {
      }
      %barrier3A = arith.constant 0 : index
      tpu.barrier barrier_id(%barrier3A)
      %mul3A_366 = arith.constant 128 : i32
      %mul3A_367 = arith.muli %add3A, %mul3A_366 : i32
      %mul3A_368 = arith.constant 8 : i32
      %mul3A_369 = arith.muli %mul3A_144, %mul3A_368 : i32
      %add3A_370 = arith.addi %mul3A_367, %mul3A_369 : i32
      %add3A_371 = arith.constant 8 : i32
      %add3A_372 = arith.addi %add3A_370, %add3A_371 : i32
      %lt3A_373 = arith.constant 4096 : i32
      %lt3A_374 = arith.cmpi slt, %add3A_372, %lt3A_373 : i32
      %convert_element_type3A_375 = arith.extui %lt3A_374 : i1 to i32
      %cond3A_376 = arith.constant 0 : i32
      %cond3A_377 = arith.cmpi ne, %convert_element_type3A_375, %cond3A_376 : i32
      scf.if %cond3A_377 {
        %get3A = arith.constant 0 : index
        %get3A_521 = tpu.vector_load %arg4[%get3A] {strides = array<i32>} : memref<36880xf32, #tpu.memory_space<vmem>>, vector<16xf32>,
        %mul3A_522 = arith.constant 1.023000e+03 : f32
        %mul3A_523 = vector.broadcast %mul3A_522 : f32 to vector<16xf32>
        %mul3A_524 = arith.mulf %get3A_521, %mul3A_523 : vector<16xf32>
        %convert_element_type3A_525 = arith.fptosi %mul3A_524 : vector<16xf32> to vector<16xi32>
        %convert_element_type3A_526 = arith.sitofp %convert_element_type3A_525 : vector<16xi32> to vector<16xf32>
        %lt3A_527 = arith.cmpf olt, %convert_element_type3A_526, %mul3A_524 : vector<16xf32>
        %add3A_528 = arith.constant 1 : i32
        %add3A_529 = vector.broadcast %add3A_528 : i32 to vector<16xi32>
        %add3A_530 = arith.addi %convert_element_type3A_525, %add3A_529 : vector<16xi32>
        %select_n3A = arith.select %lt3A_527, %add3A_530, %convert_element_type3A_525 : vector<16xi1>, vector<16xi32>
        %shift_left3A = arith.constant 4 : i32
        %shift_left3A_531 = vector.broadcast %shift_left3A : i32 to vector<16xi32>
        %shift_left3A_532 = arith.shli %select_n3A, %shift_left3A_531 : vector<16xi32>
        %or3A = arith.ori %shift_left3A_532, %iota3A : vector<16xi32>
        %bitcast3A = vector.bitcast %or3A : vector<16xi32> to vector<16xi32>
        %get3A_533 = arith.constant 4096 : index
        %get3A_534 = tpu.vector_load %arg4[%get3A_533] {strides = array<i32>} : memref<36880xf32, #tpu.memory_space<vmem>>, vector<16xf32>,
        %mul3A_535 = arith.constant 1.023000e+03 : f32
        %mul3A_536 = vector.broadcast %mul3A_535 : f32 to vector<16xf32>
        %mul3A_537 = arith.mulf %get3A_534, %mul3A_536 : vector<16xf32>
        %convert_element_type3A_538 = arith.fptosi %mul3A_537 : vector<16xf32> to vector<16xi32>
        %convert_element_type3A_539 = arith.sitofp %convert_element_type3A_538 : vector<16xi32> to vector<16xf32>
        %lt3A_540 = arith.cmpf olt, %convert_element_type3A_539, %mul3A_537 : vector<16xf32>
        %add3A_541 = arith.constant 1 : i32
        %add3A_542 = vector.broadcast %add3A_541 : i32 to vector<16xi32>
        %add3A_543 = arith.addi %convert_element_type3A_538, %add3A_542 : vector<16xi32>
        %select_n3A_544 = arith.select %lt3A_540, %add3A_543, %convert_element_type3A_538 : vector<16xi1>, vector<16xi32>
        %shift_left3A_545 = arith.constant 4 : i32
        %shift_left3A_546 = vector.broadcast %shift_left3A_545 : i32 to vector<16xi32>
        %shift_left3A_547 = arith.shli %select_n3A_544, %shift_left3A_546 : vector<16xi32>
        %or3A_548 = arith.ori %shift_left3A_547, %iota3A : vector<16xi32>
        %bitcast3A_549 = vector.bitcast %or3A_548 : vector<16xi32> to vector<16xi32>
        %get3A_550 = arith.constant 8192 : index
        %get3A_551 = tpu.vector_load %arg4[%get3A_550] {strides = array<i32>} : memref<36880xf32, #tpu.memory_space<vmem>>, vector<16xf32>,
        %mul3A_552 = arith.constant 1.023000e+03 : f32
        %mul3A_553 = vector.broadcast %mul3A_552 : f32 to vector<16xf32>
        %mul3A_554 = arith.mulf %get3A_551, %mul3A_553 : vector<16xf32>
        %convert_element_type3A_555 = arith.fptosi %mul3A_554 : vector<16xf32> to vector<16xi32>
        %convert_element_type3A_556 = arith.sitofp %convert_element_type3A_555 : vector<16xi32> to vector<16xf32>
        %lt3A_557 = arith.cmpf olt, %convert_element_type3A_556, %mul3A_554 : vector<16xf32>
        %add3A_558 = arith.constant 1 : i32
        %add3A_559 = vector.broadcast %add3A_558 : i32 to vector<16xi32>
        %add3A_560 = arith.addi %convert_element_type3A_555, %add3A_559 : vector<16xi32>
        %select_n3A_561 = arith.select %lt3A_557, %add3A_560, %convert_element_type3A_555 : vector<16xi1>, vector<16xi32>
        %shift_left3A_562 = arith.constant 4 : i32
        %shift_left3A_563 = vector.broadcast %shift_left3A_562 : i32 to vector<16xi32>
        %shift_left3A_564 = arith.shli %select_n3A_561, %shift_left3A_563 : vector<16xi32>
        %or3A_565 = arith.ori %shift_left3A_564, %iota3A : vector<16xi32>
        %bitcast3A_566 = vector.bitcast %or3A_565 : vector<16xi32> to vector<16xi32>
        %get3A_567 = arith.constant 12288 : index
        %get3A_568 = tpu.vector_load %arg4[%get3A_567] {strides = array<i32>} : memref<36880xf32, #tpu.memory_space<vmem>>, vector<16xf32>,
        %mul3A_569 = arith.constant 1.023000e+03 : f32
        %mul3A_570 = vector.broadcast %mul3A_569 : f32 to vector<16xf32>
        %mul3A_571 = arith.mulf %get3A_568, %mul3A_570 : vector<16xf32>
        %convert_element_type3A_572 = arith.fptosi %mul3A_571 : vector<16xf32> to vector<16xi32>
        %convert_element_type3A_573 = arith.sitofp %convert_element_type3A_572 : vector<16xi32> to vector<16xf32>
        %lt3A_574 = arith.cmpf olt, %convert_element_type3A_573, %mul3A_571 : vector<16xf32>
        %add3A_575 = arith.constant 1 : i32
        %add3A_576 = vector.broadcast %add3A_575 : i32 to vector<16xi32>
        %add3A_577 = arith.addi %convert_element_type3A_572, %add3A_576 : vector<16xi32>
        %select_n3A_578 = arith.select %lt3A_574, %add3A_577, %convert_element_type3A_572 : vector<16xi1>, vector<16xi32>
        %shift_left3A_579 = arith.constant 4 : i32
        %shift_left3A_580 = vector.broadcast %shift_left3A_579 : i32 to vector<16xi32>
        %shift_left3A_581 = arith.shli %select_n3A_578, %shift_left3A_580 : vector<16xi32>
        %or3A_582 = arith.ori %shift_left3A_581, %iota3A : vector<16xi32>
        %bitcast3A_583 = vector.bitcast %or3A_582 : vector<16xi32> to vector<16xi32>
        %get3A_584 = arith.constant 16384 : index
        %get3A_585 = tpu.vector_load %arg4[%get3A_584] {strides = array<i32>} : memref<36880xf32, #tpu.memory_space<vmem>>, vector<16xf32>,
        %mul3A_586 = arith.constant 1.023000e+03 : f32
        %mul3A_587 = vector.broadcast %mul3A_586 : f32 to vector<16xf32>
        %mul3A_588 = arith.mulf %get3A_585, %mul3A_587 : vector<16xf32>
        %convert_element_type3A_589 = arith.fptosi %mul3A_588 : vector<16xf32> to vector<16xi32>
        %convert_element_type3A_590 = arith.sitofp %convert_element_type3A_589 : vector<16xi32> to vector<16xf32>
        %lt3A_591 = arith.cmpf olt, %convert_element_type3A_590, %mul3A_588 : vector<16xf32>
        %add3A_592 = arith.constant 1 : i32
        %add3A_593 = vector.broadcast %add3A_592 : i32 to vector<16xi32>
        %add3A_594 = arith.addi %convert_element_type3A_589, %add3A_593 : vector<16xi32>
        %select_n3A_595 = arith.select %lt3A_591, %add3A_594, %convert_element_type3A_589 : vector<16xi1>, vector<16xi32>
        %shift_left3A_596 = arith.constant 4 : i32
        %shift_left3A_597 = vector.broadcast %shift_left3A_596 : i32 to vector<16xi32>
        %shift_left3A_598 = arith.shli %select_n3A_595, %shift_left3A_597 : vector<16xi32>
        %or3A_599 = arith.ori %shift_left3A_598, %iota3A : vector<16xi32>
        %bitcast3A_600 = vector.bitcast %or3A_599 : vector<16xi32> to vector<16xi32>
        %parallel_loop3A = arith.constant 1 : i32
        %parallel_loop3A_601 = arith.constant 256 : i32
        %parallel_loop3A_602 = arith.constant 1 : i32
        %parallel_loop3A_603:5 = scf.for %parallel_loop3A_912 = %parallel_loop3A to %parallel_loop3A_601 step %parallel_loop3A_602 iter_args(%parallel_loop3A_913 = %bitcast3A, %parallel_loop3A_914 = %bitcast3A_549, %parallel_loop3A_915 = %bitcast3A_566, %parallel_loop3A_916 = %bitcast3A_583, %parallel_loop3A_917 = %bitcast3A_600) -> (vector<16xi32>, vector<16xi32>, vector<16xi32>, vector<16xi32>, vector<16xi32>)  : i32 {
          %parallel_loop3A_918 = arith.constant 16 : i32
          %parallel_loop3A_919 = arith.muli %parallel_loop3A_912, %parallel_loop3A_918 : i32
          %parallel_loop3A_920 = arith.constant 0 : i32
          %parallel_loop3A_921 = arith.addi %parallel_loop3A_919, %parallel_loop3A_920 : i32
          %parallel_loop3A_922 = arith.index_cast %parallel_loop3A_921 : i32 to index
          %parallel_loop3A_923 = tpu.vector_load %arg4[%parallel_loop3A_922] {strides = array<i32>} : memref<36880xf32, #tpu.memory_space<vmem>>, vector<16xf32>,
          %parallel_loop3A_924 = arith.constant 1.023000e+03 : f32
          %parallel_loop3A_925 = vector.broadcast %parallel_loop3A_924 : f32 to vector<16xf32>
          %parallel_loop3A_926 = arith.mulf %parallel_loop3A_923, %parallel_loop3A_925 : vector<16xf32>
          %parallel_loop3A_927 = arith.fptosi %parallel_loop3A_926 : vector<16xf32> to vector<16xi32>
          %parallel_loop3A_928 = arith.sitofp %parallel_loop3A_927 : vector<16xi32> to vector<16xf32>
          %parallel_loop3A_929 = arith.cmpf olt, %parallel_loop3A_928, %parallel_loop3A_926 : vector<16xf32>
          %parallel_loop3A_930 = arith.constant 1 : i32
          %parallel_loop3A_931 = vector.broadcast %parallel_loop3A_930 : i32 to vector<16xi32>
          %parallel_loop3A_932 = arith.addi %parallel_loop3A_927, %parallel_loop3A_931 : vector<16xi32>
          %parallel_loop3A_933 = arith.select %parallel_loop3A_929, %parallel_loop3A_932, %parallel_loop3A_927 : vector<16xi1>, vector<16xi32>
          %parallel_loop3A_934 = arith.constant 4 : i32
          %parallel_loop3A_935 = vector.broadcast %parallel_loop3A_934 : i32 to vector<16xi32>
          %parallel_loop3A_936 = arith.shli %parallel_loop3A_933, %parallel_loop3A_935 : vector<16xi32>
          %parallel_loop3A_937 = arith.ori %parallel_loop3A_936, %iota3A : vector<16xi32>
          %parallel_loop3A_938 = vector.bitcast %parallel_loop3A_937 : vector<16xi32> to vector<16xi32>
          %parallel_loop3A_939 = arith.constant 4096 : i32
          %parallel_loop3A_940 = arith.addi %parallel_loop3A_919, %parallel_loop3A_939 : i32
          %parallel_loop3A_941 = arith.index_cast %parallel_loop3A_940 : i32 to index
          %parallel_loop3A_942 = tpu.vector_load %arg4[%parallel_loop3A_941] {strides = array<i32>} : memref<36880xf32, #tpu.memory_space<vmem>>, vector<16xf32>,
          %parallel_loop3A_943 = arith.constant 1.023000e+03 : f32
          %parallel_loop3A_944 = vector.broadcast %parallel_loop3A_943 : f32 to vector<16xf32>
          %parallel_loop3A_945 = arith.mulf %parallel_loop3A_942, %parallel_loop3A_944 : vector<16xf32>
          %parallel_loop3A_946 = arith.fptosi %parallel_loop3A_945 : vector<16xf32> to vector<16xi32>
          %parallel_loop3A_947 = arith.sitofp %parallel_loop3A_946 : vector<16xi32> to vector<16xf32>
          %parallel_loop3A_948 = arith.cmpf olt, %parallel_loop3A_947, %parallel_loop3A_945 : vector<16xf32>
          %parallel_loop3A_949 = arith.constant 1 : i32
          %parallel_loop3A_950 = vector.broadcast %parallel_loop3A_949 : i32 to vector<16xi32>
          %parallel_loop3A_951 = arith.addi %parallel_loop3A_946, %parallel_loop3A_950 : vector<16xi32>
          %parallel_loop3A_952 = arith.select %parallel_loop3A_948, %parallel_loop3A_951, %parallel_loop3A_946 : vector<16xi1>, vector<16xi32>
          %parallel_loop3A_953 = arith.constant 4 : i32
          %parallel_loop3A_954 = vector.broadcast %parallel_loop3A_953 : i32 to vector<16xi32>
          %parallel_loop3A_955 = arith.shli %parallel_loop3A_952, %parallel_loop3A_954 : vector<16xi32>
          %parallel_loop3A_956 = arith.ori %parallel_loop3A_955, %iota3A : vector<16xi32>
          %parallel_loop3A_957 = vector.bitcast %parallel_loop3A_956 : vector<16xi32> to vector<16xi32>
          %parallel_loop3A_958 = arith.constant 8192 : i32
          %parallel_loop3A_959 = arith.addi %parallel_loop3A_919, %parallel_loop3A_958 : i32
          %parallel_loop3A_960 = arith.index_cast %parallel_loop3A_959 : i32 to index
          %parallel_loop3A_961 = tpu.vector_load %arg4[%parallel_loop3A_960] {strides = array<i32>} : memref<36880xf32, #tpu.memory_space<vmem>>, vector<16xf32>,
          %parallel_loop3A_962 = arith.constant 1.023000e+03 : f32
          %parallel_loop3A_963 = vector.broadcast %parallel_loop3A_962 : f32 to vector<16xf32>
          %parallel_loop3A_964 = arith.mulf %parallel_loop3A_961, %parallel_loop3A_963 : vector<16xf32>
          %parallel_loop3A_965 = arith.fptosi %parallel_loop3A_964 : vector<16xf32> to vector<16xi32>
          %parallel_loop3A_966 = arith.sitofp %parallel_loop3A_965 : vector<16xi32> to vector<16xf32>
          %parallel_loop3A_967 = arith.cmpf olt, %parallel_loop3A_966, %parallel_loop3A_964 : vector<16xf32>
          %parallel_loop3A_968 = arith.constant 1 : i32
          %parallel_loop3A_969 = vector.broadcast %parallel_loop3A_968 : i32 to vector<16xi32>
          %parallel_loop3A_970 = arith.addi %parallel_loop3A_965, %parallel_loop3A_969 : vector<16xi32>
          %parallel_loop3A_971 = arith.select %parallel_loop3A_967, %parallel_loop3A_970, %parallel_loop3A_965 : vector<16xi1>, vector<16xi32>
          %parallel_loop3A_972 = arith.constant 4 : i32
          %parallel_loop3A_973 = vector.broadcast %parallel_loop3A_972 : i32 to vector<16xi32>
          %parallel_loop3A_974 = arith.shli %parallel_loop3A_971, %parallel_loop3A_973 : vector<16xi32>
          %parallel_loop3A_975 = arith.ori %parallel_loop3A_974, %iota3A : vector<16xi32>
          %parallel_loop3A_976 = vector.bitcast %parallel_loop3A_975 : vector<16xi32> to vector<16xi32>
          %parallel_loop3A_977 = arith.constant 12288 : i32
          %parallel_loop3A_978 = arith.addi %parallel_loop3A_919, %parallel_loop3A_977 : i32
          %parallel_loop3A_979 = arith.index_cast %parallel_loop3A_978 : i32 to index
          %parallel_loop3A_980 = tpu.vector_load %arg4[%parallel_loop3A_979] {strides = array<i32>} : memref<36880xf32, #tpu.memory_space<vmem>>, vector<16xf32>,
          %parallel_loop3A_981 = arith.constant 1.023000e+03 : f32
          %parallel_loop3A_982 = vector.broadcast %parallel_loop3A_981 : f32 to vector<16xf32>
          %parallel_loop3A_983 = arith.mulf %parallel_loop3A_980, %parallel_loop3A_982 : vector<16xf32>
          %parallel_loop3A_984 = arith.fptosi %parallel_loop3A_983 : vector<16xf32> to vector<16xi32>
          %parallel_loop3A_985 = arith.sitofp %parallel_loop3A_984 : vector<16xi32> to vector<16xf32>
          %parallel_loop3A_986 = arith.cmpf olt, %parallel_loop3A_985, %parallel_loop3A_983 : vector<16xf32>
          %parallel_loop3A_987 = arith.constant 1 : i32
          %parallel_loop3A_988 = vector.broadcast %parallel_loop3A_987 : i32 to vector<16xi32>
          %parallel_loop3A_989 = arith.addi %parallel_loop3A_984, %parallel_loop3A_988 : vector<16xi32>
          %parallel_loop3A_990 = arith.select %parallel_loop3A_986, %parallel_loop3A_989, %parallel_loop3A_984 : vector<16xi1>, vector<16xi32>
          %parallel_loop3A_991 = arith.constant 4 : i32
          %parallel_loop3A_992 = vector.broadcast %parallel_loop3A_991 : i32 to vector<16xi32>
          %parallel_loop3A_993 = arith.shli %parallel_loop3A_990, %parallel_loop3A_992 : vector<16xi32>
          %parallel_loop3A_994 = arith.ori %parallel_loop3A_993, %iota3A : vector<16xi32>
          %parallel_loop3A_995 = vector.bitcast %parallel_loop3A_994 : vector<16xi32> to vector<16xi32>
          %parallel_loop3A_996 = arith.constant 16384 : i32
          %parallel_loop3A_997 = arith.addi %parallel_loop3A_919, %parallel_loop3A_996 : i32
          %parallel_loop3A_998 = arith.index_cast %parallel_loop3A_997 : i32 to index
          %parallel_loop3A_999 = tpu.vector_load %arg4[%parallel_loop3A_998] {strides = array<i32>} : memref<36880xf32, #tpu.memory_space<vmem>>, vector<16xf32>,
          %parallel_loop3A_1000 = arith.constant 1.023000e+03 : f32
          %parallel_loop3A_1001 = vector.broadcast %parallel_loop3A_1000 : f32 to vector<16xf32>
          %parallel_loop3A_1002 = arith.mulf %parallel_loop3A_999, %parallel_loop3A_1001 : vector<16xf32>
          %parallel_loop3A_1003 = arith.fptosi %parallel_loop3A_1002 : vector<16xf32> to vector<16xi32>
          %parallel_loop3A_1004 = arith.sitofp %parallel_loop3A_1003 : vector<16xi32> to vector<16xf32>
          %parallel_loop3A_1005 = arith.cmpf olt, %parallel_loop3A_1004, %parallel_loop3A_1002 : vector<16xf32>
          %parallel_loop3A_1006 = arith.constant 1 : i32
          %parallel_loop3A_1007 = vector.broadcast %parallel_loop3A_1006 : i32 to vector<16xi32>
          %parallel_loop3A_1008 = arith.addi %parallel_loop3A_1003, %parallel_loop3A_1007 : vector<16xi32>
          %parallel_loop3A_1009 = arith.select %parallel_loop3A_1005, %parallel_loop3A_1008, %parallel_loop3A_1003 : vector<16xi1>, vector<16xi32>
          %parallel_loop3A_1010 = arith.constant 4 : i32
          %parallel_loop3A_1011 = vector.broadcast %parallel_loop3A_1010 : i32 to vector<16xi32>
          %parallel_loop3A_1012 = arith.shli %parallel_loop3A_1009, %parallel_loop3A_1011 : vector<16xi32>
          %parallel_loop3A_1013 = arith.ori %parallel_loop3A_1012, %iota3A : vector<16xi32>
          %parallel_loop3A_1014 = vector.bitcast %parallel_loop3A_1013 : vector<16xi32> to vector<16xi32>
          %parallel_loop3A_1015 = arith.constant 0 : i32
          %parallel_loop3A_1016 = vector.broadcast %parallel_loop3A_1015 : i32 to vector<16xi32>
          %parallel_loop3A_1017 = arith.cmpi slt, %min3A_13, %parallel_loop3A_1016 : vector<16xi32>
          %parallel_loop3A_1018 = arith.constant 16 : i32
          %parallel_loop3A_1019 = vector.broadcast %parallel_loop3A_1018 : i32 to vector<16xi32>
          %parallel_loop3A_1020 = arith.addi %min3A_13, %parallel_loop3A_1019 : vector<16xi32>
          %parallel_loop3A_1021 = arith.select %parallel_loop3A_1017, %parallel_loop3A_1020, %min3A_13 : vector<16xi1>, vector<16xi32>
          %parallel_loop3A_1022 = vector.shape_cast %parallel_loop3A_1021 : vector<16xi32> to vector<16x1xi32>
          %parallel_loop3A_1023 = vector.shape_cast %parallel_loop3A_1022 : vector<16x1xi32> to vector<16xi32>
          %parallel_loop3A_1024 = tpu.dynamic_gather %parallel_loop3A_913[%parallel_loop3A_1023] in [0] : vector<16xi32>, vector<16xi32> -> vector<16xi32>
          %parallel_loop3A_1025 = arith.constant 0 : i32
          %parallel_loop3A_1026 = vector.broadcast %parallel_loop3A_1025 : i32 to vector<16xi32>
          %parallel_loop3A_1027 = arith.cmpi slt, %broadcast_in_dim3A_15, %parallel_loop3A_1026 : vector<16xi32>
          %parallel_loop3A_1028 = arith.constant 16 : i32
          %parallel_loop3A_1029 = vector.broadcast %parallel_loop3A_1028 : i32 to vector<16xi32>
          %parallel_loop3A_1030 = arith.addi %broadcast_in_dim3A_15, %parallel_loop3A_1029 : vector<16xi32>
          %parallel_loop3A_1031 = arith.select %parallel_loop3A_1027, %parallel_loop3A_1030, %broadcast_in_dim3A_15 : vector<16xi1>, vector<16xi32>
          %parallel_loop3A_1032 = vector.shape_cast %parallel_loop3A_1031 : vector<16xi32> to vector<16x1xi32>
          %parallel_loop3A_1033 = vector.shape_cast %parallel_loop3A_1032 : vector<16x1xi32> to vector<16xi32>
          %parallel_loop3A_1034 = tpu.dynamic_gather %parallel_loop3A_938[%parallel_loop3A_1033] in [0] : vector<16xi32>, vector<16xi32> -> vector<16xi32>
          %parallel_loop3A_1035 = arith.select %lt3A_8, %parallel_loop3A_1024, %parallel_loop3A_1034 : vector<16xi1>, vector<16xi32>
          %parallel_loop3A_1036 = arith.constant 0 : i32
          %parallel_loop3A_1037 = vector.broadcast %parallel_loop3A_1036 : i32 to vector<16xi32>
          %parallel_loop3A_1038 = arith.cmpi slt, %min3A_13, %parallel_loop3A_1037 : vector<16xi32>
          %parallel_loop3A_1039 = arith.constant 16 : i32
          %parallel_loop3A_1040 = vector.broadcast %parallel_loop3A_1039 : i32 to vector<16xi32>
          %parallel_loop3A_1041 = arith.addi %min3A_13, %parallel_loop3A_1040 : vector<16xi32>
          %parallel_loop3A_1042 = arith.select %parallel_loop3A_1038, %parallel_loop3A_1041, %min3A_13 : vector<16xi1>, vector<16xi32>
          %parallel_loop3A_1043 = vector.shape_cast %parallel_loop3A_1042 : vector<16xi32> to vector<16x1xi32>
          %parallel_loop3A_1044 = vector.shape_cast %parallel_loop3A_1043 : vector<16x1xi32> to vector<16xi32>
          %parallel_loop3A_1045 = tpu.dynamic_gather %parallel_loop3A_914[%parallel_loop3A_1044] in [0] : vector<16xi32>, vector<16xi32> -> vector<16xi32>
          %parallel_loop3A_1046 = arith.constant 0 : i32
          %parallel_loop3A_1047 = vector.broadcast %parallel_loop3A_1046 : i32 to vector<16xi32>
          %parallel_loop3A_1048 = arith.cmpi slt, %broadcast_in_dim3A_15, %parallel_loop3A_1047 : vector<16xi32>
          %parallel_loop3A_1049 = arith.constant 16 : i32
          %parallel_loop3A_1050 = vector.broadcast %parallel_loop3A_1049 : i32 to vector<16xi32>
          %parallel_loop3A_1051 = arith.addi %broadcast_in_dim3A_15, %parallel_loop3A_1050 : vector<16xi32>
          %parallel_loop3A_1052 = arith.select %parallel_loop3A_1048, %parallel_loop3A_1051, %broadcast_in_dim3A_15 : vector<16xi1>, vector<16xi32>
          %parallel_loop3A_1053 = vector.shape_cast %parallel_loop3A_1052 : vector<16xi32> to vector<16x1xi32>
          %parallel_loop3A_1054 = vector.shape_cast %parallel_loop3A_1053 : vector<16x1xi32> to vector<16xi32>
          %parallel_loop3A_1055 = tpu.dynamic_gather %parallel_loop3A_957[%parallel_loop3A_1054] in [0] : vector<16xi32>, vector<16xi32> -> vector<16xi32>
          %parallel_loop3A_1056 = arith.select %lt3A_8, %parallel_loop3A_1045, %parallel_loop3A_1055 : vector<16xi1>, vector<16xi32>
          %parallel_loop3A_1057 = arith.constant 0 : i32
          %parallel_loop3A_1058 = vector.broadcast %parallel_loop3A_1057 : i32 to vector<16xi32>
          %parallel_loop3A_1059 = arith.cmpi slt, %min3A_13, %parallel_loop3A_1058 : vector<16xi32>
          %parallel_loop3A_1060 = arith.constant 16 : i32
          %parallel_loop3A_1061 = vector.broadcast %parallel_loop3A_1060 : i32 to vector<16xi32>
          %parallel_loop3A_1062 = arith.addi %min3A_13, %parallel_loop3A_1061 : vector<16xi32>
          %parallel_loop3A_1063 = arith.select %parallel_loop3A_1059, %parallel_loop3A_1062, %min3A_13 : vector<16xi1>, vector<16xi32>
          %parallel_loop3A_1064 = vector.shape_cast %parallel_loop3A_1063 : vector<16xi32> to vector<16x1xi32>
          %parallel_loop3A_1065 = vector.shape_cast %parallel_loop3A_1064 : vector<16x1xi32> to vector<16xi32>
          %parallel_loop3A_1066 = tpu.dynamic_gather %parallel_loop3A_915[%parallel_loop3A_1065] in [0] : vector<16xi32>, vector<16xi32> -> vector<16xi32>
          %parallel_loop3A_1067 = arith.constant 0 : i32
          %parallel_loop3A_1068 = vector.broadcast %parallel_loop3A_1067 : i32 to vector<16xi32>
          %parallel_loop3A_1069 = arith.cmpi slt, %broadcast_in_dim3A_15, %parallel_loop3A_1068 : vector<16xi32>
          %parallel_loop3A_1070 = arith.constant 16 : i32
          %parallel_loop3A_1071 = vector.broadcast %parallel_loop3A_1070 : i32 to vector<16xi32>
          %parallel_loop3A_1072 = arith.addi %broadcast_in_dim3A_15, %parallel_loop3A_1071 : vector<16xi32>
          %parallel_loop3A_1073 = arith.select %parallel_loop3A_1069, %parallel_loop3A_1072, %broadcast_in_dim3A_15 : vector<16xi1>, vector<16xi32>
          %parallel_loop3A_1074 = vector.shape_cast %parallel_loop3A_1073 : vector<16xi32> to vector<16x1xi32>
          %parallel_loop3A_1075 = vector.shape_cast %parallel_loop3A_1074 : vector<16x1xi32> to vector<16xi32>
          %parallel_loop3A_1076 = tpu.dynamic_gather %parallel_loop3A_976[%parallel_loop3A_1075] in [0] : vector<16xi32>, vector<16xi32> -> vector<16xi32>
          %parallel_loop3A_1077 = arith.select %lt3A_8, %parallel_loop3A_1066, %parallel_loop3A_1076 : vector<16xi1>, vector<16xi32>
          %parallel_loop3A_1078 = arith.constant 0 : i32
          %parallel_loop3A_1079 = vector.broadcast %parallel_loop3A_1078 : i32 to vector<16xi32>
          %parallel_loop3A_1080 = arith.cmpi slt, %min3A_13, %parallel_loop3A_1079 : vector<16xi32>
          %parallel_loop3A_1081 = arith.constant 16 : i32
          %parallel_loop3A_1082 = vector.broadcast %parallel_loop3A_1081 : i32 to vector<16xi32>
          %parallel_loop3A_1083 = arith.addi %min3A_13, %parallel_loop3A_1082 : vector<16xi32>
          %parallel_loop3A_1084 = arith.select %parallel_loop3A_1080, %parallel_loop3A_1083, %min3A_13 : vector<16xi1>, vector<16xi32>
          %parallel_loop3A_1085 = vector.shape_cast %parallel_loop3A_1084 : vector<16xi32> to vector<16x1xi32>
          %parallel_loop3A_1086 = vector.shape_cast %parallel_loop3A_1085 : vector<16x1xi32> to vector<16xi32>
          %parallel_loop3A_1087 = tpu.dynamic_gather %parallel_loop3A_916[%parallel_loop3A_1086] in [0] : vector<16xi32>, vector<16xi32> -> vector<16xi32>
          %parallel_loop3A_1088 = arith.constant 0 : i32
          %parallel_loop3A_1089 = vector.broadcast %parallel_loop3A_1088 : i32 to vector<16xi32>
          %parallel_loop3A_1090 = arith.cmpi slt, %broadcast_in_dim3A_15, %parallel_loop3A_1089 : vector<16xi32>
          %parallel_loop3A_1091 = arith.constant 16 : i32
          %parallel_loop3A_1092 = vector.broadcast %parallel_loop3A_1091 : i32 to vector<16xi32>
          %parallel_loop3A_1093 = arith.addi %broadcast_in_dim3A_15, %parallel_loop3A_1092 : vector<16xi32>
          %parallel_loop3A_1094 = arith.select %parallel_loop3A_1090, %parallel_loop3A_1093, %broadcast_in_dim3A_15 : vector<16xi1>, vector<16xi32>
          %parallel_loop3A_1095 = vector.shape_cast %parallel_loop3A_1094 : vector<16xi32> to vector<16x1xi32>
          %parallel_loop3A_1096 = vector.shape_cast %parallel_loop3A_1095 : vector<16x1xi32> to vector<16xi32>
          %parallel_loop3A_1097 = tpu.dynamic_gather %parallel_loop3A_995[%parallel_loop3A_1096] in [0] : vector<16xi32>, vector<16xi32> -> vector<16xi32>
          %parallel_loop3A_1098 = arith.select %lt3A_8, %parallel_loop3A_1087, %parallel_loop3A_1097 : vector<16xi1>, vector<16xi32>
          %parallel_loop3A_1099 = arith.constant 0 : i32
          %parallel_loop3A_1100 = vector.broadcast %parallel_loop3A_1099 : i32 to vector<16xi32>
          %parallel_loop3A_1101 = arith.cmpi slt, %min3A_13, %parallel_loop3A_1100 : vector<16xi32>
          %parallel_loop3A_1102 = arith.constant 16 : i32
          %parallel_loop3A_1103 = vector.broadcast %parallel_loop3A_1102 : i32 to vector<16xi32>
          %parallel_loop3A_1104 = arith.addi %min3A_13, %parallel_loop3A_1103 : vector<16xi32>
          %parallel_loop3A_1105 = arith.select %parallel_loop3A_1101, %parallel_loop3A_1104, %min3A_13 : vector<16xi1>, vector<16xi32>
          %parallel_loop3A_1106 = vector.shape_cast %parallel_loop3A_1105 : vector<16xi32> to vector<16x1xi32>
          %parallel_loop3A_1107 = vector.shape_cast %parallel_loop3A_1106 : vector<16x1xi32> to vector<16xi32>
          %parallel_loop3A_1108 = tpu.dynamic_gather %parallel_loop3A_917[%parallel_loop3A_1107] in [0] : vector<16xi32>, vector<16xi32> -> vector<16xi32>
          %parallel_loop3A_1109 = arith.constant 0 : i32
          %parallel_loop3A_1110 = vector.broadcast %parallel_loop3A_1109 : i32 to vector<16xi32>
          %parallel_loop3A_1111 = arith.cmpi slt, %broadcast_in_dim3A_15, %parallel_loop3A_1110 : vector<16xi32>
          %parallel_loop3A_1112 = arith.constant 16 : i32
          %parallel_loop3A_1113 = vector.broadcast %parallel_loop3A_1112 : i32 to vector<16xi32>
          %parallel_loop3A_1114 = arith.addi %broadcast_in_dim3A_15, %parallel_loop3A_1113 : vector<16xi32>
          %parallel_loop3A_1115 = arith.select %parallel_loop3A_1111, %parallel_loop3A_1114, %broadcast_in_dim3A_15 : vector<16xi1>, vector<16xi32>
          %parallel_loop3A_1116 = vector.shape_cast %parallel_loop3A_1115 : vector<16xi32> to vector<16x1xi32>
          %parallel_loop3A_1117 = vector.shape_cast %parallel_loop3A_1116 : vector<16x1xi32> to vector<16xi32>
          %parallel_loop3A_1118 = tpu.dynamic_gather %parallel_loop3A_1014[%parallel_loop3A_1117] in [0] : vector<16xi32>, vector<16xi32> -> vector<16xi32>
          %parallel_loop3A_1119 = arith.select %lt3A_8, %parallel_loop3A_1108, %parallel_loop3A_1118 : vector<16xi1>, vector<16xi32>
          %parallel_loop3A_1120 = arith.maxui %parallel_loop3A_913, %parallel_loop3A_1035 : vector<16xi32>
          %parallel_loop3A_1121 = arith.maxui %parallel_loop3A_914, %parallel_loop3A_1056 : vector<16xi32>
          %parallel_loop3A_1122 = arith.maxui %parallel_loop3A_915, %parallel_loop3A_1077 : vector<16xi32>
          %parallel_loop3A_1123 = arith.maxui %parallel_loop3A_916, %parallel_loop3A_1098 : vector<16xi32>
          %parallel_loop3A_1124 = arith.maxui %parallel_loop3A_917, %parallel_loop3A_1119 : vector<16xi32>
          %parallel_loop3A_1125 = arith.maxui %parallel_loop3A_913, %parallel_loop3A_914 : vector<16xi32>
          %parallel_loop3A_1126 = arith.maxui %parallel_loop3A_1120, %parallel_loop3A_1121 : vector<16xi32>
          %parallel_loop3A_1127 = vector.bitcast %parallel_loop3A_913 : vector<16xi32> to vector<16xi32>
          tpu.vector_store_idx %arg6[%parallel_loop3A_1127], %broadcast_in_dim3A_2 {add = true} : memref<16384xi32, #tpu.memory_space<vmem>>[vector<16xi32>], vector<16xi32>,
          %parallel_loop3A_1128 = vector.bitcast %parallel_loop3A_1125 : vector<16xi32> to vector<16xi32>
          tpu.vector_store_idx %arg6[%parallel_loop3A_1128], %neg3A_4 {add = true} : memref<16384xi32, #tpu.memory_space<vmem>>[vector<16xi32>], vector<16xi32>,
          %parallel_loop3A_1129 = arith.constant -16 : i32
          %parallel_loop3A_1130 = vector.broadcast %parallel_loop3A_1129 : i32 to vector<16xi32>
          %parallel_loop3A_1131 = arith.andi %parallel_loop3A_1120, %parallel_loop3A_1130 : vector<16xi32>
          %parallel_loop3A_1132 = arith.ori %parallel_loop3A_1131, %iota3A_1 : vector<16xi32>
          %parallel_loop3A_1133 = vector.bitcast %parallel_loop3A_1132 : vector<16xi32> to vector<16xi32>
          tpu.vector_store_idx %arg6[%parallel_loop3A_1133], %neg3A_4 {add = true} : memref<16384xi32, #tpu.memory_space<vmem>>[vector<16xi32>], vector<16xi32>,
          %parallel_loop3A_1134 = arith.constant -16 : i32
          %parallel_loop3A_1135 = vector.broadcast %parallel_loop3A_1134 : i32 to vector<16xi32>
          %parallel_loop3A_1136 = arith.andi %parallel_loop3A_1126, %parallel_loop3A_1135 : vector<16xi32>
          %parallel_loop3A_1137 = arith.ori %parallel_loop3A_1136, %iota3A_1 : vector<16xi32>
          %parallel_loop3A_1138 = vector.bitcast %parallel_loop3A_1137 : vector<16xi32> to vector<16xi32>
          tpu.vector_store_idx %arg6[%parallel_loop3A_1138], %broadcast_in_dim3A_2 {add = true} : memref<16384xi32, #tpu.memory_space<vmem>>[vector<16xi32>], vector<16xi32>,
          %parallel_loop3A_1139 = arith.maxui %parallel_loop3A_914, %parallel_loop3A_915 : vector<16xi32>
          %parallel_loop3A_1140 = arith.maxui %parallel_loop3A_1121, %parallel_loop3A_1122 : vector<16xi32>
          %parallel_loop3A_1141 = vector.bitcast %parallel_loop3A_914 : vector<16xi32> to vector<16xi32>
          tpu.vector_store_idx %arg6[%parallel_loop3A_1141], %broadcast_in_dim3A_2 {add = true} : memref<16384xi32, #tpu.memory_space<vmem>>[vector<16xi32>], vector<16xi32>,
          %parallel_loop3A_1142 = vector.bitcast %parallel_loop3A_1139 : vector<16xi32> to vector<16xi32>
          tpu.vector_store_idx %arg6[%parallel_loop3A_1142], %neg3A_4 {add = true} : memref<16384xi32, #tpu.memory_space<vmem>>[vector<16xi32>], vector<16xi32>,
          %parallel_loop3A_1143 = arith.constant -16 : i32
          %parallel_loop3A_1144 = vector.broadcast %parallel_loop3A_1143 : i32 to vector<16xi32>
          %parallel_loop3A_1145 = arith.andi %parallel_loop3A_1121, %parallel_loop3A_1144 : vector<16xi32>
          %parallel_loop3A_1146 = arith.ori %parallel_loop3A_1145, %iota3A_1 : vector<16xi32>
          %parallel_loop3A_1147 = vector.bitcast %parallel_loop3A_1146 : vector<16xi32> to vector<16xi32>
          tpu.vector_store_idx %arg6[%parallel_loop3A_1147], %neg3A_4 {add = true} : memref<16384xi32, #tpu.memory_space<vmem>>[vector<16xi32>], vector<16xi32>,
          %parallel_loop3A_1148 = arith.constant -16 : i32
          %parallel_loop3A_1149 = vector.broadcast %parallel_loop3A_1148 : i32 to vector<16xi32>
          %parallel_loop3A_1150 = arith.andi %parallel_loop3A_1140, %parallel_loop3A_1149 : vector<16xi32>
          %parallel_loop3A_1151 = arith.ori %parallel_loop3A_1150, %iota3A_1 : vector<16xi32>
          %parallel_loop3A_1152 = vector.bitcast %parallel_loop3A_1151 : vector<16xi32> to vector<16xi32>
          tpu.vector_store_idx %arg6[%parallel_loop3A_1152], %broadcast_in_dim3A_2 {add = true} : memref<16384xi32, #tpu.memory_space<vmem>>[vector<16xi32>], vector<16xi32>,
          %parallel_loop3A_1153 = arith.maxui %parallel_loop3A_915, %parallel_loop3A_916 : vector<16xi32>
          %parallel_loop3A_1154 = arith.maxui %parallel_loop3A_1122, %parallel_loop3A_1123 : vector<16xi32>
          %parallel_loop3A_1155 = vector.bitcast %parallel_loop3A_915 : vector<16xi32> to vector<16xi32>
          tpu.vector_store_idx %arg6[%parallel_loop3A_1155], %broadcast_in_dim3A_2 {add = true} : memref<16384xi32, #tpu.memory_space<vmem>>[vector<16xi32>], vector<16xi32>,
          %parallel_loop3A_1156 = vector.bitcast %parallel_loop3A_1153 : vector<16xi32> to vector<16xi32>
          tpu.vector_store_idx %arg6[%parallel_loop3A_1156], %neg3A_4 {add = true} : memref<16384xi32, #tpu.memory_space<vmem>>[vector<16xi32>], vector<16xi32>,
          %parallel_loop3A_1157 = arith.constant -16 : i32
          %parallel_loop3A_1158 = vector.broadcast %parallel_loop3A_1157 : i32 to vector<16xi32>
          %parallel_loop3A_1159 = arith.andi %parallel_loop3A_1122, %parallel_loop3A_1158 : vector<16xi32>
          %parallel_loop3A_1160 = arith.ori %parallel_loop3A_1159, %iota3A_1 : vector<16xi32>
          %parallel_loop3A_1161 = vector.bitcast %parallel_loop3A_1160 : vector<16xi32> to vector<16xi32>
          tpu.vector_store_idx %arg6[%parallel_loop3A_1161], %neg3A_4 {add = true} : memref<16384xi32, #tpu.memory_space<vmem>>[vector<16xi32>], vector<16xi32>,
          %parallel_loop3A_1162 = arith.constant -16 : i32
          %parallel_loop3A_1163 = vector.broadcast %parallel_loop3A_1162 : i32 to vector<16xi32>
          %parallel_loop3A_1164 = arith.andi %parallel_loop3A_1154, %parallel_loop3A_1163 : vector<16xi32>
          %parallel_loop3A_1165 = arith.ori %parallel_loop3A_1164, %iota3A_1 : vector<16xi32>
          %parallel_loop3A_1166 = vector.bitcast %parallel_loop3A_1165 : vector<16xi32> to vector<16xi32>
          tpu.vector_store_idx %arg6[%parallel_loop3A_1166], %broadcast_in_dim3A_2 {add = true} : memref<16384xi32, #tpu.memory_space<vmem>>[vector<16xi32>], vector<16xi32>,
          %parallel_loop3A_1167 = arith.maxui %parallel_loop3A_916, %parallel_loop3A_917 : vector<16xi32>
          %parallel_loop3A_1168 = arith.maxui %parallel_loop3A_1123, %parallel_loop3A_1124 : vector<16xi32>
          %parallel_loop3A_1169 = vector.bitcast %parallel_loop3A_916 : vector<16xi32> to vector<16xi32>
          tpu.vector_store_idx %arg6[%parallel_loop3A_1169], %broadcast_in_dim3A_2 {add = true} : memref<16384xi32, #tpu.memory_space<vmem>>[vector<16xi32>], vector<16xi32>,
          %parallel_loop3A_1170 = vector.bitcast %parallel_loop3A_1167 : vector<16xi32> to vector<16xi32>
          tpu.vector_store_idx %arg6[%parallel_loop3A_1170], %neg3A_4 {add = true} : memref<16384xi32, #tpu.memory_space<vmem>>[vector<16xi32>], vector<16xi32>,
          %parallel_loop3A_1171 = arith.constant -16 : i32
          %parallel_loop3A_1172 = vector.broadcast %parallel_loop3A_1171 : i32 to vector<16xi32>
          %parallel_loop3A_1173 = arith.andi %parallel_loop3A_1123, %parallel_loop3A_1172 : vector<16xi32>
          %parallel_loop3A_1174 = arith.ori %parallel_loop3A_1173, %iota3A_1 : vector<16xi32>
          %parallel_loop3A_1175 = vector.bitcast %parallel_loop3A_1174 : vector<16xi32> to vector<16xi32>
          tpu.vector_store_idx %arg6[%parallel_loop3A_1175], %neg3A_4 {add = true} : memref<16384xi32, #tpu.memory_space<vmem>>[vector<16xi32>], vector<16xi32>,
          %parallel_loop3A_1176 = arith.constant -16 : i32
          %parallel_loop3A_1177 = vector.broadcast %parallel_loop3A_1176 : i32 to vector<16xi32>
          %parallel_loop3A_1178 = arith.andi %parallel_loop3A_1168, %parallel_loop3A_1177 : vector<16xi32>
          %parallel_loop3A_1179 = arith.ori %parallel_loop3A_1178, %iota3A_1 : vector<16xi32>
          %parallel_loop3A_1180 = vector.bitcast %parallel_loop3A_1179 : vector<16xi32> to vector<16xi32>
          tpu.vector_store_idx %arg6[%parallel_loop3A_1180], %broadcast_in_dim3A_2 {add = true} : memref<16384xi32, #tpu.memory_space<vmem>>[vector<16xi32>], vector<16xi32>,
          scf.yield %parallel_loop3A_938, %parallel_loop3A_957, %parallel_loop3A_976, %parallel_loop3A_995, %parallel_loop3A_1014 : vector<16xi32>, vector<16xi32>, vector<16xi32>, vector<16xi32>, vector<16xi32>
        } {sc.loop_unroll_factor = 1 : i64, sc.parallel_access}
        %lt3A_604 = arith.constant 0 : i32
        %lt3A_605 = vector.broadcast %lt3A_604 : i32 to vector<16xi32>
        %lt3A_606 = arith.cmpi slt, %min3A_13, %lt3A_605 : vector<16xi32>
        %add3A_607 = arith.constant 16 : i32
        %add3A_608 = vector.broadcast %add3A_607 : i32 to vector<16xi32>
        %add3A_609 = arith.addi %min3A_13, %add3A_608 : vector<16xi32>
        %select_n3A_610 = arith.select %lt3A_606, %add3A_609, %min3A_13 : vector<16xi1>, vector<16xi32>
        %broadcast_in_dim3A_611 = vector.shape_cast %select_n3A_610 : vector<16xi32> to vector<16x1xi32>
        %gather3A = vector.shape_cast %broadcast_in_dim3A_611 : vector<16x1xi32> to vector<16xi32>
        %gather3A_612 = tpu.dynamic_gather %parallel_loop3A_603#0[%gather3A] in [0] : vector<16xi32>, vector<16xi32> -> vector<16xi32>
        %lt3A_613 = arith.constant 0 : i32
        %lt3A_614 = vector.broadcast %lt3A_613 : i32 to vector<16xi32>
        %lt3A_615 = arith.cmpi slt, %min3A_13, %lt3A_614 : vector<16xi32>
        %add3A_616 = arith.constant 16 : i32
        %add3A_617 = vector.broadcast %add3A_616 : i32 to vector<16xi32>
        %add3A_618 = arith.addi %min3A_13, %add3A_617 : vector<16xi32>
        %select_n3A_619 = arith.select %lt3A_615, %add3A_618, %min3A_13 : vector<16xi1>, vector<16xi32>
        %broadcast_in_dim3A_620 = vector.shape_cast %select_n3A_619 : vector<16xi32> to vector<16x1xi32>
        %gather3A_621 = vector.shape_cast %broadcast_in_dim3A_620 : vector<16x1xi32> to vector<16xi32>
        %gather3A_622 = tpu.dynamic_gather %parallel_loop3A_603#1[%gather3A_621] in [0] : vector<16xi32>, vector<16xi32> -> vector<16xi32>
        %lt3A_623 = arith.constant 0 : i32
        %lt3A_624 = vector.broadcast %lt3A_623 : i32 to vector<16xi32>
        %lt3A_625 = arith.cmpi slt, %min3A_13, %lt3A_624 : vector<16xi32>
        %add3A_626 = arith.constant 16 : i32
        %add3A_627 = vector.broadcast %add3A_626 : i32 to vector<16xi32>
        %add3A_628 = arith.addi %min3A_13, %add3A_627 : vector<16xi32>
        %select_n3A_629 = arith.select %lt3A_625, %add3A_628, %min3A_13 : vector<16xi1>, vector<16xi32>
        %broadcast_in_dim3A_630 = vector.shape_cast %select_n3A_629 : vector<16xi32> to vector<16x1xi32>
        %gather3A_631 = vector.shape_cast %broadcast_in_dim3A_630 : vector<16x1xi32> to vector<16xi32>
        %gather3A_632 = tpu.dynamic_gather %parallel_loop3A_603#2[%gather3A_631] in [0] : vector<16xi32>, vector<16xi32> -> vector<16xi32>
        %lt3A_633 = arith.constant 0 : i32
        %lt3A_634 = vector.broadcast %lt3A_633 : i32 to vector<16xi32>
        %lt3A_635 = arith.cmpi slt, %min3A_13, %lt3A_634 : vector<16xi32>
        %add3A_636 = arith.constant 16 : i32
        %add3A_637 = vector.broadcast %add3A_636 : i32 to vector<16xi32>
        %add3A_638 = arith.addi %min3A_13, %add3A_637 : vector<16xi32>
        %select_n3A_639 = arith.select %lt3A_635, %add3A_638, %min3A_13 : vector<16xi1>, vector<16xi32>
        %broadcast_in_dim3A_640 = vector.shape_cast %select_n3A_639 : vector<16xi32> to vector<16x1xi32>
        %gather3A_641 = vector.shape_cast %broadcast_in_dim3A_640 : vector<16x1xi32> to vector<16xi32>
        %gather3A_642 = tpu.dynamic_gather %parallel_loop3A_603#3[%gather3A_641] in [0] : vector<16xi32>, vector<16xi32> -> vector<16xi32>
        %lt3A_643 = arith.constant 0 : i32
        %lt3A_644 = vector.broadcast %lt3A_643 : i32 to vector<16xi32>
        %lt3A_645 = arith.cmpi slt, %min3A_13, %lt3A_644 : vector<16xi32>
        %add3A_646 = arith.constant 16 : i32
        %add3A_647 = vector.broadcast %add3A_646 : i32 to vector<16xi32>
        %add3A_648 = arith.addi %min3A_13, %add3A_647 : vector<16xi32>
        %select_n3A_649 = arith.select %lt3A_645, %add3A_648, %min3A_13 : vector<16xi1>, vector<16xi32>
        %broadcast_in_dim3A_650 = vector.shape_cast %select_n3A_649 : vector<16xi32> to vector<16x1xi32>
        %gather3A_651 = vector.shape_cast %broadcast_in_dim3A_650 : vector<16x1xi32> to vector<16xi32>
        %gather3A_652 = tpu.dynamic_gather %parallel_loop3A_603#4[%gather3A_651] in [0] : vector<16xi32>, vector<16xi32> -> vector<16xi32>
        %max3A = arith.maxui %parallel_loop3A_603#0, %gather3A_612 : vector<16xi32>
        %max3A_653 = arith.maxui %parallel_loop3A_603#1, %gather3A_622 : vector<16xi32>
        %max3A_654 = arith.maxui %parallel_loop3A_603#2, %gather3A_632 : vector<16xi32>
        %max3A_655 = arith.maxui %parallel_loop3A_603#3, %gather3A_642 : vector<16xi32>
        %max3A_656 = arith.maxui %parallel_loop3A_603#4, %gather3A_652 : vector<16xi32>
        %max3A_657 = arith.maxui %parallel_loop3A_603#0, %parallel_loop3A_603#1 : vector<16xi32>
        %max3A_658 = arith.maxui %max3A, %max3A_653 : vector<16xi32>
        %bitcast3A_659 = vector.bitcast %parallel_loop3A_603#0 : vector<16xi32> to vector<16xi32>
        tpu.vector_store_idx %arg6[%bitcast3A_659], %broadcast_in_dim3A_2 {add = true} : memref<16384xi32, #tpu.memory_space<vmem>>[vector<16xi32>], vector<16xi32>,
        %bitcast3A_660 = vector.bitcast %max3A_657 : vector<16xi32> to vector<16xi32>
        tpu.vector_store_idx %arg6[%bitcast3A_660], %neg3A_4 {add = true} : memref<16384xi32, #tpu.memory_space<vmem>>[vector<16xi32>], vector<16xi32>,
        %and3A = arith.constant -16 : i32
        %and3A_661 = vector.broadcast %and3A : i32 to vector<16xi32>
        %and3A_662 = arith.andi %max3A, %and3A_661 : vector<16xi32>
        %or3A_663 = arith.ori %and3A_662, %iota3A_1 : vector<16xi32>
        %bitcast3A_664 = vector.bitcast %or3A_663 : vector<16xi32> to vector<16xi32>
        tpu.vector_store_idx %arg6[%bitcast3A_664], %neg3A_4 masked %lt3A_8 {add = true} : memref<16384xi32, #tpu.memory_space<vmem>>[vector<16xi32>], vector<16xi32>, vector<16xi1>
        %and3A_665 = arith.constant -16 : i32
        %and3A_666 = vector.broadcast %and3A_665 : i32 to vector<16xi32>
        %and3A_667 = arith.andi %max3A_658, %and3A_666 : vector<16xi32>
        %or3A_668 = arith.ori %and3A_667, %iota3A_1 : vector<16xi32>
        %bitcast3A_669 = vector.bitcast %or3A_668 : vector<16xi32> to vector<16xi32>
        tpu.vector_store_idx %arg6[%bitcast3A_669], %broadcast_in_dim3A_2 masked %lt3A_8 {add = true} : memref<16384xi32, #tpu.memory_space<vmem>>[vector<16xi32>], vector<16xi32>, vector<16xi1>
        %max3A_670 = arith.maxui %parallel_loop3A_603#1, %parallel_loop3A_603#2 : vector<16xi32>
        %max3A_671 = arith.maxui %max3A_653, %max3A_654 : vector<16xi32>
        %bitcast3A_672 = vector.bitcast %parallel_loop3A_603#1 : vector<16xi32> to vector<16xi32>
        tpu.vector_store_idx %arg6[%bitcast3A_672], %broadcast_in_dim3A_2 {add = true} : memref<16384xi32, #tpu.memory_space<vmem>>[vector<16xi32>], vector<16xi32>,
        %bitcast3A_673 = vector.bitcast %max3A_670 : vector<16xi32> to vector<16xi32>
        tpu.vector_store_idx %arg6[%bitcast3A_673], %neg3A_4 {add = true} : memref<16384xi32, #tpu.memory_space<vmem>>[vector<16xi32>], vector<16xi32>,
        %and3A_674 = arith.constant -16 : i32
        %and3A_675 = vector.broadcast %and3A_674 : i32 to vector<16xi32>
        %and3A_676 = arith.andi %max3A_653, %and3A_675 : vector<16xi32>
        %or3A_677 = arith.ori %and3A_676, %iota3A_1 : vector<16xi32>
        %bitcast3A_678 = vector.bitcast %or3A_677 : vector<16xi32> to vector<16xi32>
        tpu.vector_store_idx %arg6[%bitcast3A_678], %neg3A_4 masked %lt3A_8 {add = true} : memref<16384xi32, #tpu.memory_space<vmem>>[vector<16xi32>], vector<16xi32>, vector<16xi1>
        %and3A_679 = arith.constant -16 : i32
        %and3A_680 = vector.broadcast %and3A_679 : i32 to vector<16xi32>
        %and3A_681 = arith.andi %max3A_671, %and3A_680 : vector<16xi32>
        %or3A_682 = arith.ori %and3A_681, %iota3A_1 : vector<16xi32>
        %bitcast3A_683 = vector.bitcast %or3A_682 : vector<16xi32> to vector<16xi32>
        tpu.vector_store_idx %arg6[%bitcast3A_683], %broadcast_in_dim3A_2 masked %lt3A_8 {add = true} : memref<16384xi32, #tpu.memory_space<vmem>>[vector<16xi32>], vector<16xi32>, vector<16xi1>
        %max3A_684 = arith.maxui %parallel_loop3A_603#2, %parallel_loop3A_603#3 : vector<16xi32>
        %max3A_685 = arith.maxui %max3A_654, %max3A_655 : vector<16xi32>
        %bitcast3A_686 = vector.bitcast %parallel_loop3A_603#2 : vector<16xi32> to vector<16xi32>
        tpu.vector_store_idx %arg6[%bitcast3A_686], %broadcast_in_dim3A_2 {add = true} : memref<16384xi32, #tpu.memory_space<vmem>>[vector<16xi32>], vector<16xi32>,
        %bitcast3A_687 = vector.bitcast %max3A_684 : vector<16xi32> to vector<16xi32>
        tpu.vector_store_idx %arg6[%bitcast3A_687], %neg3A_4 {add = true} : memref<16384xi32, #tpu.memory_space<vmem>>[vector<16xi32>], vector<16xi32>,
        %and3A_688 = arith.constant -16 : i32
        %and3A_689 = vector.broadcast %and3A_688 : i32 to vector<16xi32>
        %and3A_690 = arith.andi %max3A_654, %and3A_689 : vector<16xi32>
        %or3A_691 = arith.ori %and3A_690, %iota3A_1 : vector<16xi32>
        %bitcast3A_692 = vector.bitcast %or3A_691 : vector<16xi32> to vector<16xi32>
        tpu.vector_store_idx %arg6[%bitcast3A_692], %neg3A_4 masked %lt3A_8 {add = true} : memref<16384xi32, #tpu.memory_space<vmem>>[vector<16xi32>], vector<16xi32>, vector<16xi1>
        %and3A_693 = arith.constant -16 : i32
        %and3A_694 = vector.broadcast %and3A_693 : i32 to vector<16xi32>
        %and3A_695 = arith.andi %max3A_685, %and3A_694 : vector<16xi32>
        %or3A_696 = arith.ori %and3A_695, %iota3A_1 : vector<16xi32>
        %bitcast3A_697 = vector.bitcast %or3A_696 : vector<16xi32> to vector<16xi32>
        tpu.vector_store_idx %arg6[%bitcast3A_697], %broadcast_in_dim3A_2 masked %lt3A_8 {add = true} : memref<16384xi32, #tpu.memory_space<vmem>>[vector<16xi32>], vector<16xi32>, vector<16xi1>
        %max3A_698 = arith.maxui %parallel_loop3A_603#3, %parallel_loop3A_603#4 : vector<16xi32>
        %max3A_699 = arith.maxui %max3A_655, %max3A_656 : vector<16xi32>
        %bitcast3A_700 = vector.bitcast %parallel_loop3A_603#3 : vector<16xi32> to vector<16xi32>
        tpu.vector_store_idx %arg6[%bitcast3A_700], %broadcast_in_dim3A_2 {add = true} : memref<16384xi32, #tpu.memory_space<vmem>>[vector<16xi32>], vector<16xi32>,
        %bitcast3A_701 = vector.bitcast %max3A_698 : vector<16xi32> to vector<16xi32>
        tpu.vector_store_idx %arg6[%bitcast3A_701], %neg3A_4 {add = true} : memref<16384xi32, #tpu.memory_space<vmem>>[vector<16xi32>], vector<16xi32>,
        %and3A_702 = arith.constant -16 : i32
        %and3A_703 = vector.broadcast %and3A_702 : i32 to vector<16xi32>
        %and3A_704 = arith.andi %max3A_655, %and3A_703 : vector<16xi32>
        %or3A_705 = arith.ori %and3A_704, %iota3A_1 : vector<16xi32>
        %bitcast3A_706 = vector.bitcast %or3A_705 : vector<16xi32> to vector<16xi32>
        tpu.vector_store_idx %arg6[%bitcast3A_706], %neg3A_4 masked %lt3A_8 {add = true} : memref<16384xi32, #tpu.memory_space<vmem>>[vector<16xi32>], vector<16xi32>, vector<16xi1>
        %and3A_707 = arith.constant -16 : i32
        %and3A_708 = vector.broadcast %and3A_707 : i32 to vector<16xi32>
        %and3A_709 = arith.andi %max3A_699, %and3A_708 : vector<16xi32>
        %or3A_710 = arith.ori %and3A_709, %iota3A_1 : vector<16xi32>
        %bitcast3A_711 = vector.bitcast %or3A_710 : vector<16xi32> to vector<16xi32>
        tpu.vector_store_idx %arg6[%bitcast3A_711], %broadcast_in_dim3A_2 masked %lt3A_8 {add = true} : memref<16384xi32, #tpu.memory_space<vmem>>[vector<16xi32>], vector<16xi32>, vector<16xi1>
        %get3A_712 = arith.constant 16384 : index
        %get3A_713 = tpu.vector_load %arg4[%get3A_712] {strides = array<i32>} : memref<36880xf32, #tpu.memory_space<vmem>>, vector<16xf32>,
        %mul3A_714 = arith.constant 1.023000e+03 : f32
        %mul3A_715 = vector.broadcast %mul3A_714 : f32 to vector<16xf32>
        %mul3A_716 = arith.mulf %get3A_713, %mul3A_715 : vector<16xf32>
        %convert_element_type3A_717 = arith.fptosi %mul3A_716 : vector<16xf32> to vector<16xi32>
        %convert_element_type3A_718 = arith.sitofp %convert_element_type3A_717 : vector<16xi32> to vector<16xf32>
        %lt3A_719 = arith.cmpf olt, %convert_element_type3A_718, %mul3A_716 : vector<16xf32>
        %add3A_720 = arith.constant 1 : i32
        %add3A_721 = vector.broadcast %add3A_720 : i32 to vector<16xi32>
        %add3A_722 = arith.addi %convert_element_type3A_717, %add3A_721 : vector<16xi32>
        %select_n3A_723 = arith.select %lt3A_719, %add3A_722, %convert_element_type3A_717 : vector<16xi1>, vector<16xi32>
        %shift_left3A_724 = arith.constant 4 : i32
        %shift_left3A_725 = vector.broadcast %shift_left3A_724 : i32 to vector<16xi32>
        %shift_left3A_726 = arith.shli %select_n3A_723, %shift_left3A_725 : vector<16xi32>
        %or3A_727 = arith.ori %shift_left3A_726, %iota3A : vector<16xi32>
        %bitcast3A_728 = vector.bitcast %or3A_727 : vector<16xi32> to vector<16xi32>
        %get3A_729 = arith.constant 20480 : index
        %get3A_730 = tpu.vector_load %arg4[%get3A_729] {strides = array<i32>} : memref<36880xf32, #tpu.memory_space<vmem>>, vector<16xf32>,
        %mul3A_731 = arith.constant 1.023000e+03 : f32
        %mul3A_732 = vector.broadcast %mul3A_731 : f32 to vector<16xf32>
        %mul3A_733 = arith.mulf %get3A_730, %mul3A_732 : vector<16xf32>
        %convert_element_type3A_734 = arith.fptosi %mul3A_733 : vector<16xf32> to vector<16xi32>
        %convert_element_type3A_735 = arith.sitofp %convert_element_type3A_734 : vector<16xi32> to vector<16xf32>
        %lt3A_736 = arith.cmpf olt, %convert_element_type3A_735, %mul3A_733 : vector<16xf32>
        %add3A_737 = arith.constant 1 : i32
        %add3A_738 = vector.broadcast %add3A_737 : i32 to vector<16xi32>
        %add3A_739 = arith.addi %convert_element_type3A_734, %add3A_738 : vector<16xi32>
        %select_n3A_740 = arith.select %lt3A_736, %add3A_739, %convert_element_type3A_734 : vector<16xi1>, vector<16xi32>
        %shift_left3A_741 = arith.constant 4 : i32
        %shift_left3A_742 = vector.broadcast %shift_left3A_741 : i32 to vector<16xi32>
        %shift_left3A_743 = arith.shli %select_n3A_740, %shift_left3A_742 : vector<16xi32>
        %or3A_744 = arith.ori %shift_left3A_743, %iota3A : vector<16xi32>
        %bitcast3A_745 = vector.bitcast %or3A_744 : vector<16xi32> to vector<16xi32>
        %get3A_746 = arith.constant 24576 : index
        %get3A_747 = tpu.vector_load %arg4[%get3A_746] {strides = array<i32>} : memref<36880xf32, #tpu.memory_space<vmem>>, vector<16xf32>,
        %mul3A_748 = arith.constant 1.023000e+03 : f32
        %mul3A_749 = vector.broadcast %mul3A_748 : f32 to vector<16xf32>
        %mul3A_750 = arith.mulf %get3A_747, %mul3A_749 : vector<16xf32>
        %convert_element_type3A_751 = arith.fptosi %mul3A_750 : vector<16xf32> to vector<16xi32>
        %convert_element_type3A_752 = arith.sitofp %convert_element_type3A_751 : vector<16xi32> to vector<16xf32>
        %lt3A_753 = arith.cmpf olt, %convert_element_type3A_752, %mul3A_750 : vector<16xf32>
        %add3A_754 = arith.constant 1 : i32
        %add3A_755 = vector.broadcast %add3A_754 : i32 to vector<16xi32>
        %add3A_756 = arith.addi %convert_element_type3A_751, %add3A_755 : vector<16xi32>
        %select_n3A_757 = arith.select %lt3A_753, %add3A_756, %convert_element_type3A_751 : vector<16xi1>, vector<16xi32>
        %shift_left3A_758 = arith.constant 4 : i32
        %shift_left3A_759 = vector.broadcast %shift_left3A_758 : i32 to vector<16xi32>
        %shift_left3A_760 = arith.shli %select_n3A_757, %shift_left3A_759 : vector<16xi32>
        %or3A_761 = arith.ori %shift_left3A_760, %iota3A : vector<16xi32>
        %bitcast3A_762 = vector.bitcast %or3A_761 : vector<16xi32> to vector<16xi32>
        %get3A_763 = arith.constant 28672 : index
        %get3A_764 = tpu.vector_load %arg4[%get3A_763] {strides = array<i32>} : memref<36880xf32, #tpu.memory_space<vmem>>, vector<16xf32>,
        %mul3A_765 = arith.constant 1.023000e+03 : f32
        %mul3A_766 = vector.broadcast %mul3A_765 : f32 to vector<16xf32>
        %mul3A_767 = arith.mulf %get3A_764, %mul3A_766 : vector<16xf32>
        %convert_element_type3A_768 = arith.fptosi %mul3A_767 : vector<16xf32> to vector<16xi32>
        %convert_element_type3A_769 = arith.sitofp %convert_element_type3A_768 : vector<16xi32> to vector<16xf32>
        %lt3A_770 = arith.cmpf olt, %convert_element_type3A_769, %mul3A_767 : vector<16xf32>
        %add3A_771 = arith.constant 1 : i32
        %add3A_772 = vector.broadcast %add3A_771 : i32 to vector<16xi32>
        %add3A_773 = arith.addi %convert_element_type3A_768, %add3A_772 : vector<16xi32>
        %select_n3A_774 = arith.select %lt3A_770, %add3A_773, %convert_element_type3A_768 : vector<16xi1>, vector<16xi32>
        %shift_left3A_775 = arith.constant 4 : i32
        %shift_left3A_776 = vector.broadcast %shift_left3A_775 : i32 to vector<16xi32>
        %shift_left3A_777 = arith.shli %select_n3A_774, %shift_left3A_776 : vector<16xi32>
        %or3A_778 = arith.ori %shift_left3A_777, %iota3A : vector<16xi32>
        %bitcast3A_779 = vector.bitcast %or3A_778 : vector<16xi32> to vector<16xi32>
        %get3A_780 = arith.constant 32768 : index
        %get3A_781 = tpu.vector_load %arg4[%get3A_780] {strides = array<i32>} : memref<36880xf32, #tpu.memory_space<vmem>>, vector<16xf32>,
        %mul3A_782 = arith.constant 1.023000e+03 : f32
        %mul3A_783 = vector.broadcast %mul3A_782 : f32 to vector<16xf32>
        %mul3A_784 = arith.mulf %get3A_781, %mul3A_783 : vector<16xf32>
        %convert_element_type3A_785 = arith.fptosi %mul3A_784 : vector<16xf32> to vector<16xi32>
        %convert_element_type3A_786 = arith.sitofp %convert_element_type3A_785 : vector<16xi32> to vector<16xf32>
        %lt3A_787 = arith.cmpf olt, %convert_element_type3A_786, %mul3A_784 : vector<16xf32>
        %add3A_788 = arith.constant 1 : i32
        %add3A_789 = vector.broadcast %add3A_788 : i32 to vector<16xi32>
        %add3A_790 = arith.addi %convert_element_type3A_785, %add3A_789 : vector<16xi32>
        %select_n3A_791 = arith.select %lt3A_787, %add3A_790, %convert_element_type3A_785 : vector<16xi1>, vector<16xi32>
        %shift_left3A_792 = arith.constant 4 : i32
        %shift_left3A_793 = vector.broadcast %shift_left3A_792 : i32 to vector<16xi32>
        %shift_left3A_794 = arith.shli %select_n3A_791, %shift_left3A_793 : vector<16xi32>
        %or3A_795 = arith.ori %shift_left3A_794, %iota3A : vector<16xi32>
        %bitcast3A_796 = vector.bitcast %or3A_795 : vector<16xi32> to vector<16xi32>
        %parallel_loop3A_797 = arith.constant 1 : i32
        %parallel_loop3A_798 = arith.constant 256 : i32
        %parallel_loop3A_799 = arith.constant 1 : i32
        %parallel_loop3A_800:5 = scf.for %parallel_loop3A_912 = %parallel_loop3A_797 to %parallel_loop3A_798 step %parallel_loop3A_799 iter_args(%parallel_loop3A_913 = %bitcast3A_728, %parallel_loop3A_914 = %bitcast3A_745, %parallel_loop3A_915 = %bitcast3A_762, %parallel_loop3A_916 = %bitcast3A_779, %parallel_loop3A_917 = %bitcast3A_796) -> (vector<16xi32>, vector<16xi32>, vector<16xi32>, vector<16xi32>, vector<16xi32>)  : i32 {
          %parallel_loop3A_918 = arith.constant 16 : i32
          %parallel_loop3A_919 = arith.muli %parallel_loop3A_912, %parallel_loop3A_918 : i32
          %parallel_loop3A_920 = arith.constant 16384 : i32
          %parallel_loop3A_921 = arith.addi %parallel_loop3A_919, %parallel_loop3A_920 : i32
          %parallel_loop3A_922 = arith.index_cast %parallel_loop3A_921 : i32 to index
          %parallel_loop3A_923 = tpu.vector_load %arg4[%parallel_loop3A_922] {strides = array<i32>} : memref<36880xf32, #tpu.memory_space<vmem>>, vector<16xf32>,
          %parallel_loop3A_924 = arith.constant 1.023000e+03 : f32
          %parallel_loop3A_925 = vector.broadcast %parallel_loop3A_924 : f32 to vector<16xf32>
          %parallel_loop3A_926 = arith.mulf %parallel_loop3A_923, %parallel_loop3A_925 : vector<16xf32>
          %parallel_loop3A_927 = arith.fptosi %parallel_loop3A_926 : vector<16xf32> to vector<16xi32>
          %parallel_loop3A_928 = arith.sitofp %parallel_loop3A_927 : vector<16xi32> to vector<16xf32>
          %parallel_loop3A_929 = arith.cmpf olt, %parallel_loop3A_928, %parallel_loop3A_926 : vector<16xf32>
          %parallel_loop3A_930 = arith.constant 1 : i32
          %parallel_loop3A_931 = vector.broadcast %parallel_loop3A_930 : i32 to vector<16xi32>
          %parallel_loop3A_932 = arith.addi %parallel_loop3A_927, %parallel_loop3A_931 : vector<16xi32>
          %parallel_loop3A_933 = arith.select %parallel_loop3A_929, %parallel_loop3A_932, %parallel_loop3A_927 : vector<16xi1>, vector<16xi32>
          %parallel_loop3A_934 = arith.constant 4 : i32
          %parallel_loop3A_935 = vector.broadcast %parallel_loop3A_934 : i32 to vector<16xi32>
          %parallel_loop3A_936 = arith.shli %parallel_loop3A_933, %parallel_loop3A_935 : vector<16xi32>
          %parallel_loop3A_937 = arith.ori %parallel_loop3A_936, %iota3A : vector<16xi32>
          %parallel_loop3A_938 = vector.bitcast %parallel_loop3A_937 : vector<16xi32> to vector<16xi32>
          %parallel_loop3A_939 = arith.constant 20480 : i32
          %parallel_loop3A_940 = arith.addi %parallel_loop3A_919, %parallel_loop3A_939 : i32
          %parallel_loop3A_941 = arith.index_cast %parallel_loop3A_940 : i32 to index
          %parallel_loop3A_942 = tpu.vector_load %arg4[%parallel_loop3A_941] {strides = array<i32>} : memref<36880xf32, #tpu.memory_space<vmem>>, vector<16xf32>,
          %parallel_loop3A_943 = arith.constant 1.023000e+03 : f32
          %parallel_loop3A_944 = vector.broadcast %parallel_loop3A_943 : f32 to vector<16xf32>
          %parallel_loop3A_945 = arith.mulf %parallel_loop3A_942, %parallel_loop3A_944 : vector<16xf32>
          %parallel_loop3A_946 = arith.fptosi %parallel_loop3A_945 : vector<16xf32> to vector<16xi32>
          %parallel_loop3A_947 = arith.sitofp %parallel_loop3A_946 : vector<16xi32> to vector<16xf32>
          %parallel_loop3A_948 = arith.cmpf olt, %parallel_loop3A_947, %parallel_loop3A_945 : vector<16xf32>
          %parallel_loop3A_949 = arith.constant 1 : i32
          %parallel_loop3A_950 = vector.broadcast %parallel_loop3A_949 : i32 to vector<16xi32>
          %parallel_loop3A_951 = arith.addi %parallel_loop3A_946, %parallel_loop3A_950 : vector<16xi32>
          %parallel_loop3A_952 = arith.select %parallel_loop3A_948, %parallel_loop3A_951, %parallel_loop3A_946 : vector<16xi1>, vector<16xi32>
          %parallel_loop3A_953 = arith.constant 4 : i32
          %parallel_loop3A_954 = vector.broadcast %parallel_loop3A_953 : i32 to vector<16xi32>
          %parallel_loop3A_955 = arith.shli %parallel_loop3A_952, %parallel_loop3A_954 : vector<16xi32>
          %parallel_loop3A_956 = arith.ori %parallel_loop3A_955, %iota3A : vector<16xi32>
          %parallel_loop3A_957 = vector.bitcast %parallel_loop3A_956 : vector<16xi32> to vector<16xi32>
          %parallel_loop3A_958 = arith.constant 24576 : i32
          %parallel_loop3A_959 = arith.addi %parallel_loop3A_919, %parallel_loop3A_958 : i32
          %parallel_loop3A_960 = arith.index_cast %parallel_loop3A_959 : i32 to index
          %parallel_loop3A_961 = tpu.vector_load %arg4[%parallel_loop3A_960] {strides = array<i32>} : memref<36880xf32, #tpu.memory_space<vmem>>, vector<16xf32>,
          %parallel_loop3A_962 = arith.constant 1.023000e+03 : f32
          %parallel_loop3A_963 = vector.broadcast %parallel_loop3A_962 : f32 to vector<16xf32>
          %parallel_loop3A_964 = arith.mulf %parallel_loop3A_961, %parallel_loop3A_963 : vector<16xf32>
          %parallel_loop3A_965 = arith.fptosi %parallel_loop3A_964 : vector<16xf32> to vector<16xi32>
          %parallel_loop3A_966 = arith.sitofp %parallel_loop3A_965 : vector<16xi32> to vector<16xf32>
          %parallel_loop3A_967 = arith.cmpf olt, %parallel_loop3A_966, %parallel_loop3A_964 : vector<16xf32>
          %parallel_loop3A_968 = arith.constant 1 : i32
          %parallel_loop3A_969 = vector.broadcast %parallel_loop3A_968 : i32 to vector<16xi32>
          %parallel_loop3A_970 = arith.addi %parallel_loop3A_965, %parallel_loop3A_969 : vector<16xi32>
          %parallel_loop3A_971 = arith.select %parallel_loop3A_967, %parallel_loop3A_970, %parallel_loop3A_965 : vector<16xi1>, vector<16xi32>
          %parallel_loop3A_972 = arith.constant 4 : i32
          %parallel_loop3A_973 = vector.broadcast %parallel_loop3A_972 : i32 to vector<16xi32>
          %parallel_loop3A_974 = arith.shli %parallel_loop3A_971, %parallel_loop3A_973 : vector<16xi32>
          %parallel_loop3A_975 = arith.ori %parallel_loop3A_974, %iota3A : vector<16xi32>
          %parallel_loop3A_976 = vector.bitcast %parallel_loop3A_975 : vector<16xi32> to vector<16xi32>
          %parallel_loop3A_977 = arith.constant 28672 : i32
          %parallel_loop3A_978 = arith.addi %parallel_loop3A_919, %parallel_loop3A_977 : i32
          %parallel_loop3A_979 = arith.index_cast %parallel_loop3A_978 : i32 to index
          %parallel_loop3A_980 = tpu.vector_load %arg4[%parallel_loop3A_979] {strides = array<i32>} : memref<36880xf32, #tpu.memory_space<vmem>>, vector<16xf32>,
          %parallel_loop3A_981 = arith.constant 1.023000e+03 : f32
          %parallel_loop3A_982 = vector.broadcast %parallel_loop3A_981 : f32 to vector<16xf32>
          %parallel_loop3A_983 = arith.mulf %parallel_loop3A_980, %parallel_loop3A_982 : vector<16xf32>
          %parallel_loop3A_984 = arith.fptosi %parallel_loop3A_983 : vector<16xf32> to vector<16xi32>
          %parallel_loop3A_985 = arith.sitofp %parallel_loop3A_984 : vector<16xi32> to vector<16xf32>
          %parallel_loop3A_986 = arith.cmpf olt, %parallel_loop3A_985, %parallel_loop3A_983 : vector<16xf32>
          %parallel_loop3A_987 = arith.constant 1 : i32
          %parallel_loop3A_988 = vector.broadcast %parallel_loop3A_987 : i32 to vector<16xi32>
          %parallel_loop3A_989 = arith.addi %parallel_loop3A_984, %parallel_loop3A_988 : vector<16xi32>
          %parallel_loop3A_990 = arith.select %parallel_loop3A_986, %parallel_loop3A_989, %parallel_loop3A_984 : vector<16xi1>, vector<16xi32>
          %parallel_loop3A_991 = arith.constant 4 : i32
          %parallel_loop3A_992 = vector.broadcast %parallel_loop3A_991 : i32 to vector<16xi32>
          %parallel_loop3A_993 = arith.shli %parallel_loop3A_990, %parallel_loop3A_992 : vector<16xi32>
          %parallel_loop3A_994 = arith.ori %parallel_loop3A_993, %iota3A : vector<16xi32>
          %parallel_loop3A_995 = vector.bitcast %parallel_loop3A_994 : vector<16xi32> to vector<16xi32>
          %parallel_loop3A_996 = arith.constant 32768 : i32
          %parallel_loop3A_997 = arith.addi %parallel_loop3A_919, %parallel_loop3A_996 : i32
          %parallel_loop3A_998 = arith.index_cast %parallel_loop3A_997 : i32 to index
          %parallel_loop3A_999 = tpu.vector_load %arg4[%parallel_loop3A_998] {strides = array<i32>} : memref<36880xf32, #tpu.memory_space<vmem>>, vector<16xf32>,
          %parallel_loop3A_1000 = arith.constant 1.023000e+03 : f32
          %parallel_loop3A_1001 = vector.broadcast %parallel_loop3A_1000 : f32 to vector<16xf32>
          %parallel_loop3A_1002 = arith.mulf %parallel_loop3A_999, %parallel_loop3A_1001 : vector<16xf32>
          %parallel_loop3A_1003 = arith.fptosi %parallel_loop3A_1002 : vector<16xf32> to vector<16xi32>
          %parallel_loop3A_1004 = arith.sitofp %parallel_loop3A_1003 : vector<16xi32> to vector<16xf32>
          %parallel_loop3A_1005 = arith.cmpf olt, %parallel_loop3A_1004, %parallel_loop3A_1002 : vector<16xf32>
          %parallel_loop3A_1006 = arith.constant 1 : i32
          %parallel_loop3A_1007 = vector.broadcast %parallel_loop3A_1006 : i32 to vector<16xi32>
          %parallel_loop3A_1008 = arith.addi %parallel_loop3A_1003, %parallel_loop3A_1007 : vector<16xi32>
          %parallel_loop3A_1009 = arith.select %parallel_loop3A_1005, %parallel_loop3A_1008, %parallel_loop3A_1003 : vector<16xi1>, vector<16xi32>
          %parallel_loop3A_1010 = arith.constant 4 : i32
          %parallel_loop3A_1011 = vector.broadcast %parallel_loop3A_1010 : i32 to vector<16xi32>
          %parallel_loop3A_1012 = arith.shli %parallel_loop3A_1009, %parallel_loop3A_1011 : vector<16xi32>
          %parallel_loop3A_1013 = arith.ori %parallel_loop3A_1012, %iota3A : vector<16xi32>
          %parallel_loop3A_1014 = vector.bitcast %parallel_loop3A_1013 : vector<16xi32> to vector<16xi32>
          %parallel_loop3A_1015 = arith.constant 0 : i32
          %parallel_loop3A_1016 = vector.broadcast %parallel_loop3A_1015 : i32 to vector<16xi32>
          %parallel_loop3A_1017 = arith.cmpi slt, %min3A_13, %parallel_loop3A_1016 : vector<16xi32>
          %parallel_loop3A_1018 = arith.constant 16 : i32
          %parallel_loop3A_1019 = vector.broadcast %parallel_loop3A_1018 : i32 to vector<16xi32>
          %parallel_loop3A_1020 = arith.addi %min3A_13, %parallel_loop3A_1019 : vector<16xi32>
          %parallel_loop3A_1021 = arith.select %parallel_loop3A_1017, %parallel_loop3A_1020, %min3A_13 : vector<16xi1>, vector<16xi32>
          %parallel_loop3A_1022 = vector.shape_cast %parallel_loop3A_1021 : vector<16xi32> to vector<16x1xi32>
          %parallel_loop3A_1023 = vector.shape_cast %parallel_loop3A_1022 : vector<16x1xi32> to vector<16xi32>
          %parallel_loop3A_1024 = tpu.dynamic_gather %parallel_loop3A_913[%parallel_loop3A_1023] in [0] : vector<16xi32>, vector<16xi32> -> vector<16xi32>
          %parallel_loop3A_1025 = arith.constant 0 : i32
          %parallel_loop3A_1026 = vector.broadcast %parallel_loop3A_1025 : i32 to vector<16xi32>
          %parallel_loop3A_1027 = arith.cmpi slt, %broadcast_in_dim3A_15, %parallel_loop3A_1026 : vector<16xi32>
          %parallel_loop3A_1028 = arith.constant 16 : i32
          %parallel_loop3A_1029 = vector.broadcast %parallel_loop3A_1028 : i32 to vector<16xi32>
          %parallel_loop3A_1030 = arith.addi %broadcast_in_dim3A_15, %parallel_loop3A_1029 : vector<16xi32>
          %parallel_loop3A_1031 = arith.select %parallel_loop3A_1027, %parallel_loop3A_1030, %broadcast_in_dim3A_15 : vector<16xi1>, vector<16xi32>
          %parallel_loop3A_1032 = vector.shape_cast %parallel_loop3A_1031 : vector<16xi32> to vector<16x1xi32>
          %parallel_loop3A_1033 = vector.shape_cast %parallel_loop3A_1032 : vector<16x1xi32> to vector<16xi32>
          %parallel_loop3A_1034 = tpu.dynamic_gather %parallel_loop3A_938[%parallel_loop3A_1033] in [0] : vector<16xi32>, vector<16xi32> -> vector<16xi32>
          %parallel_loop3A_1035 = arith.select %lt3A_8, %parallel_loop3A_1024, %parallel_loop3A_1034 : vector<16xi1>, vector<16xi32>
          %parallel_loop3A_1036 = arith.constant 0 : i32
          %parallel_loop3A_1037 = vector.broadcast %parallel_loop3A_1036 : i32 to vector<16xi32>
          %parallel_loop3A_1038 = arith.cmpi slt, %min3A_13, %parallel_loop3A_1037 : vector<16xi32>
          %parallel_loop3A_1039 = arith.constant 16 : i32
          %parallel_loop3A_1040 = vector.broadcast %parallel_loop3A_1039 : i32 to vector<16xi32>
          %parallel_loop3A_1041 = arith.addi %min3A_13, %parallel_loop3A_1040 : vector<16xi32>
          %parallel_loop3A_1042 = arith.select %parallel_loop3A_1038, %parallel_loop3A_1041, %min3A_13 : vector<16xi1>, vector<16xi32>
          %parallel_loop3A_1043 = vector.shape_cast %parallel_loop3A_1042 : vector<16xi32> to vector<16x1xi32>
          %parallel_loop3A_1044 = vector.shape_cast %parallel_loop3A_1043 : vector<16x1xi32> to vector<16xi32>
          %parallel_loop3A_1045 = tpu.dynamic_gather %parallel_loop3A_914[%parallel_loop3A_1044] in [0] : vector<16xi32>, vector<16xi32> -> vector<16xi32>
          %parallel_loop3A_1046 = arith.constant 0 : i32
          %parallel_loop3A_1047 = vector.broadcast %parallel_loop3A_1046 : i32 to vector<16xi32>
          %parallel_loop3A_1048 = arith.cmpi slt, %broadcast_in_dim3A_15, %parallel_loop3A_1047 : vector<16xi32>
          %parallel_loop3A_1049 = arith.constant 16 : i32
          %parallel_loop3A_1050 = vector.broadcast %parallel_loop3A_1049 : i32 to vector<16xi32>
          %parallel_loop3A_1051 = arith.addi %broadcast_in_dim3A_15, %parallel_loop3A_1050 : vector<16xi32>
          %parallel_loop3A_1052 = arith.select %parallel_loop3A_1048, %parallel_loop3A_1051, %broadcast_in_dim3A_15 : vector<16xi1>, vector<16xi32>
          %parallel_loop3A_1053 = vector.shape_cast %parallel_loop3A_1052 : vector<16xi32> to vector<16x1xi32>
          %parallel_loop3A_1054 = vector.shape_cast %parallel_loop3A_1053 : vector<16x1xi32> to vector<16xi32>
          %parallel_loop3A_1055 = tpu.dynamic_gather %parallel_loop3A_957[%parallel_loop3A_1054] in [0] : vector<16xi32>, vector<16xi32> -> vector<16xi32>
          %parallel_loop3A_1056 = arith.select %lt3A_8, %parallel_loop3A_1045, %parallel_loop3A_1055 : vector<16xi1>, vector<16xi32>
          %parallel_loop3A_1057 = arith.constant 0 : i32
          %parallel_loop3A_1058 = vector.broadcast %parallel_loop3A_1057 : i32 to vector<16xi32>
          %parallel_loop3A_1059 = arith.cmpi slt, %min3A_13, %parallel_loop3A_1058 : vector<16xi32>
          %parallel_loop3A_1060 = arith.constant 16 : i32
          %parallel_loop3A_1061 = vector.broadcast %parallel_loop3A_1060 : i32 to vector<16xi32>
          %parallel_loop3A_1062 = arith.addi %min3A_13, %parallel_loop3A_1061 : vector<16xi32>
          %parallel_loop3A_1063 = arith.select %parallel_loop3A_1059, %parallel_loop3A_1062, %min3A_13 : vector<16xi1>, vector<16xi32>
          %parallel_loop3A_1064 = vector.shape_cast %parallel_loop3A_1063 : vector<16xi32> to vector<16x1xi32>
          %parallel_loop3A_1065 = vector.shape_cast %parallel_loop3A_1064 : vector<16x1xi32> to vector<16xi32>
          %parallel_loop3A_1066 = tpu.dynamic_gather %parallel_loop3A_915[%parallel_loop3A_1065] in [0] : vector<16xi32>, vector<16xi32> -> vector<16xi32>
          %parallel_loop3A_1067 = arith.constant 0 : i32
          %parallel_loop3A_1068 = vector.broadcast %parallel_loop3A_1067 : i32 to vector<16xi32>
          %parallel_loop3A_1069 = arith.cmpi slt, %broadcast_in_dim3A_15, %parallel_loop3A_1068 : vector<16xi32>
          %parallel_loop3A_1070 = arith.constant 16 : i32
          %parallel_loop3A_1071 = vector.broadcast %parallel_loop3A_1070 : i32 to vector<16xi32>
          %parallel_loop3A_1072 = arith.addi %broadcast_in_dim3A_15, %parallel_loop3A_1071 : vector<16xi32>
          %parallel_loop3A_1073 = arith.select %parallel_loop3A_1069, %parallel_loop3A_1072, %broadcast_in_dim3A_15 : vector<16xi1>, vector<16xi32>
          %parallel_loop3A_1074 = vector.shape_cast %parallel_loop3A_1073 : vector<16xi32> to vector<16x1xi32>
          %parallel_loop3A_1075 = vector.shape_cast %parallel_loop3A_1074 : vector<16x1xi32> to vector<16xi32>
          %parallel_loop3A_1076 = tpu.dynamic_gather %parallel_loop3A_976[%parallel_loop3A_1075] in [0] : vector<16xi32>, vector<16xi32> -> vector<16xi32>
          %parallel_loop3A_1077 = arith.select %lt3A_8, %parallel_loop3A_1066, %parallel_loop3A_1076 : vector<16xi1>, vector<16xi32>
          %parallel_loop3A_1078 = arith.constant 0 : i32
          %parallel_loop3A_1079 = vector.broadcast %parallel_loop3A_1078 : i32 to vector<16xi32>
          %parallel_loop3A_1080 = arith.cmpi slt, %min3A_13, %parallel_loop3A_1079 : vector<16xi32>
          %parallel_loop3A_1081 = arith.constant 16 : i32
          %parallel_loop3A_1082 = vector.broadcast %parallel_loop3A_1081 : i32 to vector<16xi32>
          %parallel_loop3A_1083 = arith.addi %min3A_13, %parallel_loop3A_1082 : vector<16xi32>
          %parallel_loop3A_1084 = arith.select %parallel_loop3A_1080, %parallel_loop3A_1083, %min3A_13 : vector<16xi1>, vector<16xi32>
          %parallel_loop3A_1085 = vector.shape_cast %parallel_loop3A_1084 : vector<16xi32> to vector<16x1xi32>
          %parallel_loop3A_1086 = vector.shape_cast %parallel_loop3A_1085 : vector<16x1xi32> to vector<16xi32>
          %parallel_loop3A_1087 = tpu.dynamic_gather %parallel_loop3A_916[%parallel_loop3A_1086] in [0] : vector<16xi32>, vector<16xi32> -> vector<16xi32>
          %parallel_loop3A_1088 = arith.constant 0 : i32
          %parallel_loop3A_1089 = vector.broadcast %parallel_loop3A_1088 : i32 to vector<16xi32>
          %parallel_loop3A_1090 = arith.cmpi slt, %broadcast_in_dim3A_15, %parallel_loop3A_1089 : vector<16xi32>
          %parallel_loop3A_1091 = arith.constant 16 : i32
          %parallel_loop3A_1092 = vector.broadcast %parallel_loop3A_1091 : i32 to vector<16xi32>
          %parallel_loop3A_1093 = arith.addi %broadcast_in_dim3A_15, %parallel_loop3A_1092 : vector<16xi32>
          %parallel_loop3A_1094 = arith.select %parallel_loop3A_1090, %parallel_loop3A_1093, %broadcast_in_dim3A_15 : vector<16xi1>, vector<16xi32>
          %parallel_loop3A_1095 = vector.shape_cast %parallel_loop3A_1094 : vector<16xi32> to vector<16x1xi32>
          %parallel_loop3A_1096 = vector.shape_cast %parallel_loop3A_1095 : vector<16x1xi32> to vector<16xi32>
          %parallel_loop3A_1097 = tpu.dynamic_gather %parallel_loop3A_995[%parallel_loop3A_1096] in [0] : vector<16xi32>, vector<16xi32> -> vector<16xi32>
          %parallel_loop3A_1098 = arith.select %lt3A_8, %parallel_loop3A_1087, %parallel_loop3A_1097 : vector<16xi1>, vector<16xi32>
          %parallel_loop3A_1099 = arith.constant 0 : i32
          %parallel_loop3A_1100 = vector.broadcast %parallel_loop3A_1099 : i32 to vector<16xi32>
          %parallel_loop3A_1101 = arith.cmpi slt, %min3A_13, %parallel_loop3A_1100 : vector<16xi32>
          %parallel_loop3A_1102 = arith.constant 16 : i32
          %parallel_loop3A_1103 = vector.broadcast %parallel_loop3A_1102 : i32 to vector<16xi32>
          %parallel_loop3A_1104 = arith.addi %min3A_13, %parallel_loop3A_1103 : vector<16xi32>
          %parallel_loop3A_1105 = arith.select %parallel_loop3A_1101, %parallel_loop3A_1104, %min3A_13 : vector<16xi1>, vector<16xi32>
          %parallel_loop3A_1106 = vector.shape_cast %parallel_loop3A_1105 : vector<16xi32> to vector<16x1xi32>
          %parallel_loop3A_1107 = vector.shape_cast %parallel_loop3A_1106 : vector<16x1xi32> to vector<16xi32>
          %parallel_loop3A_1108 = tpu.dynamic_gather %parallel_loop3A_917[%parallel_loop3A_1107] in [0] : vector<16xi32>, vector<16xi32> -> vector<16xi32>
          %parallel_loop3A_1109 = arith.constant 0 : i32
          %parallel_loop3A_1110 = vector.broadcast %parallel_loop3A_1109 : i32 to vector<16xi32>
          %parallel_loop3A_1111 = arith.cmpi slt, %broadcast_in_dim3A_15, %parallel_loop3A_1110 : vector<16xi32>
          %parallel_loop3A_1112 = arith.constant 16 : i32
          %parallel_loop3A_1113 = vector.broadcast %parallel_loop3A_1112 : i32 to vector<16xi32>
          %parallel_loop3A_1114 = arith.addi %broadcast_in_dim3A_15, %parallel_loop3A_1113 : vector<16xi32>
          %parallel_loop3A_1115 = arith.select %parallel_loop3A_1111, %parallel_loop3A_1114, %broadcast_in_dim3A_15 : vector<16xi1>, vector<16xi32>
          %parallel_loop3A_1116 = vector.shape_cast %parallel_loop3A_1115 : vector<16xi32> to vector<16x1xi32>
          %parallel_loop3A_1117 = vector.shape_cast %parallel_loop3A_1116 : vector<16x1xi32> to vector<16xi32>
          %parallel_loop3A_1118 = tpu.dynamic_gather %parallel_loop3A_1014[%parallel_loop3A_1117] in [0] : vector<16xi32>, vector<16xi32> -> vector<16xi32>
          %parallel_loop3A_1119 = arith.select %lt3A_8, %parallel_loop3A_1108, %parallel_loop3A_1118 : vector<16xi1>, vector<16xi32>
          %parallel_loop3A_1120 = arith.maxui %parallel_loop3A_913, %parallel_loop3A_1035 : vector<16xi32>
          %parallel_loop3A_1121 = arith.maxui %parallel_loop3A_914, %parallel_loop3A_1056 : vector<16xi32>
          %parallel_loop3A_1122 = arith.maxui %parallel_loop3A_915, %parallel_loop3A_1077 : vector<16xi32>
          %parallel_loop3A_1123 = arith.maxui %parallel_loop3A_916, %parallel_loop3A_1098 : vector<16xi32>
          %parallel_loop3A_1124 = arith.maxui %parallel_loop3A_917, %parallel_loop3A_1119 : vector<16xi32>
          %parallel_loop3A_1125 = arith.maxui %parallel_loop3A_913, %parallel_loop3A_914 : vector<16xi32>
          %parallel_loop3A_1126 = arith.maxui %parallel_loop3A_1120, %parallel_loop3A_1121 : vector<16xi32>
          %parallel_loop3A_1127 = vector.bitcast %parallel_loop3A_913 : vector<16xi32> to vector<16xi32>
          tpu.vector_store_idx %arg6[%parallel_loop3A_1127], %broadcast_in_dim3A_2 {add = true} : memref<16384xi32, #tpu.memory_space<vmem>>[vector<16xi32>], vector<16xi32>,
          %parallel_loop3A_1128 = vector.bitcast %parallel_loop3A_1125 : vector<16xi32> to vector<16xi32>
          tpu.vector_store_idx %arg6[%parallel_loop3A_1128], %neg3A_4 {add = true} : memref<16384xi32, #tpu.memory_space<vmem>>[vector<16xi32>], vector<16xi32>,
          %parallel_loop3A_1129 = arith.constant -16 : i32
          %parallel_loop3A_1130 = vector.broadcast %parallel_loop3A_1129 : i32 to vector<16xi32>
          %parallel_loop3A_1131 = arith.andi %parallel_loop3A_1120, %parallel_loop3A_1130 : vector<16xi32>
          %parallel_loop3A_1132 = arith.ori %parallel_loop3A_1131, %iota3A_1 : vector<16xi32>
          %parallel_loop3A_1133 = vector.bitcast %parallel_loop3A_1132 : vector<16xi32> to vector<16xi32>
          tpu.vector_store_idx %arg6[%parallel_loop3A_1133], %neg3A_4 {add = true} : memref<16384xi32, #tpu.memory_space<vmem>>[vector<16xi32>], vector<16xi32>,
          %parallel_loop3A_1134 = arith.constant -16 : i32
          %parallel_loop3A_1135 = vector.broadcast %parallel_loop3A_1134 : i32 to vector<16xi32>
          %parallel_loop3A_1136 = arith.andi %parallel_loop3A_1126, %parallel_loop3A_1135 : vector<16xi32>
          %parallel_loop3A_1137 = arith.ori %parallel_loop3A_1136, %iota3A_1 : vector<16xi32>
          %parallel_loop3A_1138 = vector.bitcast %parallel_loop3A_1137 : vector<16xi32> to vector<16xi32>
          tpu.vector_store_idx %arg6[%parallel_loop3A_1138], %broadcast_in_dim3A_2 {add = true} : memref<16384xi32, #tpu.memory_space<vmem>>[vector<16xi32>], vector<16xi32>,
          %parallel_loop3A_1139 = arith.maxui %parallel_loop3A_914, %parallel_loop3A_915 : vector<16xi32>
          %parallel_loop3A_1140 = arith.maxui %parallel_loop3A_1121, %parallel_loop3A_1122 : vector<16xi32>
          %parallel_loop3A_1141 = vector.bitcast %parallel_loop3A_914 : vector<16xi32> to vector<16xi32>
          tpu.vector_store_idx %arg6[%parallel_loop3A_1141], %broadcast_in_dim3A_2 {add = true} : memref<16384xi32, #tpu.memory_space<vmem>>[vector<16xi32>], vector<16xi32>,
          %parallel_loop3A_1142 = vector.bitcast %parallel_loop3A_1139 : vector<16xi32> to vector<16xi32>
          tpu.vector_store_idx %arg6[%parallel_loop3A_1142], %neg3A_4 {add = true} : memref<16384xi32, #tpu.memory_space<vmem>>[vector<16xi32>], vector<16xi32>,
          %parallel_loop3A_1143 = arith.constant -16 : i32
          %parallel_loop3A_1144 = vector.broadcast %parallel_loop3A_1143 : i32 to vector<16xi32>
          %parallel_loop3A_1145 = arith.andi %parallel_loop3A_1121, %parallel_loop3A_1144 : vector<16xi32>
          %parallel_loop3A_1146 = arith.ori %parallel_loop3A_1145, %iota3A_1 : vector<16xi32>
          %parallel_loop3A_1147 = vector.bitcast %parallel_loop3A_1146 : vector<16xi32> to vector<16xi32>
          tpu.vector_store_idx %arg6[%parallel_loop3A_1147], %neg3A_4 {add = true} : memref<16384xi32, #tpu.memory_space<vmem>>[vector<16xi32>], vector<16xi32>,
          %parallel_loop3A_1148 = arith.constant -16 : i32
          %parallel_loop3A_1149 = vector.broadcast %parallel_loop3A_1148 : i32 to vector<16xi32>
          %parallel_loop3A_1150 = arith.andi %parallel_loop3A_1140, %parallel_loop3A_1149 : vector<16xi32>
          %parallel_loop3A_1151 = arith.ori %parallel_loop3A_1150, %iota3A_1 : vector<16xi32>
          %parallel_loop3A_1152 = vector.bitcast %parallel_loop3A_1151 : vector<16xi32> to vector<16xi32>
          tpu.vector_store_idx %arg6[%parallel_loop3A_1152], %broadcast_in_dim3A_2 {add = true} : memref<16384xi32, #tpu.memory_space<vmem>>[vector<16xi32>], vector<16xi32>,
          %parallel_loop3A_1153 = arith.maxui %parallel_loop3A_915, %parallel_loop3A_916 : vector<16xi32>
          %parallel_loop3A_1154 = arith.maxui %parallel_loop3A_1122, %parallel_loop3A_1123 : vector<16xi32>
          %parallel_loop3A_1155 = vector.bitcast %parallel_loop3A_915 : vector<16xi32> to vector<16xi32>
          tpu.vector_store_idx %arg6[%parallel_loop3A_1155], %broadcast_in_dim3A_2 {add = true} : memref<16384xi32, #tpu.memory_space<vmem>>[vector<16xi32>], vector<16xi32>,
          %parallel_loop3A_1156 = vector.bitcast %parallel_loop3A_1153 : vector<16xi32> to vector<16xi32>
          tpu.vector_store_idx %arg6[%parallel_loop3A_1156], %neg3A_4 {add = true} : memref<16384xi32, #tpu.memory_space<vmem>>[vector<16xi32>], vector<16xi32>,
          %parallel_loop3A_1157 = arith.constant -16 : i32
          %parallel_loop3A_1158 = vector.broadcast %parallel_loop3A_1157 : i32 to vector<16xi32>
          %parallel_loop3A_1159 = arith.andi %parallel_loop3A_1122, %parallel_loop3A_1158 : vector<16xi32>
          %parallel_loop3A_1160 = arith.ori %parallel_loop3A_1159, %iota3A_1 : vector<16xi32>
          %parallel_loop3A_1161 = vector.bitcast %parallel_loop3A_1160 : vector<16xi32> to vector<16xi32>
          tpu.vector_store_idx %arg6[%parallel_loop3A_1161], %neg3A_4 {add = true} : memref<16384xi32, #tpu.memory_space<vmem>>[vector<16xi32>], vector<16xi32>,
          %parallel_loop3A_1162 = arith.constant -16 : i32
          %parallel_loop3A_1163 = vector.broadcast %parallel_loop3A_1162 : i32 to vector<16xi32>
          %parallel_loop3A_1164 = arith.andi %parallel_loop3A_1154, %parallel_loop3A_1163 : vector<16xi32>
          %parallel_loop3A_1165 = arith.ori %parallel_loop3A_1164, %iota3A_1 : vector<16xi32>
          %parallel_loop3A_1166 = vector.bitcast %parallel_loop3A_1165 : vector<16xi32> to vector<16xi32>
          tpu.vector_store_idx %arg6[%parallel_loop3A_1166], %broadcast_in_dim3A_2 {add = true} : memref<16384xi32, #tpu.memory_space<vmem>>[vector<16xi32>], vector<16xi32>,
          %parallel_loop3A_1167 = arith.maxui %parallel_loop3A_916, %parallel_loop3A_917 : vector<16xi32>
          %parallel_loop3A_1168 = arith.maxui %parallel_loop3A_1123, %parallel_loop3A_1124 : vector<16xi32>
          %parallel_loop3A_1169 = vector.bitcast %parallel_loop3A_916 : vector<16xi32> to vector<16xi32>
          tpu.vector_store_idx %arg6[%parallel_loop3A_1169], %broadcast_in_dim3A_2 {add = true} : memref<16384xi32, #tpu.memory_space<vmem>>[vector<16xi32>], vector<16xi32>,
          %parallel_loop3A_1170 = vector.bitcast %parallel_loop3A_1167 : vector<16xi32> to vector<16xi32>
          tpu.vector_store_idx %arg6[%parallel_loop3A_1170], %neg3A_4 {add = true} : memref<16384xi32, #tpu.memory_space<vmem>>[vector<16xi32>], vector<16xi32>,
          %parallel_loop3A_1171 = arith.constant -16 : i32
          %parallel_loop3A_1172 = vector.broadcast %parallel_loop3A_1171 : i32 to vector<16xi32>
          %parallel_loop3A_1173 = arith.andi %parallel_loop3A_1123, %parallel_loop3A_1172 : vector<16xi32>
          %parallel_loop3A_1174 = arith.ori %parallel_loop3A_1173, %iota3A_1 : vector<16xi32>
          %parallel_loop3A_1175 = vector.bitcast %parallel_loop3A_1174 : vector<16xi32> to vector<16xi32>
          tpu.vector_store_idx %arg6[%parallel_loop3A_1175], %neg3A_4 {add = true} : memref<16384xi32, #tpu.memory_space<vmem>>[vector<16xi32>], vector<16xi32>,
          %parallel_loop3A_1176 = arith.constant -16 : i32
          %parallel_loop3A_1177 = vector.broadcast %parallel_loop3A_1176 : i32 to vector<16xi32>
          %parallel_loop3A_1178 = arith.andi %parallel_loop3A_1168, %parallel_loop3A_1177 : vector<16xi32>
          %parallel_loop3A_1179 = arith.ori %parallel_loop3A_1178, %iota3A_1 : vector<16xi32>
          %parallel_loop3A_1180 = vector.bitcast %parallel_loop3A_1179 : vector<16xi32> to vector<16xi32>
          tpu.vector_store_idx %arg6[%parallel_loop3A_1180], %broadcast_in_dim3A_2 {add = true} : memref<16384xi32, #tpu.memory_space<vmem>>[vector<16xi32>], vector<16xi32>,
          scf.yield %parallel_loop3A_938, %parallel_loop3A_957, %parallel_loop3A_976, %parallel_loop3A_995, %parallel_loop3A_1014 : vector<16xi32>, vector<16xi32>, vector<16xi32>, vector<16xi32>, vector<16xi32>
        } {sc.loop_unroll_factor = 1 : i64, sc.parallel_access}
        %lt3A_801 = arith.constant 0 : i32
        %lt3A_802 = vector.broadcast %lt3A_801 : i32 to vector<16xi32>
        %lt3A_803 = arith.cmpi slt, %min3A_13, %lt3A_802 : vector<16xi32>
        %add3A_804 = arith.constant 16 : i32
        %add3A_805 = vector.broadcast %add3A_804 : i32 to vector<16xi32>
        %add3A_806 = arith.addi %min3A_13, %add3A_805 : vector<16xi32>
        %select_n3A_807 = arith.select %lt3A_803, %add3A_806, %min3A_13 : vector<16xi1>, vector<16xi32>
        %broadcast_in_dim3A_808 = vector.shape_cast %select_n3A_807 : vector<16xi32> to vector<16x1xi32>
        %gather3A_809 = vector.shape_cast %broadcast_in_dim3A_808 : vector<16x1xi32> to vector<16xi32>
        %gather3A_810 = tpu.dynamic_gather %parallel_loop3A_800#0[%gather3A_809] in [0] : vector<16xi32>, vector<16xi32> -> vector<16xi32>
        %lt3A_811 = arith.constant 0 : i32
        %lt3A_812 = vector.broadcast %lt3A_811 : i32 to vector<16xi32>
        %lt3A_813 = arith.cmpi slt, %min3A_13, %lt3A_812 : vector<16xi32>
        %add3A_814 = arith.constant 16 : i32
        %add3A_815 = vector.broadcast %add3A_814 : i32 to vector<16xi32>
        %add3A_816 = arith.addi %min3A_13, %add3A_815 : vector<16xi32>
        %select_n3A_817 = arith.select %lt3A_813, %add3A_816, %min3A_13 : vector<16xi1>, vector<16xi32>
        %broadcast_in_dim3A_818 = vector.shape_cast %select_n3A_817 : vector<16xi32> to vector<16x1xi32>
        %gather3A_819 = vector.shape_cast %broadcast_in_dim3A_818 : vector<16x1xi32> to vector<16xi32>
        %gather3A_820 = tpu.dynamic_gather %parallel_loop3A_800#1[%gather3A_819] in [0] : vector<16xi32>, vector<16xi32> -> vector<16xi32>
        %lt3A_821 = arith.constant 0 : i32
        %lt3A_822 = vector.broadcast %lt3A_821 : i32 to vector<16xi32>
        %lt3A_823 = arith.cmpi slt, %min3A_13, %lt3A_822 : vector<16xi32>
        %add3A_824 = arith.constant 16 : i32
        %add3A_825 = vector.broadcast %add3A_824 : i32 to vector<16xi32>
        %add3A_826 = arith.addi %min3A_13, %add3A_825 : vector<16xi32>
        %select_n3A_827 = arith.select %lt3A_823, %add3A_826, %min3A_13 : vector<16xi1>, vector<16xi32>
        %broadcast_in_dim3A_828 = vector.shape_cast %select_n3A_827 : vector<16xi32> to vector<16x1xi32>
        %gather3A_829 = vector.shape_cast %broadcast_in_dim3A_828 : vector<16x1xi32> to vector<16xi32>
        %gather3A_830 = tpu.dynamic_gather %parallel_loop3A_800#2[%gather3A_829] in [0] : vector<16xi32>, vector<16xi32> -> vector<16xi32>
        %lt3A_831 = arith.constant 0 : i32
        %lt3A_832 = vector.broadcast %lt3A_831 : i32 to vector<16xi32>
        %lt3A_833 = arith.cmpi slt, %min3A_13, %lt3A_832 : vector<16xi32>
        %add3A_834 = arith.constant 16 : i32
        %add3A_835 = vector.broadcast %add3A_834 : i32 to vector<16xi32>
        %add3A_836 = arith.addi %min3A_13, %add3A_835 : vector<16xi32>
        %select_n3A_837 = arith.select %lt3A_833, %add3A_836, %min3A_13 : vector<16xi1>, vector<16xi32>
        %broadcast_in_dim3A_838 = vector.shape_cast %select_n3A_837 : vector<16xi32> to vector<16x1xi32>
        %gather3A_839 = vector.shape_cast %broadcast_in_dim3A_838 : vector<16x1xi32> to vector<16xi32>
        %gather3A_840 = tpu.dynamic_gather %parallel_loop3A_800#3[%gather3A_839] in [0] : vector<16xi32>, vector<16xi32> -> vector<16xi32>
        %lt3A_841 = arith.constant 0 : i32
        %lt3A_842 = vector.broadcast %lt3A_841 : i32 to vector<16xi32>
        %lt3A_843 = arith.cmpi slt, %min3A_13, %lt3A_842 : vector<16xi32>
        %add3A_844 = arith.constant 16 : i32
        %add3A_845 = vector.broadcast %add3A_844 : i32 to vector<16xi32>
        %add3A_846 = arith.addi %min3A_13, %add3A_845 : vector<16xi32>
        %select_n3A_847 = arith.select %lt3A_843, %add3A_846, %min3A_13 : vector<16xi1>, vector<16xi32>
        %broadcast_in_dim3A_848 = vector.shape_cast %select_n3A_847 : vector<16xi32> to vector<16x1xi32>
        %gather3A_849 = vector.shape_cast %broadcast_in_dim3A_848 : vector<16x1xi32> to vector<16xi32>
        %gather3A_850 = tpu.dynamic_gather %parallel_loop3A_800#4[%gather3A_849] in [0] : vector<16xi32>, vector<16xi32> -> vector<16xi32>
        %max3A_851 = arith.maxui %parallel_loop3A_800#0, %gather3A_810 : vector<16xi32>
        %max3A_852 = arith.maxui %parallel_loop3A_800#1, %gather3A_820 : vector<16xi32>
        %max3A_853 = arith.maxui %parallel_loop3A_800#2, %gather3A_830 : vector<16xi32>
        %max3A_854 = arith.maxui %parallel_loop3A_800#3, %gather3A_840 : vector<16xi32>
        %max3A_855 = arith.maxui %parallel_loop3A_800#4, %gather3A_850 : vector<16xi32>
        %max3A_856 = arith.maxui %parallel_loop3A_800#0, %parallel_loop3A_800#1 : vector<16xi32>
        %max3A_857 = arith.maxui %max3A_851, %max3A_852 : vector<16xi32>
        %bitcast3A_858 = vector.bitcast %parallel_loop3A_800#0 : vector<16xi32> to vector<16xi32>
        tpu.vector_store_idx %arg6[%bitcast3A_858], %broadcast_in_dim3A_2 {add = true} : memref<16384xi32, #tpu.memory_space<vmem>>[vector<16xi32>], vector<16xi32>,
        %bitcast3A_859 = vector.bitcast %max3A_856 : vector<16xi32> to vector<16xi32>
        tpu.vector_store_idx %arg6[%bitcast3A_859], %neg3A_4 {add = true} : memref<16384xi32, #tpu.memory_space<vmem>>[vector<16xi32>], vector<16xi32>,
        %and3A_860 = arith.constant -16 : i32
        %and3A_861 = vector.broadcast %and3A_860 : i32 to vector<16xi32>
        %and3A_862 = arith.andi %max3A_851, %and3A_861 : vector<16xi32>
        %or3A_863 = arith.ori %and3A_862, %iota3A_1 : vector<16xi32>
        %bitcast3A_864 = vector.bitcast %or3A_863 : vector<16xi32> to vector<16xi32>
        tpu.vector_store_idx %arg6[%bitcast3A_864], %neg3A_4 masked %lt3A_8 {add = true} : memref<16384xi32, #tpu.memory_space<vmem>>[vector<16xi32>], vector<16xi32>, vector<16xi1>
        %and3A_865 = arith.constant -16 : i32
        %and3A_866 = vector.broadcast %and3A_865 : i32 to vector<16xi32>
        %and3A_867 = arith.andi %max3A_857, %and3A_866 : vector<16xi32>
        %or3A_868 = arith.ori %and3A_867, %iota3A_1 : vector<16xi32>
        %bitcast3A_869 = vector.bitcast %or3A_868 : vector<16xi32> to vector<16xi32>
        tpu.vector_store_idx %arg6[%bitcast3A_869], %broadcast_in_dim3A_2 masked %lt3A_8 {add = true} : memref<16384xi32, #tpu.memory_space<vmem>>[vector<16xi32>], vector<16xi32>, vector<16xi1>
        %max3A_870 = arith.maxui %parallel_loop3A_800#1, %parallel_loop3A_800#2 : vector<16xi32>
        %max3A_871 = arith.maxui %max3A_852, %max3A_853 : vector<16xi32>
        %bitcast3A_872 = vector.bitcast %parallel_loop3A_800#1 : vector<16xi32> to vector<16xi32>
        tpu.vector_store_idx %arg6[%bitcast3A_872], %broadcast_in_dim3A_2 {add = true} : memref<16384xi32, #tpu.memory_space<vmem>>[vector<16xi32>], vector<16xi32>,
        %bitcast3A_873 = vector.bitcast %max3A_870 : vector<16xi32> to vector<16xi32>
        tpu.vector_store_idx %arg6[%bitcast3A_873], %neg3A_4 {add = true} : memref<16384xi32, #tpu.memory_space<vmem>>[vector<16xi32>], vector<16xi32>,
        %and3A_874 = arith.constant -16 : i32
        %and3A_875 = vector.broadcast %and3A_874 : i32 to vector<16xi32>
        %and3A_876 = arith.andi %max3A_852, %and3A_875 : vector<16xi32>
        %or3A_877 = arith.ori %and3A_876, %iota3A_1 : vector<16xi32>
        %bitcast3A_878 = vector.bitcast %or3A_877 : vector<16xi32> to vector<16xi32>
        tpu.vector_store_idx %arg6[%bitcast3A_878], %neg3A_4 masked %lt3A_8 {add = true} : memref<16384xi32, #tpu.memory_space<vmem>>[vector<16xi32>], vector<16xi32>, vector<16xi1>
        %and3A_879 = arith.constant -16 : i32
        %and3A_880 = vector.broadcast %and3A_879 : i32 to vector<16xi32>
        %and3A_881 = arith.andi %max3A_871, %and3A_880 : vector<16xi32>
        %or3A_882 = arith.ori %and3A_881, %iota3A_1 : vector<16xi32>
        %bitcast3A_883 = vector.bitcast %or3A_882 : vector<16xi32> to vector<16xi32>
        tpu.vector_store_idx %arg6[%bitcast3A_883], %broadcast_in_dim3A_2 masked %lt3A_8 {add = true} : memref<16384xi32, #tpu.memory_space<vmem>>[vector<16xi32>], vector<16xi32>, vector<16xi1>
        %max3A_884 = arith.maxui %parallel_loop3A_800#2, %parallel_loop3A_800#3 : vector<16xi32>
        %max3A_885 = arith.maxui %max3A_853, %max3A_854 : vector<16xi32>
        %bitcast3A_886 = vector.bitcast %parallel_loop3A_800#2 : vector<16xi32> to vector<16xi32>
        tpu.vector_store_idx %arg6[%bitcast3A_886], %broadcast_in_dim3A_2 {add = true} : memref<16384xi32, #tpu.memory_space<vmem>>[vector<16xi32>], vector<16xi32>,
        %bitcast3A_887 = vector.bitcast %max3A_884 : vector<16xi32> to vector<16xi32>
        tpu.vector_store_idx %arg6[%bitcast3A_887], %neg3A_4 {add = true} : memref<16384xi32, #tpu.memory_space<vmem>>[vector<16xi32>], vector<16xi32>,
        %and3A_888 = arith.constant -16 : i32
        %and3A_889 = vector.broadcast %and3A_888 : i32 to vector<16xi32>
        %and3A_890 = arith.andi %max3A_853, %and3A_889 : vector<16xi32>
        %or3A_891 = arith.ori %and3A_890, %iota3A_1 : vector<16xi32>
        %bitcast3A_892 = vector.bitcast %or3A_891 : vector<16xi32> to vector<16xi32>
        tpu.vector_store_idx %arg6[%bitcast3A_892], %neg3A_4 masked %lt3A_8 {add = true} : memref<16384xi32, #tpu.memory_space<vmem>>[vector<16xi32>], vector<16xi32>, vector<16xi1>
        %and3A_893 = arith.constant -16 : i32
        %and3A_894 = vector.broadcast %and3A_893 : i32 to vector<16xi32>
        %and3A_895 = arith.andi %max3A_885, %and3A_894 : vector<16xi32>
        %or3A_896 = arith.ori %and3A_895, %iota3A_1 : vector<16xi32>
        %bitcast3A_897 = vector.bitcast %or3A_896 : vector<16xi32> to vector<16xi32>
        tpu.vector_store_idx %arg6[%bitcast3A_897], %broadcast_in_dim3A_2 masked %lt3A_8 {add = true} : memref<16384xi32, #tpu.memory_space<vmem>>[vector<16xi32>], vector<16xi32>, vector<16xi1>
        %max3A_898 = arith.maxui %parallel_loop3A_800#3, %parallel_loop3A_800#4 : vector<16xi32>
        %max3A_899 = arith.maxui %max3A_854, %max3A_855 : vector<16xi32>
        %bitcast3A_900 = vector.bitcast %parallel_loop3A_800#3 : vector<16xi32> to vector<16xi32>
        tpu.vector_store_idx %arg6[%bitcast3A_900], %broadcast_in_dim3A_2 {add = true} : memref<16384xi32, #tpu.memory_space<vmem>>[vector<16xi32>], vector<16xi32>,
        %bitcast3A_901 = vector.bitcast %max3A_898 : vector<16xi32> to vector<16xi32>
        tpu.vector_store_idx %arg6[%bitcast3A_901], %neg3A_4 {add = true} : memref<16384xi32, #tpu.memory_space<vmem>>[vector<16xi32>], vector<16xi32>,
        %and3A_902 = arith.constant -16 : i32
        %and3A_903 = vector.broadcast %and3A_902 : i32 to vector<16xi32>
        %and3A_904 = arith.andi %max3A_854, %and3A_903 : vector<16xi32>
        %or3A_905 = arith.ori %and3A_904, %iota3A_1 : vector<16xi32>
        %bitcast3A_906 = vector.bitcast %or3A_905 : vector<16xi32> to vector<16xi32>
        tpu.vector_store_idx %arg6[%bitcast3A_906], %neg3A_4 masked %lt3A_8 {add = true} : memref<16384xi32, #tpu.memory_space<vmem>>[vector<16xi32>], vector<16xi32>, vector<16xi1>
        %and3A_907 = arith.constant -16 : i32
        %and3A_908 = vector.broadcast %and3A_907 : i32 to vector<16xi32>
        %and3A_909 = arith.andi %max3A_899, %and3A_908 : vector<16xi32>
        %or3A_910 = arith.ori %and3A_909, %iota3A_1 : vector<16xi32>
        %bitcast3A_911 = vector.bitcast %or3A_910 : vector<16xi32> to vector<16xi32>
        tpu.vector_store_idx %arg6[%bitcast3A_911], %broadcast_in_dim3A_2 masked %lt3A_8 {add = true} : memref<16384xi32, #tpu.memory_space<vmem>>[vector<16xi32>], vector<16xi32>, vector<16xi1>
      } else {
      }
      %not3A = arith.constant true
      %not3A_378 = arith.xori %lt3A_374, %not3A : i1
      %convert_element_type3A_379 = arith.extui %not3A_378 : i1 to i32
      %cond3A_380 = arith.constant 0 : i32
      %cond3A_381 = arith.cmpi ne, %convert_element_type3A_379, %cond3A_380 : i32
      scf.if %cond3A_381 {
        %parallel_loop3A = arith.constant 0 : i32
        %parallel_loop3A_521 = arith.constant 2048 : i32
        %parallel_loop3A_522 = arith.constant 1 : i32
        scf.for %parallel_loop3A_529 = %parallel_loop3A to %parallel_loop3A_521 step %parallel_loop3A_522  : i32 {
          %parallel_loop3A_530 = arith.constant 16 : i32
          %parallel_loop3A_531 = arith.muli %parallel_loop3A_529, %parallel_loop3A_530 : i32
          %parallel_loop3A_532 = arith.index_cast %parallel_loop3A_531 : i32 to index
          %parallel_loop3A_533 = tpu.vector_load %arg4[%parallel_loop3A_532] {strides = array<i32>} : memref<36880xf32, #tpu.memory_space<vmem>>, vector<16xf32>,
          %parallel_loop3A_534 = arith.constant 1.023000e+03 : f32
          %parallel_loop3A_535 = vector.broadcast %parallel_loop3A_534 : f32 to vector<16xf32>
          %parallel_loop3A_536 = arith.mulf %parallel_loop3A_533, %parallel_loop3A_535 : vector<16xf32>
          %parallel_loop3A_537 = arith.fptosi %parallel_loop3A_536 : vector<16xf32> to vector<16xi32>
          %parallel_loop3A_538 = arith.sitofp %parallel_loop3A_537 : vector<16xi32> to vector<16xf32>
          %parallel_loop3A_539 = arith.cmpf olt, %parallel_loop3A_538, %parallel_loop3A_536 : vector<16xf32>
          %parallel_loop3A_540 = arith.constant 1 : i32
          %parallel_loop3A_541 = vector.broadcast %parallel_loop3A_540 : i32 to vector<16xi32>
          %parallel_loop3A_542 = arith.addi %parallel_loop3A_537, %parallel_loop3A_541 : vector<16xi32>
          %parallel_loop3A_543 = arith.select %parallel_loop3A_539, %parallel_loop3A_542, %parallel_loop3A_537 : vector<16xi1>, vector<16xi32>
          %parallel_loop3A_544 = arith.constant 4 : i32
          %parallel_loop3A_545 = vector.broadcast %parallel_loop3A_544 : i32 to vector<16xi32>
          %parallel_loop3A_546 = arith.shli %parallel_loop3A_543, %parallel_loop3A_545 : vector<16xi32>
          %parallel_loop3A_547 = arith.ori %parallel_loop3A_546, %iota3A : vector<16xi32>
          %parallel_loop3A_548 = vector.bitcast %parallel_loop3A_547 : vector<16xi32> to vector<16xi32>
          %parallel_loop3A_549 = vector.bitcast %parallel_loop3A_548 : vector<16xi32> to vector<16xf32>
          %parallel_loop3A_550 = arith.index_cast %parallel_loop3A_531 : i32 to index
          %parallel_loop3A_551 = tpu.vector_load %arg4[%parallel_loop3A_550] {strides = array<i32>} : memref<36880xf32, #tpu.memory_space<vmem>>, vector<16xf32>,
          tpu.vector_store %arg4[%parallel_loop3A_550], %parallel_loop3A_549 {strides = array<i32>} : memref<36880xf32, #tpu.memory_space<vmem>>, vector<16xf32>,
        } {sc.loop_unroll_factor = 4 : i64, sc.parallel_access}
        %scan3A_523 = arith.constant 0 : i32
        %scan3A_524 = arith.constant 0 : i32
        %scan3A_525 = arith.constant 8 : i32
        %scan3A_526 = arith.addi %scan3A_524, %scan3A_525 : i32
        %scan3A_527 = arith.constant 1 : i32
        scf.for %scan3A_529 = %scan3A_524 to %scan3A_526 step %scan3A_527  : i32 {
          %add3A_530 = arith.addi %add3A_370, %scan3A_529 : i32
          %lt3A_531 = arith.constant 4095 : i32
          %lt3A_532 = arith.cmpi slt, %add3A_530, %lt3A_531 : i32
          %convert_element_type3A_533 = arith.extui %lt3A_532 : i1 to i32
          %cond3A_534 = arith.constant 0 : i32
          %cond3A_535 = arith.cmpi ne, %convert_element_type3A_533, %cond3A_534 : i32
          scf.if %cond3A_535 {
            %parallel_loop3A_540 = arith.constant 0 : i32
            %parallel_loop3A_541 = arith.constant 255 : i32
            %parallel_loop3A_542 = arith.constant 1 : i32
            scf.for %parallel_loop3A_578 = %parallel_loop3A_540 to %parallel_loop3A_541 step %parallel_loop3A_542  : i32 {
              %parallel_loop3A_579 = arith.constant 4096 : i32
              %parallel_loop3A_580 = arith.muli %scan3A_529, %parallel_loop3A_579 : i32
              %parallel_loop3A_581 = arith.constant 16 : i32
              %parallel_loop3A_582 = arith.muli %parallel_loop3A_578, %parallel_loop3A_581 : i32
              %parallel_loop3A_583 = arith.addi %parallel_loop3A_580, %parallel_loop3A_582 : i32
              %parallel_loop3A_584 = arith.index_cast %parallel_loop3A_583 : i32 to index
              %parallel_loop3A_585 = tpu.vector_load %arg4[%parallel_loop3A_584] {strides = array<i32>} : memref<36880xf32, #tpu.memory_space<vmem>>, vector<16xf32>,
              %parallel_loop3A_586 = vector.bitcast %parallel_loop3A_585 : vector<16xf32> to vector<16xi32>
              %parallel_loop3A_587 = arith.constant 1 : i32
              %parallel_loop3A_588 = arith.addi %parallel_loop3A_583, %parallel_loop3A_587 : i32
              %parallel_loop3A_589 = arith.index_cast %parallel_loop3A_588 : i32 to index
              %parallel_loop3A_590 = tpu.vector_load %arg4[%parallel_loop3A_589] {strides = array<i32>} : memref<36880xf32, #tpu.memory_space<vmem>>, vector<16xf32>,
              %parallel_loop3A_591 = vector.bitcast %parallel_loop3A_590 : vector<16xf32> to vector<16xi32>
              %parallel_loop3A_592 = arith.constant 4096 : i32
              %parallel_loop3A_593 = arith.addi %parallel_loop3A_583, %parallel_loop3A_592 : i32
              %parallel_loop3A_594 = arith.index_cast %parallel_loop3A_593 : i32 to index
              %parallel_loop3A_595 = tpu.vector_load %arg4[%parallel_loop3A_594] {strides = array<i32>} : memref<36880xf32, #tpu.memory_space<vmem>>, vector<16xf32>,
              %parallel_loop3A_596 = vector.bitcast %parallel_loop3A_595 : vector<16xf32> to vector<16xi32>
              %parallel_loop3A_597 = arith.constant 4096 : i32
              %parallel_loop3A_598 = arith.addi %parallel_loop3A_583, %parallel_loop3A_597 : i32
              %parallel_loop3A_599 = arith.constant 1 : i32
              %parallel_loop3A_600 = arith.addi %parallel_loop3A_598, %parallel_loop3A_599 : i32
              %parallel_loop3A_601 = arith.index_cast %parallel_loop3A_600 : i32 to index
              %parallel_loop3A_602 = tpu.vector_load %arg4[%parallel_loop3A_601] {strides = array<i32>} : memref<36880xf32, #tpu.memory_space<vmem>>, vector<16xf32>,
              %parallel_loop3A_603 = vector.bitcast %parallel_loop3A_602 : vector<16xf32> to vector<16xi32>
              %parallel_loop3A_604 = arith.maxui %parallel_loop3A_586, %parallel_loop3A_596 : vector<16xi32>
              %parallel_loop3A_605 = arith.maxui %parallel_loop3A_586, %parallel_loop3A_591 : vector<16xi32>
              %parallel_loop3A_606 = arith.maxui %parallel_loop3A_596, %parallel_loop3A_603 : vector<16xi32>
              %parallel_loop3A_607 = arith.maxui %parallel_loop3A_605, %parallel_loop3A_606 : vector<16xi32>
              %parallel_loop3A_608 = vector.bitcast %parallel_loop3A_586 : vector<16xi32> to vector<16xi32>
              tpu.vector_store_idx %arg6[%parallel_loop3A_608], %broadcast_in_dim3A_2 {add = true} : memref<16384xi32, #tpu.memory_space<vmem>>[vector<16xi32>], vector<16xi32>,
              %parallel_loop3A_609 = vector.bitcast %parallel_loop3A_604 : vector<16xi32> to vector<16xi32>
              tpu.vector_store_idx %arg6[%parallel_loop3A_609], %neg3A_4 {add = true} : memref<16384xi32, #tpu.memory_space<vmem>>[vector<16xi32>], vector<16xi32>,
              %parallel_loop3A_610 = arith.constant -16 : i32
              %parallel_loop3A_611 = vector.broadcast %parallel_loop3A_610 : i32 to vector<16xi32>
              %parallel_loop3A_612 = arith.andi %parallel_loop3A_605, %parallel_loop3A_611 : vector<16xi32>
              %parallel_loop3A_613 = arith.ori %parallel_loop3A_612, %iota3A_1 : vector<16xi32>
              %parallel_loop3A_614 = vector.bitcast %parallel_loop3A_613 : vector<16xi32> to vector<16xi32>
              tpu.vector_store_idx %arg6[%parallel_loop3A_614], %neg3A_4 {add = true} : memref<16384xi32, #tpu.memory_space<vmem>>[vector<16xi32>], vector<16xi32>,
              %parallel_loop3A_615 = arith.constant -16 : i32
              %parallel_loop3A_616 = vector.broadcast %parallel_loop3A_615 : i32 to vector<16xi32>
              %parallel_loop3A_617 = arith.andi %parallel_loop3A_607, %parallel_loop3A_616 : vector<16xi32>
              %parallel_loop3A_618 = arith.ori %parallel_loop3A_617, %iota3A_1 : vector<16xi32>
              %parallel_loop3A_619 = vector.bitcast %parallel_loop3A_618 : vector<16xi32> to vector<16xi32>
              tpu.vector_store_idx %arg6[%parallel_loop3A_619], %broadcast_in_dim3A_2 {add = true} : memref<16384xi32, #tpu.memory_space<vmem>>[vector<16xi32>], vector<16xi32>,
            } {sc.loop_unroll_factor = 5 : i64, sc.parallel_access}
            %mul3A_543 = arith.constant 4096 : i32
            %mul3A_544 = arith.muli %scan3A_529, %mul3A_543 : i32
            %add3A_545 = arith.constant 4080 : i32
            %add3A_546 = arith.addi %mul3A_544, %add3A_545 : i32
            %get3A = arith.index_cast %add3A_546 : i32 to index
            %get3A_547 = tpu.vector_load %arg4[%get3A] {strides = array<i32>} : memref<36880xf32, #tpu.memory_space<vmem>>, vector<16xf32>,
            %bitcast3A = vector.bitcast %get3A_547 : vector<16xf32> to vector<16xi32>
            %add3A_548 = arith.constant 1 : i32
            %add3A_549 = arith.addi %add3A_546, %add3A_548 : i32
            %get3A_550 = arith.index_cast %add3A_549 : i32 to index
            %get3A_551 = tpu.vector_load %arg4[%get3A_550] {strides = array<i32>} : memref<36880xf32, #tpu.memory_space<vmem>>, vector<16xf32>,
            %bitcast3A_552 = vector.bitcast %get3A_551 : vector<16xf32> to vector<16xi32>
            %add3A_553 = arith.constant 4096 : i32
            %add3A_554 = arith.addi %add3A_546, %add3A_553 : i32
            %get3A_555 = arith.index_cast %add3A_554 : i32 to index
            %get3A_556 = tpu.vector_load %arg4[%get3A_555] {strides = array<i32>} : memref<36880xf32, #tpu.memory_space<vmem>>, vector<16xf32>,
            %bitcast3A_557 = vector.bitcast %get3A_556 : vector<16xf32> to vector<16xi32>
            %add3A_558 = arith.constant 4096 : i32
            %add3A_559 = arith.addi %add3A_546, %add3A_558 : i32
            %add3A_560 = arith.constant 1 : i32
            %add3A_561 = arith.addi %add3A_559, %add3A_560 : i32
            %get3A_562 = arith.index_cast %add3A_561 : i32 to index
            %get3A_563 = tpu.vector_load %arg4[%get3A_562] {strides = array<i32>} : memref<36880xf32, #tpu.memory_space<vmem>>, vector<16xf32>,
            %bitcast3A_564 = vector.bitcast %get3A_563 : vector<16xf32> to vector<16xi32>
            %max3A = arith.maxui %bitcast3A, %bitcast3A_557 : vector<16xi32>
            %max3A_565 = arith.maxui %bitcast3A, %bitcast3A_552 : vector<16xi32>
            %max3A_566 = arith.maxui %bitcast3A_557, %bitcast3A_564 : vector<16xi32>
            %max3A_567 = arith.maxui %max3A_565, %max3A_566 : vector<16xi32>
            %bitcast3A_568 = vector.bitcast %bitcast3A : vector<16xi32> to vector<16xi32>
            tpu.vector_store_idx %arg6[%bitcast3A_568], %broadcast_in_dim3A_2 {add = true} : memref<16384xi32, #tpu.memory_space<vmem>>[vector<16xi32>], vector<16xi32>,
            %bitcast3A_569 = vector.bitcast %max3A : vector<16xi32> to vector<16xi32>
            tpu.vector_store_idx %arg6[%bitcast3A_569], %neg3A_4 {add = true} : memref<16384xi32, #tpu.memory_space<vmem>>[vector<16xi32>], vector<16xi32>,
            %and3A = arith.constant -16 : i32
            %and3A_570 = vector.broadcast %and3A : i32 to vector<16xi32>
            %and3A_571 = arith.andi %max3A_565, %and3A_570 : vector<16xi32>
            %or3A = arith.ori %and3A_571, %iota3A_1 : vector<16xi32>
            %bitcast3A_572 = vector.bitcast %or3A : vector<16xi32> to vector<16xi32>
            tpu.vector_store_idx %arg6[%bitcast3A_572], %neg3A_4 masked %lt3A_8 {add = true} : memref<16384xi32, #tpu.memory_space<vmem>>[vector<16xi32>], vector<16xi32>, vector<16xi1>
            %and3A_573 = arith.constant -16 : i32
            %and3A_574 = vector.broadcast %and3A_573 : i32 to vector<16xi32>
            %and3A_575 = arith.andi %max3A_567, %and3A_574 : vector<16xi32>
            %or3A_576 = arith.ori %and3A_575, %iota3A_1 : vector<16xi32>
            %bitcast3A_577 = vector.bitcast %or3A_576 : vector<16xi32> to vector<16xi32>
            tpu.vector_store_idx %arg6[%bitcast3A_577], %broadcast_in_dim3A_2 masked %lt3A_8 {add = true} : memref<16384xi32, #tpu.memory_space<vmem>>[vector<16xi32>], vector<16xi32>, vector<16xi1>
          } else {
          }
          %eq3A = arith.constant 4095 : i32
          %eq3A_536 = arith.cmpi eq, %add3A_530, %eq3A : i32
          %convert_element_type3A_537 = arith.extui %eq3A_536 : i1 to i32
          %cond3A_538 = arith.constant 0 : i32
          %cond3A_539 = arith.cmpi ne, %convert_element_type3A_537, %cond3A_538 : i32
          scf.if %cond3A_539 {
            %parallel_loop3A_540 = arith.constant 0 : i32
            %parallel_loop3A_541 = arith.constant 255 : i32
            %parallel_loop3A_542 = arith.constant 1 : i32
            scf.for %parallel_loop3A_557 = %parallel_loop3A_540 to %parallel_loop3A_541 step %parallel_loop3A_542  : i32 {
              %parallel_loop3A_558 = arith.constant 4096 : i32
              %parallel_loop3A_559 = arith.muli %scan3A_529, %parallel_loop3A_558 : i32
              %parallel_loop3A_560 = arith.constant 16 : i32
              %parallel_loop3A_561 = arith.muli %parallel_loop3A_557, %parallel_loop3A_560 : i32
              %parallel_loop3A_562 = arith.addi %parallel_loop3A_559, %parallel_loop3A_561 : i32
              %parallel_loop3A_563 = arith.index_cast %parallel_loop3A_562 : i32 to index
              %parallel_loop3A_564 = tpu.vector_load %arg4[%parallel_loop3A_563] {strides = array<i32>} : memref<36880xf32, #tpu.memory_space<vmem>>, vector<16xf32>,
              %parallel_loop3A_565 = vector.bitcast %parallel_loop3A_564 : vector<16xf32> to vector<16xi32>
              %parallel_loop3A_566 = arith.constant 1 : i32
              %parallel_loop3A_567 = arith.addi %parallel_loop3A_562, %parallel_loop3A_566 : i32
              %parallel_loop3A_568 = arith.index_cast %parallel_loop3A_567 : i32 to index
              %parallel_loop3A_569 = tpu.vector_load %arg4[%parallel_loop3A_568] {strides = array<i32>} : memref<36880xf32, #tpu.memory_space<vmem>>, vector<16xf32>,
              %parallel_loop3A_570 = vector.bitcast %parallel_loop3A_569 : vector<16xf32> to vector<16xi32>
              %parallel_loop3A_571 = vector.bitcast %parallel_loop3A_565 : vector<16xi32> to vector<16xi32>
              tpu.vector_store_idx %arg6[%parallel_loop3A_571], %broadcast_in_dim3A_2 {add = true} : memref<16384xi32, #tpu.memory_space<vmem>>[vector<16xi32>], vector<16xi32>,
              %parallel_loop3A_572 = arith.maxui %parallel_loop3A_565, %parallel_loop3A_570 : vector<16xi32>
              %parallel_loop3A_573 = arith.constant -16 : i32
              %parallel_loop3A_574 = vector.broadcast %parallel_loop3A_573 : i32 to vector<16xi32>
              %parallel_loop3A_575 = arith.andi %parallel_loop3A_572, %parallel_loop3A_574 : vector<16xi32>
              %parallel_loop3A_576 = arith.ori %parallel_loop3A_575, %iota3A_1 : vector<16xi32>
              %parallel_loop3A_577 = vector.bitcast %parallel_loop3A_576 : vector<16xi32> to vector<16xi32>
              tpu.vector_store_idx %arg6[%parallel_loop3A_577], %neg3A_4 {add = true} : memref<16384xi32, #tpu.memory_space<vmem>>[vector<16xi32>], vector<16xi32>,
            } {sc.loop_unroll_factor = 5 : i64, sc.parallel_access}
            %mul3A_543 = arith.constant 4096 : i32
            %mul3A_544 = arith.muli %scan3A_529, %mul3A_543 : i32
            %add3A_545 = arith.constant 4080 : i32
            %add3A_546 = arith.addi %mul3A_544, %add3A_545 : i32
            %get3A = arith.index_cast %add3A_546 : i32 to index
            %get3A_547 = tpu.vector_load %arg4[%get3A] {strides = array<i32>} : memref<36880xf32, #tpu.memory_space<vmem>>, vector<16xf32>,
            %bitcast3A = vector.bitcast %get3A_547 : vector<16xf32> to vector<16xi32>
            %add3A_548 = arith.constant 1 : i32
            %add3A_549 = arith.addi %add3A_546, %add3A_548 : i32
            %get3A_550 = arith.index_cast %add3A_549 : i32 to index
            %get3A_551 = tpu.vector_load %arg4[%get3A_550] {strides = array<i32>} : memref<36880xf32, #tpu.memory_space<vmem>>, vector<16xf32>,
            %bitcast3A_552 = vector.bitcast %get3A_551 : vector<16xf32> to vector<16xi32>
            %bitcast3A_553 = vector.bitcast %bitcast3A : vector<16xi32> to vector<16xi32>
            tpu.vector_store_idx %arg6[%bitcast3A_553], %broadcast_in_dim3A_2 {add = true} : memref<16384xi32, #tpu.memory_space<vmem>>[vector<16xi32>], vector<16xi32>,
            %max3A = arith.maxui %bitcast3A, %bitcast3A_552 : vector<16xi32>
            %and3A = arith.constant -16 : i32
            %and3A_554 = vector.broadcast %and3A : i32 to vector<16xi32>
            %and3A_555 = arith.andi %max3A, %and3A_554 : vector<16xi32>
            %or3A = arith.ori %and3A_555, %iota3A_1 : vector<16xi32>
            %bitcast3A_556 = vector.bitcast %or3A : vector<16xi32> to vector<16xi32>
            tpu.vector_store_idx %arg6[%bitcast3A_556], %neg3A_4 masked %lt3A_8 {add = true} : memref<16384xi32, #tpu.memory_space<vmem>>[vector<16xi32>], vector<16xi32>, vector<16xi1>
          } else {
          }
        }
        %scan3A_528 = arith.constant 8 : i32
      } else {
      }
      %add3A_382 = arith.constant 1 : i32
      %add3A_383 = arith.addi %mul3A_144, %add3A_382 : i32
      %mul3A_384 = arith.constant 128 : i32
      %mul3A_385 = arith.muli %add3A, %mul3A_384 : i32
      %mul3A_386 = arith.constant 8 : i32
      %mul3A_387 = arith.muli %add3A_383, %mul3A_386 : i32
      %add3A_388 = arith.addi %mul3A_385, %mul3A_387 : i32
      %add3A_389 = arith.constant 0 : i32
      %add3A_390 = arith.addi %add3A_388, %add3A_389 : i32
      %add3A_391 = arith.constant 1 : i32
      %add3A_392 = arith.addi %add3A_388, %add3A_391 : i32
      %add3A_393 = arith.constant 2 : i32
      %add3A_394 = arith.addi %add3A_388, %add3A_393 : i32
      %add3A_395 = arith.constant 3 : i32
      %add3A_396 = arith.addi %add3A_388, %add3A_395 : i32
      %add3A_397 = arith.constant 4 : i32
      %add3A_398 = arith.addi %add3A_388, %add3A_397 : i32
      %add3A_399 = arith.constant 5 : i32
      %add3A_400 = arith.addi %add3A_388, %add3A_399 : i32
      %add3A_401 = arith.constant 6 : i32
      %add3A_402 = arith.addi %add3A_388, %add3A_401 : i32
      %add3A_403 = arith.constant 7 : i32
      %add3A_404 = arith.addi %add3A_388, %add3A_403 : i32
      %add3A_405 = arith.constant 8 : i32
      %add3A_406 = arith.addi %add3A_388, %add3A_405 : i32
      %add3A_407 = arith.constant 8 : i32
      %add3A_408 = arith.addi %add3A_388, %add3A_407 : i32
      %lt3A_409 = arith.constant 4096 : i32
      %lt3A_410 = arith.cmpi slt, %add3A_408, %lt3A_409 : i32
      %dma_wait3A_411 = arith.constant 0 : i32
      %dma_wait3A_412 = tpu.memref_slice %arg5[%dma_wait3A_411] : memref<36880xf32, #tpu.memory_space<vmem>> -> memref<4096xf32, #tpu.memory_space<vmem>>
      %dma_wait3A_413 = arith.constant 0 : i32
      %dma_wait3A_414 = tpu.memref_slice %arg2[%add3A_390, %dma_wait3A_413] : memref<4096x4096xf32, #tpu.memory_space<hbm>> -> memref<1x4096xf32, #tpu.memory_space<hbm>>
      %dma_wait3A_415 = tpu.memref_squeeze %dma_wait3A_414 : memref<1x4096xf32, #tpu.memory_space<hbm>> -> memref<4096xf32, #tpu.memory_space<hbm>>
      %dma_wait3A_416 = arith.constant 0 : i32
      %dma_wait3A_417 = tpu.memref_slice %arg5[%dma_wait3A_416] : memref<36880xf32, #tpu.memory_space<vmem>> -> memref<4096xf32, #tpu.memory_space<vmem>>
      %dma_wait3A_418 = arith.constant 0 : i32
      %dma_wait3A_419 = tpu.memref_slice %arg2[%add3A_390, %dma_wait3A_418] : memref<4096x4096xf32, #tpu.memory_space<hbm>> -> memref<1x4096xf32, #tpu.memory_space<hbm>>
      %dma_wait3A_420 = tpu.memref_squeeze %dma_wait3A_419 : memref<1x4096xf32, #tpu.memory_space<hbm>> -> memref<4096xf32, #tpu.memory_space<hbm>>
      tpu.wait_dma2 semaphore(%arg9 : memref<!tpu.dma_semaphore, #tpu.memory_space<semaphore_mem>>) src(%dma_wait3A_420 : memref<4096xf32, #tpu.memory_space<hbm>>) dst(%dma_wait3A_417 : memref<4096xf32, #tpu.memory_space<vmem>>)
      %dma_wait3A_421 = arith.constant 4096 : i32
      %dma_wait3A_422 = tpu.memref_slice %arg5[%dma_wait3A_421] : memref<36880xf32, #tpu.memory_space<vmem>> -> memref<4096xf32, #tpu.memory_space<vmem>>
      %dma_wait3A_423 = arith.constant 0 : i32
      %dma_wait3A_424 = tpu.memref_slice %arg2[%add3A_392, %dma_wait3A_423] : memref<4096x4096xf32, #tpu.memory_space<hbm>> -> memref<1x4096xf32, #tpu.memory_space<hbm>>
      %dma_wait3A_425 = tpu.memref_squeeze %dma_wait3A_424 : memref<1x4096xf32, #tpu.memory_space<hbm>> -> memref<4096xf32, #tpu.memory_space<hbm>>
      %dma_wait3A_426 = arith.constant 4096 : i32
      %dma_wait3A_427 = tpu.memref_slice %arg5[%dma_wait3A_426] : memref<36880xf32, #tpu.memory_space<vmem>> -> memref<4096xf32, #tpu.memory_space<vmem>>
      %dma_wait3A_428 = arith.constant 0 : i32
      %dma_wait3A_429 = tpu.memref_slice %arg2[%add3A_392, %dma_wait3A_428] : memref<4096x4096xf32, #tpu.memory_space<hbm>> -> memref<1x4096xf32, #tpu.memory_space<hbm>>
      %dma_wait3A_430 = tpu.memref_squeeze %dma_wait3A_429 : memref<1x4096xf32, #tpu.memory_space<hbm>> -> memref<4096xf32, #tpu.memory_space<hbm>>
      tpu.wait_dma2 semaphore(%arg9 : memref<!tpu.dma_semaphore, #tpu.memory_space<semaphore_mem>>) src(%dma_wait3A_430 : memref<4096xf32, #tpu.memory_space<hbm>>) dst(%dma_wait3A_427 : memref<4096xf32, #tpu.memory_space<vmem>>)
      %dma_wait3A_431 = arith.constant 8192 : i32
      %dma_wait3A_432 = tpu.memref_slice %arg5[%dma_wait3A_431] : memref<36880xf32, #tpu.memory_space<vmem>> -> memref<4096xf32, #tpu.memory_space<vmem>>
      %dma_wait3A_433 = arith.constant 0 : i32
      %dma_wait3A_434 = tpu.memref_slice %arg2[%add3A_394, %dma_wait3A_433] : memref<4096x4096xf32, #tpu.memory_space<hbm>> -> memref<1x4096xf32, #tpu.memory_space<hbm>>
      %dma_wait3A_435 = tpu.memref_squeeze %dma_wait3A_434 : memref<1x4096xf32, #tpu.memory_space<hbm>> -> memref<4096xf32, #tpu.memory_space<hbm>>
      %dma_wait3A_436 = arith.constant 8192 : i32
      %dma_wait3A_437 = tpu.memref_slice %arg5[%dma_wait3A_436] : memref<36880xf32, #tpu.memory_space<vmem>> -> memref<4096xf32, #tpu.memory_space<vmem>>
      %dma_wait3A_438 = arith.constant 0 : i32
      %dma_wait3A_439 = tpu.memref_slice %arg2[%add3A_394, %dma_wait3A_438] : memref<4096x4096xf32, #tpu.memory_space<hbm>> -> memref<1x4096xf32, #tpu.memory_space<hbm>>
      %dma_wait3A_440 = tpu.memref_squeeze %dma_wait3A_439 : memref<1x4096xf32, #tpu.memory_space<hbm>> -> memref<4096xf32, #tpu.memory_space<hbm>>
      tpu.wait_dma2 semaphore(%arg9 : memref<!tpu.dma_semaphore, #tpu.memory_space<semaphore_mem>>) src(%dma_wait3A_440 : memref<4096xf32, #tpu.memory_space<hbm>>) dst(%dma_wait3A_437 : memref<4096xf32, #tpu.memory_space<vmem>>)
      %dma_wait3A_441 = arith.constant 12288 : i32
      %dma_wait3A_442 = tpu.memref_slice %arg5[%dma_wait3A_441] : memref<36880xf32, #tpu.memory_space<vmem>> -> memref<4096xf32, #tpu.memory_space<vmem>>
      %dma_wait3A_443 = arith.constant 0 : i32
      %dma_wait3A_444 = tpu.memref_slice %arg2[%add3A_396, %dma_wait3A_443] : memref<4096x4096xf32, #tpu.memory_space<hbm>> -> memref<1x4096xf32, #tpu.memory_space<hbm>>
      %dma_wait3A_445 = tpu.memref_squeeze %dma_wait3A_444 : memref<1x4096xf32, #tpu.memory_space<hbm>> -> memref<4096xf32, #tpu.memory_space<hbm>>
      %dma_wait3A_446 = arith.constant 12288 : i32
      %dma_wait3A_447 = tpu.memref_slice %arg5[%dma_wait3A_446] : memref<36880xf32, #tpu.memory_space<vmem>> -> memref<4096xf32, #tpu.memory_space<vmem>>
      %dma_wait3A_448 = arith.constant 0 : i32
      %dma_wait3A_449 = tpu.memref_slice %arg2[%add3A_396, %dma_wait3A_448] : memref<4096x4096xf32, #tpu.memory_space<hbm>> -> memref<1x4096xf32, #tpu.memory_space<hbm>>
      %dma_wait3A_450 = tpu.memref_squeeze %dma_wait3A_449 : memref<1x4096xf32, #tpu.memory_space<hbm>> -> memref<4096xf32, #tpu.memory_space<hbm>>
      tpu.wait_dma2 semaphore(%arg9 : memref<!tpu.dma_semaphore, #tpu.memory_space<semaphore_mem>>) src(%dma_wait3A_450 : memref<4096xf32, #tpu.memory_space<hbm>>) dst(%dma_wait3A_447 : memref<4096xf32, #tpu.memory_space<vmem>>)
      %dma_wait3A_451 = arith.constant 16384 : i32
      %dma_wait3A_452 = tpu.memref_slice %arg5[%dma_wait3A_451] : memref<36880xf32, #tpu.memory_space<vmem>> -> memref<4096xf32, #tpu.memory_space<vmem>>
      %dma_wait3A_453 = arith.constant 0 : i32
      %dma_wait3A_454 = tpu.memref_slice %arg2[%add3A_398, %dma_wait3A_453] : memref<4096x4096xf32, #tpu.memory_space<hbm>> -> memref<1x4096xf32, #tpu.memory_space<hbm>>
      %dma_wait3A_455 = tpu.memref_squeeze %dma_wait3A_454 : memref<1x4096xf32, #tpu.memory_space<hbm>> -> memref<4096xf32, #tpu.memory_space<hbm>>
      %dma_wait3A_456 = arith.constant 16384 : i32
      %dma_wait3A_457 = tpu.memref_slice %arg5[%dma_wait3A_456] : memref<36880xf32, #tpu.memory_space<vmem>> -> memref<4096xf32, #tpu.memory_space<vmem>>
      %dma_wait3A_458 = arith.constant 0 : i32
      %dma_wait3A_459 = tpu.memref_slice %arg2[%add3A_398, %dma_wait3A_458] : memref<4096x4096xf32, #tpu.memory_space<hbm>> -> memref<1x4096xf32, #tpu.memory_space<hbm>>
      %dma_wait3A_460 = tpu.memref_squeeze %dma_wait3A_459 : memref<1x4096xf32, #tpu.memory_space<hbm>> -> memref<4096xf32, #tpu.memory_space<hbm>>
      tpu.wait_dma2 semaphore(%arg9 : memref<!tpu.dma_semaphore, #tpu.memory_space<semaphore_mem>>) src(%dma_wait3A_460 : memref<4096xf32, #tpu.memory_space<hbm>>) dst(%dma_wait3A_457 : memref<4096xf32, #tpu.memory_space<vmem>>)
      %dma_wait3A_461 = arith.constant 20480 : i32
      %dma_wait3A_462 = tpu.memref_slice %arg5[%dma_wait3A_461] : memref<36880xf32, #tpu.memory_space<vmem>> -> memref<4096xf32, #tpu.memory_space<vmem>>
      %dma_wait3A_463 = arith.constant 0 : i32
      %dma_wait3A_464 = tpu.memref_slice %arg2[%add3A_400, %dma_wait3A_463] : memref<4096x4096xf32, #tpu.memory_space<hbm>> -> memref<1x4096xf32, #tpu.memory_space<hbm>>
      %dma_wait3A_465 = tpu.memref_squeeze %dma_wait3A_464 : memref<1x4096xf32, #tpu.memory_space<hbm>> -> memref<4096xf32, #tpu.memory_space<hbm>>
      %dma_wait3A_466 = arith.constant 20480 : i32
      %dma_wait3A_467 = tpu.memref_slice %arg5[%dma_wait3A_466] : memref<36880xf32, #tpu.memory_space<vmem>> -> memref<4096xf32, #tpu.memory_space<vmem>>
      %dma_wait3A_468 = arith.constant 0 : i32
      %dma_wait3A_469 = tpu.memref_slice %arg2[%add3A_400, %dma_wait3A_468] : memref<4096x4096xf32, #tpu.memory_space<hbm>> -> memref<1x4096xf32, #tpu.memory_space<hbm>>
      %dma_wait3A_470 = tpu.memref_squeeze %dma_wait3A_469 : memref<1x4096xf32, #tpu.memory_space<hbm>> -> memref<4096xf32, #tpu.memory_space<hbm>>
      tpu.wait_dma2 semaphore(%arg9 : memref<!tpu.dma_semaphore, #tpu.memory_space<semaphore_mem>>) src(%dma_wait3A_470 : memref<4096xf32, #tpu.memory_space<hbm>>) dst(%dma_wait3A_467 : memref<4096xf32, #tpu.memory_space<vmem>>)
      %dma_wait3A_471 = arith.constant 24576 : i32
      %dma_wait3A_472 = tpu.memref_slice %arg5[%dma_wait3A_471] : memref<36880xf32, #tpu.memory_space<vmem>> -> memref<4096xf32, #tpu.memory_space<vmem>>
      %dma_wait3A_473 = arith.constant 0 : i32
      %dma_wait3A_474 = tpu.memref_slice %arg2[%add3A_402, %dma_wait3A_473] : memref<4096x4096xf32, #tpu.memory_space<hbm>> -> memref<1x4096xf32, #tpu.memory_space<hbm>>
      %dma_wait3A_475 = tpu.memref_squeeze %dma_wait3A_474 : memref<1x4096xf32, #tpu.memory_space<hbm>> -> memref<4096xf32, #tpu.memory_space<hbm>>
      %dma_wait3A_476 = arith.constant 24576 : i32
      %dma_wait3A_477 = tpu.memref_slice %arg5[%dma_wait3A_476] : memref<36880xf32, #tpu.memory_space<vmem>> -> memref<4096xf32, #tpu.memory_space<vmem>>
      %dma_wait3A_478 = arith.constant 0 : i32
      %dma_wait3A_479 = tpu.memref_slice %arg2[%add3A_402, %dma_wait3A_478] : memref<4096x4096xf32, #tpu.memory_space<hbm>> -> memref<1x4096xf32, #tpu.memory_space<hbm>>
      %dma_wait3A_480 = tpu.memref_squeeze %dma_wait3A_479 : memref<1x4096xf32, #tpu.memory_space<hbm>> -> memref<4096xf32, #tpu.memory_space<hbm>>
      tpu.wait_dma2 semaphore(%arg9 : memref<!tpu.dma_semaphore, #tpu.memory_space<semaphore_mem>>) src(%dma_wait3A_480 : memref<4096xf32, #tpu.memory_space<hbm>>) dst(%dma_wait3A_477 : memref<4096xf32, #tpu.memory_space<vmem>>)
      %dma_wait3A_481 = arith.constant 28672 : i32
      %dma_wait3A_482 = tpu.memref_slice %arg5[%dma_wait3A_481] : memref<36880xf32, #tpu.memory_space<vmem>> -> memref<4096xf32, #tpu.memory_space<vmem>>
      %dma_wait3A_483 = arith.constant 0 : i32
      %dma_wait3A_484 = tpu.memref_slice %arg2[%add3A_404, %dma_wait3A_483] : memref<4096x4096xf32, #tpu.memory_space<hbm>> -> memref<1x4096xf32, #tpu.memory_space<hbm>>
      %dma_wait3A_485 = tpu.memref_squeeze %dma_wait3A_484 : memref<1x4096xf32, #tpu.memory_space<hbm>> -> memref<4096xf32, #tpu.memory_space<hbm>>
      %dma_wait3A_486 = arith.constant 28672 : i32
      %dma_wait3A_487 = tpu.memref_slice %arg5[%dma_wait3A_486] : memref<36880xf32, #tpu.memory_space<vmem>> -> memref<4096xf32, #tpu.memory_space<vmem>>
      %dma_wait3A_488 = arith.constant 0 : i32
      %dma_wait3A_489 = tpu.memref_slice %arg2[%add3A_404, %dma_wait3A_488] : memref<4096x4096xf32, #tpu.memory_space<hbm>> -> memref<1x4096xf32, #tpu.memory_space<hbm>>
      %dma_wait3A_490 = tpu.memref_squeeze %dma_wait3A_489 : memref<1x4096xf32, #tpu.memory_space<hbm>> -> memref<4096xf32, #tpu.memory_space<hbm>>
      tpu.wait_dma2 semaphore(%arg9 : memref<!tpu.dma_semaphore, #tpu.memory_space<semaphore_mem>>) src(%dma_wait3A_490 : memref<4096xf32, #tpu.memory_space<hbm>>) dst(%dma_wait3A_487 : memref<4096xf32, #tpu.memory_space<vmem>>)
      %convert_element_type3A_491 = arith.extui %lt3A_410 : i1 to i32
      %cond3A_492 = arith.constant 0 : i32
      %cond3A_493 = arith.cmpi ne, %convert_element_type3A_491, %cond3A_492 : i32
      scf.if %cond3A_493 {
        %dma_wait3A_521 = arith.constant 32768 : i32
        %dma_wait3A_522 = tpu.memref_slice %arg5[%dma_wait3A_521] : memref<36880xf32, #tpu.memory_space<vmem>> -> memref<4096xf32, #tpu.memory_space<vmem>>
        %dma_wait3A_523 = arith.constant 0 : i32
        %dma_wait3A_524 = tpu.memref_slice %arg2[%add3A_406, %dma_wait3A_523] : memref<4096x4096xf32, #tpu.memory_space<hbm>> -> memref<1x4096xf32, #tpu.memory_space<hbm>>
        %dma_wait3A_525 = tpu.memref_squeeze %dma_wait3A_524 : memref<1x4096xf32, #tpu.memory_space<hbm>> -> memref<4096xf32, #tpu.memory_space<hbm>>
        %dma_wait3A_526 = arith.constant 32768 : i32
        %dma_wait3A_527 = tpu.memref_slice %arg5[%dma_wait3A_526] : memref<36880xf32, #tpu.memory_space<vmem>> -> memref<4096xf32, #tpu.memory_space<vmem>>
        %dma_wait3A_528 = arith.constant 0 : i32
        %dma_wait3A_529 = tpu.memref_slice %arg2[%add3A_406, %dma_wait3A_528] : memref<4096x4096xf32, #tpu.memory_space<hbm>> -> memref<1x4096xf32, #tpu.memory_space<hbm>>
        %dma_wait3A_530 = tpu.memref_squeeze %dma_wait3A_529 : memref<1x4096xf32, #tpu.memory_space<hbm>> -> memref<4096xf32, #tpu.memory_space<hbm>>
        tpu.wait_dma2 semaphore(%arg9 : memref<!tpu.dma_semaphore, #tpu.memory_space<semaphore_mem>>) src(%dma_wait3A_530 : memref<4096xf32, #tpu.memory_space<hbm>>) dst(%dma_wait3A_527 : memref<4096xf32, #tpu.memory_space<vmem>>)
      } else {
      }
      %add3A_494 = arith.constant 2 : i32
      %add3A_495 = arith.addi %mul3A_144, %add3A_494 : i32
      %lt3A_496 = arith.constant 16 : i32
      %lt3A_497 = arith.cmpi slt, %add3A_495, %lt3A_496 : i32
      %convert_element_type3A_498 = arith.extui %lt3A_497 : i1 to i32
      %cond3A_499 = arith.constant 0 : i32
      %cond3A_500 = arith.cmpi ne, %convert_element_type3A_498, %cond3A_499 : i32
      scf.if %cond3A_500 {
        %add3A_521 = arith.constant 2 : i32
        %add3A_522 = arith.addi %mul3A_144, %add3A_521 : i32
        %mul3A_523 = arith.constant 128 : i32
        %mul3A_524 = arith.muli %add3A, %mul3A_523 : i32
        %mul3A_525 = arith.constant 8 : i32
        %mul3A_526 = arith.muli %add3A_522, %mul3A_525 : i32
        %add3A_527 = arith.addi %mul3A_524, %mul3A_526 : i32
        %add3A_528 = arith.constant 0 : i32
        %add3A_529 = arith.addi %add3A_527, %add3A_528 : i32
        %add3A_530 = arith.constant 1 : i32
        %add3A_531 = arith.addi %add3A_527, %add3A_530 : i32
        %add3A_532 = arith.constant 2 : i32
        %add3A_533 = arith.addi %add3A_527, %add3A_532 : i32
        %add3A_534 = arith.constant 3 : i32
        %add3A_535 = arith.addi %add3A_527, %add3A_534 : i32
        %add3A_536 = arith.constant 4 : i32
        %add3A_537 = arith.addi %add3A_527, %add3A_536 : i32
        %add3A_538 = arith.constant 5 : i32
        %add3A_539 = arith.addi %add3A_527, %add3A_538 : i32
        %add3A_540 = arith.constant 6 : i32
        %add3A_541 = arith.addi %add3A_527, %add3A_540 : i32
        %add3A_542 = arith.constant 7 : i32
        %add3A_543 = arith.addi %add3A_527, %add3A_542 : i32
        %add3A_544 = arith.constant 8 : i32
        %add3A_545 = arith.addi %add3A_527, %add3A_544 : i32
        %add3A_546 = arith.constant 8 : i32
        %add3A_547 = arith.addi %add3A_527, %add3A_546 : i32
        %lt3A_548 = arith.constant 4096 : i32
        %lt3A_549 = arith.cmpi slt, %add3A_547, %lt3A_548 : i32
        %dma_start3A_550 = arith.constant 0 : i32
        %dma_start3A_551 = tpu.memref_slice %arg4[%dma_start3A_550] : memref<36880xf32, #tpu.memory_space<vmem>> -> memref<4096xf32, #tpu.memory_space<vmem>>
        %dma_start3A_552 = arith.constant 0 : i32
        %dma_start3A_553 = tpu.memref_slice %arg2[%add3A_529, %dma_start3A_552] : memref<4096x4096xf32, #tpu.memory_space<hbm>> -> memref<1x4096xf32, #tpu.memory_space<hbm>>
        %dma_start3A_554 = tpu.memref_squeeze %dma_start3A_553 : memref<1x4096xf32, #tpu.memory_space<hbm>> -> memref<4096xf32, #tpu.memory_space<hbm>>
        %dma_start3A_555 = arith.constant 0 : i32
        %dma_start3A_556 = tpu.memref_slice %arg4[%dma_start3A_555] : memref<36880xf32, #tpu.memory_space<vmem>> -> memref<4096xf32, #tpu.memory_space<vmem>>
        %dma_start3A_557 = arith.constant 0 : i32
        %dma_start3A_558 = tpu.memref_slice %arg2[%add3A_529, %dma_start3A_557] : memref<4096x4096xf32, #tpu.memory_space<hbm>> -> memref<1x4096xf32, #tpu.memory_space<hbm>>
        %dma_start3A_559 = tpu.memref_squeeze %dma_start3A_558 : memref<1x4096xf32, #tpu.memory_space<hbm>> -> memref<4096xf32, #tpu.memory_space<hbm>>
        tpu.enqueue_dma source(%dma_start3A_559 : memref<4096xf32, #tpu.memory_space<hbm>>) target(%dma_start3A_556 : memref<4096xf32, #tpu.memory_space<vmem>>) target_semaphore(%arg8 : memref<!tpu.dma_semaphore, #tpu.memory_space<semaphore_mem>>)
        %dma_start3A_560 = arith.constant 4096 : i32
        %dma_start3A_561 = tpu.memref_slice %arg4[%dma_start3A_560] : memref<36880xf32, #tpu.memory_space<vmem>> -> memref<4096xf32, #tpu.memory_space<vmem>>
        %dma_start3A_562 = arith.constant 0 : i32
        %dma_start3A_563 = tpu.memref_slice %arg2[%add3A_531, %dma_start3A_562] : memref<4096x4096xf32, #tpu.memory_space<hbm>> -> memref<1x4096xf32, #tpu.memory_space<hbm>>
        %dma_start3A_564 = tpu.memref_squeeze %dma_start3A_563 : memref<1x4096xf32, #tpu.memory_space<hbm>> -> memref<4096xf32, #tpu.memory_space<hbm>>
        %dma_start3A_565 = arith.constant 4096 : i32
        %dma_start3A_566 = tpu.memref_slice %arg4[%dma_start3A_565] : memref<36880xf32, #tpu.memory_space<vmem>> -> memref<4096xf32, #tpu.memory_space<vmem>>
        %dma_start3A_567 = arith.constant 0 : i32
        %dma_start3A_568 = tpu.memref_slice %arg2[%add3A_531, %dma_start3A_567] : memref<4096x4096xf32, #tpu.memory_space<hbm>> -> memref<1x4096xf32, #tpu.memory_space<hbm>>
        %dma_start3A_569 = tpu.memref_squeeze %dma_start3A_568 : memref<1x4096xf32, #tpu.memory_space<hbm>> -> memref<4096xf32, #tpu.memory_space<hbm>>
        tpu.enqueue_dma source(%dma_start3A_569 : memref<4096xf32, #tpu.memory_space<hbm>>) target(%dma_start3A_566 : memref<4096xf32, #tpu.memory_space<vmem>>) target_semaphore(%arg8 : memref<!tpu.dma_semaphore, #tpu.memory_space<semaphore_mem>>)
        %dma_start3A_570 = arith.constant 8192 : i32
        %dma_start3A_571 = tpu.memref_slice %arg4[%dma_start3A_570] : memref<36880xf32, #tpu.memory_space<vmem>> -> memref<4096xf32, #tpu.memory_space<vmem>>
        %dma_start3A_572 = arith.constant 0 : i32
        %dma_start3A_573 = tpu.memref_slice %arg2[%add3A_533, %dma_start3A_572] : memref<4096x4096xf32, #tpu.memory_space<hbm>> -> memref<1x4096xf32, #tpu.memory_space<hbm>>
        %dma_start3A_574 = tpu.memref_squeeze %dma_start3A_573 : memref<1x4096xf32, #tpu.memory_space<hbm>> -> memref<4096xf32, #tpu.memory_space<hbm>>
        %dma_start3A_575 = arith.constant 8192 : i32
        %dma_start3A_576 = tpu.memref_slice %arg4[%dma_start3A_575] : memref<36880xf32, #tpu.memory_space<vmem>> -> memref<4096xf32, #tpu.memory_space<vmem>>
        %dma_start3A_577 = arith.constant 0 : i32
        %dma_start3A_578 = tpu.memref_slice %arg2[%add3A_533, %dma_start3A_577] : memref<4096x4096xf32, #tpu.memory_space<hbm>> -> memref<1x4096xf32, #tpu.memory_space<hbm>>
        %dma_start3A_579 = tpu.memref_squeeze %dma_start3A_578 : memref<1x4096xf32, #tpu.memory_space<hbm>> -> memref<4096xf32, #tpu.memory_space<hbm>>
        tpu.enqueue_dma source(%dma_start3A_579 : memref<4096xf32, #tpu.memory_space<hbm>>) target(%dma_start3A_576 : memref<4096xf32, #tpu.memory_space<vmem>>) target_semaphore(%arg8 : memref<!tpu.dma_semaphore, #tpu.memory_space<semaphore_mem>>)
        %dma_start3A_580 = arith.constant 12288 : i32
        %dma_start3A_581 = tpu.memref_slice %arg4[%dma_start3A_580] : memref<36880xf32, #tpu.memory_space<vmem>> -> memref<4096xf32, #tpu.memory_space<vmem>>
        %dma_start3A_582 = arith.constant 0 : i32
        %dma_start3A_583 = tpu.memref_slice %arg2[%add3A_535, %dma_start3A_582] : memref<4096x4096xf32, #tpu.memory_space<hbm>> -> memref<1x4096xf32, #tpu.memory_space<hbm>>
        %dma_start3A_584 = tpu.memref_squeeze %dma_start3A_583 : memref<1x4096xf32, #tpu.memory_space<hbm>> -> memref<4096xf32, #tpu.memory_space<hbm>>
        %dma_start3A_585 = arith.constant 12288 : i32
        %dma_start3A_586 = tpu.memref_slice %arg4[%dma_start3A_585] : memref<36880xf32, #tpu.memory_space<vmem>> -> memref<4096xf32, #tpu.memory_space<vmem>>
        %dma_start3A_587 = arith.constant 0 : i32
        %dma_start3A_588 = tpu.memref_slice %arg2[%add3A_535, %dma_start3A_587] : memref<4096x4096xf32, #tpu.memory_space<hbm>> -> memref<1x4096xf32, #tpu.memory_space<hbm>>
        %dma_start3A_589 = tpu.memref_squeeze %dma_start3A_588 : memref<1x4096xf32, #tpu.memory_space<hbm>> -> memref<4096xf32, #tpu.memory_space<hbm>>
        tpu.enqueue_dma source(%dma_start3A_589 : memref<4096xf32, #tpu.memory_space<hbm>>) target(%dma_start3A_586 : memref<4096xf32, #tpu.memory_space<vmem>>) target_semaphore(%arg8 : memref<!tpu.dma_semaphore, #tpu.memory_space<semaphore_mem>>)
        %dma_start3A_590 = arith.constant 16384 : i32
        %dma_start3A_591 = tpu.memref_slice %arg4[%dma_start3A_590] : memref<36880xf32, #tpu.memory_space<vmem>> -> memref<4096xf32, #tpu.memory_space<vmem>>
        %dma_start3A_592 = arith.constant 0 : i32
        %dma_start3A_593 = tpu.memref_slice %arg2[%add3A_537, %dma_start3A_592] : memref<4096x4096xf32, #tpu.memory_space<hbm>> -> memref<1x4096xf32, #tpu.memory_space<hbm>>
        %dma_start3A_594 = tpu.memref_squeeze %dma_start3A_593 : memref<1x4096xf32, #tpu.memory_space<hbm>> -> memref<4096xf32, #tpu.memory_space<hbm>>
        %dma_start3A_595 = arith.constant 16384 : i32
        %dma_start3A_596 = tpu.memref_slice %arg4[%dma_start3A_595] : memref<36880xf32, #tpu.memory_space<vmem>> -> memref<4096xf32, #tpu.memory_space<vmem>>
        %dma_start3A_597 = arith.constant 0 : i32
        %dma_start3A_598 = tpu.memref_slice %arg2[%add3A_537, %dma_start3A_597] : memref<4096x4096xf32, #tpu.memory_space<hbm>> -> memref<1x4096xf32, #tpu.memory_space<hbm>>
        %dma_start3A_599 = tpu.memref_squeeze %dma_start3A_598 : memref<1x4096xf32, #tpu.memory_space<hbm>> -> memref<4096xf32, #tpu.memory_space<hbm>>
        tpu.enqueue_dma source(%dma_start3A_599 : memref<4096xf32, #tpu.memory_space<hbm>>) target(%dma_start3A_596 : memref<4096xf32, #tpu.memory_space<vmem>>) target_semaphore(%arg8 : memref<!tpu.dma_semaphore, #tpu.memory_space<semaphore_mem>>)
        %dma_start3A_600 = arith.constant 20480 : i32
        %dma_start3A_601 = tpu.memref_slice %arg4[%dma_start3A_600] : memref<36880xf32, #tpu.memory_space<vmem>> -> memref<4096xf32, #tpu.memory_space<vmem>>
        %dma_start3A_602 = arith.constant 0 : i32
        %dma_start3A_603 = tpu.memref_slice %arg2[%add3A_539, %dma_start3A_602] : memref<4096x4096xf32, #tpu.memory_space<hbm>> -> memref<1x4096xf32, #tpu.memory_space<hbm>>
        %dma_start3A_604 = tpu.memref_squeeze %dma_start3A_603 : memref<1x4096xf32, #tpu.memory_space<hbm>> -> memref<4096xf32, #tpu.memory_space<hbm>>
        %dma_start3A_605 = arith.constant 20480 : i32
        %dma_start3A_606 = tpu.memref_slice %arg4[%dma_start3A_605] : memref<36880xf32, #tpu.memory_space<vmem>> -> memref<4096xf32, #tpu.memory_space<vmem>>
        %dma_start3A_607 = arith.constant 0 : i32
        %dma_start3A_608 = tpu.memref_slice %arg2[%add3A_539, %dma_start3A_607] : memref<4096x4096xf32, #tpu.memory_space<hbm>> -> memref<1x4096xf32, #tpu.memory_space<hbm>>
        %dma_start3A_609 = tpu.memref_squeeze %dma_start3A_608 : memref<1x4096xf32, #tpu.memory_space<hbm>> -> memref<4096xf32, #tpu.memory_space<hbm>>
        tpu.enqueue_dma source(%dma_start3A_609 : memref<4096xf32, #tpu.memory_space<hbm>>) target(%dma_start3A_606 : memref<4096xf32, #tpu.memory_space<vmem>>) target_semaphore(%arg8 : memref<!tpu.dma_semaphore, #tpu.memory_space<semaphore_mem>>)
        %dma_start3A_610 = arith.constant 24576 : i32
        %dma_start3A_611 = tpu.memref_slice %arg4[%dma_start3A_610] : memref<36880xf32, #tpu.memory_space<vmem>> -> memref<4096xf32, #tpu.memory_space<vmem>>
        %dma_start3A_612 = arith.constant 0 : i32
        %dma_start3A_613 = tpu.memref_slice %arg2[%add3A_541, %dma_start3A_612] : memref<4096x4096xf32, #tpu.memory_space<hbm>> -> memref<1x4096xf32, #tpu.memory_space<hbm>>
        %dma_start3A_614 = tpu.memref_squeeze %dma_start3A_613 : memref<1x4096xf32, #tpu.memory_space<hbm>> -> memref<4096xf32, #tpu.memory_space<hbm>>
        %dma_start3A_615 = arith.constant 24576 : i32
        %dma_start3A_616 = tpu.memref_slice %arg4[%dma_start3A_615] : memref<36880xf32, #tpu.memory_space<vmem>> -> memref<4096xf32, #tpu.memory_space<vmem>>
        %dma_start3A_617 = arith.constant 0 : i32
        %dma_start3A_618 = tpu.memref_slice %arg2[%add3A_541, %dma_start3A_617] : memref<4096x4096xf32, #tpu.memory_space<hbm>> -> memref<1x4096xf32, #tpu.memory_space<hbm>>
        %dma_start3A_619 = tpu.memref_squeeze %dma_start3A_618 : memref<1x4096xf32, #tpu.memory_space<hbm>> -> memref<4096xf32, #tpu.memory_space<hbm>>
        tpu.enqueue_dma source(%dma_start3A_619 : memref<4096xf32, #tpu.memory_space<hbm>>) target(%dma_start3A_616 : memref<4096xf32, #tpu.memory_space<vmem>>) target_semaphore(%arg8 : memref<!tpu.dma_semaphore, #tpu.memory_space<semaphore_mem>>)
        %dma_start3A_620 = arith.constant 28672 : i32
        %dma_start3A_621 = tpu.memref_slice %arg4[%dma_start3A_620] : memref<36880xf32, #tpu.memory_space<vmem>> -> memref<4096xf32, #tpu.memory_space<vmem>>
        %dma_start3A_622 = arith.constant 0 : i32
        %dma_start3A_623 = tpu.memref_slice %arg2[%add3A_543, %dma_start3A_622] : memref<4096x4096xf32, #tpu.memory_space<hbm>> -> memref<1x4096xf32, #tpu.memory_space<hbm>>
        %dma_start3A_624 = tpu.memref_squeeze %dma_start3A_623 : memref<1x4096xf32, #tpu.memory_space<hbm>> -> memref<4096xf32, #tpu.memory_space<hbm>>
        %dma_start3A_625 = arith.constant 28672 : i32
        %dma_start3A_626 = tpu.memref_slice %arg4[%dma_start3A_625] : memref<36880xf32, #tpu.memory_space<vmem>> -> memref<4096xf32, #tpu.memory_space<vmem>>
        %dma_start3A_627 = arith.constant 0 : i32
        %dma_start3A_628 = tpu.memref_slice %arg2[%add3A_543, %dma_start3A_627] : memref<4096x4096xf32, #tpu.memory_space<hbm>> -> memref<1x4096xf32, #tpu.memory_space<hbm>>
        %dma_start3A_629 = tpu.memref_squeeze %dma_start3A_628 : memref<1x4096xf32, #tpu.memory_space<hbm>> -> memref<4096xf32, #tpu.memory_space<hbm>>
        tpu.enqueue_dma source(%dma_start3A_629 : memref<4096xf32, #tpu.memory_space<hbm>>) target(%dma_start3A_626 : memref<4096xf32, #tpu.memory_space<vmem>>) target_semaphore(%arg8 : memref<!tpu.dma_semaphore, #tpu.memory_space<semaphore_mem>>)
        %convert_element_type3A_630 = arith.extui %lt3A_549 : i1 to i32
        %cond3A_631 = arith.constant 0 : i32
        %cond3A_632 = arith.cmpi ne, %convert_element_type3A_630, %cond3A_631 : i32
        scf.if %cond3A_632 {
          %dma_start3A_633 = arith.constant 32768 : i32
          %dma_start3A_634 = tpu.memref_slice %arg4[%dma_start3A_633] : memref<36880xf32, #tpu.memory_space<vmem>> -> memref<4096xf32, #tpu.memory_space<vmem>>
          %dma_start3A_635 = arith.constant 0 : i32
          %dma_start3A_636 = tpu.memref_slice %arg2[%add3A_545, %dma_start3A_635] : memref<4096x4096xf32, #tpu.memory_space<hbm>> -> memref<1x4096xf32, #tpu.memory_space<hbm>>
          %dma_start3A_637 = tpu.memref_squeeze %dma_start3A_636 : memref<1x4096xf32, #tpu.memory_space<hbm>> -> memref<4096xf32, #tpu.memory_space<hbm>>
          %dma_start3A_638 = arith.constant 32768 : i32
          %dma_start3A_639 = tpu.memref_slice %arg4[%dma_start3A_638] : memref<36880xf32, #tpu.memory_space<vmem>> -> memref<4096xf32, #tpu.memory_space<vmem>>
          %dma_start3A_640 = arith.constant 0 : i32
          %dma_start3A_641 = tpu.memref_slice %arg2[%add3A_545, %dma_start3A_640] : memref<4096x4096xf32, #tpu.memory_space<hbm>> -> memref<1x4096xf32, #tpu.memory_space<hbm>>
          %dma_start3A_642 = tpu.memref_squeeze %dma_start3A_641 : memref<1x4096xf32, #tpu.memory_space<hbm>> -> memref<4096xf32, #tpu.memory_space<hbm>>
          tpu.enqueue_dma source(%dma_start3A_642 : memref<4096xf32, #tpu.memory_space<hbm>>) target(%dma_start3A_639 : memref<4096xf32, #tpu.memory_space<vmem>>) target_semaphore(%arg8 : memref<!tpu.dma_semaphore, #tpu.memory_space<semaphore_mem>>)
        } else {
        }
      } else {
      }
      %barrier3A_501 = arith.constant 0 : index
      tpu.barrier barrier_id(%barrier3A_501)
      %add3A_502 = arith.constant 1 : i32
      %add3A_503 = arith.addi %mul3A_144, %add3A_502 : i32
      %mul3A_504 = arith.constant 128 : i32
      %mul3A_505 = arith.muli %add3A, %mul3A_504 : i32
      %mul3A_506 = arith.constant 8 : i32
      %mul3A_507 = arith.muli %add3A_503, %mul3A_506 : i32
      %add3A_508 = arith.addi %mul3A_505, %mul3A_507 : i32
      %add3A_509 = arith.constant 8 : i32
      %add3A_510 = arith.addi %add3A_508, %add3A_509 : i32
      %lt3A_511 = arith.constant 4096 : i32
      %lt3A_512 = arith.cmpi slt, %add3A_510, %lt3A_511 : i32
      %convert_element_type3A_513 = arith.extui %lt3A_512 : i1 to i32
      %cond3A_514 = arith.constant 0 : i32
      %cond3A_515 = arith.cmpi ne, %convert_element_type3A_513, %cond3A_514 : i32
      scf.if %cond3A_515 {
        %get3A = arith.constant 0 : index
        %get3A_521 = tpu.vector_load %arg5[%get3A] {strides = array<i32>} : memref<36880xf32, #tpu.memory_space<vmem>>, vector<16xf32>,
        %mul3A_522 = arith.constant 1.023000e+03 : f32
        %mul3A_523 = vector.broadcast %mul3A_522 : f32 to vector<16xf32>
        %mul3A_524 = arith.mulf %get3A_521, %mul3A_523 : vector<16xf32>
        %convert_element_type3A_525 = arith.fptosi %mul3A_524 : vector<16xf32> to vector<16xi32>
        %convert_element_type3A_526 = arith.sitofp %convert_element_type3A_525 : vector<16xi32> to vector<16xf32>
        %lt3A_527 = arith.cmpf olt, %convert_element_type3A_526, %mul3A_524 : vector<16xf32>
        %add3A_528 = arith.constant 1 : i32
        %add3A_529 = vector.broadcast %add3A_528 : i32 to vector<16xi32>
        %add3A_530 = arith.addi %convert_element_type3A_525, %add3A_529 : vector<16xi32>
        %select_n3A = arith.select %lt3A_527, %add3A_530, %convert_element_type3A_525 : vector<16xi1>, vector<16xi32>
        %shift_left3A = arith.constant 4 : i32
        %shift_left3A_531 = vector.broadcast %shift_left3A : i32 to vector<16xi32>
        %shift_left3A_532 = arith.shli %select_n3A, %shift_left3A_531 : vector<16xi32>
        %or3A = arith.ori %shift_left3A_532, %iota3A : vector<16xi32>
        %bitcast3A = vector.bitcast %or3A : vector<16xi32> to vector<16xi32>
        %get3A_533 = arith.constant 4096 : index
        %get3A_534 = tpu.vector_load %arg5[%get3A_533] {strides = array<i32>} : memref<36880xf32, #tpu.memory_space<vmem>>, vector<16xf32>,
        %mul3A_535 = arith.constant 1.023000e+03 : f32
        %mul3A_536 = vector.broadcast %mul3A_535 : f32 to vector<16xf32>
        %mul3A_537 = arith.mulf %get3A_534, %mul3A_536 : vector<16xf32>
        %convert_element_type3A_538 = arith.fptosi %mul3A_537 : vector<16xf32> to vector<16xi32>
        %convert_element_type3A_539 = arith.sitofp %convert_element_type3A_538 : vector<16xi32> to vector<16xf32>
        %lt3A_540 = arith.cmpf olt, %convert_element_type3A_539, %mul3A_537 : vector<16xf32>
        %add3A_541 = arith.constant 1 : i32
        %add3A_542 = vector.broadcast %add3A_541 : i32 to vector<16xi32>
        %add3A_543 = arith.addi %convert_element_type3A_538, %add3A_542 : vector<16xi32>
        %select_n3A_544 = arith.select %lt3A_540, %add3A_543, %convert_element_type3A_538 : vector<16xi1>, vector<16xi32>
        %shift_left3A_545 = arith.constant 4 : i32
        %shift_left3A_546 = vector.broadcast %shift_left3A_545 : i32 to vector<16xi32>
        %shift_left3A_547 = arith.shli %select_n3A_544, %shift_left3A_546 : vector<16xi32>
        %or3A_548 = arith.ori %shift_left3A_547, %iota3A : vector<16xi32>
        %bitcast3A_549 = vector.bitcast %or3A_548 : vector<16xi32> to vector<16xi32>
        %get3A_550 = arith.constant 8192 : index
        %get3A_551 = tpu.vector_load %arg5[%get3A_550] {strides = array<i32>} : memref<36880xf32, #tpu.memory_space<vmem>>, vector<16xf32>,
        %mul3A_552 = arith.constant 1.023000e+03 : f32
        %mul3A_553 = vector.broadcast %mul3A_552 : f32 to vector<16xf32>
        %mul3A_554 = arith.mulf %get3A_551, %mul3A_553 : vector<16xf32>
        %convert_element_type3A_555 = arith.fptosi %mul3A_554 : vector<16xf32> to vector<16xi32>
        %convert_element_type3A_556 = arith.sitofp %convert_element_type3A_555 : vector<16xi32> to vector<16xf32>
        %lt3A_557 = arith.cmpf olt, %convert_element_type3A_556, %mul3A_554 : vector<16xf32>
        %add3A_558 = arith.constant 1 : i32
        %add3A_559 = vector.broadcast %add3A_558 : i32 to vector<16xi32>
        %add3A_560 = arith.addi %convert_element_type3A_555, %add3A_559 : vector<16xi32>
        %select_n3A_561 = arith.select %lt3A_557, %add3A_560, %convert_element_type3A_555 : vector<16xi1>, vector<16xi32>
        %shift_left3A_562 = arith.constant 4 : i32
        %shift_left3A_563 = vector.broadcast %shift_left3A_562 : i32 to vector<16xi32>
        %shift_left3A_564 = arith.shli %select_n3A_561, %shift_left3A_563 : vector<16xi32>
        %or3A_565 = arith.ori %shift_left3A_564, %iota3A : vector<16xi32>
        %bitcast3A_566 = vector.bitcast %or3A_565 : vector<16xi32> to vector<16xi32>
        %get3A_567 = arith.constant 12288 : index
        %get3A_568 = tpu.vector_load %arg5[%get3A_567] {strides = array<i32>} : memref<36880xf32, #tpu.memory_space<vmem>>, vector<16xf32>,
        %mul3A_569 = arith.constant 1.023000e+03 : f32
        %mul3A_570 = vector.broadcast %mul3A_569 : f32 to vector<16xf32>
        %mul3A_571 = arith.mulf %get3A_568, %mul3A_570 : vector<16xf32>
        %convert_element_type3A_572 = arith.fptosi %mul3A_571 : vector<16xf32> to vector<16xi32>
        %convert_element_type3A_573 = arith.sitofp %convert_element_type3A_572 : vector<16xi32> to vector<16xf32>
        %lt3A_574 = arith.cmpf olt, %convert_element_type3A_573, %mul3A_571 : vector<16xf32>
        %add3A_575 = arith.constant 1 : i32
        %add3A_576 = vector.broadcast %add3A_575 : i32 to vector<16xi32>
        %add3A_577 = arith.addi %convert_element_type3A_572, %add3A_576 : vector<16xi32>
        %select_n3A_578 = arith.select %lt3A_574, %add3A_577, %convert_element_type3A_572 : vector<16xi1>, vector<16xi32>
        %shift_left3A_579 = arith.constant 4 : i32
        %shift_left3A_580 = vector.broadcast %shift_left3A_579 : i32 to vector<16xi32>
        %shift_left3A_581 = arith.shli %select_n3A_578, %shift_left3A_580 : vector<16xi32>
        %or3A_582 = arith.ori %shift_left3A_581, %iota3A : vector<16xi32>
        %bitcast3A_583 = vector.bitcast %or3A_582 : vector<16xi32> to vector<16xi32>
        %get3A_584 = arith.constant 16384 : index
        %get3A_585 = tpu.vector_load %arg5[%get3A_584] {strides = array<i32>} : memref<36880xf32, #tpu.memory_space<vmem>>, vector<16xf32>,
        %mul3A_586 = arith.constant 1.023000e+03 : f32
        %mul3A_587 = vector.broadcast %mul3A_586 : f32 to vector<16xf32>
        %mul3A_588 = arith.mulf %get3A_585, %mul3A_587 : vector<16xf32>
        %convert_element_type3A_589 = arith.fptosi %mul3A_588 : vector<16xf32> to vector<16xi32>
        %convert_element_type3A_590 = arith.sitofp %convert_element_type3A_589 : vector<16xi32> to vector<16xf32>
        %lt3A_591 = arith.cmpf olt, %convert_element_type3A_590, %mul3A_588 : vector<16xf32>
        %add3A_592 = arith.constant 1 : i32
        %add3A_593 = vector.broadcast %add3A_592 : i32 to vector<16xi32>
        %add3A_594 = arith.addi %convert_element_type3A_589, %add3A_593 : vector<16xi32>
        %select_n3A_595 = arith.select %lt3A_591, %add3A_594, %convert_element_type3A_589 : vector<16xi1>, vector<16xi32>
        %shift_left3A_596 = arith.constant 4 : i32
        %shift_left3A_597 = vector.broadcast %shift_left3A_596 : i32 to vector<16xi32>
        %shift_left3A_598 = arith.shli %select_n3A_595, %shift_left3A_597 : vector<16xi32>
        %or3A_599 = arith.ori %shift_left3A_598, %iota3A : vector<16xi32>
        %bitcast3A_600 = vector.bitcast %or3A_599 : vector<16xi32> to vector<16xi32>
        %parallel_loop3A = arith.constant 1 : i32
        %parallel_loop3A_601 = arith.constant 256 : i32
        %parallel_loop3A_602 = arith.constant 1 : i32
        %parallel_loop3A_603:5 = scf.for %parallel_loop3A_912 = %parallel_loop3A to %parallel_loop3A_601 step %parallel_loop3A_602 iter_args(%parallel_loop3A_913 = %bitcast3A, %parallel_loop3A_914 = %bitcast3A_549, %parallel_loop3A_915 = %bitcast3A_566, %parallel_loop3A_916 = %bitcast3A_583, %parallel_loop3A_917 = %bitcast3A_600) -> (vector<16xi32>, vector<16xi32>, vector<16xi32>, vector<16xi32>, vector<16xi32>)  : i32 {
          %parallel_loop3A_918 = arith.constant 16 : i32
          %parallel_loop3A_919 = arith.muli %parallel_loop3A_912, %parallel_loop3A_918 : i32
          %parallel_loop3A_920 = arith.constant 0 : i32
          %parallel_loop3A_921 = arith.addi %parallel_loop3A_919, %parallel_loop3A_920 : i32
          %parallel_loop3A_922 = arith.index_cast %parallel_loop3A_921 : i32 to index
          %parallel_loop3A_923 = tpu.vector_load %arg5[%parallel_loop3A_922] {strides = array<i32>} : memref<36880xf32, #tpu.memory_space<vmem>>, vector<16xf32>,
          %parallel_loop3A_924 = arith.constant 1.023000e+03 : f32
          %parallel_loop3A_925 = vector.broadcast %parallel_loop3A_924 : f32 to vector<16xf32>
          %parallel_loop3A_926 = arith.mulf %parallel_loop3A_923, %parallel_loop3A_925 : vector<16xf32>
          %parallel_loop3A_927 = arith.fptosi %parallel_loop3A_926 : vector<16xf32> to vector<16xi32>
          %parallel_loop3A_928 = arith.sitofp %parallel_loop3A_927 : vector<16xi32> to vector<16xf32>
          %parallel_loop3A_929 = arith.cmpf olt, %parallel_loop3A_928, %parallel_loop3A_926 : vector<16xf32>
          %parallel_loop3A_930 = arith.constant 1 : i32
          %parallel_loop3A_931 = vector.broadcast %parallel_loop3A_930 : i32 to vector<16xi32>
          %parallel_loop3A_932 = arith.addi %parallel_loop3A_927, %parallel_loop3A_931 : vector<16xi32>
          %parallel_loop3A_933 = arith.select %parallel_loop3A_929, %parallel_loop3A_932, %parallel_loop3A_927 : vector<16xi1>, vector<16xi32>
          %parallel_loop3A_934 = arith.constant 4 : i32
          %parallel_loop3A_935 = vector.broadcast %parallel_loop3A_934 : i32 to vector<16xi32>
          %parallel_loop3A_936 = arith.shli %parallel_loop3A_933, %parallel_loop3A_935 : vector<16xi32>
          %parallel_loop3A_937 = arith.ori %parallel_loop3A_936, %iota3A : vector<16xi32>
          %parallel_loop3A_938 = vector.bitcast %parallel_loop3A_937 : vector<16xi32> to vector<16xi32>
          %parallel_loop3A_939 = arith.constant 4096 : i32
          %parallel_loop3A_940 = arith.addi %parallel_loop3A_919, %parallel_loop3A_939 : i32
          %parallel_loop3A_941 = arith.index_cast %parallel_loop3A_940 : i32 to index
          %parallel_loop3A_942 = tpu.vector_load %arg5[%parallel_loop3A_941] {strides = array<i32>} : memref<36880xf32, #tpu.memory_space<vmem>>, vector<16xf32>,
          %parallel_loop3A_943 = arith.constant 1.023000e+03 : f32
          %parallel_loop3A_944 = vector.broadcast %parallel_loop3A_943 : f32 to vector<16xf32>
          %parallel_loop3A_945 = arith.mulf %parallel_loop3A_942, %parallel_loop3A_944 : vector<16xf32>
          %parallel_loop3A_946 = arith.fptosi %parallel_loop3A_945 : vector<16xf32> to vector<16xi32>
          %parallel_loop3A_947 = arith.sitofp %parallel_loop3A_946 : vector<16xi32> to vector<16xf32>
          %parallel_loop3A_948 = arith.cmpf olt, %parallel_loop3A_947, %parallel_loop3A_945 : vector<16xf32>
          %parallel_loop3A_949 = arith.constant 1 : i32
          %parallel_loop3A_950 = vector.broadcast %parallel_loop3A_949 : i32 to vector<16xi32>
          %parallel_loop3A_951 = arith.addi %parallel_loop3A_946, %parallel_loop3A_950 : vector<16xi32>
          %parallel_loop3A_952 = arith.select %parallel_loop3A_948, %parallel_loop3A_951, %parallel_loop3A_946 : vector<16xi1>, vector<16xi32>
          %parallel_loop3A_953 = arith.constant 4 : i32
          %parallel_loop3A_954 = vector.broadcast %parallel_loop3A_953 : i32 to vector<16xi32>
          %parallel_loop3A_955 = arith.shli %parallel_loop3A_952, %parallel_loop3A_954 : vector<16xi32>
          %parallel_loop3A_956 = arith.ori %parallel_loop3A_955, %iota3A : vector<16xi32>
          %parallel_loop3A_957 = vector.bitcast %parallel_loop3A_956 : vector<16xi32> to vector<16xi32>
          %parallel_loop3A_958 = arith.constant 8192 : i32
          %parallel_loop3A_959 = arith.addi %parallel_loop3A_919, %parallel_loop3A_958 : i32
          %parallel_loop3A_960 = arith.index_cast %parallel_loop3A_959 : i32 to index
          %parallel_loop3A_961 = tpu.vector_load %arg5[%parallel_loop3A_960] {strides = array<i32>} : memref<36880xf32, #tpu.memory_space<vmem>>, vector<16xf32>,
          %parallel_loop3A_962 = arith.constant 1.023000e+03 : f32
          %parallel_loop3A_963 = vector.broadcast %parallel_loop3A_962 : f32 to vector<16xf32>
          %parallel_loop3A_964 = arith.mulf %parallel_loop3A_961, %parallel_loop3A_963 : vector<16xf32>
          %parallel_loop3A_965 = arith.fptosi %parallel_loop3A_964 : vector<16xf32> to vector<16xi32>
          %parallel_loop3A_966 = arith.sitofp %parallel_loop3A_965 : vector<16xi32> to vector<16xf32>
          %parallel_loop3A_967 = arith.cmpf olt, %parallel_loop3A_966, %parallel_loop3A_964 : vector<16xf32>
          %parallel_loop3A_968 = arith.constant 1 : i32
          %parallel_loop3A_969 = vector.broadcast %parallel_loop3A_968 : i32 to vector<16xi32>
          %parallel_loop3A_970 = arith.addi %parallel_loop3A_965, %parallel_loop3A_969 : vector<16xi32>
          %parallel_loop3A_971 = arith.select %parallel_loop3A_967, %parallel_loop3A_970, %parallel_loop3A_965 : vector<16xi1>, vector<16xi32>
          %parallel_loop3A_972 = arith.constant 4 : i32
          %parallel_loop3A_973 = vector.broadcast %parallel_loop3A_972 : i32 to vector<16xi32>
          %parallel_loop3A_974 = arith.shli %parallel_loop3A_971, %parallel_loop3A_973 : vector<16xi32>
          %parallel_loop3A_975 = arith.ori %parallel_loop3A_974, %iota3A : vector<16xi32>
          %parallel_loop3A_976 = vector.bitcast %parallel_loop3A_975 : vector<16xi32> to vector<16xi32>
          %parallel_loop3A_977 = arith.constant 12288 : i32
          %parallel_loop3A_978 = arith.addi %parallel_loop3A_919, %parallel_loop3A_977 : i32
          %parallel_loop3A_979 = arith.index_cast %parallel_loop3A_978 : i32 to index
          %parallel_loop3A_980 = tpu.vector_load %arg5[%parallel_loop3A_979] {strides = array<i32>} : memref<36880xf32, #tpu.memory_space<vmem>>, vector<16xf32>,
          %parallel_loop3A_981 = arith.constant 1.023000e+03 : f32
          %parallel_loop3A_982 = vector.broadcast %parallel_loop3A_981 : f32 to vector<16xf32>
          %parallel_loop3A_983 = arith.mulf %parallel_loop3A_980, %parallel_loop3A_982 : vector<16xf32>
          %parallel_loop3A_984 = arith.fptosi %parallel_loop3A_983 : vector<16xf32> to vector<16xi32>
          %parallel_loop3A_985 = arith.sitofp %parallel_loop3A_984 : vector<16xi32> to vector<16xf32>
          %parallel_loop3A_986 = arith.cmpf olt, %parallel_loop3A_985, %parallel_loop3A_983 : vector<16xf32>
          %parallel_loop3A_987 = arith.constant 1 : i32
          %parallel_loop3A_988 = vector.broadcast %parallel_loop3A_987 : i32 to vector<16xi32>
          %parallel_loop3A_989 = arith.addi %parallel_loop3A_984, %parallel_loop3A_988 : vector<16xi32>
          %parallel_loop3A_990 = arith.select %parallel_loop3A_986, %parallel_loop3A_989, %parallel_loop3A_984 : vector<16xi1>, vector<16xi32>
          %parallel_loop3A_991 = arith.constant 4 : i32
          %parallel_loop3A_992 = vector.broadcast %parallel_loop3A_991 : i32 to vector<16xi32>
          %parallel_loop3A_993 = arith.shli %parallel_loop3A_990, %parallel_loop3A_992 : vector<16xi32>
          %parallel_loop3A_994 = arith.ori %parallel_loop3A_993, %iota3A : vector<16xi32>
          %parallel_loop3A_995 = vector.bitcast %parallel_loop3A_994 : vector<16xi32> to vector<16xi32>
          %parallel_loop3A_996 = arith.constant 16384 : i32
          %parallel_loop3A_997 = arith.addi %parallel_loop3A_919, %parallel_loop3A_996 : i32
          %parallel_loop3A_998 = arith.index_cast %parallel_loop3A_997 : i32 to index
          %parallel_loop3A_999 = tpu.vector_load %arg5[%parallel_loop3A_998] {strides = array<i32>} : memref<36880xf32, #tpu.memory_space<vmem>>, vector<16xf32>,
          %parallel_loop3A_1000 = arith.constant 1.023000e+03 : f32
          %parallel_loop3A_1001 = vector.broadcast %parallel_loop3A_1000 : f32 to vector<16xf32>
          %parallel_loop3A_1002 = arith.mulf %parallel_loop3A_999, %parallel_loop3A_1001 : vector<16xf32>
          %parallel_loop3A_1003 = arith.fptosi %parallel_loop3A_1002 : vector<16xf32> to vector<16xi32>
          %parallel_loop3A_1004 = arith.sitofp %parallel_loop3A_1003 : vector<16xi32> to vector<16xf32>
          %parallel_loop3A_1005 = arith.cmpf olt, %parallel_loop3A_1004, %parallel_loop3A_1002 : vector<16xf32>
          %parallel_loop3A_1006 = arith.constant 1 : i32
          %parallel_loop3A_1007 = vector.broadcast %parallel_loop3A_1006 : i32 to vector<16xi32>
          %parallel_loop3A_1008 = arith.addi %parallel_loop3A_1003, %parallel_loop3A_1007 : vector<16xi32>
          %parallel_loop3A_1009 = arith.select %parallel_loop3A_1005, %parallel_loop3A_1008, %parallel_loop3A_1003 : vector<16xi1>, vector<16xi32>
          %parallel_loop3A_1010 = arith.constant 4 : i32
          %parallel_loop3A_1011 = vector.broadcast %parallel_loop3A_1010 : i32 to vector<16xi32>
          %parallel_loop3A_1012 = arith.shli %parallel_loop3A_1009, %parallel_loop3A_1011 : vector<16xi32>
          %parallel_loop3A_1013 = arith.ori %parallel_loop3A_1012, %iota3A : vector<16xi32>
          %parallel_loop3A_1014 = vector.bitcast %parallel_loop3A_1013 : vector<16xi32> to vector<16xi32>
          %parallel_loop3A_1015 = arith.constant 0 : i32
          %parallel_loop3A_1016 = vector.broadcast %parallel_loop3A_1015 : i32 to vector<16xi32>
          %parallel_loop3A_1017 = arith.cmpi slt, %min3A_13, %parallel_loop3A_1016 : vector<16xi32>
          %parallel_loop3A_1018 = arith.constant 16 : i32
          %parallel_loop3A_1019 = vector.broadcast %parallel_loop3A_1018 : i32 to vector<16xi32>
          %parallel_loop3A_1020 = arith.addi %min3A_13, %parallel_loop3A_1019 : vector<16xi32>
          %parallel_loop3A_1021 = arith.select %parallel_loop3A_1017, %parallel_loop3A_1020, %min3A_13 : vector<16xi1>, vector<16xi32>
          %parallel_loop3A_1022 = vector.shape_cast %parallel_loop3A_1021 : vector<16xi32> to vector<16x1xi32>
          %parallel_loop3A_1023 = vector.shape_cast %parallel_loop3A_1022 : vector<16x1xi32> to vector<16xi32>
          %parallel_loop3A_1024 = tpu.dynamic_gather %parallel_loop3A_913[%parallel_loop3A_1023] in [0] : vector<16xi32>, vector<16xi32> -> vector<16xi32>
          %parallel_loop3A_1025 = arith.constant 0 : i32
          %parallel_loop3A_1026 = vector.broadcast %parallel_loop3A_1025 : i32 to vector<16xi32>
          %parallel_loop3A_1027 = arith.cmpi slt, %broadcast_in_dim3A_15, %parallel_loop3A_1026 : vector<16xi32>
          %parallel_loop3A_1028 = arith.constant 16 : i32
          %parallel_loop3A_1029 = vector.broadcast %parallel_loop3A_1028 : i32 to vector<16xi32>
          %parallel_loop3A_1030 = arith.addi %broadcast_in_dim3A_15, %parallel_loop3A_1029 : vector<16xi32>
          %parallel_loop3A_1031 = arith.select %parallel_loop3A_1027, %parallel_loop3A_1030, %broadcast_in_dim3A_15 : vector<16xi1>, vector<16xi32>
          %parallel_loop3A_1032 = vector.shape_cast %parallel_loop3A_1031 : vector<16xi32> to vector<16x1xi32>
          %parallel_loop3A_1033 = vector.shape_cast %parallel_loop3A_1032 : vector<16x1xi32> to vector<16xi32>
          %parallel_loop3A_1034 = tpu.dynamic_gather %parallel_loop3A_938[%parallel_loop3A_1033] in [0] : vector<16xi32>, vector<16xi32> -> vector<16xi32>
          %parallel_loop3A_1035 = arith.select %lt3A_8, %parallel_loop3A_1024, %parallel_loop3A_1034 : vector<16xi1>, vector<16xi32>
          %parallel_loop3A_1036 = arith.constant 0 : i32
          %parallel_loop3A_1037 = vector.broadcast %parallel_loop3A_1036 : i32 to vector<16xi32>
          %parallel_loop3A_1038 = arith.cmpi slt, %min3A_13, %parallel_loop3A_1037 : vector<16xi32>
          %parallel_loop3A_1039 = arith.constant 16 : i32
          %parallel_loop3A_1040 = vector.broadcast %parallel_loop3A_1039 : i32 to vector<16xi32>
          %parallel_loop3A_1041 = arith.addi %min3A_13, %parallel_loop3A_1040 : vector<16xi32>
          %parallel_loop3A_1042 = arith.select %parallel_loop3A_1038, %parallel_loop3A_1041, %min3A_13 : vector<16xi1>, vector<16xi32>
          %parallel_loop3A_1043 = vector.shape_cast %parallel_loop3A_1042 : vector<16xi32> to vector<16x1xi32>
          %parallel_loop3A_1044 = vector.shape_cast %parallel_loop3A_1043 : vector<16x1xi32> to vector<16xi32>
          %parallel_loop3A_1045 = tpu.dynamic_gather %parallel_loop3A_914[%parallel_loop3A_1044] in [0] : vector<16xi32>, vector<16xi32> -> vector<16xi32>
          %parallel_loop3A_1046 = arith.constant 0 : i32
          %parallel_loop3A_1047 = vector.broadcast %parallel_loop3A_1046 : i32 to vector<16xi32>
          %parallel_loop3A_1048 = arith.cmpi slt, %broadcast_in_dim3A_15, %parallel_loop3A_1047 : vector<16xi32>
          %parallel_loop3A_1049 = arith.constant 16 : i32
          %parallel_loop3A_1050 = vector.broadcast %parallel_loop3A_1049 : i32 to vector<16xi32>
          %parallel_loop3A_1051 = arith.addi %broadcast_in_dim3A_15, %parallel_loop3A_1050 : vector<16xi32>
          %parallel_loop3A_1052 = arith.select %parallel_loop3A_1048, %parallel_loop3A_1051, %broadcast_in_dim3A_15 : vector<16xi1>, vector<16xi32>
          %parallel_loop3A_1053 = vector.shape_cast %parallel_loop3A_1052 : vector<16xi32> to vector<16x1xi32>
          %parallel_loop3A_1054 = vector.shape_cast %parallel_loop3A_1053 : vector<16x1xi32> to vector<16xi32>
          %parallel_loop3A_1055 = tpu.dynamic_gather %parallel_loop3A_957[%parallel_loop3A_1054] in [0] : vector<16xi32>, vector<16xi32> -> vector<16xi32>
          %parallel_loop3A_1056 = arith.select %lt3A_8, %parallel_loop3A_1045, %parallel_loop3A_1055 : vector<16xi1>, vector<16xi32>
          %parallel_loop3A_1057 = arith.constant 0 : i32
          %parallel_loop3A_1058 = vector.broadcast %parallel_loop3A_1057 : i32 to vector<16xi32>
          %parallel_loop3A_1059 = arith.cmpi slt, %min3A_13, %parallel_loop3A_1058 : vector<16xi32>
          %parallel_loop3A_1060 = arith.constant 16 : i32
          %parallel_loop3A_1061 = vector.broadcast %parallel_loop3A_1060 : i32 to vector<16xi32>
          %parallel_loop3A_1062 = arith.addi %min3A_13, %parallel_loop3A_1061 : vector<16xi32>
          %parallel_loop3A_1063 = arith.select %parallel_loop3A_1059, %parallel_loop3A_1062, %min3A_13 : vector<16xi1>, vector<16xi32>
          %parallel_loop3A_1064 = vector.shape_cast %parallel_loop3A_1063 : vector<16xi32> to vector<16x1xi32>
          %parallel_loop3A_1065 = vector.shape_cast %parallel_loop3A_1064 : vector<16x1xi32> to vector<16xi32>
          %parallel_loop3A_1066 = tpu.dynamic_gather %parallel_loop3A_915[%parallel_loop3A_1065] in [0] : vector<16xi32>, vector<16xi32> -> vector<16xi32>
          %parallel_loop3A_1067 = arith.constant 0 : i32
          %parallel_loop3A_1068 = vector.broadcast %parallel_loop3A_1067 : i32 to vector<16xi32>
          %parallel_loop3A_1069 = arith.cmpi slt, %broadcast_in_dim3A_15, %parallel_loop3A_1068 : vector<16xi32>
          %parallel_loop3A_1070 = arith.constant 16 : i32
          %parallel_loop3A_1071 = vector.broadcast %parallel_loop3A_1070 : i32 to vector<16xi32>
          %parallel_loop3A_1072 = arith.addi %broadcast_in_dim3A_15, %parallel_loop3A_1071 : vector<16xi32>
          %parallel_loop3A_1073 = arith.select %parallel_loop3A_1069, %parallel_loop3A_1072, %broadcast_in_dim3A_15 : vector<16xi1>, vector<16xi32>
          %parallel_loop3A_1074 = vector.shape_cast %parallel_loop3A_1073 : vector<16xi32> to vector<16x1xi32>
          %parallel_loop3A_1075 = vector.shape_cast %parallel_loop3A_1074 : vector<16x1xi32> to vector<16xi32>
          %parallel_loop3A_1076 = tpu.dynamic_gather %parallel_loop3A_976[%parallel_loop3A_1075] in [0] : vector<16xi32>, vector<16xi32> -> vector<16xi32>
          %parallel_loop3A_1077 = arith.select %lt3A_8, %parallel_loop3A_1066, %parallel_loop3A_1076 : vector<16xi1>, vector<16xi32>
          %parallel_loop3A_1078 = arith.constant 0 : i32
          %parallel_loop3A_1079 = vector.broadcast %parallel_loop3A_1078 : i32 to vector<16xi32>
          %parallel_loop3A_1080 = arith.cmpi slt, %min3A_13, %parallel_loop3A_1079 : vector<16xi32>
          %parallel_loop3A_1081 = arith.constant 16 : i32
          %parallel_loop3A_1082 = vector.broadcast %parallel_loop3A_1081 : i32 to vector<16xi32>
          %parallel_loop3A_1083 = arith.addi %min3A_13, %parallel_loop3A_1082 : vector<16xi32>
          %parallel_loop3A_1084 = arith.select %parallel_loop3A_1080, %parallel_loop3A_1083, %min3A_13 : vector<16xi1>, vector<16xi32>
          %parallel_loop3A_1085 = vector.shape_cast %parallel_loop3A_1084 : vector<16xi32> to vector<16x1xi32>
          %parallel_loop3A_1086 = vector.shape_cast %parallel_loop3A_1085 : vector<16x1xi32> to vector<16xi32>
          %parallel_loop3A_1087 = tpu.dynamic_gather %parallel_loop3A_916[%parallel_loop3A_1086] in [0] : vector<16xi32>, vector<16xi32> -> vector<16xi32>
          %parallel_loop3A_1088 = arith.constant 0 : i32
          %parallel_loop3A_1089 = vector.broadcast %parallel_loop3A_1088 : i32 to vector<16xi32>
          %parallel_loop3A_1090 = arith.cmpi slt, %broadcast_in_dim3A_15, %parallel_loop3A_1089 : vector<16xi32>
          %parallel_loop3A_1091 = arith.constant 16 : i32
          %parallel_loop3A_1092 = vector.broadcast %parallel_loop3A_1091 : i32 to vector<16xi32>
          %parallel_loop3A_1093 = arith.addi %broadcast_in_dim3A_15, %parallel_loop3A_1092 : vector<16xi32>
          %parallel_loop3A_1094 = arith.select %parallel_loop3A_1090, %parallel_loop3A_1093, %broadcast_in_dim3A_15 : vector<16xi1>, vector<16xi32>
          %parallel_loop3A_1095 = vector.shape_cast %parallel_loop3A_1094 : vector<16xi32> to vector<16x1xi32>
          %parallel_loop3A_1096 = vector.shape_cast %parallel_loop3A_1095 : vector<16x1xi32> to vector<16xi32>
          %parallel_loop3A_1097 = tpu.dynamic_gather %parallel_loop3A_995[%parallel_loop3A_1096] in [0] : vector<16xi32>, vector<16xi32> -> vector<16xi32>
          %parallel_loop3A_1098 = arith.select %lt3A_8, %parallel_loop3A_1087, %parallel_loop3A_1097 : vector<16xi1>, vector<16xi32>
          %parallel_loop3A_1099 = arith.constant 0 : i32
          %parallel_loop3A_1100 = vector.broadcast %parallel_loop3A_1099 : i32 to vector<16xi32>
          %parallel_loop3A_1101 = arith.cmpi slt, %min3A_13, %parallel_loop3A_1100 : vector<16xi32>
          %parallel_loop3A_1102 = arith.constant 16 : i32
          %parallel_loop3A_1103 = vector.broadcast %parallel_loop3A_1102 : i32 to vector<16xi32>
          %parallel_loop3A_1104 = arith.addi %min3A_13, %parallel_loop3A_1103 : vector<16xi32>
          %parallel_loop3A_1105 = arith.select %parallel_loop3A_1101, %parallel_loop3A_1104, %min3A_13 : vector<16xi1>, vector<16xi32>
          %parallel_loop3A_1106 = vector.shape_cast %parallel_loop3A_1105 : vector<16xi32> to vector<16x1xi32>
          %parallel_loop3A_1107 = vector.shape_cast %parallel_loop3A_1106 : vector<16x1xi32> to vector<16xi32>
          %parallel_loop3A_1108 = tpu.dynamic_gather %parallel_loop3A_917[%parallel_loop3A_1107] in [0] : vector<16xi32>, vector<16xi32> -> vector<16xi32>
          %parallel_loop3A_1109 = arith.constant 0 : i32
          %parallel_loop3A_1110 = vector.broadcast %parallel_loop3A_1109 : i32 to vector<16xi32>
          %parallel_loop3A_1111 = arith.cmpi slt, %broadcast_in_dim3A_15, %parallel_loop3A_1110 : vector<16xi32>
          %parallel_loop3A_1112 = arith.constant 16 : i32
          %parallel_loop3A_1113 = vector.broadcast %parallel_loop3A_1112 : i32 to vector<16xi32>
          %parallel_loop3A_1114 = arith.addi %broadcast_in_dim3A_15, %parallel_loop3A_1113 : vector<16xi32>
          %parallel_loop3A_1115 = arith.select %parallel_loop3A_1111, %parallel_loop3A_1114, %broadcast_in_dim3A_15 : vector<16xi1>, vector<16xi32>
          %parallel_loop3A_1116 = vector.shape_cast %parallel_loop3A_1115 : vector<16xi32> to vector<16x1xi32>
          %parallel_loop3A_1117 = vector.shape_cast %parallel_loop3A_1116 : vector<16x1xi32> to vector<16xi32>
          %parallel_loop3A_1118 = tpu.dynamic_gather %parallel_loop3A_1014[%parallel_loop3A_1117] in [0] : vector<16xi32>, vector<16xi32> -> vector<16xi32>
          %parallel_loop3A_1119 = arith.select %lt3A_8, %parallel_loop3A_1108, %parallel_loop3A_1118 : vector<16xi1>, vector<16xi32>
          %parallel_loop3A_1120 = arith.maxui %parallel_loop3A_913, %parallel_loop3A_1035 : vector<16xi32>
          %parallel_loop3A_1121 = arith.maxui %parallel_loop3A_914, %parallel_loop3A_1056 : vector<16xi32>
          %parallel_loop3A_1122 = arith.maxui %parallel_loop3A_915, %parallel_loop3A_1077 : vector<16xi32>
          %parallel_loop3A_1123 = arith.maxui %parallel_loop3A_916, %parallel_loop3A_1098 : vector<16xi32>
          %parallel_loop3A_1124 = arith.maxui %parallel_loop3A_917, %parallel_loop3A_1119 : vector<16xi32>
          %parallel_loop3A_1125 = arith.maxui %parallel_loop3A_913, %parallel_loop3A_914 : vector<16xi32>
          %parallel_loop3A_1126 = arith.maxui %parallel_loop3A_1120, %parallel_loop3A_1121 : vector<16xi32>
          %parallel_loop3A_1127 = vector.bitcast %parallel_loop3A_913 : vector<16xi32> to vector<16xi32>
          tpu.vector_store_idx %arg6[%parallel_loop3A_1127], %broadcast_in_dim3A_2 {add = true} : memref<16384xi32, #tpu.memory_space<vmem>>[vector<16xi32>], vector<16xi32>,
          %parallel_loop3A_1128 = vector.bitcast %parallel_loop3A_1125 : vector<16xi32> to vector<16xi32>
          tpu.vector_store_idx %arg6[%parallel_loop3A_1128], %neg3A_4 {add = true} : memref<16384xi32, #tpu.memory_space<vmem>>[vector<16xi32>], vector<16xi32>,
          %parallel_loop3A_1129 = arith.constant -16 : i32
          %parallel_loop3A_1130 = vector.broadcast %parallel_loop3A_1129 : i32 to vector<16xi32>
          %parallel_loop3A_1131 = arith.andi %parallel_loop3A_1120, %parallel_loop3A_1130 : vector<16xi32>
          %parallel_loop3A_1132 = arith.ori %parallel_loop3A_1131, %iota3A_1 : vector<16xi32>
          %parallel_loop3A_1133 = vector.bitcast %parallel_loop3A_1132 : vector<16xi32> to vector<16xi32>
          tpu.vector_store_idx %arg6[%parallel_loop3A_1133], %neg3A_4 {add = true} : memref<16384xi32, #tpu.memory_space<vmem>>[vector<16xi32>], vector<16xi32>,
          %parallel_loop3A_1134 = arith.constant -16 : i32
          %parallel_loop3A_1135 = vector.broadcast %parallel_loop3A_1134 : i32 to vector<16xi32>
          %parallel_loop3A_1136 = arith.andi %parallel_loop3A_1126, %parallel_loop3A_1135 : vector<16xi32>
          %parallel_loop3A_1137 = arith.ori %parallel_loop3A_1136, %iota3A_1 : vector<16xi32>
          %parallel_loop3A_1138 = vector.bitcast %parallel_loop3A_1137 : vector<16xi32> to vector<16xi32>
          tpu.vector_store_idx %arg6[%parallel_loop3A_1138], %broadcast_in_dim3A_2 {add = true} : memref<16384xi32, #tpu.memory_space<vmem>>[vector<16xi32>], vector<16xi32>,
          %parallel_loop3A_1139 = arith.maxui %parallel_loop3A_914, %parallel_loop3A_915 : vector<16xi32>
          %parallel_loop3A_1140 = arith.maxui %parallel_loop3A_1121, %parallel_loop3A_1122 : vector<16xi32>
          %parallel_loop3A_1141 = vector.bitcast %parallel_loop3A_914 : vector<16xi32> to vector<16xi32>
          tpu.vector_store_idx %arg6[%parallel_loop3A_1141], %broadcast_in_dim3A_2 {add = true} : memref<16384xi32, #tpu.memory_space<vmem>>[vector<16xi32>], vector<16xi32>,
          %parallel_loop3A_1142 = vector.bitcast %parallel_loop3A_1139 : vector<16xi32> to vector<16xi32>
          tpu.vector_store_idx %arg6[%parallel_loop3A_1142], %neg3A_4 {add = true} : memref<16384xi32, #tpu.memory_space<vmem>>[vector<16xi32>], vector<16xi32>,
          %parallel_loop3A_1143 = arith.constant -16 : i32
          %parallel_loop3A_1144 = vector.broadcast %parallel_loop3A_1143 : i32 to vector<16xi32>
          %parallel_loop3A_1145 = arith.andi %parallel_loop3A_1121, %parallel_loop3A_1144 : vector<16xi32>
          %parallel_loop3A_1146 = arith.ori %parallel_loop3A_1145, %iota3A_1 : vector<16xi32>
          %parallel_loop3A_1147 = vector.bitcast %parallel_loop3A_1146 : vector<16xi32> to vector<16xi32>
          tpu.vector_store_idx %arg6[%parallel_loop3A_1147], %neg3A_4 {add = true} : memref<16384xi32, #tpu.memory_space<vmem>>[vector<16xi32>], vector<16xi32>,
          %parallel_loop3A_1148 = arith.constant -16 : i32
          %parallel_loop3A_1149 = vector.broadcast %parallel_loop3A_1148 : i32 to vector<16xi32>
          %parallel_loop3A_1150 = arith.andi %parallel_loop3A_1140, %parallel_loop3A_1149 : vector<16xi32>
          %parallel_loop3A_1151 = arith.ori %parallel_loop3A_1150, %iota3A_1 : vector<16xi32>
          %parallel_loop3A_1152 = vector.bitcast %parallel_loop3A_1151 : vector<16xi32> to vector<16xi32>
          tpu.vector_store_idx %arg6[%parallel_loop3A_1152], %broadcast_in_dim3A_2 {add = true} : memref<16384xi32, #tpu.memory_space<vmem>>[vector<16xi32>], vector<16xi32>,
          %parallel_loop3A_1153 = arith.maxui %parallel_loop3A_915, %parallel_loop3A_916 : vector<16xi32>
          %parallel_loop3A_1154 = arith.maxui %parallel_loop3A_1122, %parallel_loop3A_1123 : vector<16xi32>
          %parallel_loop3A_1155 = vector.bitcast %parallel_loop3A_915 : vector<16xi32> to vector<16xi32>
          tpu.vector_store_idx %arg6[%parallel_loop3A_1155], %broadcast_in_dim3A_2 {add = true} : memref<16384xi32, #tpu.memory_space<vmem>>[vector<16xi32>], vector<16xi32>,
          %parallel_loop3A_1156 = vector.bitcast %parallel_loop3A_1153 : vector<16xi32> to vector<16xi32>
          tpu.vector_store_idx %arg6[%parallel_loop3A_1156], %neg3A_4 {add = true} : memref<16384xi32, #tpu.memory_space<vmem>>[vector<16xi32>], vector<16xi32>,
          %parallel_loop3A_1157 = arith.constant -16 : i32
          %parallel_loop3A_1158 = vector.broadcast %parallel_loop3A_1157 : i32 to vector<16xi32>
          %parallel_loop3A_1159 = arith.andi %parallel_loop3A_1122, %parallel_loop3A_1158 : vector<16xi32>
          %parallel_loop3A_1160 = arith.ori %parallel_loop3A_1159, %iota3A_1 : vector<16xi32>
          %parallel_loop3A_1161 = vector.bitcast %parallel_loop3A_1160 : vector<16xi32> to vector<16xi32>
          tpu.vector_store_idx %arg6[%parallel_loop3A_1161], %neg3A_4 {add = true} : memref<16384xi32, #tpu.memory_space<vmem>>[vector<16xi32>], vector<16xi32>,
          %parallel_loop3A_1162 = arith.constant -16 : i32
          %parallel_loop3A_1163 = vector.broadcast %parallel_loop3A_1162 : i32 to vector<16xi32>
          %parallel_loop3A_1164 = arith.andi %parallel_loop3A_1154, %parallel_loop3A_1163 : vector<16xi32>
          %parallel_loop3A_1165 = arith.ori %parallel_loop3A_1164, %iota3A_1 : vector<16xi32>
          %parallel_loop3A_1166 = vector.bitcast %parallel_loop3A_1165 : vector<16xi32> to vector<16xi32>
          tpu.vector_store_idx %arg6[%parallel_loop3A_1166], %broadcast_in_dim3A_2 {add = true} : memref<16384xi32, #tpu.memory_space<vmem>>[vector<16xi32>], vector<16xi32>,
          %parallel_loop3A_1167 = arith.maxui %parallel_loop3A_916, %parallel_loop3A_917 : vector<16xi32>
          %parallel_loop3A_1168 = arith.maxui %parallel_loop3A_1123, %parallel_loop3A_1124 : vector<16xi32>
          %parallel_loop3A_1169 = vector.bitcast %parallel_loop3A_916 : vector<16xi32> to vector<16xi32>
          tpu.vector_store_idx %arg6[%parallel_loop3A_1169], %broadcast_in_dim3A_2 {add = true} : memref<16384xi32, #tpu.memory_space<vmem>>[vector<16xi32>], vector<16xi32>,
          %parallel_loop3A_1170 = vector.bitcast %parallel_loop3A_1167 : vector<16xi32> to vector<16xi32>
          tpu.vector_store_idx %arg6[%parallel_loop3A_1170], %neg3A_4 {add = true} : memref<16384xi32, #tpu.memory_space<vmem>>[vector<16xi32>], vector<16xi32>,
          %parallel_loop3A_1171 = arith.constant -16 : i32
          %parallel_loop3A_1172 = vector.broadcast %parallel_loop3A_1171 : i32 to vector<16xi32>
          %parallel_loop3A_1173 = arith.andi %parallel_loop3A_1123, %parallel_loop3A_1172 : vector<16xi32>
          %parallel_loop3A_1174 = arith.ori %parallel_loop3A_1173, %iota3A_1 : vector<16xi32>
          %parallel_loop3A_1175 = vector.bitcast %parallel_loop3A_1174 : vector<16xi32> to vector<16xi32>
          tpu.vector_store_idx %arg6[%parallel_loop3A_1175], %neg3A_4 {add = true} : memref<16384xi32, #tpu.memory_space<vmem>>[vector<16xi32>], vector<16xi32>,
          %parallel_loop3A_1176 = arith.constant -16 : i32
          %parallel_loop3A_1177 = vector.broadcast %parallel_loop3A_1176 : i32 to vector<16xi32>
          %parallel_loop3A_1178 = arith.andi %parallel_loop3A_1168, %parallel_loop3A_1177 : vector<16xi32>
          %parallel_loop3A_1179 = arith.ori %parallel_loop3A_1178, %iota3A_1 : vector<16xi32>
          %parallel_loop3A_1180 = vector.bitcast %parallel_loop3A_1179 : vector<16xi32> to vector<16xi32>
          tpu.vector_store_idx %arg6[%parallel_loop3A_1180], %broadcast_in_dim3A_2 {add = true} : memref<16384xi32, #tpu.memory_space<vmem>>[vector<16xi32>], vector<16xi32>,
          scf.yield %parallel_loop3A_938, %parallel_loop3A_957, %parallel_loop3A_976, %parallel_loop3A_995, %parallel_loop3A_1014 : vector<16xi32>, vector<16xi32>, vector<16xi32>, vector<16xi32>, vector<16xi32>
        } {sc.loop_unroll_factor = 1 : i64, sc.parallel_access}
        %lt3A_604 = arith.constant 0 : i32
        %lt3A_605 = vector.broadcast %lt3A_604 : i32 to vector<16xi32>
        %lt3A_606 = arith.cmpi slt, %min3A_13, %lt3A_605 : vector<16xi32>
        %add3A_607 = arith.constant 16 : i32
        %add3A_608 = vector.broadcast %add3A_607 : i32 to vector<16xi32>
        %add3A_609 = arith.addi %min3A_13, %add3A_608 : vector<16xi32>
        %select_n3A_610 = arith.select %lt3A_606, %add3A_609, %min3A_13 : vector<16xi1>, vector<16xi32>
        %broadcast_in_dim3A_611 = vector.shape_cast %select_n3A_610 : vector<16xi32> to vector<16x1xi32>
        %gather3A = vector.shape_cast %broadcast_in_dim3A_611 : vector<16x1xi32> to vector<16xi32>
        %gather3A_612 = tpu.dynamic_gather %parallel_loop3A_603#0[%gather3A] in [0] : vector<16xi32>, vector<16xi32> -> vector<16xi32>
        %lt3A_613 = arith.constant 0 : i32
        %lt3A_614 = vector.broadcast %lt3A_613 : i32 to vector<16xi32>
        %lt3A_615 = arith.cmpi slt, %min3A_13, %lt3A_614 : vector<16xi32>
        %add3A_616 = arith.constant 16 : i32
        %add3A_617 = vector.broadcast %add3A_616 : i32 to vector<16xi32>
        %add3A_618 = arith.addi %min3A_13, %add3A_617 : vector<16xi32>
        %select_n3A_619 = arith.select %lt3A_615, %add3A_618, %min3A_13 : vector<16xi1>, vector<16xi32>
        %broadcast_in_dim3A_620 = vector.shape_cast %select_n3A_619 : vector<16xi32> to vector<16x1xi32>
        %gather3A_621 = vector.shape_cast %broadcast_in_dim3A_620 : vector<16x1xi32> to vector<16xi32>
        %gather3A_622 = tpu.dynamic_gather %parallel_loop3A_603#1[%gather3A_621] in [0] : vector<16xi32>, vector<16xi32> -> vector<16xi32>
        %lt3A_623 = arith.constant 0 : i32
        %lt3A_624 = vector.broadcast %lt3A_623 : i32 to vector<16xi32>
        %lt3A_625 = arith.cmpi slt, %min3A_13, %lt3A_624 : vector<16xi32>
        %add3A_626 = arith.constant 16 : i32
        %add3A_627 = vector.broadcast %add3A_626 : i32 to vector<16xi32>
        %add3A_628 = arith.addi %min3A_13, %add3A_627 : vector<16xi32>
        %select_n3A_629 = arith.select %lt3A_625, %add3A_628, %min3A_13 : vector<16xi1>, vector<16xi32>
        %broadcast_in_dim3A_630 = vector.shape_cast %select_n3A_629 : vector<16xi32> to vector<16x1xi32>
        %gather3A_631 = vector.shape_cast %broadcast_in_dim3A_630 : vector<16x1xi32> to vector<16xi32>
        %gather3A_632 = tpu.dynamic_gather %parallel_loop3A_603#2[%gather3A_631] in [0] : vector<16xi32>, vector<16xi32> -> vector<16xi32>
        %lt3A_633 = arith.constant 0 : i32
        %lt3A_634 = vector.broadcast %lt3A_633 : i32 to vector<16xi32>
        %lt3A_635 = arith.cmpi slt, %min3A_13, %lt3A_634 : vector<16xi32>
        %add3A_636 = arith.constant 16 : i32
        %add3A_637 = vector.broadcast %add3A_636 : i32 to vector<16xi32>
        %add3A_638 = arith.addi %min3A_13, %add3A_637 : vector<16xi32>
        %select_n3A_639 = arith.select %lt3A_635, %add3A_638, %min3A_13 : vector<16xi1>, vector<16xi32>
        %broadcast_in_dim3A_640 = vector.shape_cast %select_n3A_639 : vector<16xi32> to vector<16x1xi32>
        %gather3A_641 = vector.shape_cast %broadcast_in_dim3A_640 : vector<16x1xi32> to vector<16xi32>
        %gather3A_642 = tpu.dynamic_gather %parallel_loop3A_603#3[%gather3A_641] in [0] : vector<16xi32>, vector<16xi32> -> vector<16xi32>
        %lt3A_643 = arith.constant 0 : i32
        %lt3A_644 = vector.broadcast %lt3A_643 : i32 to vector<16xi32>
        %lt3A_645 = arith.cmpi slt, %min3A_13, %lt3A_644 : vector<16xi32>
        %add3A_646 = arith.constant 16 : i32
        %add3A_647 = vector.broadcast %add3A_646 : i32 to vector<16xi32>
        %add3A_648 = arith.addi %min3A_13, %add3A_647 : vector<16xi32>
        %select_n3A_649 = arith.select %lt3A_645, %add3A_648, %min3A_13 : vector<16xi1>, vector<16xi32>
        %broadcast_in_dim3A_650 = vector.shape_cast %select_n3A_649 : vector<16xi32> to vector<16x1xi32>
        %gather3A_651 = vector.shape_cast %broadcast_in_dim3A_650 : vector<16x1xi32> to vector<16xi32>
        %gather3A_652 = tpu.dynamic_gather %parallel_loop3A_603#4[%gather3A_651] in [0] : vector<16xi32>, vector<16xi32> -> vector<16xi32>
        %max3A = arith.maxui %parallel_loop3A_603#0, %gather3A_612 : vector<16xi32>
        %max3A_653 = arith.maxui %parallel_loop3A_603#1, %gather3A_622 : vector<16xi32>
        %max3A_654 = arith.maxui %parallel_loop3A_603#2, %gather3A_632 : vector<16xi32>
        %max3A_655 = arith.maxui %parallel_loop3A_603#3, %gather3A_642 : vector<16xi32>
        %max3A_656 = arith.maxui %parallel_loop3A_603#4, %gather3A_652 : vector<16xi32>
        %max3A_657 = arith.maxui %parallel_loop3A_603#0, %parallel_loop3A_603#1 : vector<16xi32>
        %max3A_658 = arith.maxui %max3A, %max3A_653 : vector<16xi32>
        %bitcast3A_659 = vector.bitcast %parallel_loop3A_603#0 : vector<16xi32> to vector<16xi32>
        tpu.vector_store_idx %arg6[%bitcast3A_659], %broadcast_in_dim3A_2 {add = true} : memref<16384xi32, #tpu.memory_space<vmem>>[vector<16xi32>], vector<16xi32>,
        %bitcast3A_660 = vector.bitcast %max3A_657 : vector<16xi32> to vector<16xi32>
        tpu.vector_store_idx %arg6[%bitcast3A_660], %neg3A_4 {add = true} : memref<16384xi32, #tpu.memory_space<vmem>>[vector<16xi32>], vector<16xi32>,
        %and3A = arith.constant -16 : i32
        %and3A_661 = vector.broadcast %and3A : i32 to vector<16xi32>
        %and3A_662 = arith.andi %max3A, %and3A_661 : vector<16xi32>
        %or3A_663 = arith.ori %and3A_662, %iota3A_1 : vector<16xi32>
        %bitcast3A_664 = vector.bitcast %or3A_663 : vector<16xi32> to vector<16xi32>
        tpu.vector_store_idx %arg6[%bitcast3A_664], %neg3A_4 masked %lt3A_8 {add = true} : memref<16384xi32, #tpu.memory_space<vmem>>[vector<16xi32>], vector<16xi32>, vector<16xi1>
        %and3A_665 = arith.constant -16 : i32
        %and3A_666 = vector.broadcast %and3A_665 : i32 to vector<16xi32>
        %and3A_667 = arith.andi %max3A_658, %and3A_666 : vector<16xi32>
        %or3A_668 = arith.ori %and3A_667, %iota3A_1 : vector<16xi32>
        %bitcast3A_669 = vector.bitcast %or3A_668 : vector<16xi32> to vector<16xi32>
        tpu.vector_store_idx %arg6[%bitcast3A_669], %broadcast_in_dim3A_2 masked %lt3A_8 {add = true} : memref<16384xi32, #tpu.memory_space<vmem>>[vector<16xi32>], vector<16xi32>, vector<16xi1>
        %max3A_670 = arith.maxui %parallel_loop3A_603#1, %parallel_loop3A_603#2 : vector<16xi32>
        %max3A_671 = arith.maxui %max3A_653, %max3A_654 : vector<16xi32>
        %bitcast3A_672 = vector.bitcast %parallel_loop3A_603#1 : vector<16xi32> to vector<16xi32>
        tpu.vector_store_idx %arg6[%bitcast3A_672], %broadcast_in_dim3A_2 {add = true} : memref<16384xi32, #tpu.memory_space<vmem>>[vector<16xi32>], vector<16xi32>,
        %bitcast3A_673 = vector.bitcast %max3A_670 : vector<16xi32> to vector<16xi32>
        tpu.vector_store_idx %arg6[%bitcast3A_673], %neg3A_4 {add = true} : memref<16384xi32, #tpu.memory_space<vmem>>[vector<16xi32>], vector<16xi32>,
        %and3A_674 = arith.constant -16 : i32
        %and3A_675 = vector.broadcast %and3A_674 : i32 to vector<16xi32>
        %and3A_676 = arith.andi %max3A_653, %and3A_675 : vector<16xi32>
        %or3A_677 = arith.ori %and3A_676, %iota3A_1 : vector<16xi32>
        %bitcast3A_678 = vector.bitcast %or3A_677 : vector<16xi32> to vector<16xi32>
        tpu.vector_store_idx %arg6[%bitcast3A_678], %neg3A_4 masked %lt3A_8 {add = true} : memref<16384xi32, #tpu.memory_space<vmem>>[vector<16xi32>], vector<16xi32>, vector<16xi1>
        %and3A_679 = arith.constant -16 : i32
        %and3A_680 = vector.broadcast %and3A_679 : i32 to vector<16xi32>
        %and3A_681 = arith.andi %max3A_671, %and3A_680 : vector<16xi32>
        %or3A_682 = arith.ori %and3A_681, %iota3A_1 : vector<16xi32>
        %bitcast3A_683 = vector.bitcast %or3A_682 : vector<16xi32> to vector<16xi32>
        tpu.vector_store_idx %arg6[%bitcast3A_683], %broadcast_in_dim3A_2 masked %lt3A_8 {add = true} : memref<16384xi32, #tpu.memory_space<vmem>>[vector<16xi32>], vector<16xi32>, vector<16xi1>
        %max3A_684 = arith.maxui %parallel_loop3A_603#2, %parallel_loop3A_603#3 : vector<16xi32>
        %max3A_685 = arith.maxui %max3A_654, %max3A_655 : vector<16xi32>
        %bitcast3A_686 = vector.bitcast %parallel_loop3A_603#2 : vector<16xi32> to vector<16xi32>
        tpu.vector_store_idx %arg6[%bitcast3A_686], %broadcast_in_dim3A_2 {add = true} : memref<16384xi32, #tpu.memory_space<vmem>>[vector<16xi32>], vector<16xi32>,
        %bitcast3A_687 = vector.bitcast %max3A_684 : vector<16xi32> to vector<16xi32>
        tpu.vector_store_idx %arg6[%bitcast3A_687], %neg3A_4 {add = true} : memref<16384xi32, #tpu.memory_space<vmem>>[vector<16xi32>], vector<16xi32>,
        %and3A_688 = arith.constant -16 : i32
        %and3A_689 = vector.broadcast %and3A_688 : i32 to vector<16xi32>
        %and3A_690 = arith.andi %max3A_654, %and3A_689 : vector<16xi32>
        %or3A_691 = arith.ori %and3A_690, %iota3A_1 : vector<16xi32>
        %bitcast3A_692 = vector.bitcast %or3A_691 : vector<16xi32> to vector<16xi32>
        tpu.vector_store_idx %arg6[%bitcast3A_692], %neg3A_4 masked %lt3A_8 {add = true} : memref<16384xi32, #tpu.memory_space<vmem>>[vector<16xi32>], vector<16xi32>, vector<16xi1>
        %and3A_693 = arith.constant -16 : i32
        %and3A_694 = vector.broadcast %and3A_693 : i32 to vector<16xi32>
        %and3A_695 = arith.andi %max3A_685, %and3A_694 : vector<16xi32>
        %or3A_696 = arith.ori %and3A_695, %iota3A_1 : vector<16xi32>
        %bitcast3A_697 = vector.bitcast %or3A_696 : vector<16xi32> to vector<16xi32>
        tpu.vector_store_idx %arg6[%bitcast3A_697], %broadcast_in_dim3A_2 masked %lt3A_8 {add = true} : memref<16384xi32, #tpu.memory_space<vmem>>[vector<16xi32>], vector<16xi32>, vector<16xi1>
        %max3A_698 = arith.maxui %parallel_loop3A_603#3, %parallel_loop3A_603#4 : vector<16xi32>
        %max3A_699 = arith.maxui %max3A_655, %max3A_656 : vector<16xi32>
        %bitcast3A_700 = vector.bitcast %parallel_loop3A_603#3 : vector<16xi32> to vector<16xi32>
        tpu.vector_store_idx %arg6[%bitcast3A_700], %broadcast_in_dim3A_2 {add = true} : memref<16384xi32, #tpu.memory_space<vmem>>[vector<16xi32>], vector<16xi32>,
        %bitcast3A_701 = vector.bitcast %max3A_698 : vector<16xi32> to vector<16xi32>
        tpu.vector_store_idx %arg6[%bitcast3A_701], %neg3A_4 {add = true} : memref<16384xi32, #tpu.memory_space<vmem>>[vector<16xi32>], vector<16xi32>,
        %and3A_702 = arith.constant -16 : i32
        %and3A_703 = vector.broadcast %and3A_702 : i32 to vector<16xi32>
        %and3A_704 = arith.andi %max3A_655, %and3A_703 : vector<16xi32>
        %or3A_705 = arith.ori %and3A_704, %iota3A_1 : vector<16xi32>
        %bitcast3A_706 = vector.bitcast %or3A_705 : vector<16xi32> to vector<16xi32>
        tpu.vector_store_idx %arg6[%bitcast3A_706], %neg3A_4 masked %lt3A_8 {add = true} : memref<16384xi32, #tpu.memory_space<vmem>>[vector<16xi32>], vector<16xi32>, vector<16xi1>
        %and3A_707 = arith.constant -16 : i32
        %and3A_708 = vector.broadcast %and3A_707 : i32 to vector<16xi32>
        %and3A_709 = arith.andi %max3A_699, %and3A_708 : vector<16xi32>
        %or3A_710 = arith.ori %and3A_709, %iota3A_1 : vector<16xi32>
        %bitcast3A_711 = vector.bitcast %or3A_710 : vector<16xi32> to vector<16xi32>
        tpu.vector_store_idx %arg6[%bitcast3A_711], %broadcast_in_dim3A_2 masked %lt3A_8 {add = true} : memref<16384xi32, #tpu.memory_space<vmem>>[vector<16xi32>], vector<16xi32>, vector<16xi1>
        %get3A_712 = arith.constant 16384 : index
        %get3A_713 = tpu.vector_load %arg5[%get3A_712] {strides = array<i32>} : memref<36880xf32, #tpu.memory_space<vmem>>, vector<16xf32>,
        %mul3A_714 = arith.constant 1.023000e+03 : f32
        %mul3A_715 = vector.broadcast %mul3A_714 : f32 to vector<16xf32>
        %mul3A_716 = arith.mulf %get3A_713, %mul3A_715 : vector<16xf32>
        %convert_element_type3A_717 = arith.fptosi %mul3A_716 : vector<16xf32> to vector<16xi32>
        %convert_element_type3A_718 = arith.sitofp %convert_element_type3A_717 : vector<16xi32> to vector<16xf32>
        %lt3A_719 = arith.cmpf olt, %convert_element_type3A_718, %mul3A_716 : vector<16xf32>
        %add3A_720 = arith.constant 1 : i32
        %add3A_721 = vector.broadcast %add3A_720 : i32 to vector<16xi32>
        %add3A_722 = arith.addi %convert_element_type3A_717, %add3A_721 : vector<16xi32>
        %select_n3A_723 = arith.select %lt3A_719, %add3A_722, %convert_element_type3A_717 : vector<16xi1>, vector<16xi32>
        %shift_left3A_724 = arith.constant 4 : i32
        %shift_left3A_725 = vector.broadcast %shift_left3A_724 : i32 to vector<16xi32>
        %shift_left3A_726 = arith.shli %select_n3A_723, %shift_left3A_725 : vector<16xi32>
        %or3A_727 = arith.ori %shift_left3A_726, %iota3A : vector<16xi32>
        %bitcast3A_728 = vector.bitcast %or3A_727 : vector<16xi32> to vector<16xi32>
        %get3A_729 = arith.constant 20480 : index
        %get3A_730 = tpu.vector_load %arg5[%get3A_729] {strides = array<i32>} : memref<36880xf32, #tpu.memory_space<vmem>>, vector<16xf32>,
        %mul3A_731 = arith.constant 1.023000e+03 : f32
        %mul3A_732 = vector.broadcast %mul3A_731 : f32 to vector<16xf32>
        %mul3A_733 = arith.mulf %get3A_730, %mul3A_732 : vector<16xf32>
        %convert_element_type3A_734 = arith.fptosi %mul3A_733 : vector<16xf32> to vector<16xi32>
        %convert_element_type3A_735 = arith.sitofp %convert_element_type3A_734 : vector<16xi32> to vector<16xf32>
        %lt3A_736 = arith.cmpf olt, %convert_element_type3A_735, %mul3A_733 : vector<16xf32>
        %add3A_737 = arith.constant 1 : i32
        %add3A_738 = vector.broadcast %add3A_737 : i32 to vector<16xi32>
        %add3A_739 = arith.addi %convert_element_type3A_734, %add3A_738 : vector<16xi32>
        %select_n3A_740 = arith.select %lt3A_736, %add3A_739, %convert_element_type3A_734 : vector<16xi1>, vector<16xi32>
        %shift_left3A_741 = arith.constant 4 : i32
        %shift_left3A_742 = vector.broadcast %shift_left3A_741 : i32 to vector<16xi32>
        %shift_left3A_743 = arith.shli %select_n3A_740, %shift_left3A_742 : vector<16xi32>
        %or3A_744 = arith.ori %shift_left3A_743, %iota3A : vector<16xi32>
        %bitcast3A_745 = vector.bitcast %or3A_744 : vector<16xi32> to vector<16xi32>
        %get3A_746 = arith.constant 24576 : index
        %get3A_747 = tpu.vector_load %arg5[%get3A_746] {strides = array<i32>} : memref<36880xf32, #tpu.memory_space<vmem>>, vector<16xf32>,
        %mul3A_748 = arith.constant 1.023000e+03 : f32
        %mul3A_749 = vector.broadcast %mul3A_748 : f32 to vector<16xf32>
        %mul3A_750 = arith.mulf %get3A_747, %mul3A_749 : vector<16xf32>
        %convert_element_type3A_751 = arith.fptosi %mul3A_750 : vector<16xf32> to vector<16xi32>
        %convert_element_type3A_752 = arith.sitofp %convert_element_type3A_751 : vector<16xi32> to vector<16xf32>
        %lt3A_753 = arith.cmpf olt, %convert_element_type3A_752, %mul3A_750 : vector<16xf32>
        %add3A_754 = arith.constant 1 : i32
        %add3A_755 = vector.broadcast %add3A_754 : i32 to vector<16xi32>
        %add3A_756 = arith.addi %convert_element_type3A_751, %add3A_755 : vector<16xi32>
        %select_n3A_757 = arith.select %lt3A_753, %add3A_756, %convert_element_type3A_751 : vector<16xi1>, vector<16xi32>
        %shift_left3A_758 = arith.constant 4 : i32
        %shift_left3A_759 = vector.broadcast %shift_left3A_758 : i32 to vector<16xi32>
        %shift_left3A_760 = arith.shli %select_n3A_757, %shift_left3A_759 : vector<16xi32>
        %or3A_761 = arith.ori %shift_left3A_760, %iota3A : vector<16xi32>
        %bitcast3A_762 = vector.bitcast %or3A_761 : vector<16xi32> to vector<16xi32>
        %get3A_763 = arith.constant 28672 : index
        %get3A_764 = tpu.vector_load %arg5[%get3A_763] {strides = array<i32>} : memref<36880xf32, #tpu.memory_space<vmem>>, vector<16xf32>,
        %mul3A_765 = arith.constant 1.023000e+03 : f32
        %mul3A_766 = vector.broadcast %mul3A_765 : f32 to vector<16xf32>
        %mul3A_767 = arith.mulf %get3A_764, %mul3A_766 : vector<16xf32>
        %convert_element_type3A_768 = arith.fptosi %mul3A_767 : vector<16xf32> to vector<16xi32>
        %convert_element_type3A_769 = arith.sitofp %convert_element_type3A_768 : vector<16xi32> to vector<16xf32>
        %lt3A_770 = arith.cmpf olt, %convert_element_type3A_769, %mul3A_767 : vector<16xf32>
        %add3A_771 = arith.constant 1 : i32
        %add3A_772 = vector.broadcast %add3A_771 : i32 to vector<16xi32>
        %add3A_773 = arith.addi %convert_element_type3A_768, %add3A_772 : vector<16xi32>
        %select_n3A_774 = arith.select %lt3A_770, %add3A_773, %convert_element_type3A_768 : vector<16xi1>, vector<16xi32>
        %shift_left3A_775 = arith.constant 4 : i32
        %shift_left3A_776 = vector.broadcast %shift_left3A_775 : i32 to vector<16xi32>
        %shift_left3A_777 = arith.shli %select_n3A_774, %shift_left3A_776 : vector<16xi32>
        %or3A_778 = arith.ori %shift_left3A_777, %iota3A : vector<16xi32>
        %bitcast3A_779 = vector.bitcast %or3A_778 : vector<16xi32> to vector<16xi32>
        %get3A_780 = arith.constant 32768 : index
        %get3A_781 = tpu.vector_load %arg5[%get3A_780] {strides = array<i32>} : memref<36880xf32, #tpu.memory_space<vmem>>, vector<16xf32>,
        %mul3A_782 = arith.constant 1.023000e+03 : f32
        %mul3A_783 = vector.broadcast %mul3A_782 : f32 to vector<16xf32>
        %mul3A_784 = arith.mulf %get3A_781, %mul3A_783 : vector<16xf32>
        %convert_element_type3A_785 = arith.fptosi %mul3A_784 : vector<16xf32> to vector<16xi32>
        %convert_element_type3A_786 = arith.sitofp %convert_element_type3A_785 : vector<16xi32> to vector<16xf32>
        %lt3A_787 = arith.cmpf olt, %convert_element_type3A_786, %mul3A_784 : vector<16xf32>
        %add3A_788 = arith.constant 1 : i32
        %add3A_789 = vector.broadcast %add3A_788 : i32 to vector<16xi32>
        %add3A_790 = arith.addi %convert_element_type3A_785, %add3A_789 : vector<16xi32>
        %select_n3A_791 = arith.select %lt3A_787, %add3A_790, %convert_element_type3A_785 : vector<16xi1>, vector<16xi32>
        %shift_left3A_792 = arith.constant 4 : i32
        %shift_left3A_793 = vector.broadcast %shift_left3A_792 : i32 to vector<16xi32>
        %shift_left3A_794 = arith.shli %select_n3A_791, %shift_left3A_793 : vector<16xi32>
        %or3A_795 = arith.ori %shift_left3A_794, %iota3A : vector<16xi32>
        %bitcast3A_796 = vector.bitcast %or3A_795 : vector<16xi32> to vector<16xi32>
        %parallel_loop3A_797 = arith.constant 1 : i32
        %parallel_loop3A_798 = arith.constant 256 : i32
        %parallel_loop3A_799 = arith.constant 1 : i32
        %parallel_loop3A_800:5 = scf.for %parallel_loop3A_912 = %parallel_loop3A_797 to %parallel_loop3A_798 step %parallel_loop3A_799 iter_args(%parallel_loop3A_913 = %bitcast3A_728, %parallel_loop3A_914 = %bitcast3A_745, %parallel_loop3A_915 = %bitcast3A_762, %parallel_loop3A_916 = %bitcast3A_779, %parallel_loop3A_917 = %bitcast3A_796) -> (vector<16xi32>, vector<16xi32>, vector<16xi32>, vector<16xi32>, vector<16xi32>)  : i32 {
          %parallel_loop3A_918 = arith.constant 16 : i32
          %parallel_loop3A_919 = arith.muli %parallel_loop3A_912, %parallel_loop3A_918 : i32
          %parallel_loop3A_920 = arith.constant 16384 : i32
          %parallel_loop3A_921 = arith.addi %parallel_loop3A_919, %parallel_loop3A_920 : i32
          %parallel_loop3A_922 = arith.index_cast %parallel_loop3A_921 : i32 to index
          %parallel_loop3A_923 = tpu.vector_load %arg5[%parallel_loop3A_922] {strides = array<i32>} : memref<36880xf32, #tpu.memory_space<vmem>>, vector<16xf32>,
          %parallel_loop3A_924 = arith.constant 1.023000e+03 : f32
          %parallel_loop3A_925 = vector.broadcast %parallel_loop3A_924 : f32 to vector<16xf32>
          %parallel_loop3A_926 = arith.mulf %parallel_loop3A_923, %parallel_loop3A_925 : vector<16xf32>
          %parallel_loop3A_927 = arith.fptosi %parallel_loop3A_926 : vector<16xf32> to vector<16xi32>
          %parallel_loop3A_928 = arith.sitofp %parallel_loop3A_927 : vector<16xi32> to vector<16xf32>
          %parallel_loop3A_929 = arith.cmpf olt, %parallel_loop3A_928, %parallel_loop3A_926 : vector<16xf32>
          %parallel_loop3A_930 = arith.constant 1 : i32
          %parallel_loop3A_931 = vector.broadcast %parallel_loop3A_930 : i32 to vector<16xi32>
          %parallel_loop3A_932 = arith.addi %parallel_loop3A_927, %parallel_loop3A_931 : vector<16xi32>
          %parallel_loop3A_933 = arith.select %parallel_loop3A_929, %parallel_loop3A_932, %parallel_loop3A_927 : vector<16xi1>, vector<16xi32>
          %parallel_loop3A_934 = arith.constant 4 : i32
          %parallel_loop3A_935 = vector.broadcast %parallel_loop3A_934 : i32 to vector<16xi32>
          %parallel_loop3A_936 = arith.shli %parallel_loop3A_933, %parallel_loop3A_935 : vector<16xi32>
          %parallel_loop3A_937 = arith.ori %parallel_loop3A_936, %iota3A : vector<16xi32>
          %parallel_loop3A_938 = vector.bitcast %parallel_loop3A_937 : vector<16xi32> to vector<16xi32>
          %parallel_loop3A_939 = arith.constant 20480 : i32
          %parallel_loop3A_940 = arith.addi %parallel_loop3A_919, %parallel_loop3A_939 : i32
          %parallel_loop3A_941 = arith.index_cast %parallel_loop3A_940 : i32 to index
          %parallel_loop3A_942 = tpu.vector_load %arg5[%parallel_loop3A_941] {strides = array<i32>} : memref<36880xf32, #tpu.memory_space<vmem>>, vector<16xf32>,
          %parallel_loop3A_943 = arith.constant 1.023000e+03 : f32
          %parallel_loop3A_944 = vector.broadcast %parallel_loop3A_943 : f32 to vector<16xf32>
          %parallel_loop3A_945 = arith.mulf %parallel_loop3A_942, %parallel_loop3A_944 : vector<16xf32>
          %parallel_loop3A_946 = arith.fptosi %parallel_loop3A_945 : vector<16xf32> to vector<16xi32>
          %parallel_loop3A_947 = arith.sitofp %parallel_loop3A_946 : vector<16xi32> to vector<16xf32>
          %parallel_loop3A_948 = arith.cmpf olt, %parallel_loop3A_947, %parallel_loop3A_945 : vector<16xf32>
          %parallel_loop3A_949 = arith.constant 1 : i32
          %parallel_loop3A_950 = vector.broadcast %parallel_loop3A_949 : i32 to vector<16xi32>
          %parallel_loop3A_951 = arith.addi %parallel_loop3A_946, %parallel_loop3A_950 : vector<16xi32>
          %parallel_loop3A_952 = arith.select %parallel_loop3A_948, %parallel_loop3A_951, %parallel_loop3A_946 : vector<16xi1>, vector<16xi32>
          %parallel_loop3A_953 = arith.constant 4 : i32
          %parallel_loop3A_954 = vector.broadcast %parallel_loop3A_953 : i32 to vector<16xi32>
          %parallel_loop3A_955 = arith.shli %parallel_loop3A_952, %parallel_loop3A_954 : vector<16xi32>
          %parallel_loop3A_956 = arith.ori %parallel_loop3A_955, %iota3A : vector<16xi32>
          %parallel_loop3A_957 = vector.bitcast %parallel_loop3A_956 : vector<16xi32> to vector<16xi32>
          %parallel_loop3A_958 = arith.constant 24576 : i32
          %parallel_loop3A_959 = arith.addi %parallel_loop3A_919, %parallel_loop3A_958 : i32
          %parallel_loop3A_960 = arith.index_cast %parallel_loop3A_959 : i32 to index
          %parallel_loop3A_961 = tpu.vector_load %arg5[%parallel_loop3A_960] {strides = array<i32>} : memref<36880xf32, #tpu.memory_space<vmem>>, vector<16xf32>,
          %parallel_loop3A_962 = arith.constant 1.023000e+03 : f32
          %parallel_loop3A_963 = vector.broadcast %parallel_loop3A_962 : f32 to vector<16xf32>
          %parallel_loop3A_964 = arith.mulf %parallel_loop3A_961, %parallel_loop3A_963 : vector<16xf32>
          %parallel_loop3A_965 = arith.fptosi %parallel_loop3A_964 : vector<16xf32> to vector<16xi32>
          %parallel_loop3A_966 = arith.sitofp %parallel_loop3A_965 : vector<16xi32> to vector<16xf32>
          %parallel_loop3A_967 = arith.cmpf olt, %parallel_loop3A_966, %parallel_loop3A_964 : vector<16xf32>
          %parallel_loop3A_968 = arith.constant 1 : i32
          %parallel_loop3A_969 = vector.broadcast %parallel_loop3A_968 : i32 to vector<16xi32>
          %parallel_loop3A_970 = arith.addi %parallel_loop3A_965, %parallel_loop3A_969 : vector<16xi32>
          %parallel_loop3A_971 = arith.select %parallel_loop3A_967, %parallel_loop3A_970, %parallel_loop3A_965 : vector<16xi1>, vector<16xi32>
          %parallel_loop3A_972 = arith.constant 4 : i32
          %parallel_loop3A_973 = vector.broadcast %parallel_loop3A_972 : i32 to vector<16xi32>
          %parallel_loop3A_974 = arith.shli %parallel_loop3A_971, %parallel_loop3A_973 : vector<16xi32>
          %parallel_loop3A_975 = arith.ori %parallel_loop3A_974, %iota3A : vector<16xi32>
          %parallel_loop3A_976 = vector.bitcast %parallel_loop3A_975 : vector<16xi32> to vector<16xi32>
          %parallel_loop3A_977 = arith.constant 28672 : i32
          %parallel_loop3A_978 = arith.addi %parallel_loop3A_919, %parallel_loop3A_977 : i32
          %parallel_loop3A_979 = arith.index_cast %parallel_loop3A_978 : i32 to index
          %parallel_loop3A_980 = tpu.vector_load %arg5[%parallel_loop3A_979] {strides = array<i32>} : memref<36880xf32, #tpu.memory_space<vmem>>, vector<16xf32>,
          %parallel_loop3A_981 = arith.constant 1.023000e+03 : f32
          %parallel_loop3A_982 = vector.broadcast %parallel_loop3A_981 : f32 to vector<16xf32>
          %parallel_loop3A_983 = arith.mulf %parallel_loop3A_980, %parallel_loop3A_982 : vector<16xf32>
          %parallel_loop3A_984 = arith.fptosi %parallel_loop3A_983 : vector<16xf32> to vector<16xi32>
          %parallel_loop3A_985 = arith.sitofp %parallel_loop3A_984 : vector<16xi32> to vector<16xf32>
          %parallel_loop3A_986 = arith.cmpf olt, %parallel_loop3A_985, %parallel_loop3A_983 : vector<16xf32>
          %parallel_loop3A_987 = arith.constant 1 : i32
          %parallel_loop3A_988 = vector.broadcast %parallel_loop3A_987 : i32 to vector<16xi32>
          %parallel_loop3A_989 = arith.addi %parallel_loop3A_984, %parallel_loop3A_988 : vector<16xi32>
          %parallel_loop3A_990 = arith.select %parallel_loop3A_986, %parallel_loop3A_989, %parallel_loop3A_984 : vector<16xi1>, vector<16xi32>
          %parallel_loop3A_991 = arith.constant 4 : i32
          %parallel_loop3A_992 = vector.broadcast %parallel_loop3A_991 : i32 to vector<16xi32>
          %parallel_loop3A_993 = arith.shli %parallel_loop3A_990, %parallel_loop3A_992 : vector<16xi32>
          %parallel_loop3A_994 = arith.ori %parallel_loop3A_993, %iota3A : vector<16xi32>
          %parallel_loop3A_995 = vector.bitcast %parallel_loop3A_994 : vector<16xi32> to vector<16xi32>
          %parallel_loop3A_996 = arith.constant 32768 : i32
          %parallel_loop3A_997 = arith.addi %parallel_loop3A_919, %parallel_loop3A_996 : i32
          %parallel_loop3A_998 = arith.index_cast %parallel_loop3A_997 : i32 to index
          %parallel_loop3A_999 = tpu.vector_load %arg5[%parallel_loop3A_998] {strides = array<i32>} : memref<36880xf32, #tpu.memory_space<vmem>>, vector<16xf32>,
          %parallel_loop3A_1000 = arith.constant 1.023000e+03 : f32
          %parallel_loop3A_1001 = vector.broadcast %parallel_loop3A_1000 : f32 to vector<16xf32>
          %parallel_loop3A_1002 = arith.mulf %parallel_loop3A_999, %parallel_loop3A_1001 : vector<16xf32>
          %parallel_loop3A_1003 = arith.fptosi %parallel_loop3A_1002 : vector<16xf32> to vector<16xi32>
          %parallel_loop3A_1004 = arith.sitofp %parallel_loop3A_1003 : vector<16xi32> to vector<16xf32>
          %parallel_loop3A_1005 = arith.cmpf olt, %parallel_loop3A_1004, %parallel_loop3A_1002 : vector<16xf32>
          %parallel_loop3A_1006 = arith.constant 1 : i32
          %parallel_loop3A_1007 = vector.broadcast %parallel_loop3A_1006 : i32 to vector<16xi32>
          %parallel_loop3A_1008 = arith.addi %parallel_loop3A_1003, %parallel_loop3A_1007 : vector<16xi32>
          %parallel_loop3A_1009 = arith.select %parallel_loop3A_1005, %parallel_loop3A_1008, %parallel_loop3A_1003 : vector<16xi1>, vector<16xi32>
          %parallel_loop3A_1010 = arith.constant 4 : i32
          %parallel_loop3A_1011 = vector.broadcast %parallel_loop3A_1010 : i32 to vector<16xi32>
          %parallel_loop3A_1012 = arith.shli %parallel_loop3A_1009, %parallel_loop3A_1011 : vector<16xi32>
          %parallel_loop3A_1013 = arith.ori %parallel_loop3A_1012, %iota3A : vector<16xi32>
          %parallel_loop3A_1014 = vector.bitcast %parallel_loop3A_1013 : vector<16xi32> to vector<16xi32>
          %parallel_loop3A_1015 = arith.constant 0 : i32
          %parallel_loop3A_1016 = vector.broadcast %parallel_loop3A_1015 : i32 to vector<16xi32>
          %parallel_loop3A_1017 = arith.cmpi slt, %min3A_13, %parallel_loop3A_1016 : vector<16xi32>
          %parallel_loop3A_1018 = arith.constant 16 : i32
          %parallel_loop3A_1019 = vector.broadcast %parallel_loop3A_1018 : i32 to vector<16xi32>
          %parallel_loop3A_1020 = arith.addi %min3A_13, %parallel_loop3A_1019 : vector<16xi32>
          %parallel_loop3A_1021 = arith.select %parallel_loop3A_1017, %parallel_loop3A_1020, %min3A_13 : vector<16xi1>, vector<16xi32>
          %parallel_loop3A_1022 = vector.shape_cast %parallel_loop3A_1021 : vector<16xi32> to vector<16x1xi32>
          %parallel_loop3A_1023 = vector.shape_cast %parallel_loop3A_1022 : vector<16x1xi32> to vector<16xi32>
          %parallel_loop3A_1024 = tpu.dynamic_gather %parallel_loop3A_913[%parallel_loop3A_1023] in [0] : vector<16xi32>, vector<16xi32> -> vector<16xi32>
          %parallel_loop3A_1025 = arith.constant 0 : i32
          %parallel_loop3A_1026 = vector.broadcast %parallel_loop3A_1025 : i32 to vector<16xi32>
          %parallel_loop3A_1027 = arith.cmpi slt, %broadcast_in_dim3A_15, %parallel_loop3A_1026 : vector<16xi32>
          %parallel_loop3A_1028 = arith.constant 16 : i32
          %parallel_loop3A_1029 = vector.broadcast %parallel_loop3A_1028 : i32 to vector<16xi32>
          %parallel_loop3A_1030 = arith.addi %broadcast_in_dim3A_15, %parallel_loop3A_1029 : vector<16xi32>
          %parallel_loop3A_1031 = arith.select %parallel_loop3A_1027, %parallel_loop3A_1030, %broadcast_in_dim3A_15 : vector<16xi1>, vector<16xi32>
          %parallel_loop3A_1032 = vector.shape_cast %parallel_loop3A_1031 : vector<16xi32> to vector<16x1xi32>
          %parallel_loop3A_1033 = vector.shape_cast %parallel_loop3A_1032 : vector<16x1xi32> to vector<16xi32>
          %parallel_loop3A_1034 = tpu.dynamic_gather %parallel_loop3A_938[%parallel_loop3A_1033] in [0] : vector<16xi32>, vector<16xi32> -> vector<16xi32>
          %parallel_loop3A_1035 = arith.select %lt3A_8, %parallel_loop3A_1024, %parallel_loop3A_1034 : vector<16xi1>, vector<16xi32>
          %parallel_loop3A_1036 = arith.constant 0 : i32
          %parallel_loop3A_1037 = vector.broadcast %parallel_loop3A_1036 : i32 to vector<16xi32>
          %parallel_loop3A_1038 = arith.cmpi slt, %min3A_13, %parallel_loop3A_1037 : vector<16xi32>
          %parallel_loop3A_1039 = arith.constant 16 : i32
          %parallel_loop3A_1040 = vector.broadcast %parallel_loop3A_1039 : i32 to vector<16xi32>
          %parallel_loop3A_1041 = arith.addi %min3A_13, %parallel_loop3A_1040 : vector<16xi32>
          %parallel_loop3A_1042 = arith.select %parallel_loop3A_1038, %parallel_loop3A_1041, %min3A_13 : vector<16xi1>, vector<16xi32>
          %parallel_loop3A_1043 = vector.shape_cast %parallel_loop3A_1042 : vector<16xi32> to vector<16x1xi32>
          %parallel_loop3A_1044 = vector.shape_cast %parallel_loop3A_1043 : vector<16x1xi32> to vector<16xi32>
          %parallel_loop3A_1045 = tpu.dynamic_gather %parallel_loop3A_914[%parallel_loop3A_1044] in [0] : vector<16xi32>, vector<16xi32> -> vector<16xi32>
          %parallel_loop3A_1046 = arith.constant 0 : i32
          %parallel_loop3A_1047 = vector.broadcast %parallel_loop3A_1046 : i32 to vector<16xi32>
          %parallel_loop3A_1048 = arith.cmpi slt, %broadcast_in_dim3A_15, %parallel_loop3A_1047 : vector<16xi32>
          %parallel_loop3A_1049 = arith.constant 16 : i32
          %parallel_loop3A_1050 = vector.broadcast %parallel_loop3A_1049 : i32 to vector<16xi32>
          %parallel_loop3A_1051 = arith.addi %broadcast_in_dim3A_15, %parallel_loop3A_1050 : vector<16xi32>
          %parallel_loop3A_1052 = arith.select %parallel_loop3A_1048, %parallel_loop3A_1051, %broadcast_in_dim3A_15 : vector<16xi1>, vector<16xi32>
          %parallel_loop3A_1053 = vector.shape_cast %parallel_loop3A_1052 : vector<16xi32> to vector<16x1xi32>
          %parallel_loop3A_1054 = vector.shape_cast %parallel_loop3A_1053 : vector<16x1xi32> to vector<16xi32>
          %parallel_loop3A_1055 = tpu.dynamic_gather %parallel_loop3A_957[%parallel_loop3A_1054] in [0] : vector<16xi32>, vector<16xi32> -> vector<16xi32>
          %parallel_loop3A_1056 = arith.select %lt3A_8, %parallel_loop3A_1045, %parallel_loop3A_1055 : vector<16xi1>, vector<16xi32>
          %parallel_loop3A_1057 = arith.constant 0 : i32
          %parallel_loop3A_1058 = vector.broadcast %parallel_loop3A_1057 : i32 to vector<16xi32>
          %parallel_loop3A_1059 = arith.cmpi slt, %min3A_13, %parallel_loop3A_1058 : vector<16xi32>
          %parallel_loop3A_1060 = arith.constant 16 : i32
          %parallel_loop3A_1061 = vector.broadcast %parallel_loop3A_1060 : i32 to vector<16xi32>
          %parallel_loop3A_1062 = arith.addi %min3A_13, %parallel_loop3A_1061 : vector<16xi32>
          %parallel_loop3A_1063 = arith.select %parallel_loop3A_1059, %parallel_loop3A_1062, %min3A_13 : vector<16xi1>, vector<16xi32>
          %parallel_loop3A_1064 = vector.shape_cast %parallel_loop3A_1063 : vector<16xi32> to vector<16x1xi32>
          %parallel_loop3A_1065 = vector.shape_cast %parallel_loop3A_1064 : vector<16x1xi32> to vector<16xi32>
          %parallel_loop3A_1066 = tpu.dynamic_gather %parallel_loop3A_915[%parallel_loop3A_1065] in [0] : vector<16xi32>, vector<16xi32> -> vector<16xi32>
          %parallel_loop3A_1067 = arith.constant 0 : i32
          %parallel_loop3A_1068 = vector.broadcast %parallel_loop3A_1067 : i32 to vector<16xi32>
          %parallel_loop3A_1069 = arith.cmpi slt, %broadcast_in_dim3A_15, %parallel_loop3A_1068 : vector<16xi32>
          %parallel_loop3A_1070 = arith.constant 16 : i32
          %parallel_loop3A_1071 = vector.broadcast %parallel_loop3A_1070 : i32 to vector<16xi32>
          %parallel_loop3A_1072 = arith.addi %broadcast_in_dim3A_15, %parallel_loop3A_1071 : vector<16xi32>
          %parallel_loop3A_1073 = arith.select %parallel_loop3A_1069, %parallel_loop3A_1072, %broadcast_in_dim3A_15 : vector<16xi1>, vector<16xi32>
          %parallel_loop3A_1074 = vector.shape_cast %parallel_loop3A_1073 : vector<16xi32> to vector<16x1xi32>
          %parallel_loop3A_1075 = vector.shape_cast %parallel_loop3A_1074 : vector<16x1xi32> to vector<16xi32>
          %parallel_loop3A_1076 = tpu.dynamic_gather %parallel_loop3A_976[%parallel_loop3A_1075] in [0] : vector<16xi32>, vector<16xi32> -> vector<16xi32>
          %parallel_loop3A_1077 = arith.select %lt3A_8, %parallel_loop3A_1066, %parallel_loop3A_1076 : vector<16xi1>, vector<16xi32>
          %parallel_loop3A_1078 = arith.constant 0 : i32
          %parallel_loop3A_1079 = vector.broadcast %parallel_loop3A_1078 : i32 to vector<16xi32>
          %parallel_loop3A_1080 = arith.cmpi slt, %min3A_13, %parallel_loop3A_1079 : vector<16xi32>
          %parallel_loop3A_1081 = arith.constant 16 : i32
          %parallel_loop3A_1082 = vector.broadcast %parallel_loop3A_1081 : i32 to vector<16xi32>
          %parallel_loop3A_1083 = arith.addi %min3A_13, %parallel_loop3A_1082 : vector<16xi32>
          %parallel_loop3A_1084 = arith.select %parallel_loop3A_1080, %parallel_loop3A_1083, %min3A_13 : vector<16xi1>, vector<16xi32>
          %parallel_loop3A_1085 = vector.shape_cast %parallel_loop3A_1084 : vector<16xi32> to vector<16x1xi32>
          %parallel_loop3A_1086 = vector.shape_cast %parallel_loop3A_1085 : vector<16x1xi32> to vector<16xi32>
          %parallel_loop3A_1087 = tpu.dynamic_gather %parallel_loop3A_916[%parallel_loop3A_1086] in [0] : vector<16xi32>, vector<16xi32> -> vector<16xi32>
          %parallel_loop3A_1088 = arith.constant 0 : i32
          %parallel_loop3A_1089 = vector.broadcast %parallel_loop3A_1088 : i32 to vector<16xi32>
          %parallel_loop3A_1090 = arith.cmpi slt, %broadcast_in_dim3A_15, %parallel_loop3A_1089 : vector<16xi32>
          %parallel_loop3A_1091 = arith.constant 16 : i32
          %parallel_loop3A_1092 = vector.broadcast %parallel_loop3A_1091 : i32 to vector<16xi32>
          %parallel_loop3A_1093 = arith.addi %broadcast_in_dim3A_15, %parallel_loop3A_1092 : vector<16xi32>
          %parallel_loop3A_1094 = arith.select %parallel_loop3A_1090, %parallel_loop3A_1093, %broadcast_in_dim3A_15 : vector<16xi1>, vector<16xi32>
          %parallel_loop3A_1095 = vector.shape_cast %parallel_loop3A_1094 : vector<16xi32> to vector<16x1xi32>
          %parallel_loop3A_1096 = vector.shape_cast %parallel_loop3A_1095 : vector<16x1xi32> to vector<16xi32>
          %parallel_loop3A_1097 = tpu.dynamic_gather %parallel_loop3A_995[%parallel_loop3A_1096] in [0] : vector<16xi32>, vector<16xi32> -> vector<16xi32>
          %parallel_loop3A_1098 = arith.select %lt3A_8, %parallel_loop3A_1087, %parallel_loop3A_1097 : vector<16xi1>, vector<16xi32>
          %parallel_loop3A_1099 = arith.constant 0 : i32
          %parallel_loop3A_1100 = vector.broadcast %parallel_loop3A_1099 : i32 to vector<16xi32>
          %parallel_loop3A_1101 = arith.cmpi slt, %min3A_13, %parallel_loop3A_1100 : vector<16xi32>
          %parallel_loop3A_1102 = arith.constant 16 : i32
          %parallel_loop3A_1103 = vector.broadcast %parallel_loop3A_1102 : i32 to vector<16xi32>
          %parallel_loop3A_1104 = arith.addi %min3A_13, %parallel_loop3A_1103 : vector<16xi32>
          %parallel_loop3A_1105 = arith.select %parallel_loop3A_1101, %parallel_loop3A_1104, %min3A_13 : vector<16xi1>, vector<16xi32>
          %parallel_loop3A_1106 = vector.shape_cast %parallel_loop3A_1105 : vector<16xi32> to vector<16x1xi32>
          %parallel_loop3A_1107 = vector.shape_cast %parallel_loop3A_1106 : vector<16x1xi32> to vector<16xi32>
          %parallel_loop3A_1108 = tpu.dynamic_gather %parallel_loop3A_917[%parallel_loop3A_1107] in [0] : vector<16xi32>, vector<16xi32> -> vector<16xi32>
          %parallel_loop3A_1109 = arith.constant 0 : i32
          %parallel_loop3A_1110 = vector.broadcast %parallel_loop3A_1109 : i32 to vector<16xi32>
          %parallel_loop3A_1111 = arith.cmpi slt, %broadcast_in_dim3A_15, %parallel_loop3A_1110 : vector<16xi32>
          %parallel_loop3A_1112 = arith.constant 16 : i32
          %parallel_loop3A_1113 = vector.broadcast %parallel_loop3A_1112 : i32 to vector<16xi32>
          %parallel_loop3A_1114 = arith.addi %broadcast_in_dim3A_15, %parallel_loop3A_1113 : vector<16xi32>
          %parallel_loop3A_1115 = arith.select %parallel_loop3A_1111, %parallel_loop3A_1114, %broadcast_in_dim3A_15 : vector<16xi1>, vector<16xi32>
          %parallel_loop3A_1116 = vector.shape_cast %parallel_loop3A_1115 : vector<16xi32> to vector<16x1xi32>
          %parallel_loop3A_1117 = vector.shape_cast %parallel_loop3A_1116 : vector<16x1xi32> to vector<16xi32>
          %parallel_loop3A_1118 = tpu.dynamic_gather %parallel_loop3A_1014[%parallel_loop3A_1117] in [0] : vector<16xi32>, vector<16xi32> -> vector<16xi32>
          %parallel_loop3A_1119 = arith.select %lt3A_8, %parallel_loop3A_1108, %parallel_loop3A_1118 : vector<16xi1>, vector<16xi32>
          %parallel_loop3A_1120 = arith.maxui %parallel_loop3A_913, %parallel_loop3A_1035 : vector<16xi32>
          %parallel_loop3A_1121 = arith.maxui %parallel_loop3A_914, %parallel_loop3A_1056 : vector<16xi32>
          %parallel_loop3A_1122 = arith.maxui %parallel_loop3A_915, %parallel_loop3A_1077 : vector<16xi32>
          %parallel_loop3A_1123 = arith.maxui %parallel_loop3A_916, %parallel_loop3A_1098 : vector<16xi32>
          %parallel_loop3A_1124 = arith.maxui %parallel_loop3A_917, %parallel_loop3A_1119 : vector<16xi32>
          %parallel_loop3A_1125 = arith.maxui %parallel_loop3A_913, %parallel_loop3A_914 : vector<16xi32>
          %parallel_loop3A_1126 = arith.maxui %parallel_loop3A_1120, %parallel_loop3A_1121 : vector<16xi32>
          %parallel_loop3A_1127 = vector.bitcast %parallel_loop3A_913 : vector<16xi32> to vector<16xi32>
          tpu.vector_store_idx %arg6[%parallel_loop3A_1127], %broadcast_in_dim3A_2 {add = true} : memref<16384xi32, #tpu.memory_space<vmem>>[vector<16xi32>], vector<16xi32>,
          %parallel_loop3A_1128 = vector.bitcast %parallel_loop3A_1125 : vector<16xi32> to vector<16xi32>
          tpu.vector_store_idx %arg6[%parallel_loop3A_1128], %neg3A_4 {add = true} : memref<16384xi32, #tpu.memory_space<vmem>>[vector<16xi32>], vector<16xi32>,
          %parallel_loop3A_1129 = arith.constant -16 : i32
          %parallel_loop3A_1130 = vector.broadcast %parallel_loop3A_1129 : i32 to vector<16xi32>
          %parallel_loop3A_1131 = arith.andi %parallel_loop3A_1120, %parallel_loop3A_1130 : vector<16xi32>
          %parallel_loop3A_1132 = arith.ori %parallel_loop3A_1131, %iota3A_1 : vector<16xi32>
          %parallel_loop3A_1133 = vector.bitcast %parallel_loop3A_1132 : vector<16xi32> to vector<16xi32>
          tpu.vector_store_idx %arg6[%parallel_loop3A_1133], %neg3A_4 {add = true} : memref<16384xi32, #tpu.memory_space<vmem>>[vector<16xi32>], vector<16xi32>,
          %parallel_loop3A_1134 = arith.constant -16 : i32
          %parallel_loop3A_1135 = vector.broadcast %parallel_loop3A_1134 : i32 to vector<16xi32>
          %parallel_loop3A_1136 = arith.andi %parallel_loop3A_1126, %parallel_loop3A_1135 : vector<16xi32>
          %parallel_loop3A_1137 = arith.ori %parallel_loop3A_1136, %iota3A_1 : vector<16xi32>
          %parallel_loop3A_1138 = vector.bitcast %parallel_loop3A_1137 : vector<16xi32> to vector<16xi32>
          tpu.vector_store_idx %arg6[%parallel_loop3A_1138], %broadcast_in_dim3A_2 {add = true} : memref<16384xi32, #tpu.memory_space<vmem>>[vector<16xi32>], vector<16xi32>,
          %parallel_loop3A_1139 = arith.maxui %parallel_loop3A_914, %parallel_loop3A_915 : vector<16xi32>
          %parallel_loop3A_1140 = arith.maxui %parallel_loop3A_1121, %parallel_loop3A_1122 : vector<16xi32>
          %parallel_loop3A_1141 = vector.bitcast %parallel_loop3A_914 : vector<16xi32> to vector<16xi32>
          tpu.vector_store_idx %arg6[%parallel_loop3A_1141], %broadcast_in_dim3A_2 {add = true} : memref<16384xi32, #tpu.memory_space<vmem>>[vector<16xi32>], vector<16xi32>,
          %parallel_loop3A_1142 = vector.bitcast %parallel_loop3A_1139 : vector<16xi32> to vector<16xi32>
          tpu.vector_store_idx %arg6[%parallel_loop3A_1142], %neg3A_4 {add = true} : memref<16384xi32, #tpu.memory_space<vmem>>[vector<16xi32>], vector<16xi32>,
          %parallel_loop3A_1143 = arith.constant -16 : i32
          %parallel_loop3A_1144 = vector.broadcast %parallel_loop3A_1143 : i32 to vector<16xi32>
          %parallel_loop3A_1145 = arith.andi %parallel_loop3A_1121, %parallel_loop3A_1144 : vector<16xi32>
          %parallel_loop3A_1146 = arith.ori %parallel_loop3A_1145, %iota3A_1 : vector<16xi32>
          %parallel_loop3A_1147 = vector.bitcast %parallel_loop3A_1146 : vector<16xi32> to vector<16xi32>
          tpu.vector_store_idx %arg6[%parallel_loop3A_1147], %neg3A_4 {add = true} : memref<16384xi32, #tpu.memory_space<vmem>>[vector<16xi32>], vector<16xi32>,
          %parallel_loop3A_1148 = arith.constant -16 : i32
          %parallel_loop3A_1149 = vector.broadcast %parallel_loop3A_1148 : i32 to vector<16xi32>
          %parallel_loop3A_1150 = arith.andi %parallel_loop3A_1140, %parallel_loop3A_1149 : vector<16xi32>
          %parallel_loop3A_1151 = arith.ori %parallel_loop3A_1150, %iota3A_1 : vector<16xi32>
          %parallel_loop3A_1152 = vector.bitcast %parallel_loop3A_1151 : vector<16xi32> to vector<16xi32>
          tpu.vector_store_idx %arg6[%parallel_loop3A_1152], %broadcast_in_dim3A_2 {add = true} : memref<16384xi32, #tpu.memory_space<vmem>>[vector<16xi32>], vector<16xi32>,
          %parallel_loop3A_1153 = arith.maxui %parallel_loop3A_915, %parallel_loop3A_916 : vector<16xi32>
          %parallel_loop3A_1154 = arith.maxui %parallel_loop3A_1122, %parallel_loop3A_1123 : vector<16xi32>
          %parallel_loop3A_1155 = vector.bitcast %parallel_loop3A_915 : vector<16xi32> to vector<16xi32>
          tpu.vector_store_idx %arg6[%parallel_loop3A_1155], %broadcast_in_dim3A_2 {add = true} : memref<16384xi32, #tpu.memory_space<vmem>>[vector<16xi32>], vector<16xi32>,
          %parallel_loop3A_1156 = vector.bitcast %parallel_loop3A_1153 : vector<16xi32> to vector<16xi32>
          tpu.vector_store_idx %arg6[%parallel_loop3A_1156], %neg3A_4 {add = true} : memref<16384xi32, #tpu.memory_space<vmem>>[vector<16xi32>], vector<16xi32>,
          %parallel_loop3A_1157 = arith.constant -16 : i32
          %parallel_loop3A_1158 = vector.broadcast %parallel_loop3A_1157 : i32 to vector<16xi32>
          %parallel_loop3A_1159 = arith.andi %parallel_loop3A_1122, %parallel_loop3A_1158 : vector<16xi32>
          %parallel_loop3A_1160 = arith.ori %parallel_loop3A_1159, %iota3A_1 : vector<16xi32>
          %parallel_loop3A_1161 = vector.bitcast %parallel_loop3A_1160 : vector<16xi32> to vector<16xi32>
          tpu.vector_store_idx %arg6[%parallel_loop3A_1161], %neg3A_4 {add = true} : memref<16384xi32, #tpu.memory_space<vmem>>[vector<16xi32>], vector<16xi32>,
          %parallel_loop3A_1162 = arith.constant -16 : i32
          %parallel_loop3A_1163 = vector.broadcast %parallel_loop3A_1162 : i32 to vector<16xi32>
          %parallel_loop3A_1164 = arith.andi %parallel_loop3A_1154, %parallel_loop3A_1163 : vector<16xi32>
          %parallel_loop3A_1165 = arith.ori %parallel_loop3A_1164, %iota3A_1 : vector<16xi32>
          %parallel_loop3A_1166 = vector.bitcast %parallel_loop3A_1165 : vector<16xi32> to vector<16xi32>
          tpu.vector_store_idx %arg6[%parallel_loop3A_1166], %broadcast_in_dim3A_2 {add = true} : memref<16384xi32, #tpu.memory_space<vmem>>[vector<16xi32>], vector<16xi32>,
          %parallel_loop3A_1167 = arith.maxui %parallel_loop3A_916, %parallel_loop3A_917 : vector<16xi32>
          %parallel_loop3A_1168 = arith.maxui %parallel_loop3A_1123, %parallel_loop3A_1124 : vector<16xi32>
          %parallel_loop3A_1169 = vector.bitcast %parallel_loop3A_916 : vector<16xi32> to vector<16xi32>
          tpu.vector_store_idx %arg6[%parallel_loop3A_1169], %broadcast_in_dim3A_2 {add = true} : memref<16384xi32, #tpu.memory_space<vmem>>[vector<16xi32>], vector<16xi32>,
          %parallel_loop3A_1170 = vector.bitcast %parallel_loop3A_1167 : vector<16xi32> to vector<16xi32>
          tpu.vector_store_idx %arg6[%parallel_loop3A_1170], %neg3A_4 {add = true} : memref<16384xi32, #tpu.memory_space<vmem>>[vector<16xi32>], vector<16xi32>,
          %parallel_loop3A_1171 = arith.constant -16 : i32
          %parallel_loop3A_1172 = vector.broadcast %parallel_loop3A_1171 : i32 to vector<16xi32>
          %parallel_loop3A_1173 = arith.andi %parallel_loop3A_1123, %parallel_loop3A_1172 : vector<16xi32>
          %parallel_loop3A_1174 = arith.ori %parallel_loop3A_1173, %iota3A_1 : vector<16xi32>
          %parallel_loop3A_1175 = vector.bitcast %parallel_loop3A_1174 : vector<16xi32> to vector<16xi32>
          tpu.vector_store_idx %arg6[%parallel_loop3A_1175], %neg3A_4 {add = true} : memref<16384xi32, #tpu.memory_space<vmem>>[vector<16xi32>], vector<16xi32>,
          %parallel_loop3A_1176 = arith.constant -16 : i32
          %parallel_loop3A_1177 = vector.broadcast %parallel_loop3A_1176 : i32 to vector<16xi32>
          %parallel_loop3A_1178 = arith.andi %parallel_loop3A_1168, %parallel_loop3A_1177 : vector<16xi32>
          %parallel_loop3A_1179 = arith.ori %parallel_loop3A_1178, %iota3A_1 : vector<16xi32>
          %parallel_loop3A_1180 = vector.bitcast %parallel_loop3A_1179 : vector<16xi32> to vector<16xi32>
          tpu.vector_store_idx %arg6[%parallel_loop3A_1180], %broadcast_in_dim3A_2 {add = true} : memref<16384xi32, #tpu.memory_space<vmem>>[vector<16xi32>], vector<16xi32>,
          scf.yield %parallel_loop3A_938, %parallel_loop3A_957, %parallel_loop3A_976, %parallel_loop3A_995, %parallel_loop3A_1014 : vector<16xi32>, vector<16xi32>, vector<16xi32>, vector<16xi32>, vector<16xi32>
        } {sc.loop_unroll_factor = 1 : i64, sc.parallel_access}
        %lt3A_801 = arith.constant 0 : i32
        %lt3A_802 = vector.broadcast %lt3A_801 : i32 to vector<16xi32>
        %lt3A_803 = arith.cmpi slt, %min3A_13, %lt3A_802 : vector<16xi32>
        %add3A_804 = arith.constant 16 : i32
        %add3A_805 = vector.broadcast %add3A_804 : i32 to vector<16xi32>
        %add3A_806 = arith.addi %min3A_13, %add3A_805 : vector<16xi32>
        %select_n3A_807 = arith.select %lt3A_803, %add3A_806, %min3A_13 : vector<16xi1>, vector<16xi32>
        %broadcast_in_dim3A_808 = vector.shape_cast %select_n3A_807 : vector<16xi32> to vector<16x1xi32>
        %gather3A_809 = vector.shape_cast %broadcast_in_dim3A_808 : vector<16x1xi32> to vector<16xi32>
        %gather3A_810 = tpu.dynamic_gather %parallel_loop3A_800#0[%gather3A_809] in [0] : vector<16xi32>, vector<16xi32> -> vector<16xi32>
        %lt3A_811 = arith.constant 0 : i32
        %lt3A_812 = vector.broadcast %lt3A_811 : i32 to vector<16xi32>
        %lt3A_813 = arith.cmpi slt, %min3A_13, %lt3A_812 : vector<16xi32>
        %add3A_814 = arith.constant 16 : i32
        %add3A_815 = vector.broadcast %add3A_814 : i32 to vector<16xi32>
        %add3A_816 = arith.addi %min3A_13, %add3A_815 : vector<16xi32>
        %select_n3A_817 = arith.select %lt3A_813, %add3A_816, %min3A_13 : vector<16xi1>, vector<16xi32>
        %broadcast_in_dim3A_818 = vector.shape_cast %select_n3A_817 : vector<16xi32> to vector<16x1xi32>
        %gather3A_819 = vector.shape_cast %broadcast_in_dim3A_818 : vector<16x1xi32> to vector<16xi32>
        %gather3A_820 = tpu.dynamic_gather %parallel_loop3A_800#1[%gather3A_819] in [0] : vector<16xi32>, vector<16xi32> -> vector<16xi32>
        %lt3A_821 = arith.constant 0 : i32
        %lt3A_822 = vector.broadcast %lt3A_821 : i32 to vector<16xi32>
        %lt3A_823 = arith.cmpi slt, %min3A_13, %lt3A_822 : vector<16xi32>
        %add3A_824 = arith.constant 16 : i32
        %add3A_825 = vector.broadcast %add3A_824 : i32 to vector<16xi32>
        %add3A_826 = arith.addi %min3A_13, %add3A_825 : vector<16xi32>
        %select_n3A_827 = arith.select %lt3A_823, %add3A_826, %min3A_13 : vector<16xi1>, vector<16xi32>
        %broadcast_in_dim3A_828 = vector.shape_cast %select_n3A_827 : vector<16xi32> to vector<16x1xi32>
        %gather3A_829 = vector.shape_cast %broadcast_in_dim3A_828 : vector<16x1xi32> to vector<16xi32>
        %gather3A_830 = tpu.dynamic_gather %parallel_loop3A_800#2[%gather3A_829] in [0] : vector<16xi32>, vector<16xi32> -> vector<16xi32>
        %lt3A_831 = arith.constant 0 : i32
        %lt3A_832 = vector.broadcast %lt3A_831 : i32 to vector<16xi32>
        %lt3A_833 = arith.cmpi slt, %min3A_13, %lt3A_832 : vector<16xi32>
        %add3A_834 = arith.constant 16 : i32
        %add3A_835 = vector.broadcast %add3A_834 : i32 to vector<16xi32>
        %add3A_836 = arith.addi %min3A_13, %add3A_835 : vector<16xi32>
        %select_n3A_837 = arith.select %lt3A_833, %add3A_836, %min3A_13 : vector<16xi1>, vector<16xi32>
        %broadcast_in_dim3A_838 = vector.shape_cast %select_n3A_837 : vector<16xi32> to vector<16x1xi32>
        %gather3A_839 = vector.shape_cast %broadcast_in_dim3A_838 : vector<16x1xi32> to vector<16xi32>
        %gather3A_840 = tpu.dynamic_gather %parallel_loop3A_800#3[%gather3A_839] in [0] : vector<16xi32>, vector<16xi32> -> vector<16xi32>
        %lt3A_841 = arith.constant 0 : i32
        %lt3A_842 = vector.broadcast %lt3A_841 : i32 to vector<16xi32>
        %lt3A_843 = arith.cmpi slt, %min3A_13, %lt3A_842 : vector<16xi32>
        %add3A_844 = arith.constant 16 : i32
        %add3A_845 = vector.broadcast %add3A_844 : i32 to vector<16xi32>
        %add3A_846 = arith.addi %min3A_13, %add3A_845 : vector<16xi32>
        %select_n3A_847 = arith.select %lt3A_843, %add3A_846, %min3A_13 : vector<16xi1>, vector<16xi32>
        %broadcast_in_dim3A_848 = vector.shape_cast %select_n3A_847 : vector<16xi32> to vector<16x1xi32>
        %gather3A_849 = vector.shape_cast %broadcast_in_dim3A_848 : vector<16x1xi32> to vector<16xi32>
        %gather3A_850 = tpu.dynamic_gather %parallel_loop3A_800#4[%gather3A_849] in [0] : vector<16xi32>, vector<16xi32> -> vector<16xi32>
        %max3A_851 = arith.maxui %parallel_loop3A_800#0, %gather3A_810 : vector<16xi32>
        %max3A_852 = arith.maxui %parallel_loop3A_800#1, %gather3A_820 : vector<16xi32>
        %max3A_853 = arith.maxui %parallel_loop3A_800#2, %gather3A_830 : vector<16xi32>
        %max3A_854 = arith.maxui %parallel_loop3A_800#3, %gather3A_840 : vector<16xi32>
        %max3A_855 = arith.maxui %parallel_loop3A_800#4, %gather3A_850 : vector<16xi32>
        %max3A_856 = arith.maxui %parallel_loop3A_800#0, %parallel_loop3A_800#1 : vector<16xi32>
        %max3A_857 = arith.maxui %max3A_851, %max3A_852 : vector<16xi32>
        %bitcast3A_858 = vector.bitcast %parallel_loop3A_800#0 : vector<16xi32> to vector<16xi32>
        tpu.vector_store_idx %arg6[%bitcast3A_858], %broadcast_in_dim3A_2 {add = true} : memref<16384xi32, #tpu.memory_space<vmem>>[vector<16xi32>], vector<16xi32>,
        %bitcast3A_859 = vector.bitcast %max3A_856 : vector<16xi32> to vector<16xi32>
        tpu.vector_store_idx %arg6[%bitcast3A_859], %neg3A_4 {add = true} : memref<16384xi32, #tpu.memory_space<vmem>>[vector<16xi32>], vector<16xi32>,
        %and3A_860 = arith.constant -16 : i32
        %and3A_861 = vector.broadcast %and3A_860 : i32 to vector<16xi32>
        %and3A_862 = arith.andi %max3A_851, %and3A_861 : vector<16xi32>
        %or3A_863 = arith.ori %and3A_862, %iota3A_1 : vector<16xi32>
        %bitcast3A_864 = vector.bitcast %or3A_863 : vector<16xi32> to vector<16xi32>
        tpu.vector_store_idx %arg6[%bitcast3A_864], %neg3A_4 masked %lt3A_8 {add = true} : memref<16384xi32, #tpu.memory_space<vmem>>[vector<16xi32>], vector<16xi32>, vector<16xi1>
        %and3A_865 = arith.constant -16 : i32
        %and3A_866 = vector.broadcast %and3A_865 : i32 to vector<16xi32>
        %and3A_867 = arith.andi %max3A_857, %and3A_866 : vector<16xi32>
        %or3A_868 = arith.ori %and3A_867, %iota3A_1 : vector<16xi32>
        %bitcast3A_869 = vector.bitcast %or3A_868 : vector<16xi32> to vector<16xi32>
        tpu.vector_store_idx %arg6[%bitcast3A_869], %broadcast_in_dim3A_2 masked %lt3A_8 {add = true} : memref<16384xi32, #tpu.memory_space<vmem>>[vector<16xi32>], vector<16xi32>, vector<16xi1>
        %max3A_870 = arith.maxui %parallel_loop3A_800#1, %parallel_loop3A_800#2 : vector<16xi32>
        %max3A_871 = arith.maxui %max3A_852, %max3A_853 : vector<16xi32>
        %bitcast3A_872 = vector.bitcast %parallel_loop3A_800#1 : vector<16xi32> to vector<16xi32>
        tpu.vector_store_idx %arg6[%bitcast3A_872], %broadcast_in_dim3A_2 {add = true} : memref<16384xi32, #tpu.memory_space<vmem>>[vector<16xi32>], vector<16xi32>,
        %bitcast3A_873 = vector.bitcast %max3A_870 : vector<16xi32> to vector<16xi32>
        tpu.vector_store_idx %arg6[%bitcast3A_873], %neg3A_4 {add = true} : memref<16384xi32, #tpu.memory_space<vmem>>[vector<16xi32>], vector<16xi32>,
        %and3A_874 = arith.constant -16 : i32
        %and3A_875 = vector.broadcast %and3A_874 : i32 to vector<16xi32>
        %and3A_876 = arith.andi %max3A_852, %and3A_875 : vector<16xi32>
        %or3A_877 = arith.ori %and3A_876, %iota3A_1 : vector<16xi32>
        %bitcast3A_878 = vector.bitcast %or3A_877 : vector<16xi32> to vector<16xi32>
        tpu.vector_store_idx %arg6[%bitcast3A_878], %neg3A_4 masked %lt3A_8 {add = true} : memref<16384xi32, #tpu.memory_space<vmem>>[vector<16xi32>], vector<16xi32>, vector<16xi1>
        %and3A_879 = arith.constant -16 : i32
        %and3A_880 = vector.broadcast %and3A_879 : i32 to vector<16xi32>
        %and3A_881 = arith.andi %max3A_871, %and3A_880 : vector<16xi32>
        %or3A_882 = arith.ori %and3A_881, %iota3A_1 : vector<16xi32>
        %bitcast3A_883 = vector.bitcast %or3A_882 : vector<16xi32> to vector<16xi32>
        tpu.vector_store_idx %arg6[%bitcast3A_883], %broadcast_in_dim3A_2 masked %lt3A_8 {add = true} : memref<16384xi32, #tpu.memory_space<vmem>>[vector<16xi32>], vector<16xi32>, vector<16xi1>
        %max3A_884 = arith.maxui %parallel_loop3A_800#2, %parallel_loop3A_800#3 : vector<16xi32>
        %max3A_885 = arith.maxui %max3A_853, %max3A_854 : vector<16xi32>
        %bitcast3A_886 = vector.bitcast %parallel_loop3A_800#2 : vector<16xi32> to vector<16xi32>
        tpu.vector_store_idx %arg6[%bitcast3A_886], %broadcast_in_dim3A_2 {add = true} : memref<16384xi32, #tpu.memory_space<vmem>>[vector<16xi32>], vector<16xi32>,
        %bitcast3A_887 = vector.bitcast %max3A_884 : vector<16xi32> to vector<16xi32>
        tpu.vector_store_idx %arg6[%bitcast3A_887], %neg3A_4 {add = true} : memref<16384xi32, #tpu.memory_space<vmem>>[vector<16xi32>], vector<16xi32>,
        %and3A_888 = arith.constant -16 : i32
        %and3A_889 = vector.broadcast %and3A_888 : i32 to vector<16xi32>
        %and3A_890 = arith.andi %max3A_853, %and3A_889 : vector<16xi32>
        %or3A_891 = arith.ori %and3A_890, %iota3A_1 : vector<16xi32>
        %bitcast3A_892 = vector.bitcast %or3A_891 : vector<16xi32> to vector<16xi32>
        tpu.vector_store_idx %arg6[%bitcast3A_892], %neg3A_4 masked %lt3A_8 {add = true} : memref<16384xi32, #tpu.memory_space<vmem>>[vector<16xi32>], vector<16xi32>, vector<16xi1>
        %and3A_893 = arith.constant -16 : i32
        %and3A_894 = vector.broadcast %and3A_893 : i32 to vector<16xi32>
        %and3A_895 = arith.andi %max3A_885, %and3A_894 : vector<16xi32>
        %or3A_896 = arith.ori %and3A_895, %iota3A_1 : vector<16xi32>
        %bitcast3A_897 = vector.bitcast %or3A_896 : vector<16xi32> to vector<16xi32>
        tpu.vector_store_idx %arg6[%bitcast3A_897], %broadcast_in_dim3A_2 masked %lt3A_8 {add = true} : memref<16384xi32, #tpu.memory_space<vmem>>[vector<16xi32>], vector<16xi32>, vector<16xi1>
        %max3A_898 = arith.maxui %parallel_loop3A_800#3, %parallel_loop3A_800#4 : vector<16xi32>
        %max3A_899 = arith.maxui %max3A_854, %max3A_855 : vector<16xi32>
        %bitcast3A_900 = vector.bitcast %parallel_loop3A_800#3 : vector<16xi32> to vector<16xi32>
        tpu.vector_store_idx %arg6[%bitcast3A_900], %broadcast_in_dim3A_2 {add = true} : memref<16384xi32, #tpu.memory_space<vmem>>[vector<16xi32>], vector<16xi32>,
        %bitcast3A_901 = vector.bitcast %max3A_898 : vector<16xi32> to vector<16xi32>
        tpu.vector_store_idx %arg6[%bitcast3A_901], %neg3A_4 {add = true} : memref<16384xi32, #tpu.memory_space<vmem>>[vector<16xi32>], vector<16xi32>,
        %and3A_902 = arith.constant -16 : i32
        %and3A_903 = vector.broadcast %and3A_902 : i32 to vector<16xi32>
        %and3A_904 = arith.andi %max3A_854, %and3A_903 : vector<16xi32>
        %or3A_905 = arith.ori %and3A_904, %iota3A_1 : vector<16xi32>
        %bitcast3A_906 = vector.bitcast %or3A_905 : vector<16xi32> to vector<16xi32>
        tpu.vector_store_idx %arg6[%bitcast3A_906], %neg3A_4 masked %lt3A_8 {add = true} : memref<16384xi32, #tpu.memory_space<vmem>>[vector<16xi32>], vector<16xi32>, vector<16xi1>
        %and3A_907 = arith.constant -16 : i32
        %and3A_908 = vector.broadcast %and3A_907 : i32 to vector<16xi32>
        %and3A_909 = arith.andi %max3A_899, %and3A_908 : vector<16xi32>
        %or3A_910 = arith.ori %and3A_909, %iota3A_1 : vector<16xi32>
        %bitcast3A_911 = vector.bitcast %or3A_910 : vector<16xi32> to vector<16xi32>
        tpu.vector_store_idx %arg6[%bitcast3A_911], %broadcast_in_dim3A_2 masked %lt3A_8 {add = true} : memref<16384xi32, #tpu.memory_space<vmem>>[vector<16xi32>], vector<16xi32>, vector<16xi1>
      } else {
      }
      %not3A_516 = arith.constant true
      %not3A_517 = arith.xori %lt3A_512, %not3A_516 : i1
      %convert_element_type3A_518 = arith.extui %not3A_517 : i1 to i32
      %cond3A_519 = arith.constant 0 : i32
      %cond3A_520 = arith.cmpi ne, %convert_element_type3A_518, %cond3A_519 : i32
      scf.if %cond3A_520 {
        %parallel_loop3A = arith.constant 0 : i32
        %parallel_loop3A_521 = arith.constant 2048 : i32
        %parallel_loop3A_522 = arith.constant 1 : i32
        scf.for %parallel_loop3A_529 = %parallel_loop3A to %parallel_loop3A_521 step %parallel_loop3A_522  : i32 {
          %parallel_loop3A_530 = arith.constant 16 : i32
          %parallel_loop3A_531 = arith.muli %parallel_loop3A_529, %parallel_loop3A_530 : i32
          %parallel_loop3A_532 = arith.index_cast %parallel_loop3A_531 : i32 to index
          %parallel_loop3A_533 = tpu.vector_load %arg5[%parallel_loop3A_532] {strides = array<i32>} : memref<36880xf32, #tpu.memory_space<vmem>>, vector<16xf32>,
          %parallel_loop3A_534 = arith.constant 1.023000e+03 : f32
          %parallel_loop3A_535 = vector.broadcast %parallel_loop3A_534 : f32 to vector<16xf32>
          %parallel_loop3A_536 = arith.mulf %parallel_loop3A_533, %parallel_loop3A_535 : vector<16xf32>
          %parallel_loop3A_537 = arith.fptosi %parallel_loop3A_536 : vector<16xf32> to vector<16xi32>
          %parallel_loop3A_538 = arith.sitofp %parallel_loop3A_537 : vector<16xi32> to vector<16xf32>
          %parallel_loop3A_539 = arith.cmpf olt, %parallel_loop3A_538, %parallel_loop3A_536 : vector<16xf32>
          %parallel_loop3A_540 = arith.constant 1 : i32
          %parallel_loop3A_541 = vector.broadcast %parallel_loop3A_540 : i32 to vector<16xi32>
          %parallel_loop3A_542 = arith.addi %parallel_loop3A_537, %parallel_loop3A_541 : vector<16xi32>
          %parallel_loop3A_543 = arith.select %parallel_loop3A_539, %parallel_loop3A_542, %parallel_loop3A_537 : vector<16xi1>, vector<16xi32>
          %parallel_loop3A_544 = arith.constant 4 : i32
          %parallel_loop3A_545 = vector.broadcast %parallel_loop3A_544 : i32 to vector<16xi32>
          %parallel_loop3A_546 = arith.shli %parallel_loop3A_543, %parallel_loop3A_545 : vector<16xi32>
          %parallel_loop3A_547 = arith.ori %parallel_loop3A_546, %iota3A : vector<16xi32>
          %parallel_loop3A_548 = vector.bitcast %parallel_loop3A_547 : vector<16xi32> to vector<16xi32>
          %parallel_loop3A_549 = vector.bitcast %parallel_loop3A_548 : vector<16xi32> to vector<16xf32>
          %parallel_loop3A_550 = arith.index_cast %parallel_loop3A_531 : i32 to index
          %parallel_loop3A_551 = tpu.vector_load %arg5[%parallel_loop3A_550] {strides = array<i32>} : memref<36880xf32, #tpu.memory_space<vmem>>, vector<16xf32>,
          tpu.vector_store %arg5[%parallel_loop3A_550], %parallel_loop3A_549 {strides = array<i32>} : memref<36880xf32, #tpu.memory_space<vmem>>, vector<16xf32>,
        } {sc.loop_unroll_factor = 4 : i64, sc.parallel_access}
        %scan3A_523 = arith.constant 0 : i32
        %scan3A_524 = arith.constant 0 : i32
        %scan3A_525 = arith.constant 8 : i32
        %scan3A_526 = arith.addi %scan3A_524, %scan3A_525 : i32
        %scan3A_527 = arith.constant 1 : i32
        scf.for %scan3A_529 = %scan3A_524 to %scan3A_526 step %scan3A_527  : i32 {
          %add3A_530 = arith.addi %add3A_508, %scan3A_529 : i32
          %lt3A_531 = arith.constant 4095 : i32
          %lt3A_532 = arith.cmpi slt, %add3A_530, %lt3A_531 : i32
          %convert_element_type3A_533 = arith.extui %lt3A_532 : i1 to i32
          %cond3A_534 = arith.constant 0 : i32
          %cond3A_535 = arith.cmpi ne, %convert_element_type3A_533, %cond3A_534 : i32
          scf.if %cond3A_535 {
            %parallel_loop3A_540 = arith.constant 0 : i32
            %parallel_loop3A_541 = arith.constant 255 : i32
            %parallel_loop3A_542 = arith.constant 1 : i32
            scf.for %parallel_loop3A_578 = %parallel_loop3A_540 to %parallel_loop3A_541 step %parallel_loop3A_542  : i32 {
              %parallel_loop3A_579 = arith.constant 4096 : i32
              %parallel_loop3A_580 = arith.muli %scan3A_529, %parallel_loop3A_579 : i32
              %parallel_loop3A_581 = arith.constant 16 : i32
              %parallel_loop3A_582 = arith.muli %parallel_loop3A_578, %parallel_loop3A_581 : i32
              %parallel_loop3A_583 = arith.addi %parallel_loop3A_580, %parallel_loop3A_582 : i32
              %parallel_loop3A_584 = arith.index_cast %parallel_loop3A_583 : i32 to index
              %parallel_loop3A_585 = tpu.vector_load %arg5[%parallel_loop3A_584] {strides = array<i32>} : memref<36880xf32, #tpu.memory_space<vmem>>, vector<16xf32>,
              %parallel_loop3A_586 = vector.bitcast %parallel_loop3A_585 : vector<16xf32> to vector<16xi32>
              %parallel_loop3A_587 = arith.constant 1 : i32
              %parallel_loop3A_588 = arith.addi %parallel_loop3A_583, %parallel_loop3A_587 : i32
              %parallel_loop3A_589 = arith.index_cast %parallel_loop3A_588 : i32 to index
              %parallel_loop3A_590 = tpu.vector_load %arg5[%parallel_loop3A_589] {strides = array<i32>} : memref<36880xf32, #tpu.memory_space<vmem>>, vector<16xf32>,
              %parallel_loop3A_591 = vector.bitcast %parallel_loop3A_590 : vector<16xf32> to vector<16xi32>
              %parallel_loop3A_592 = arith.constant 4096 : i32
              %parallel_loop3A_593 = arith.addi %parallel_loop3A_583, %parallel_loop3A_592 : i32
              %parallel_loop3A_594 = arith.index_cast %parallel_loop3A_593 : i32 to index
              %parallel_loop3A_595 = tpu.vector_load %arg5[%parallel_loop3A_594] {strides = array<i32>} : memref<36880xf32, #tpu.memory_space<vmem>>, vector<16xf32>,
              %parallel_loop3A_596 = vector.bitcast %parallel_loop3A_595 : vector<16xf32> to vector<16xi32>
              %parallel_loop3A_597 = arith.constant 4096 : i32
              %parallel_loop3A_598 = arith.addi %parallel_loop3A_583, %parallel_loop3A_597 : i32
              %parallel_loop3A_599 = arith.constant 1 : i32
              %parallel_loop3A_600 = arith.addi %parallel_loop3A_598, %parallel_loop3A_599 : i32
              %parallel_loop3A_601 = arith.index_cast %parallel_loop3A_600 : i32 to index
              %parallel_loop3A_602 = tpu.vector_load %arg5[%parallel_loop3A_601] {strides = array<i32>} : memref<36880xf32, #tpu.memory_space<vmem>>, vector<16xf32>,
              %parallel_loop3A_603 = vector.bitcast %parallel_loop3A_602 : vector<16xf32> to vector<16xi32>
              %parallel_loop3A_604 = arith.maxui %parallel_loop3A_586, %parallel_loop3A_596 : vector<16xi32>
              %parallel_loop3A_605 = arith.maxui %parallel_loop3A_586, %parallel_loop3A_591 : vector<16xi32>
              %parallel_loop3A_606 = arith.maxui %parallel_loop3A_596, %parallel_loop3A_603 : vector<16xi32>
              %parallel_loop3A_607 = arith.maxui %parallel_loop3A_605, %parallel_loop3A_606 : vector<16xi32>
              %parallel_loop3A_608 = vector.bitcast %parallel_loop3A_586 : vector<16xi32> to vector<16xi32>
              tpu.vector_store_idx %arg6[%parallel_loop3A_608], %broadcast_in_dim3A_2 {add = true} : memref<16384xi32, #tpu.memory_space<vmem>>[vector<16xi32>], vector<16xi32>,
              %parallel_loop3A_609 = vector.bitcast %parallel_loop3A_604 : vector<16xi32> to vector<16xi32>
              tpu.vector_store_idx %arg6[%parallel_loop3A_609], %neg3A_4 {add = true} : memref<16384xi32, #tpu.memory_space<vmem>>[vector<16xi32>], vector<16xi32>,
              %parallel_loop3A_610 = arith.constant -16 : i32
              %parallel_loop3A_611 = vector.broadcast %parallel_loop3A_610 : i32 to vector<16xi32>
              %parallel_loop3A_612 = arith.andi %parallel_loop3A_605, %parallel_loop3A_611 : vector<16xi32>
              %parallel_loop3A_613 = arith.ori %parallel_loop3A_612, %iota3A_1 : vector<16xi32>
              %parallel_loop3A_614 = vector.bitcast %parallel_loop3A_613 : vector<16xi32> to vector<16xi32>
              tpu.vector_store_idx %arg6[%parallel_loop3A_614], %neg3A_4 {add = true} : memref<16384xi32, #tpu.memory_space<vmem>>[vector<16xi32>], vector<16xi32>,
              %parallel_loop3A_615 = arith.constant -16 : i32
              %parallel_loop3A_616 = vector.broadcast %parallel_loop3A_615 : i32 to vector<16xi32>
              %parallel_loop3A_617 = arith.andi %parallel_loop3A_607, %parallel_loop3A_616 : vector<16xi32>
              %parallel_loop3A_618 = arith.ori %parallel_loop3A_617, %iota3A_1 : vector<16xi32>
              %parallel_loop3A_619 = vector.bitcast %parallel_loop3A_618 : vector<16xi32> to vector<16xi32>
              tpu.vector_store_idx %arg6[%parallel_loop3A_619], %broadcast_in_dim3A_2 {add = true} : memref<16384xi32, #tpu.memory_space<vmem>>[vector<16xi32>], vector<16xi32>,
            } {sc.loop_unroll_factor = 5 : i64, sc.parallel_access}
            %mul3A_543 = arith.constant 4096 : i32
            %mul3A_544 = arith.muli %scan3A_529, %mul3A_543 : i32
            %add3A_545 = arith.constant 4080 : i32
            %add3A_546 = arith.addi %mul3A_544, %add3A_545 : i32
            %get3A = arith.index_cast %add3A_546 : i32 to index
            %get3A_547 = tpu.vector_load %arg5[%get3A] {strides = array<i32>} : memref<36880xf32, #tpu.memory_space<vmem>>, vector<16xf32>,
            %bitcast3A = vector.bitcast %get3A_547 : vector<16xf32> to vector<16xi32>
            %add3A_548 = arith.constant 1 : i32
            %add3A_549 = arith.addi %add3A_546, %add3A_548 : i32
            %get3A_550 = arith.index_cast %add3A_549 : i32 to index
            %get3A_551 = tpu.vector_load %arg5[%get3A_550] {strides = array<i32>} : memref<36880xf32, #tpu.memory_space<vmem>>, vector<16xf32>,
            %bitcast3A_552 = vector.bitcast %get3A_551 : vector<16xf32> to vector<16xi32>
            %add3A_553 = arith.constant 4096 : i32
            %add3A_554 = arith.addi %add3A_546, %add3A_553 : i32
            %get3A_555 = arith.index_cast %add3A_554 : i32 to index
            %get3A_556 = tpu.vector_load %arg5[%get3A_555] {strides = array<i32>} : memref<36880xf32, #tpu.memory_space<vmem>>, vector<16xf32>,
            %bitcast3A_557 = vector.bitcast %get3A_556 : vector<16xf32> to vector<16xi32>
            %add3A_558 = arith.constant 4096 : i32
            %add3A_559 = arith.addi %add3A_546, %add3A_558 : i32
            %add3A_560 = arith.constant 1 : i32
            %add3A_561 = arith.addi %add3A_559, %add3A_560 : i32
            %get3A_562 = arith.index_cast %add3A_561 : i32 to index
            %get3A_563 = tpu.vector_load %arg5[%get3A_562] {strides = array<i32>} : memref<36880xf32, #tpu.memory_space<vmem>>, vector<16xf32>,
            %bitcast3A_564 = vector.bitcast %get3A_563 : vector<16xf32> to vector<16xi32>
            %max3A = arith.maxui %bitcast3A, %bitcast3A_557 : vector<16xi32>
            %max3A_565 = arith.maxui %bitcast3A, %bitcast3A_552 : vector<16xi32>
            %max3A_566 = arith.maxui %bitcast3A_557, %bitcast3A_564 : vector<16xi32>
            %max3A_567 = arith.maxui %max3A_565, %max3A_566 : vector<16xi32>
            %bitcast3A_568 = vector.bitcast %bitcast3A : vector<16xi32> to vector<16xi32>
            tpu.vector_store_idx %arg6[%bitcast3A_568], %broadcast_in_dim3A_2 {add = true} : memref<16384xi32, #tpu.memory_space<vmem>>[vector<16xi32>], vector<16xi32>,
            %bitcast3A_569 = vector.bitcast %max3A : vector<16xi32> to vector<16xi32>
            tpu.vector_store_idx %arg6[%bitcast3A_569], %neg3A_4 {add = true} : memref<16384xi32, #tpu.memory_space<vmem>>[vector<16xi32>], vector<16xi32>,
            %and3A = arith.constant -16 : i32
            %and3A_570 = vector.broadcast %and3A : i32 to vector<16xi32>
            %and3A_571 = arith.andi %max3A_565, %and3A_570 : vector<16xi32>
            %or3A = arith.ori %and3A_571, %iota3A_1 : vector<16xi32>
            %bitcast3A_572 = vector.bitcast %or3A : vector<16xi32> to vector<16xi32>
            tpu.vector_store_idx %arg6[%bitcast3A_572], %neg3A_4 masked %lt3A_8 {add = true} : memref<16384xi32, #tpu.memory_space<vmem>>[vector<16xi32>], vector<16xi32>, vector<16xi1>
            %and3A_573 = arith.constant -16 : i32
            %and3A_574 = vector.broadcast %and3A_573 : i32 to vector<16xi32>
            %and3A_575 = arith.andi %max3A_567, %and3A_574 : vector<16xi32>
            %or3A_576 = arith.ori %and3A_575, %iota3A_1 : vector<16xi32>
            %bitcast3A_577 = vector.bitcast %or3A_576 : vector<16xi32> to vector<16xi32>
            tpu.vector_store_idx %arg6[%bitcast3A_577], %broadcast_in_dim3A_2 masked %lt3A_8 {add = true} : memref<16384xi32, #tpu.memory_space<vmem>>[vector<16xi32>], vector<16xi32>, vector<16xi1>
          } else {
          }
          %eq3A = arith.constant 4095 : i32
          %eq3A_536 = arith.cmpi eq, %add3A_530, %eq3A : i32
          %convert_element_type3A_537 = arith.extui %eq3A_536 : i1 to i32
          %cond3A_538 = arith.constant 0 : i32
          %cond3A_539 = arith.cmpi ne, %convert_element_type3A_537, %cond3A_538 : i32
          scf.if %cond3A_539 {
            %parallel_loop3A_540 = arith.constant 0 : i32
            %parallel_loop3A_541 = arith.constant 255 : i32
            %parallel_loop3A_542 = arith.constant 1 : i32
            scf.for %parallel_loop3A_557 = %parallel_loop3A_540 to %parallel_loop3A_541 step %parallel_loop3A_542  : i32 {
              %parallel_loop3A_558 = arith.constant 4096 : i32
              %parallel_loop3A_559 = arith.muli %scan3A_529, %parallel_loop3A_558 : i32
              %parallel_loop3A_560 = arith.constant 16 : i32
              %parallel_loop3A_561 = arith.muli %parallel_loop3A_557, %parallel_loop3A_560 : i32
              %parallel_loop3A_562 = arith.addi %parallel_loop3A_559, %parallel_loop3A_561 : i32
              %parallel_loop3A_563 = arith.index_cast %parallel_loop3A_562 : i32 to index
              %parallel_loop3A_564 = tpu.vector_load %arg5[%parallel_loop3A_563] {strides = array<i32>} : memref<36880xf32, #tpu.memory_space<vmem>>, vector<16xf32>,
              %parallel_loop3A_565 = vector.bitcast %parallel_loop3A_564 : vector<16xf32> to vector<16xi32>
              %parallel_loop3A_566 = arith.constant 1 : i32
              %parallel_loop3A_567 = arith.addi %parallel_loop3A_562, %parallel_loop3A_566 : i32
              %parallel_loop3A_568 = arith.index_cast %parallel_loop3A_567 : i32 to index
              %parallel_loop3A_569 = tpu.vector_load %arg5[%parallel_loop3A_568] {strides = array<i32>} : memref<36880xf32, #tpu.memory_space<vmem>>, vector<16xf32>,
              %parallel_loop3A_570 = vector.bitcast %parallel_loop3A_569 : vector<16xf32> to vector<16xi32>
              %parallel_loop3A_571 = vector.bitcast %parallel_loop3A_565 : vector<16xi32> to vector<16xi32>
              tpu.vector_store_idx %arg6[%parallel_loop3A_571], %broadcast_in_dim3A_2 {add = true} : memref<16384xi32, #tpu.memory_space<vmem>>[vector<16xi32>], vector<16xi32>,
              %parallel_loop3A_572 = arith.maxui %parallel_loop3A_565, %parallel_loop3A_570 : vector<16xi32>
              %parallel_loop3A_573 = arith.constant -16 : i32
              %parallel_loop3A_574 = vector.broadcast %parallel_loop3A_573 : i32 to vector<16xi32>
              %parallel_loop3A_575 = arith.andi %parallel_loop3A_572, %parallel_loop3A_574 : vector<16xi32>
              %parallel_loop3A_576 = arith.ori %parallel_loop3A_575, %iota3A_1 : vector<16xi32>
              %parallel_loop3A_577 = vector.bitcast %parallel_loop3A_576 : vector<16xi32> to vector<16xi32>
              tpu.vector_store_idx %arg6[%parallel_loop3A_577], %neg3A_4 {add = true} : memref<16384xi32, #tpu.memory_space<vmem>>[vector<16xi32>], vector<16xi32>,
            } {sc.loop_unroll_factor = 5 : i64, sc.parallel_access}
            %mul3A_543 = arith.constant 4096 : i32
            %mul3A_544 = arith.muli %scan3A_529, %mul3A_543 : i32
            %add3A_545 = arith.constant 4080 : i32
            %add3A_546 = arith.addi %mul3A_544, %add3A_545 : i32
            %get3A = arith.index_cast %add3A_546 : i32 to index
            %get3A_547 = tpu.vector_load %arg5[%get3A] {strides = array<i32>} : memref<36880xf32, #tpu.memory_space<vmem>>, vector<16xf32>,
            %bitcast3A = vector.bitcast %get3A_547 : vector<16xf32> to vector<16xi32>
            %add3A_548 = arith.constant 1 : i32
            %add3A_549 = arith.addi %add3A_546, %add3A_548 : i32
            %get3A_550 = arith.index_cast %add3A_549 : i32 to index
            %get3A_551 = tpu.vector_load %arg5[%get3A_550] {strides = array<i32>} : memref<36880xf32, #tpu.memory_space<vmem>>, vector<16xf32>,
            %bitcast3A_552 = vector.bitcast %get3A_551 : vector<16xf32> to vector<16xi32>
            %bitcast3A_553 = vector.bitcast %bitcast3A : vector<16xi32> to vector<16xi32>
            tpu.vector_store_idx %arg6[%bitcast3A_553], %broadcast_in_dim3A_2 {add = true} : memref<16384xi32, #tpu.memory_space<vmem>>[vector<16xi32>], vector<16xi32>,
            %max3A = arith.maxui %bitcast3A, %bitcast3A_552 : vector<16xi32>
            %and3A = arith.constant -16 : i32
            %and3A_554 = vector.broadcast %and3A : i32 to vector<16xi32>
            %and3A_555 = arith.andi %max3A, %and3A_554 : vector<16xi32>
            %or3A = arith.ori %and3A_555, %iota3A_1 : vector<16xi32>
            %bitcast3A_556 = vector.bitcast %or3A : vector<16xi32> to vector<16xi32>
            tpu.vector_store_idx %arg6[%bitcast3A_556], %neg3A_4 masked %lt3A_8 {add = true} : memref<16384xi32, #tpu.memory_space<vmem>>[vector<16xi32>], vector<16xi32>, vector<16xi1>
          } else {
          }
        }
        %scan3A_528 = arith.constant 8 : i32
      } else {
      }
    }
    %scan3A_132 = arith.constant 8 : i32
    %mul3A_133 = arith.constant 16 : i32
    %mul3A_134 = vector.broadcast %mul3A_133 : i32 to vector<16xi32>
    %mul3A_135 = arith.muli %iota3A, %mul3A_134 : vector<16xi32>
    %scan3A_136 = arith.constant 0 : i32
    %scan3A_137 = arith.constant 0 : i32
    %scan3A_138 = arith.constant 64 : i32
    %scan3A_139 = arith.addi %scan3A_137, %scan3A_138 : i32
    %scan3A_140 = arith.constant 1 : i32
    scf.for %scan3A_142 = %scan3A_137 to %scan3A_139 step %scan3A_140  : i32 {
      %mul3A_143 = arith.constant 256 : i32
      %mul3A_144 = arith.muli %scan3A_142, %mul3A_143 : i32
      %add3A_145 = vector.broadcast %mul3A_144 : i32 to vector<16xi32>
      %add3A_146 = arith.addi %mul3A_135, %add3A_145 : vector<16xi32>
      %gather3A = tpu.vector_load_idx %arg6[%add3A_146] : memref<16384xi32, #tpu.memory_space<vmem>>[vector<16xi32>], vector<16xi32>,
      %mul3A_147 = arith.constant 256 : i32
      %mul3A_148 = arith.muli %scan3A_142, %mul3A_147 : i32
      %add3A_149 = arith.constant 1 : i32
      %add3A_150 = arith.addi %mul3A_148, %add3A_149 : i32
      %add3A_151 = vector.broadcast %add3A_150 : i32 to vector<16xi32>
      %add3A_152 = arith.addi %mul3A_135, %add3A_151 : vector<16xi32>
      %gather3A_153 = tpu.vector_load_idx %arg6[%add3A_152] : memref<16384xi32, #tpu.memory_space<vmem>>[vector<16xi32>], vector<16xi32>,
      %add3A_154 = arith.addi %gather3A, %gather3A_153 : vector<16xi32>
      %mul3A_155 = arith.constant 256 : i32
      %mul3A_156 = arith.muli %scan3A_142, %mul3A_155 : i32
      %add3A_157 = arith.constant 2 : i32
      %add3A_158 = arith.addi %mul3A_156, %add3A_157 : i32
      %add3A_159 = vector.broadcast %add3A_158 : i32 to vector<16xi32>
      %add3A_160 = arith.addi %mul3A_135, %add3A_159 : vector<16xi32>
      %gather3A_161 = tpu.vector_load_idx %arg6[%add3A_160] : memref<16384xi32, #tpu.memory_space<vmem>>[vector<16xi32>], vector<16xi32>,
      %add3A_162 = arith.addi %add3A_154, %gather3A_161 : vector<16xi32>
      %mul3A_163 = arith.constant 256 : i32
      %mul3A_164 = arith.muli %scan3A_142, %mul3A_163 : i32
      %add3A_165 = arith.constant 3 : i32
      %add3A_166 = arith.addi %mul3A_164, %add3A_165 : i32
      %add3A_167 = vector.broadcast %add3A_166 : i32 to vector<16xi32>
      %add3A_168 = arith.addi %mul3A_135, %add3A_167 : vector<16xi32>
      %gather3A_169 = tpu.vector_load_idx %arg6[%add3A_168] : memref<16384xi32, #tpu.memory_space<vmem>>[vector<16xi32>], vector<16xi32>,
      %add3A_170 = arith.addi %add3A_162, %gather3A_169 : vector<16xi32>
      %mul3A_171 = arith.constant 256 : i32
      %mul3A_172 = arith.muli %scan3A_142, %mul3A_171 : i32
      %add3A_173 = arith.constant 4 : i32
      %add3A_174 = arith.addi %mul3A_172, %add3A_173 : i32
      %add3A_175 = vector.broadcast %add3A_174 : i32 to vector<16xi32>
      %add3A_176 = arith.addi %mul3A_135, %add3A_175 : vector<16xi32>
      %gather3A_177 = tpu.vector_load_idx %arg6[%add3A_176] : memref<16384xi32, #tpu.memory_space<vmem>>[vector<16xi32>], vector<16xi32>,
      %add3A_178 = arith.addi %add3A_170, %gather3A_177 : vector<16xi32>
      %mul3A_179 = arith.constant 256 : i32
      %mul3A_180 = arith.muli %scan3A_142, %mul3A_179 : i32
      %add3A_181 = arith.constant 5 : i32
      %add3A_182 = arith.addi %mul3A_180, %add3A_181 : i32
      %add3A_183 = vector.broadcast %add3A_182 : i32 to vector<16xi32>
      %add3A_184 = arith.addi %mul3A_135, %add3A_183 : vector<16xi32>
      %gather3A_185 = tpu.vector_load_idx %arg6[%add3A_184] : memref<16384xi32, #tpu.memory_space<vmem>>[vector<16xi32>], vector<16xi32>,
      %add3A_186 = arith.addi %add3A_178, %gather3A_185 : vector<16xi32>
      %mul3A_187 = arith.constant 256 : i32
      %mul3A_188 = arith.muli %scan3A_142, %mul3A_187 : i32
      %add3A_189 = arith.constant 6 : i32
      %add3A_190 = arith.addi %mul3A_188, %add3A_189 : i32
      %add3A_191 = vector.broadcast %add3A_190 : i32 to vector<16xi32>
      %add3A_192 = arith.addi %mul3A_135, %add3A_191 : vector<16xi32>
      %gather3A_193 = tpu.vector_load_idx %arg6[%add3A_192] : memref<16384xi32, #tpu.memory_space<vmem>>[vector<16xi32>], vector<16xi32>,
      %add3A_194 = arith.addi %add3A_186, %gather3A_193 : vector<16xi32>
      %mul3A_195 = arith.constant 256 : i32
      %mul3A_196 = arith.muli %scan3A_142, %mul3A_195 : i32
      %add3A_197 = arith.constant 7 : i32
      %add3A_198 = arith.addi %mul3A_196, %add3A_197 : i32
      %add3A_199 = vector.broadcast %add3A_198 : i32 to vector<16xi32>
      %add3A_200 = arith.addi %mul3A_135, %add3A_199 : vector<16xi32>
      %gather3A_201 = tpu.vector_load_idx %arg6[%add3A_200] : memref<16384xi32, #tpu.memory_space<vmem>>[vector<16xi32>], vector<16xi32>,
      %add3A_202 = arith.addi %add3A_194, %gather3A_201 : vector<16xi32>
      %mul3A_203 = arith.constant 256 : i32
      %mul3A_204 = arith.muli %scan3A_142, %mul3A_203 : i32
      %add3A_205 = arith.constant 8 : i32
      %add3A_206 = arith.addi %mul3A_204, %add3A_205 : i32
      %add3A_207 = vector.broadcast %add3A_206 : i32 to vector<16xi32>
      %add3A_208 = arith.addi %mul3A_135, %add3A_207 : vector<16xi32>
      %gather3A_209 = tpu.vector_load_idx %arg6[%add3A_208] : memref<16384xi32, #tpu.memory_space<vmem>>[vector<16xi32>], vector<16xi32>,
      %add3A_210 = arith.addi %add3A_202, %gather3A_209 : vector<16xi32>
      %mul3A_211 = arith.constant 256 : i32
      %mul3A_212 = arith.muli %scan3A_142, %mul3A_211 : i32
      %add3A_213 = arith.constant 9 : i32
      %add3A_214 = arith.addi %mul3A_212, %add3A_213 : i32
      %add3A_215 = vector.broadcast %add3A_214 : i32 to vector<16xi32>
      %add3A_216 = arith.addi %mul3A_135, %add3A_215 : vector<16xi32>
      %gather3A_217 = tpu.vector_load_idx %arg6[%add3A_216] : memref<16384xi32, #tpu.memory_space<vmem>>[vector<16xi32>], vector<16xi32>,
      %add3A_218 = arith.addi %add3A_210, %gather3A_217 : vector<16xi32>
      %mul3A_219 = arith.constant 256 : i32
      %mul3A_220 = arith.muli %scan3A_142, %mul3A_219 : i32
      %add3A_221 = arith.constant 10 : i32
      %add3A_222 = arith.addi %mul3A_220, %add3A_221 : i32
      %add3A_223 = vector.broadcast %add3A_222 : i32 to vector<16xi32>
      %add3A_224 = arith.addi %mul3A_135, %add3A_223 : vector<16xi32>
      %gather3A_225 = tpu.vector_load_idx %arg6[%add3A_224] : memref<16384xi32, #tpu.memory_space<vmem>>[vector<16xi32>], vector<16xi32>,
      %add3A_226 = arith.addi %add3A_218, %gather3A_225 : vector<16xi32>
      %mul3A_227 = arith.constant 256 : i32
      %mul3A_228 = arith.muli %scan3A_142, %mul3A_227 : i32
      %add3A_229 = arith.constant 11 : i32
      %add3A_230 = arith.addi %mul3A_228, %add3A_229 : i32
      %add3A_231 = vector.broadcast %add3A_230 : i32 to vector<16xi32>
      %add3A_232 = arith.addi %mul3A_135, %add3A_231 : vector<16xi32>
      %gather3A_233 = tpu.vector_load_idx %arg6[%add3A_232] : memref<16384xi32, #tpu.memory_space<vmem>>[vector<16xi32>], vector<16xi32>,
      %add3A_234 = arith.addi %add3A_226, %gather3A_233 : vector<16xi32>
      %mul3A_235 = arith.constant 256 : i32
      %mul3A_236 = arith.muli %scan3A_142, %mul3A_235 : i32
      %add3A_237 = arith.constant 12 : i32
      %add3A_238 = arith.addi %mul3A_236, %add3A_237 : i32
      %add3A_239 = vector.broadcast %add3A_238 : i32 to vector<16xi32>
      %add3A_240 = arith.addi %mul3A_135, %add3A_239 : vector<16xi32>
      %gather3A_241 = tpu.vector_load_idx %arg6[%add3A_240] : memref<16384xi32, #tpu.memory_space<vmem>>[vector<16xi32>], vector<16xi32>,
      %add3A_242 = arith.addi %add3A_234, %gather3A_241 : vector<16xi32>
      %mul3A_243 = arith.constant 256 : i32
      %mul3A_244 = arith.muli %scan3A_142, %mul3A_243 : i32
      %add3A_245 = arith.constant 13 : i32
      %add3A_246 = arith.addi %mul3A_244, %add3A_245 : i32
      %add3A_247 = vector.broadcast %add3A_246 : i32 to vector<16xi32>
      %add3A_248 = arith.addi %mul3A_135, %add3A_247 : vector<16xi32>
      %gather3A_249 = tpu.vector_load_idx %arg6[%add3A_248] : memref<16384xi32, #tpu.memory_space<vmem>>[vector<16xi32>], vector<16xi32>,
      %add3A_250 = arith.addi %add3A_242, %gather3A_249 : vector<16xi32>
      %mul3A_251 = arith.constant 256 : i32
      %mul3A_252 = arith.muli %scan3A_142, %mul3A_251 : i32
      %add3A_253 = arith.constant 14 : i32
      %add3A_254 = arith.addi %mul3A_252, %add3A_253 : i32
      %add3A_255 = vector.broadcast %add3A_254 : i32 to vector<16xi32>
      %add3A_256 = arith.addi %mul3A_135, %add3A_255 : vector<16xi32>
      %gather3A_257 = tpu.vector_load_idx %arg6[%add3A_256] : memref<16384xi32, #tpu.memory_space<vmem>>[vector<16xi32>], vector<16xi32>,
      %add3A_258 = arith.addi %add3A_250, %gather3A_257 : vector<16xi32>
      %mul3A_259 = arith.constant 256 : i32
      %mul3A_260 = arith.muli %scan3A_142, %mul3A_259 : i32
      %add3A_261 = arith.constant 15 : i32
      %add3A_262 = arith.addi %mul3A_260, %add3A_261 : i32
      %add3A_263 = vector.broadcast %add3A_262 : i32 to vector<16xi32>
      %add3A_264 = arith.addi %mul3A_135, %add3A_263 : vector<16xi32>
      %gather3A_265 = tpu.vector_load_idx %arg6[%add3A_264] : memref<16384xi32, #tpu.memory_space<vmem>>[vector<16xi32>], vector<16xi32>,
      %add3A_266 = arith.addi %add3A_258, %gather3A_265 : vector<16xi32>
      %mul3A_267 = arith.constant 16 : i32
      %mul3A_268 = arith.muli %scan3A_142, %mul3A_267 : i32
      %swap3A = arith.index_cast %mul3A_268 : i32 to index
      %swap3A_269 = tpu.vector_load %arg7[%swap3A] {strides = array<i32>} : memref<1024xi32, #tpu.memory_space<vmem>>, vector<16xi32>,
      tpu.vector_store %arg7[%swap3A], %add3A_266 {strides = array<i32>} : memref<1024xi32, #tpu.memory_space<vmem>>, vector<16xi32>,
    }
    %scan3A_141 = arith.constant 64 : i32
    "tpu.region"() ({
      %run_scoped3A = tpu.sem_alloc : memref<!tpu.dma_semaphore, #tpu.memory_space<semaphore_mem>>
      %dma_start3A_142 = arith.constant 0 : i32
      %dma_start3A_143 = tpu.memref_slice %arg3[%add3A, %dma_start3A_142] : memref<32x1024xi32, #tpu.memory_space<hbm>> -> memref<1x1024xi32, #tpu.memory_space<hbm>>
      %dma_start3A_144 = tpu.memref_squeeze %dma_start3A_143 : memref<1x1024xi32, #tpu.memory_space<hbm>> -> memref<1024xi32, #tpu.memory_space<hbm>>
      %dma_start3A_145 = arith.constant 0 : i32
      %dma_start3A_146 = tpu.memref_slice %arg3[%add3A, %dma_start3A_145] : memref<32x1024xi32, #tpu.memory_space<hbm>> -> memref<1x1024xi32, #tpu.memory_space<hbm>>
      %dma_start3A_147 = tpu.memref_squeeze %dma_start3A_146 : memref<1x1024xi32, #tpu.memory_space<hbm>> -> memref<1024xi32, #tpu.memory_space<hbm>>
      tpu.enqueue_dma source(%arg7 : memref<1024xi32, #tpu.memory_space<vmem>>) target(%dma_start3A_147 : memref<1024xi32, #tpu.memory_space<hbm>>) target_semaphore(%run_scoped3A : memref<!tpu.dma_semaphore, #tpu.memory_space<semaphore_mem>>)
      %dma_wait3A = arith.constant 0 : i32
      %dma_wait3A_148 = tpu.memref_slice %arg3[%add3A, %dma_wait3A] : memref<32x1024xi32, #tpu.memory_space<hbm>> -> memref<1x1024xi32, #tpu.memory_space<hbm>>
      %dma_wait3A_149 = tpu.memref_squeeze %dma_wait3A_148 : memref<1x1024xi32, #tpu.memory_space<hbm>> -> memref<1024xi32, #tpu.memory_space<hbm>>
      %dma_wait3A_150 = arith.constant 0 : i32
      %dma_wait3A_151 = tpu.memref_slice %arg3[%add3A, %dma_wait3A_150] : memref<32x1024xi32, #tpu.memory_space<hbm>> -> memref<1x1024xi32, #tpu.memory_space<hbm>>
      %dma_wait3A_152 = tpu.memref_squeeze %dma_wait3A_151 : memref<1x1024xi32, #tpu.memory_space<hbm>> -> memref<1024xi32, #tpu.memory_space<hbm>>
      tpu.wait_dma2 semaphore(%run_scoped3A : memref<!tpu.dma_semaphore, #tpu.memory_space<semaphore_mem>>) src(%arg7 : memref<1024xi32, #tpu.memory_space<vmem>>) dst(%dma_wait3A_152 : memref<1024xi32, #tpu.memory_space<hbm>>)
      tpu.yield
    }) : () -> ()
    return
  }
}

#map = affine_map<(d0, d1) -> (0, 0)>
#map1 = affine_map<(d0, d1) -> (0)>
module attributes {stable_mosaic.version = 14 : i64} {
  func.func @_finalize_kernel(%arg0: i32, %arg1: i32, %arg2: memref<32x1024xi32, #tpu.memory_space<hbm>>, %arg3: memref<1024xi32, #tpu.memory_space<hbm>>, %arg4: memref<32x1024xi32, #tpu.memory_space<vmem>>, %arg5: memref<1024xi32, #tpu.memory_space<vmem>>) attributes {dimension_semantics = [#tpu.dimension_semantics<core_parallel>, #tpu.dimension_semantics<subcore_parallel>], iteration_bounds = array<i64: 2, 16>, scalar_prefetch = 0 : i64, scratch_operands = 2 : i64, tpu.core_type = #tpu.core_type<sc_vector_subcore>, window_params = [{transform_indices = #map}, {transform_indices = #map1}]} {
    %mul3A = arith.constant 2 : i32
    %mul3A_0 = arith.muli %arg1, %mul3A : i32
    %add3A = arith.addi %mul3A_0, %arg0 : i32
    %iota3A = tpu.iota {dimensions = array<i32: 0>} : vector<16xi32>
    %eq3A = arith.constant 0 : i32
    %eq3A_1 = vector.broadcast %eq3A : i32 to vector<16xi32>
    %eq3A_2 = arith.cmpi eq, %iota3A, %eq3A_1 : vector<16xi32>
    %convert_element_type3A = arith.extui %eq3A_2 : vector<16xi1> to vector<16xi32>
    %broadcast_in_dim3A = arith.constant 15 : i32
    %broadcast_in_dim3A_3 = vector.broadcast %broadcast_in_dim3A : i32 to vector<16xi32>
    %eq3A_4 = arith.constant 0 : i32
    %eq3A_5 = arith.cmpi eq, %add3A, %eq3A_4 : i32
    %convert_element_type3A_6 = arith.extui %eq3A_5 : i1 to i32
    %cond3A = arith.constant 0 : i32
    %cond3A_7 = arith.cmpi ne, %convert_element_type3A_6, %cond3A : i32
    scf.if %cond3A_7 {
      "tpu.region"() ({
        %run_scoped3A = tpu.sem_alloc : memref<!tpu.dma_semaphore, #tpu.memory_space<semaphore_mem>>
        tpu.enqueue_dma source(%arg2 : memref<32x1024xi32, #tpu.memory_space<hbm>>) target(%arg4 : memref<32x1024xi32, #tpu.memory_space<vmem>>) target_semaphore(%run_scoped3A : memref<!tpu.dma_semaphore, #tpu.memory_space<semaphore_mem>>)
        tpu.wait_dma2 semaphore(%run_scoped3A : memref<!tpu.dma_semaphore, #tpu.memory_space<semaphore_mem>>) src(%arg2 : memref<32x1024xi32, #tpu.memory_space<hbm>>) dst(%arg4 : memref<32x1024xi32, #tpu.memory_space<vmem>>)
        tpu.yield
      }) : () -> ()
      %broadcast_in_dim3A_8 = arith.constant 0 : i32
      %broadcast_in_dim3A_9 = vector.broadcast %broadcast_in_dim3A_8 : i32 to vector<16xi32>
      %scan3A = arith.constant 0 : i32
      %scan3A_10 = arith.constant 64 : i32
      %scan3A_11 = arith.addi %scan3A, %scan3A_10 : i32
      %scan3A_12 = arith.constant 1 : i32
      %scan3A_13 = scf.for %scan3A_15 = %scan3A to %scan3A_11 step %scan3A_12 iter_args(%scan3A_16 = %broadcast_in_dim3A_9) -> (vector<16xi32>)  : i32 {
        %mul3A_17 = arith.constant 16 : i32
        %mul3A_18 = arith.muli %scan3A_15, %mul3A_17 : i32
        %get3A = arith.constant 0 : i32
        %get3A_19 = arith.index_cast %get3A : i32 to index
        %get3A_20 = arith.index_cast %mul3A_18 : i32 to index
        %get3A_21 = tpu.vector_load %arg4[%get3A_19, %get3A_20] {strides = array<i32>} : memref<32x1024xi32, #tpu.memory_space<vmem>>, vector<16xi32>,
        %get3A_22 = arith.constant 1 : i32
        %get3A_23 = arith.index_cast %get3A_22 : i32 to index
        %get3A_24 = arith.index_cast %mul3A_18 : i32 to index
        %get3A_25 = tpu.vector_load %arg4[%get3A_23, %get3A_24] {strides = array<i32>} : memref<32x1024xi32, #tpu.memory_space<vmem>>, vector<16xi32>,
        %add3A_26 = arith.addi %get3A_21, %get3A_25 : vector<16xi32>
        %get3A_27 = arith.constant 2 : i32
        %get3A_28 = arith.index_cast %get3A_27 : i32 to index
        %get3A_29 = arith.index_cast %mul3A_18 : i32 to index
        %get3A_30 = tpu.vector_load %arg4[%get3A_28, %get3A_29] {strides = array<i32>} : memref<32x1024xi32, #tpu.memory_space<vmem>>, vector<16xi32>,
        %add3A_31 = arith.addi %add3A_26, %get3A_30 : vector<16xi32>
        %get3A_32 = arith.constant 3 : i32
        %get3A_33 = arith.index_cast %get3A_32 : i32 to index
        %get3A_34 = arith.index_cast %mul3A_18 : i32 to index
        %get3A_35 = tpu.vector_load %arg4[%get3A_33, %get3A_34] {strides = array<i32>} : memref<32x1024xi32, #tpu.memory_space<vmem>>, vector<16xi32>,
        %add3A_36 = arith.addi %add3A_31, %get3A_35 : vector<16xi32>
        %get3A_37 = arith.constant 4 : i32
        %get3A_38 = arith.index_cast %get3A_37 : i32 to index
        %get3A_39 = arith.index_cast %mul3A_18 : i32 to index
        %get3A_40 = tpu.vector_load %arg4[%get3A_38, %get3A_39] {strides = array<i32>} : memref<32x1024xi32, #tpu.memory_space<vmem>>, vector<16xi32>,
        %add3A_41 = arith.addi %add3A_36, %get3A_40 : vector<16xi32>
        %get3A_42 = arith.constant 5 : i32
        %get3A_43 = arith.index_cast %get3A_42 : i32 to index
        %get3A_44 = arith.index_cast %mul3A_18 : i32 to index
        %get3A_45 = tpu.vector_load %arg4[%get3A_43, %get3A_44] {strides = array<i32>} : memref<32x1024xi32, #tpu.memory_space<vmem>>, vector<16xi32>,
        %add3A_46 = arith.addi %add3A_41, %get3A_45 : vector<16xi32>
        %get3A_47 = arith.constant 6 : i32
        %get3A_48 = arith.index_cast %get3A_47 : i32 to index
        %get3A_49 = arith.index_cast %mul3A_18 : i32 to index
        %get3A_50 = tpu.vector_load %arg4[%get3A_48, %get3A_49] {strides = array<i32>} : memref<32x1024xi32, #tpu.memory_space<vmem>>, vector<16xi32>,
        %add3A_51 = arith.addi %add3A_46, %get3A_50 : vector<16xi32>
        %get3A_52 = arith.constant 7 : i32
        %get3A_53 = arith.index_cast %get3A_52 : i32 to index
        %get3A_54 = arith.index_cast %mul3A_18 : i32 to index
        %get3A_55 = tpu.vector_load %arg4[%get3A_53, %get3A_54] {strides = array<i32>} : memref<32x1024xi32, #tpu.memory_space<vmem>>, vector<16xi32>,
        %add3A_56 = arith.addi %add3A_51, %get3A_55 : vector<16xi32>
        %get3A_57 = arith.constant 8 : i32
        %get3A_58 = arith.index_cast %get3A_57 : i32 to index
        %get3A_59 = arith.index_cast %mul3A_18 : i32 to index
        %get3A_60 = tpu.vector_load %arg4[%get3A_58, %get3A_59] {strides = array<i32>} : memref<32x1024xi32, #tpu.memory_space<vmem>>, vector<16xi32>,
        %add3A_61 = arith.addi %add3A_56, %get3A_60 : vector<16xi32>
        %get3A_62 = arith.constant 9 : i32
        %get3A_63 = arith.index_cast %get3A_62 : i32 to index
        %get3A_64 = arith.index_cast %mul3A_18 : i32 to index
        %get3A_65 = tpu.vector_load %arg4[%get3A_63, %get3A_64] {strides = array<i32>} : memref<32x1024xi32, #tpu.memory_space<vmem>>, vector<16xi32>,
        %add3A_66 = arith.addi %add3A_61, %get3A_65 : vector<16xi32>
        %get3A_67 = arith.constant 10 : i32
        %get3A_68 = arith.index_cast %get3A_67 : i32 to index
        %get3A_69 = arith.index_cast %mul3A_18 : i32 to index
        %get3A_70 = tpu.vector_load %arg4[%get3A_68, %get3A_69] {strides = array<i32>} : memref<32x1024xi32, #tpu.memory_space<vmem>>, vector<16xi32>,
        %add3A_71 = arith.addi %add3A_66, %get3A_70 : vector<16xi32>
        %get3A_72 = arith.constant 11 : i32
        %get3A_73 = arith.index_cast %get3A_72 : i32 to index
        %get3A_74 = arith.index_cast %mul3A_18 : i32 to index
        %get3A_75 = tpu.vector_load %arg4[%get3A_73, %get3A_74] {strides = array<i32>} : memref<32x1024xi32, #tpu.memory_space<vmem>>, vector<16xi32>,
        %add3A_76 = arith.addi %add3A_71, %get3A_75 : vector<16xi32>
        %get3A_77 = arith.constant 12 : i32
        %get3A_78 = arith.index_cast %get3A_77 : i32 to index
        %get3A_79 = arith.index_cast %mul3A_18 : i32 to index
        %get3A_80 = tpu.vector_load %arg4[%get3A_78, %get3A_79] {strides = array<i32>} : memref<32x1024xi32, #tpu.memory_space<vmem>>, vector<16xi32>,
        %add3A_81 = arith.addi %add3A_76, %get3A_80 : vector<16xi32>
        %get3A_82 = arith.constant 13 : i32
        %get3A_83 = arith.index_cast %get3A_82 : i32 to index
        %get3A_84 = arith.index_cast %mul3A_18 : i32 to index
        %get3A_85 = tpu.vector_load %arg4[%get3A_83, %get3A_84] {strides = array<i32>} : memref<32x1024xi32, #tpu.memory_space<vmem>>, vector<16xi32>,
        %add3A_86 = arith.addi %add3A_81, %get3A_85 : vector<16xi32>
        %get3A_87 = arith.constant 14 : i32
        %get3A_88 = arith.index_cast %get3A_87 : i32 to index
        %get3A_89 = arith.index_cast %mul3A_18 : i32 to index
        %get3A_90 = tpu.vector_load %arg4[%get3A_88, %get3A_89] {strides = array<i32>} : memref<32x1024xi32, #tpu.memory_space<vmem>>, vector<16xi32>,
        %add3A_91 = arith.addi %add3A_86, %get3A_90 : vector<16xi32>
        %get3A_92 = arith.constant 15 : i32
        %get3A_93 = arith.index_cast %get3A_92 : i32 to index
        %get3A_94 = arith.index_cast %mul3A_18 : i32 to index
        %get3A_95 = tpu.vector_load %arg4[%get3A_93, %get3A_94] {strides = array<i32>} : memref<32x1024xi32, #tpu.memory_space<vmem>>, vector<16xi32>,
        %add3A_96 = arith.addi %add3A_91, %get3A_95 : vector<16xi32>
        %get3A_97 = arith.constant 16 : i32
        %get3A_98 = arith.index_cast %get3A_97 : i32 to index
        %get3A_99 = arith.index_cast %mul3A_18 : i32 to index
        %get3A_100 = tpu.vector_load %arg4[%get3A_98, %get3A_99] {strides = array<i32>} : memref<32x1024xi32, #tpu.memory_space<vmem>>, vector<16xi32>,
        %add3A_101 = arith.addi %add3A_96, %get3A_100 : vector<16xi32>
        %get3A_102 = arith.constant 17 : i32
        %get3A_103 = arith.index_cast %get3A_102 : i32 to index
        %get3A_104 = arith.index_cast %mul3A_18 : i32 to index
        %get3A_105 = tpu.vector_load %arg4[%get3A_103, %get3A_104] {strides = array<i32>} : memref<32x1024xi32, #tpu.memory_space<vmem>>, vector<16xi32>,
        %add3A_106 = arith.addi %add3A_101, %get3A_105 : vector<16xi32>
        %get3A_107 = arith.constant 18 : i32
        %get3A_108 = arith.index_cast %get3A_107 : i32 to index
        %get3A_109 = arith.index_cast %mul3A_18 : i32 to index
        %get3A_110 = tpu.vector_load %arg4[%get3A_108, %get3A_109] {strides = array<i32>} : memref<32x1024xi32, #tpu.memory_space<vmem>>, vector<16xi32>,
        %add3A_111 = arith.addi %add3A_106, %get3A_110 : vector<16xi32>
        %get3A_112 = arith.constant 19 : i32
        %get3A_113 = arith.index_cast %get3A_112 : i32 to index
        %get3A_114 = arith.index_cast %mul3A_18 : i32 to index
        %get3A_115 = tpu.vector_load %arg4[%get3A_113, %get3A_114] {strides = array<i32>} : memref<32x1024xi32, #tpu.memory_space<vmem>>, vector<16xi32>,
        %add3A_116 = arith.addi %add3A_111, %get3A_115 : vector<16xi32>
        %get3A_117 = arith.constant 20 : i32
        %get3A_118 = arith.index_cast %get3A_117 : i32 to index
        %get3A_119 = arith.index_cast %mul3A_18 : i32 to index
        %get3A_120 = tpu.vector_load %arg4[%get3A_118, %get3A_119] {strides = array<i32>} : memref<32x1024xi32, #tpu.memory_space<vmem>>, vector<16xi32>,
        %add3A_121 = arith.addi %add3A_116, %get3A_120 : vector<16xi32>
        %get3A_122 = arith.constant 21 : i32
        %get3A_123 = arith.index_cast %get3A_122 : i32 to index
        %get3A_124 = arith.index_cast %mul3A_18 : i32 to index
        %get3A_125 = tpu.vector_load %arg4[%get3A_123, %get3A_124] {strides = array<i32>} : memref<32x1024xi32, #tpu.memory_space<vmem>>, vector<16xi32>,
        %add3A_126 = arith.addi %add3A_121, %get3A_125 : vector<16xi32>
        %get3A_127 = arith.constant 22 : i32
        %get3A_128 = arith.index_cast %get3A_127 : i32 to index
        %get3A_129 = arith.index_cast %mul3A_18 : i32 to index
        %get3A_130 = tpu.vector_load %arg4[%get3A_128, %get3A_129] {strides = array<i32>} : memref<32x1024xi32, #tpu.memory_space<vmem>>, vector<16xi32>,
        %add3A_131 = arith.addi %add3A_126, %get3A_130 : vector<16xi32>
        %get3A_132 = arith.constant 23 : i32
        %get3A_133 = arith.index_cast %get3A_132 : i32 to index
        %get3A_134 = arith.index_cast %mul3A_18 : i32 to index
        %get3A_135 = tpu.vector_load %arg4[%get3A_133, %get3A_134] {strides = array<i32>} : memref<32x1024xi32, #tpu.memory_space<vmem>>, vector<16xi32>,
        %add3A_136 = arith.addi %add3A_131, %get3A_135 : vector<16xi32>
        %get3A_137 = arith.constant 24 : i32
        %get3A_138 = arith.index_cast %get3A_137 : i32 to index
        %get3A_139 = arith.index_cast %mul3A_18 : i32 to index
        %get3A_140 = tpu.vector_load %arg4[%get3A_138, %get3A_139] {strides = array<i32>} : memref<32x1024xi32, #tpu.memory_space<vmem>>, vector<16xi32>,
        %add3A_141 = arith.addi %add3A_136, %get3A_140 : vector<16xi32>
        %get3A_142 = arith.constant 25 : i32
        %get3A_143 = arith.index_cast %get3A_142 : i32 to index
        %get3A_144 = arith.index_cast %mul3A_18 : i32 to index
        %get3A_145 = tpu.vector_load %arg4[%get3A_143, %get3A_144] {strides = array<i32>} : memref<32x1024xi32, #tpu.memory_space<vmem>>, vector<16xi32>,
        %add3A_146 = arith.addi %add3A_141, %get3A_145 : vector<16xi32>
        %get3A_147 = arith.constant 26 : i32
        %get3A_148 = arith.index_cast %get3A_147 : i32 to index
        %get3A_149 = arith.index_cast %mul3A_18 : i32 to index
        %get3A_150 = tpu.vector_load %arg4[%get3A_148, %get3A_149] {strides = array<i32>} : memref<32x1024xi32, #tpu.memory_space<vmem>>, vector<16xi32>,
        %add3A_151 = arith.addi %add3A_146, %get3A_150 : vector<16xi32>
        %get3A_152 = arith.constant 27 : i32
        %get3A_153 = arith.index_cast %get3A_152 : i32 to index
        %get3A_154 = arith.index_cast %mul3A_18 : i32 to index
        %get3A_155 = tpu.vector_load %arg4[%get3A_153, %get3A_154] {strides = array<i32>} : memref<32x1024xi32, #tpu.memory_space<vmem>>, vector<16xi32>,
        %add3A_156 = arith.addi %add3A_151, %get3A_155 : vector<16xi32>
        %get3A_157 = arith.constant 28 : i32
        %get3A_158 = arith.index_cast %get3A_157 : i32 to index
        %get3A_159 = arith.index_cast %mul3A_18 : i32 to index
        %get3A_160 = tpu.vector_load %arg4[%get3A_158, %get3A_159] {strides = array<i32>} : memref<32x1024xi32, #tpu.memory_space<vmem>>, vector<16xi32>,
        %add3A_161 = arith.addi %add3A_156, %get3A_160 : vector<16xi32>
        %get3A_162 = arith.constant 29 : i32
        %get3A_163 = arith.index_cast %get3A_162 : i32 to index
        %get3A_164 = arith.index_cast %mul3A_18 : i32 to index
        %get3A_165 = tpu.vector_load %arg4[%get3A_163, %get3A_164] {strides = array<i32>} : memref<32x1024xi32, #tpu.memory_space<vmem>>, vector<16xi32>,
        %add3A_166 = arith.addi %add3A_161, %get3A_165 : vector<16xi32>
        %get3A_167 = arith.constant 30 : i32
        %get3A_168 = arith.index_cast %get3A_167 : i32 to index
        %get3A_169 = arith.index_cast %mul3A_18 : i32 to index
        %get3A_170 = tpu.vector_load %arg4[%get3A_168, %get3A_169] {strides = array<i32>} : memref<32x1024xi32, #tpu.memory_space<vmem>>, vector<16xi32>,
        %add3A_171 = arith.addi %add3A_166, %get3A_170 : vector<16xi32>
        %get3A_172 = arith.constant 31 : i32
        %get3A_173 = arith.index_cast %get3A_172 : i32 to index
        %get3A_174 = arith.index_cast %mul3A_18 : i32 to index
        %get3A_175 = tpu.vector_load %arg4[%get3A_173, %get3A_174] {strides = array<i32>} : memref<32x1024xi32, #tpu.memory_space<vmem>>, vector<16xi32>,
        %add3A_176 = arith.addi %add3A_171, %get3A_175 : vector<16xi32>
        %mul3A_177 = arith.muli %scan3A_16, %convert_element_type3A : vector<16xi32>
        %add3A_178 = arith.addi %add3A_176, %mul3A_177 : vector<16xi32>
        %broadcast_in_dim3A_179 = arith.constant true
        %broadcast_in_dim3A_180 = vector.broadcast %broadcast_in_dim3A_179 : i1 to vector<16xi1>
        %masked_cumsum3A = tpu.scan <sum>, %add3A_178 masked %broadcast_in_dim3A_180 : vector<16xi32>, vector<16xi1> -> vector<16xi32>
        %swap3A = arith.index_cast %mul3A_18 : i32 to index
        %swap3A_181 = tpu.vector_load %arg5[%swap3A] {strides = array<i32>} : memref<1024xi32, #tpu.memory_space<vmem>>, vector<16xi32>,
        tpu.vector_store %arg5[%swap3A], %masked_cumsum3A {strides = array<i32>} : memref<1024xi32, #tpu.memory_space<vmem>>, vector<16xi32>,
        %lt3A = arith.constant 0 : i32
        %lt3A_182 = vector.broadcast %lt3A : i32 to vector<16xi32>
        %lt3A_183 = arith.cmpi slt, %broadcast_in_dim3A_3, %lt3A_182 : vector<16xi32>
        %add3A_184 = arith.constant 16 : i32
        %add3A_185 = vector.broadcast %add3A_184 : i32 to vector<16xi32>
        %add3A_186 = arith.addi %broadcast_in_dim3A_3, %add3A_185 : vector<16xi32>
        %select_n3A = arith.select %lt3A_183, %add3A_186, %broadcast_in_dim3A_3 : vector<16xi1>, vector<16xi32>
        %broadcast_in_dim3A_187 = vector.shape_cast %select_n3A : vector<16xi32> to vector<16x1xi32>
        %gather3A = vector.shape_cast %broadcast_in_dim3A_187 : vector<16x1xi32> to vector<16xi32>
        %gather3A_188 = tpu.dynamic_gather %masked_cumsum3A[%gather3A] in [0] : vector<16xi32>, vector<16xi32> -> vector<16xi32>
        scf.yield %gather3A_188 : vector<16xi32>
      }
      %scan3A_14 = arith.constant 64 : i32
      "tpu.region"() ({
        %run_scoped3A = tpu.sem_alloc : memref<!tpu.dma_semaphore, #tpu.memory_space<semaphore_mem>>
        tpu.enqueue_dma source(%arg5 : memref<1024xi32, #tpu.memory_space<vmem>>) target(%arg3 : memref<1024xi32, #tpu.memory_space<hbm>>) target_semaphore(%run_scoped3A : memref<!tpu.dma_semaphore, #tpu.memory_space<semaphore_mem>>)
        tpu.wait_dma2 semaphore(%run_scoped3A : memref<!tpu.dma_semaphore, #tpu.memory_space<semaphore_mem>>) src(%arg5 : memref<1024xi32, #tpu.memory_space<vmem>>) dst(%arg3 : memref<1024xi32, #tpu.memory_space<hbm>>)
        tpu.yield
      }) : () -> ()
    } else {
    }
    return
  }
}

</mosaic_0001>

<sc_bundles>
// kernel: kernel.4.cloned.1.call-start
scs
__scs_entry_jumppad:
0x0: {  	(pc) =	sbr.rel $0x88, $3  }
0x1: {  	(tag) =	ssettag $0x0;
	lr =	simm.s32 $0x1  }
0x2: {  	[smem:$0x3FA0] =	sst lr;
	_ =	strace $0xD0000000  }
0x3: {  	_ = 	snop  }
0x4: {  	_ = 	snop  }
0x5: {  	_ = 	snop  }
0x6: {  	_ = 	snop  }
0x7: {  	_ = 	snop  }
__scs_overlays_trampoline_lowered:
0x8: {  	[smem:$0x3FAF] =	sst s0  }
0x9: {  	[smem:$0x3FB0] =	sst s1  }
0xa: {  	[smem:$0x3FB1] =	sst s2  }
0xb: {  	[smem:$0x3FB2] =	sst s3  }
0xc: {  	[smem:$0x3FB3] =	sst s4  }
0xd: {  	[smem:$0x3FB4] =	sst s5  }
0xe: {  	[smem:$0x3FB5] =	sst s6  }
0xf: {  	[smem:$0x3FB6] =	sst s7  }
0x10: {  	[smem:$0x3FB7] =	sst s8  }
0x11: {  	[smem:$0x3FB8] =	sst s9;
	s0 =	simm.s32 @!p0 $0x0  }
0x12: {  	s1 =	sld [smem:$0x3F9E];
	s0 =	simm.s32 @p0 $0x1  }
0x13: {  	[smem:$0x3FB9] =	sst s0;
	s0 =	simm.s32 @!p1 $0x0  }
0x14: {  	s2 =	sld [smem:$0x3F9D];
	s0 =	simm.s32 @p1 $0x1  }
0x15: {  	[smem:$0x3FBA] =	sst s0;
	s0 =	simm.s32 @!p2 $0x0  }
0x16: {  	s3 =	sld [smem:$0x3FDB];
	s0 =	simm.s32 @p2 $0x1  }
0x17: {  	s4 =	simm.s32 $0x1BF5;
	[smem:$0x3FBC] =	sst s0  }
0x18: {  	s0 =	sld [smem:$0x3F9F];
	_ =	swait.ge [sflag:s4], $0x0  }
0x19: {  	s7 =	sld [smem:$0x3FA0]  }
0x1a: {  	s8 =	sadd.s32 $0xFFFFE003, lr  }
0x1b: {  	s9 =	sadd.s32 $0xFFFFFEF7, lr;
	s5 =	simm.s32 $0xFFFFFFFF;
	p2 =	slt.u32 s8, $0xFFFFF086  }
0x1c: {  	p1 =	slt.u32 s9, $0xF7A;
	s5 =	simm.s32 @!p2 $0x0  }
0x1d: {  	s5 =	simm.s32 @p1 $0x1;
	p0 =	seq.s32 s7, s2  }
0x1e: {  	s7 =	smul.u32 @!p0 $0xF7A, s2;
	p2 =	seq.s32 @!p0 s5, $0x0  }
0x1f: {  	s9 =	smul.u32 $0xF7A, s1;
	s8 =	simm.s32 @!p0 $0x1BF5;
	p2 =	por !p2, p0  }
0x20: {  	[sflag:s8] =	ssyncset.s32 @!p0 $0xFFFFF086;
	s6 =	sadd.s32 @!p0 s3, s7;
	s7 =	simm.s32 @!p0 $0x108  }
0x21: {  	s3 =	sadd.s32 s3, s9;
	s6 =	sadd.s32 @!p0 $0x88, s6;
	s7 =	simm.s32 @p2 $0x1082  }
0x22: {  	[simem:s7], [sflag:s8] =	dma.local @!p0 [hbm:s6], $0xF7A  }
0x23: {  	s9 =	sor.u32 $0xD0000000, s2;
	s6 =	simm.s32 $0x108;
	_ =	swait.ge @!p0 [sflag:s8], $0x0  }
0x24: {  	s3 =	sadd.s32 $0x88, s3;
	s6 =	simm.s32 @!p1 $0x1082;
	[sflag:s4] =	ssyncset.s32 $0xFFFFF086  }
0x25: {  	[simem:s6], [sflag:s4] =	dma.local [hbm:s3], $0xF7A  }
0x26: {  	[smem:$0x3FA0] =	sst s1;
	(tag) =	ssettag s2;
	_ =	strace s9  }
0x27: {  	s1 =	sld [smem:$0x3FB0]  }
0x28: {  	s2 =	sld [smem:$0x3FB1]  }
0x29: {  	s4 =	sld [smem:$0x3FB3]  }
0x2a: {  	p0 =	seq.s32 s5, $0x0;
	s5 =	sld [smem:$0x3FB4]  }
0x2b: {  	s6 =	sld [smem:$0x3FB5]  }
0x2c: {  	s7 =	sld [smem:$0x3FB6]  }
0x2d: {  	s3 =	simm.s32 $0x108;
	s8 =	sld [smem:$0x3FB7]  }
0x2e: {  	s3 =	simm.s32 @!p0 $0x1082;
	s9 =	sld [smem:$0x3FB8]  }
0x2f: {  	lr =	sadd.s32 s0, s3;
	s0 =	sld [smem:$0x3FAF]  }
0x30: {  	s3 =	sld [smem:$0x3FB2]  }
0x31: {  	[smem:$0x3FBB] =	sst s10  }
0x32: {  	s10 =	sld [smem:$0x3FB9];
	_ =	sdelay $0x3  }
0x33: {  	p0 =	seq.s32 s10, $0x1;
	s10 =	sld [smem:$0x3FBB];
	_ =	sdelay $0x3  }
0x34: {  	[smem:$0x3FBB] =	sst s10  }
0x35: {  	s10 =	sld [smem:$0x3FBA];
	_ =	sdelay $0x3  }
0x36: {  	p1 =	seq.s32 s10, $0x1;
	s10 =	sld [smem:$0x3FBB];
	_ =	sdelay $0x3  }
0x37: {  	[smem:$0x3FBB] =	sst s10  }
0x38: {  	s10 =	sld [smem:$0x3FBC]  }
0x39: {  	_ = 	snop;
	(pc) =	sbr.ind lr, $3  }
0x3a: {  	_ = 	snop  }
0x3b: {  	_ = 	snop  }
0x3c: {  	p2 =	seq.s32 s10, $0x1;
	s10 =	sld [smem:$0x3FBB]  }
0x3d: {  	_ =	shalt  }
0x3e: {  	_ =	shalt  }
0x3f: {  	_ =	shalt  }
0x40: {  	_ =	shalt  }
0x41: {  	_ =	shalt  }
0x42: {  	_ =	shalt  }
0x43: {  	_ =	shalt  }
0x44: {  	_ =	shalt  }
0x45: {  	_ =	shalt  }
0x46: {  	_ =	shalt  }
0x47: {  	_ =	shalt  }
0x48: {  	_ =	shalt  }
0x49: {  	_ =	shalt  }
0x4a: {  	_ =	shalt  }
0x4b: {  	_ =	shalt  }
0x4c: {  	_ =	shalt  }
0x4d: {  	_ =	shalt  }
0x4e: {  	_ =	shalt  }
0x4f: {  	_ =	shalt  }
0x50: {  	_ =	shalt  }
0x51: {  	_ =	shalt  }
0x52: {  	_ =	shalt  }
0x53: {  	_ =	shalt  }
0x54: {  	_ =	shalt  }
0x55: {  	_ =	shalt  }
0x56: {  	_ =	shalt  }
0x57: {  	_ =	shalt  }
0x58: {  	_ =	shalt  }
0x59: {  	_ =	shalt  }
0x5a: {  	_ =	shalt  }
0x5b: {  	_ =	shalt  }
0x5c: {  	_ =	shalt  }
0x5d: {  	_ =	shalt  }
0x5e: {  	_ =	shalt  }
0x5f: {  	_ =	shalt  }
0x60: {  	_ =	shalt  }
0x61: {  	_ =	shalt  }
0x62: {  	_ =	shalt  }
0x63: {  	_ =	shalt  }
0x64: {  	_ =	shalt  }
0x65: {  	_ =	shalt  }
0x66: {  	_ =	shalt  }
0x67: {  	_ =	shalt  }
0x68: {  	_ =	shalt  }
0x69: {  	_ =	shalt  }
0x6a: {  	_ =	shalt  }
0x6b: {  	_ =	shalt  }
0x6c: {  	_ =	shalt  }
0x6d: {  	_ =	shalt  }
0x6e: {  	_ =	shalt  }
0x6f: {  	_ =	shalt  }
0x70: {  	_ =	shalt  }
0x71: {  	_ =	shalt  }
0x72: {  	_ =	shalt  }
0x73: {  	_ =	shalt  }
0x74: {  	_ =	shalt  }
0x75: {  	_ =	shalt  }
0x76: {  	_ =	shalt  }
0x77: {  	_ =	shalt  }
0x78: {  	_ =	shalt  }
0x79: {  	_ =	shalt  }
0x7a: {  	_ =	shalt  }
0x7b: {  	_ =	shalt  }
0x7c: {  	_ =	shalt  }
0x7d: {  	_ =	shalt  }
0x7e: {  	_ =	shalt  }
0x7f: {  	_ =	shalt  }
0x80: {  	_ =	shalt  }
0x81: {  	_ =	shalt  }
0x82: {  	_ =	shalt  }
0x83: {  	_ =	shalt  }
0x84: {  	_ =	shalt  }
0x85: {  	_ =	shalt  }
0x86: {  	_ =	shalt  }
0x87: {  	_ =	shalt  }
.Lfunc_end0:
.L_simem_size_0:
called_computation_lowered:
.L_overlay_start_0:
0x88: {  	s2 =	sld [smem:$0x3FD9]  }
0x89: {  	s3 =	sld [smem:$0x3FFE];
	_ =	sdelay $0x1  }
0x8a: {  	s1 =	srdreg.scid  }
0x8b: {  	s0 =	sand.u32 $0x1, s1  }
0x8c: {  	s17 =	sshll.u32 s0, $0xA;
	s2 =	sadd.s32 s3, s2  }
0x8d: {  	s2 =	sadd.s32 s2, s17  }
0x8e: {  	[smem:$0x3FC7] =	sst s2  }
0x8f: {  	_ = 	snop  }
0x90: {  	s2 =	sld [smem:$0x3FC9];
	(tm) =	ssettm $0x1  }
0x91: {  	s18 =	sld [smem:$0x3FFB];
	_ =	sdelay $0x3  }
0x92: {  	_ =	strace s18  }
0x93: {  	s3 =	sld [smem:$0x3FFC];
	_ =	sdelay $0x3  }
0x94: {  	_ =	strace s3  }
0x95: {  	s3 =	sld [smem:$0x3FFD];
	_ =	sdelay $0x3  }
0x96: {  	_ =	strace s3  }
0x97: {  	_ =	strace $0x8FFFFFFF  }
0x98: {  	s19 =	sld [smem:$0x3FDB];
	_ =	sdelay $0x1  }
0x99: {  	s4 =	simm.s32 $_scs_section_size  }
0x9a: {  	s5 =	simm.s32 $_size__tile_overlayer_lowered;
	s6 =	simm.s32 $_tile_overlayer_lowered  }
0x9b: {  	s22 =	simm.s32 $0x1BFF;
	s21 =	sshll.u32 s6, $0x1;
	s3 =	sadd.s32 s4, s19  }
0x9c: {  	s7 =	simm.s32 $0x0;
	s20 =	sshll.u32 s5, $0x1;
	s5 =	sadd.s32 s21, s3  }
0x9d: {  	[timem:s7], [sflag:s22] =	dma.local [hbm:s5], s20  }
0x9e: {  	_ =	swait.ge [sflag:s22], s20  }
0x9f: {  	s4 =	ssub.s32 $0x0, s20;
	[sflag:s22] =	ssyncset.done $0x0  }
0xa0: {  	[sflag:s22] =	ssyncadd.s32 s4;
	_ =	sdelay $0x1  }
0xa1: {  	s23 =	simm.s32 $0x1B8B  }
0xa2: {  	_ =	swait.ge [sflag:s23], $0x1  }
0xa3: {  	[sflag:s23] =	ssyncset.done $0x0  }
0xa4: {  	s25 =	simm.s32 $0x1B8E;
	s24 =	sld [smem:$0x3FFE];
	[sflag:s23] =	ssyncadd.s32 $0xFFFFFFFF  }
0xa5: {  	s26 =	simm.s32 $execute0_lowered;
	[smem:$0x3FD2] =	sst s25  }
0xa6: {  	s5 =	sshll.u32 s26, $0x1;
	_ =	strace $0x80000046;
	[dreg:$0x1] =	wrdreg $0xFFFFFFFF  }
0xa7: {  	s28 =	simm.s32 $_size_execute0_lowered;
	s3 =	sadd.s32 s3, s5;
	[dreg:$0x0] =	wrdreg $0x0  }
0xa8: {  	s5 =	sshll.u32 s28, $0x1;
	[dreg:$0x2] =	wrdreg s3  }
0xa9: {  	[dreg:$0x3] =	wrdreg s5  }
0xaa: {  	[dreg:$0x4] =	wrdreg $0xC0  }
0xab: {  	_ =	task [dreg:s7], $0x5FFFF  }
0xac: {  	[dreg:$0x1] =	wrdreg $0xFFFFFFFF  }
0xad: {  	[dreg:$0x0] =	wrdreg $0x60  }
0xae: {  	[dreg:$0x2] =	wrdreg s2  }
0xaf: {  	[dreg:$0x3] =	wrdreg s24  }
0xb0: {  	[dreg:$0x4] =	wrdreg $0x9  }
0xb1: {  	_ =	task.clear_ibuf [dreg:s7], $0x5FFFF;
	_ =	strace $0x90000046  }
0xb2: {  	s29 =	simm.s32 $0x9;
	_ =	strace $0x80000048  }
0xb3: {  	_ =	swait.ge [sflag:s29], $0x1  }
0xb4: {  	[sflag:s29] =	ssyncadd.s32 $0xFFFFFFFF  }
0xb5: {  	_ =	strace $0x90000048  }
0xb6: {  	_ =	sfence  }
0xb7: {  	s30 =	sld [smem:$0x0];
	_ =	sdelay $0x2  }
0xb8: {  	s31 =	sshll.u32 s1, $0xD;
	s1 =	sshrl.u32 s1, $0x2  }
0xb9: {  	s3 =	sand.u32 $0x4000, s31;
	s1 =	sadd.s32 s1, s30  }
0xba: {  	s0 =	sor.u32 s3, s0;
	s1 =	sshll.u32 s1, $0x11  }
0xbb: {  	s0 =	sor.u32 s1, s0  }
0xbc: {  	s0 =	sadd.s32 $0x8F2B, s0  }
0xbd: {  	[sflag:s0] =	ssyncadd.remote.s32 $0x1  }
0xbe: {  	_ =	sfence.sel $0xFFFF  }
0xbf: {  	[dreg:$0x0] =	wrdreg $0xFFFFFFFF;
	(pc) =	sbr.abs _section_cstart, $3  }
0xc0: {  	[dreg:$0x1] =	wrdreg $0xFFFFFFFF  }
0xc1: {  	_ =	task.clear_ibuf [dreg:s7], $0x2FFFF;
	_ =	strace $0x9FFFFFFF  }
0xc2: {  	(tm) =	ssettm $0x7FFFFFFF  }
0xc3: {  	_ =	shalt  }
tec
execute0_lowered:
.L_overlay_start_1:
0x0: {  	(tag) =	ssettag $0x1  }
0x1: {  	s0 =	srdreg.scid  }
0x2: {  	s2 =	stileid.u32;
	s7 =	rddreg [dreg:$0x0]  }
0x3: {  	s3 =	rddreg [dreg:$0x1];
	s18 =	simm.s32 $0x0;
	s30 =	simm.s32 $0x1  }
0x4: {  	s8 =	simm.s32 $0x12100;
	s0 =	sand.u32 $0x1, s0;
	s1 =	sshll.u32 s2, $0x1  }
0x5: {  	s5 =	sshll.u32 s2, $0xB;
	[smem:$0x7FF] =	sst s18;
	s9 =	sadd.s32 $0x30, s7  }
0x6: {  	s11 =	sadd.s32 $0x40, s7;
	s12 =	sadd.s32 $0x50, s7;
	s1 =	sor.u32 s0, s1  }
0x7: {  	s15 =	sadd.s32 $0x60, s7;
	s4 =	sshll.u32 s1, $0x7;
	s1 =	sshll.u32 s1, $0x10  }
0x8: {  	s17 =	sadd.s32 $0x70, s7;
	s0 =	ssub.s32 $0x2, s0;
	s19 =	sadd.s32 s7, s1  }
0x9: {  	_ =	strace $0x80000047;
	s22 =	sadd.s32 s1, s9;
	[dreg:$0x3] =	wrdreg s19  }
0xa: {  	s6 =	sshrl.u32 s0, $0x1;
	s23 =	sadd.s32 s1, s11;
	[dreg:$0x6] =	wrdreg s22  }
0xb: {  	s5 =	sor.u32 s5, s4;
	s24 =	sadd.s32 s1, s12;
	[dreg:$0x7] =	wrdreg s23  }
0xc: {  	s0 =	ssub.s32 s0, s6;
	s25 =	sadd.s32 s1, s15;
	[dreg:$0x8] =	wrdreg s24  }
0xd: {  	s6 =	sadd.s32 $0x20, s7;
	s26 =	sadd.s32 s1, s17;
	[dreg:$0x9] =	wrdreg s25  }
0xe: {  	v0 =	vimm.s32 $0xFFEDCBA9;
	v1 =	vimm.s32 $0x87654321;
	s28 =	sor.u32 $0x10, s4;
	s31 =	sor.u32 $0x8, s4;
	[dreg:$0xa] =	wrdreg s26  }
0xf: {  	v0 =	vunpack.c.l.s4.s8 v0;
	v1 =	vunpack.c.l.s4.s8 v1;
	s5 =	sand.u32 $0x6380, s5;
	s21 =	sadd.s32 s1, s6;
	[dreg:$0xc] =	wrdreg s28  }
0x10: {  	s0 =	smax.u32 s0, $0x1;
	[dreg:$0xf] =	wrdreg s31;
	s5 =	sshrl.u32 s5, $0x3  }
0x11: {  	v0 =	vunpack.c.0.s8.s32 v0;
	v1 =	vunpack.c.0.s8.s32 v1;
	[dreg:$0x5] =	wrdreg s21;
	s3 =	sadd.s32 s5, s3;
	s5 =	sadd.s32 $0x10, s7  }
0x12: {  	s18 =	sadd.s32 $0x1000, s7;
	[dreg:$0xe] =	wrdreg s0;
	s20 =	sadd.s32 s1, s5  }
0x13: {  	s10 =	simm.s32 $0x2;
	v2 =	vcombine.low v1, v0;
	s1 =	sadd.s32 s1, s18;
	[dreg:$0x4] =	wrdreg s20  }
0x14: {  	vm0 =	vmmov $0x7fff;
	v3 =	vimm.s32 $0x1;
	v4 =	vimm.s32 $0xFFFFFFFF;
	s2 =	simm.s32 $0x0;
	s29 =	sadd.s32 $0x800, s3;
	[dreg:$0xb] =	wrdreg s1  }
0x15: {  	s25 =	simm.s32 $0x80;
	s26 =	simm.s32 $0x400;
	v0 =	vimm.s32 $0x0;
	v1 =	vlaneseq.u32;
	v2 =	vand.u32 $0xF, v2;
	[dreg:$0xd] =	wrdreg s29  }
.LBB2_1:
0x16: {  	[dreg:$0x10] =	wrdreg s2  }
0x17: {  	s0 =	simm.s32 $0x0;
	s1 =	rddreg [dreg:$0x3]  }
0x18: {  	[tilespmem:s0], [sflag:$0x1] =	stream.strided.gather [hbm4b:s1+s25], $0x1000, s26, s25, $0x38;
	[tilespmem:$0x16500] =	vst v63  }
0x19: {  	s2 =	simm.s32 $0x1000;
	s1 =	rddreg [dreg:$0x4]  }
0x1a: {  	[tilespmem:s2], [sflag:$0x1] =	stream.strided.gather [hbm4b:s1+s25], $0x1000, s26, s25, $0x38;
	[tilespmem:$0x16500] =	vst v63  }
0x1b: {  	s3 =	rddreg [dreg:$0x5];
	s4 =	simm.s32 $0x2000  }
0x1c: {  	[tilespmem:s4], [sflag:$0x1] =	stream.strided.gather [hbm4b:s3+s25], $0x1000, s26, s25, $0x38;
	[tilespmem:$0x16500] =	vst v63  }
0x1d: {  	s13 =	rddreg [dreg:$0x6];
	s14 =	simm.s32 $0x3000  }
0x1e: {  	[tilespmem:s14], [sflag:$0x1] =	stream.strided.gather [hbm4b:s13+s25], $0x1000, s26, s25, $0x38;
	[tilespmem:$0x16500] =	vst v63  }
0x1f: {  	s16 =	rddreg [dreg:$0x7];
	s19 =	simm.s32 $0x4000  }
0x20: {  	[tilespmem:s19], [sflag:$0x1] =	stream.strided.gather [hbm4b:s16+s25], $0x1000, s26, s25, $0x38;
	[tilespmem:$0x16500] =	vst v63  }
0x21: {  	s20 =	rddreg [dreg:$0x8];
	s21 =	simm.s32 $0x5000  }
0x22: {  	[tilespmem:s21], [sflag:$0x1] =	stream.strided.gather [hbm4b:s20+s25], $0x1000, s26, s25, $0x38;
	[tilespmem:$0x16500] =	vst v63  }
0x23: {  	s22 =	rddreg [dreg:$0x9];
	s23 =	simm.s32 $0x6000  }
0x24: {  	[tilespmem:s23], [sflag:$0x1] =	stream.strided.gather [hbm4b:s22+s25], $0x1000, s26, s25, $0x38;
	[tilespmem:$0x16500] =	vst v63  }
0x25: {  	s24 =	rddreg [dreg:$0xa];
	s28 =	simm.s32 $0x7000  }
0x26: {  	[tilespmem:s28], [sflag:$0x1] =	stream.strided.gather [hbm4b:s24+s25], $0x1000, s26, s25, $0x38;
	[tilespmem:$0x16500] =	vst v63  }
0x27: {  	s29 =	rddreg [dreg:$0xb];
	s31 =	simm.s32 $0x8000;
	s1 =	simm.s32 $0x0  }
0x28: {  	[tilespmem:s31], [sflag:$0x1] =	stream.strided.gather [hbm4b:s29+s25], $0x1000, s26, s25, $0x38;
	[tilespmem:$0x16500] =	vst v63  }
.LBB2_2:
0x29: {  	p0 =	sne.s32 s1, $0xFFC0  }
.Ltmp0:
0x2a: {  	_ = 	snop;
	(pc) =	sbr.rel @p0 .LBB2_2-.Ltmp0, $3  }
0x2b: {  	_ =	sdelay $0x1  }
0x2c: {  	s13 =	sshra.s32 s1, $0x2  }
0x2d: {  	s1 =	sadd.s32 $0x40, s1;
	[tilespmem:s13+$0x12100] =	vst v0  }
.Ltmp1:
0x2e: {  	(pc) =	sbr.rel .LBB2_4-.Ltmp1, $2  }
0x2f: {  	_ =	sdelay $0x2  }
0x30: {  	s16 =	simm.s32 $0x0  }
.LBB2_26:
0x31: {  	s16 =	sadd.s32 $0x1, s16  }
0x32: {  	p0 =	sne.s32 s16, $0x8  }
.Ltmp2:
0x33: {  	_ = 	snop;
	(pc) =	sbr.rel @!p0 .LBB2_27-.Ltmp2, $2  }
0x34: {  	_ =	sdelay $0x2  }
0x35: {  	s7 =	smov.u32 s24  }
.LBB2_4:
0x36: {  	_ =	swait.ge [sflag:s30], $0x1000  }
0x37: {  	[sflag:s30] =	ssyncset.done $0x0  }
0x38: {  	[sflag:s30] =	ssyncadd.s32 $0xFFFFF000  }
0x39: {  	_ =	swait.ge [sflag:s30], $0x1000  }
0x3a: {  	[sflag:s30] =	ssyncset.done $0x0  }
0x3b: {  	[sflag:s30] =	ssyncadd.s32 $0xFFFFF000  }
0x3c: {  	_ =	swait.ge [sflag:s30], $0x1000  }
0x3d: {  	[sflag:s30] =	ssyncset.done $0x0  }
0x3e: {  	[sflag:s30] =	ssyncadd.s32 $0xFFFFF000  }
0x3f: {  	_ =	swait.ge [sflag:s30], $0x1000  }
0x40: {  	[sflag:s30] =	ssyncset.done $0x0  }
0x41: {  	[sflag:s30] =	ssyncadd.s32 $0xFFFFF000  }
0x42: {  	_ =	swait.ge [sflag:s30], $0x1000  }
0x43: {  	[sflag:s30] =	ssyncset.done $0x0  }
0x44: {  	[sflag:s30] =	ssyncadd.s32 $0xFFFFF000  }
0x45: {  	_ =	swait.ge [sflag:s30], $0x1000  }
0x46: {  	[sflag:s30] =	ssyncset.done $0x0  }
0x47: {  	[sflag:s30] =	ssyncadd.s32 $0xFFFFF000  }
0x48: {  	_ =	swait.ge [sflag:s30], $0x1000  }
0x49: {  	[sflag:s30] =	ssyncset.done $0x0  }
0x4a: {  	[sflag:s30] =	ssyncadd.s32 $0xFFFFF000  }
0x4b: {  	_ =	swait.ge [sflag:s30], $0x1000  }
0x4c: {  	s20 =	sshll.u32 s16, $0x4;
	[sflag:s30] =	ssyncset.done $0x0;
	s0 =	rddreg [dreg:$0xf]  }
0x4d: {  	[sflag:s30] =	ssyncadd.s32 $0xFFFFF000;
	s19 =	sor.u32 s0, s20  }
0x4e: {  	_ =	swait.ge [sflag:s30], $0x1000;
	s1 =	sshll.u32 s19, $0x9  }
0x4f: {  	[sflag:s30] =	ssyncset.done $0x0;
	s13 =	sand.u32 $0x1FFFF000, s1  }
0x50: {  	s23 =	simm.s32 $0x9080;
	[sflag:s30] =	ssyncadd.s32 $0xFFFFF000;
	s14 =	sadd.s32 s7, s13  }
0x51: {  	[tilespmem:s23], [sflag:$0x2] =	stream.strided.gather [hbm4b:s14+s25], $0x1000, s26, s25, $0x38;
	[tilespmem:$0x16500] =	vst v63  }
0x52: {  	s28 =	simm.s32 $0xA080;
	s24 =	sadd.s32 s13, s5  }
0x53: {  	[tilespmem:s28], [sflag:$0x2] =	stream.strided.gather [hbm4b:s24+s25], $0x1000, s26, s25, $0x38;
	[tilespmem:$0x16500] =	vst v63  }
0x54: {  	s31 =	simm.s32 $0xB080;
	s29 =	sadd.s32 s13, s6  }
0x55: {  	[tilespmem:s31], [sflag:$0x2] =	stream.strided.gather [hbm4b:s29+s25], $0x1000, s26, s25, $0x38;
	[tilespmem:$0x16500] =	vst v63  }
0x56: {  	s3 =	simm.s32 $0xC080;
	s2 =	sadd.s32 s13, s9  }
0x57: {  	[tilespmem:s3], [sflag:$0x2] =	stream.strided.gather [hbm4b:s2+s25], $0x1000, s26, s25, $0x38;
	[tilespmem:$0x16500] =	vst v63  }
0x58: {  	s21 =	simm.s32 $0xD080;
	s4 =	sadd.s32 s13, s11  }
0x59: {  	[tilespmem:s21], [sflag:$0x2] =	stream.strided.gather [hbm4b:s4+s25], $0x1000, s26, s25, $0x38;
	[tilespmem:$0x16500] =	vst v63  }
0x5a: {  	s22 =	sadd.s32 s13, s12;
	s23 =	simm.s32 $0xE080  }
0x5b: {  	[tilespmem:s23], [sflag:$0x2] =	stream.strided.gather [hbm4b:s22+s25], $0x1000, s26, s25, $0x38;
	[tilespmem:$0x16500] =	vst v63  }
0x5c: {  	p0 =	sgt.u32 s19, $0xFF7;
	s24 =	sadd.s32 s13, s15;
	s28 =	simm.s32 $0xF080  }
0x5d: {  	[tilespmem:s28], [sflag:$0x2] =	stream.strided.gather [hbm4b:s24+s25], $0x1000, s26, s25, $0x38;
	[tilespmem:$0x16500] =	vst v63  }
0x5e: {  	s1 =	sadd.s32 @!p0 s1, s18;
	s13 =	sadd.s32 s13, s17;
	s29 =	simm.s32 $0x10080  }
0x5f: {  	[tilespmem:s29], [sflag:$0x2] =	stream.strided.gather [hbm4b:s13+s25], $0x1000, s26, s25, $0x38;
	[tilespmem:$0x16500] =	vst v63  }
0x60: {  	s14 =	simm.s32 @!p0 $0x400;
	s22 =	simm.s32 @!p0 $0x11080;
	s13 =	simm.s32 @!p0 $0x80  }
0x61: {  	[tilespmem:s22], [sflag:$0x2] =	stream.strided.gather @!p0 [hbm4b:s1+s13], $0x1000, s14, s13, $0x38;
	[tilespmem:$0x16500] =	vst v63  }
0x62: {  	[bflag:$0x0] =	sbarrier.arrive $0xFFFF  }
0x63: {  	v5 =	vld [tilespmem:$0x0];
	_ =	sdelay $0x1  }
0x64: {  	v6 =	vld [tilespmem:$0x1000];
	_ =	sdelay $0x1  }
0x65: {  	s22 =	simm.s32 $0x10;
	v7 =	vld [tilespmem:$0x2000]  }
0x66: {  	s31 =	sand.u32 $0xFF0, s22;
	v9 =	vld [tilespmem:$0x3000];
	v5 =	vmul.f32 $1.023000000e+03, v5  }
0x67: {  	v15 =	vld [tilespmem:s31+$0x4000]  }
0x68: {  	v6 =	vmul.f32 $1.023000000e+03, v6;
	v8 =	vtrunc.f32 v5  }
0x69: {  	v10 =	vcvt.f32.s32 v8;
	vm1 =	vgt.f32 v5, v8  }
0x6a: {  	v7 =	vmul.f32 $1.023000000e+03, v7;
	v8 =	vtrunc.f32 v6;
	v5 =	vsel vm1, $0x1, v0  }
0x6b: {  	vm1 =	vgt.f32 v6, v8;
	v6 =	vmul.f32 $1.023000000e+03, v9;
	v5 =	vadd.s32 v10, v5  }
0x6c: {  	v15 =	vmul.f32 $1.023000000e+03, v15;
	v10 =	vcvt.f32.s32 v8;
	v8 =	vld [tilespmem:$0x4000];
	v5 =	vshll.u32 v5, $0x4  }
0x6d: {  	v11 =	vtrunc.f32 v7;
	v12 =	vtrunc.f32 v6;
	v9 =	vor.u32 v1, v5  }
0x6e: {  	v13 =	vld [tilespmem:s22+$0x0];
	v5 =	vsel vm1, $0x1, v0;
	vm1 =	vgt.f32 v7, v11;
	v7 =	vcvt.f32.s32 v12  }
0x6f: {  	v14 =	vld [tilespmem:s31+$0x2000];
	vm2 =	vgt.f32 v6, v12;
	v5 =	vadd.s32 v10, v5;
	v10 =	vcvt.f32.s32 v11  }
0x70: {  	v11 =	vld [tilespmem:s31+$0x1000];
	v6 =	vsel vm1, $0x1, v0;
	v12 =	vsel vm2, $0x1, v0;
	v5 =	vshll.u32 v5, $0x4  }
0x71: {  	v6 =	vadd.s32 v10, v6;
	v10 =	vadd.s32 v7, v12;
	v8 =	vmul.f32 $1.023000000e+03, v8;
	v12 =	vld [tilespmem:s31+$0x3000]  }
0x72: {  	v7 =	vor.u32 v1, v5;
	v5 =	vshll.u32 v6, $0x4;
	v10 =	vshll.u32 v10, $0x4  }
0x73: {  	v6 =	vor.u32 v1, v5;
	v5 =	vor.u32 v1, v10;
	v10 =	vtrunc.f32 v8  }
0x74: {  	v16 =	vcvt.f32.s32 v10;
	vm1 =	vgt.f32 v8, v10;
	v10 =	vmul.f32 $1.023000000e+03, v13  }
0x75: {  	v11 =	vmul.f32 $1.023000000e+03, v11;
	v13 =	vmul.f32 $1.023000000e+03, v14  }
0x76: {  	v8 =	vsel vm1, $0x1, v0;
	v12 =	vmul.f32 $1.023000000e+03, v12;
	v14 =	vtrunc.f32 v10  }
0x77: {  	v8 =	vadd.s32 v16, v8;
	v60 =	vtrunc.f32 v11;
	v17 =	vtrunc.f32 v13  }
0x78: {  	v8 =	vshll.u32 v8, $0x4;
	v19 =	vcvt.f32.s32 v14;
	vm1 =	vgt.f32 v10, v14  }
0x79: {  	v10 =	vtrunc.f32 v15;
	v14 =	vcvt.f32.s32 v60;
	vm2 =	vgt.f32 v11, v60  }
0x7a: {  	v11 =	vcvt.f32.s32 v17;
	vm3 =	vgt.f32 v13, v17;
	v8 =	vor.u32 v1, v8  }
0x7b: {  	v18 =	vtrunc.f32 v12;
	v62 =	vcvt.f32.s32 v10;
	v13 =	vsel vm3, $0x1, v0  }
0x7c: {  	v61 =	vcvt.f32.s32 v18;
	vm4 =	vgt.f32 v12, v18;
	v12 =	vsel vm1, $0x1, v0  }
0x7d: {  	vm1 =	vgt.f32 v15, v10;
	v10 =	vsel vm2, $0x1, v0;
	v13 =	vadd.s32 v11, v13  }
0x7e: {  	v15 =	vsel vm4, $0x1, v0;
	v12 =	vadd.s32 v19, v12;
	v14 =	vadd.s32 v14, v10  }
0x7f: {  	v63 =	vsel vm1, $0x1, v0;
	v10 =	vshll.u32 v12, $0x4;
	v11 =	vadd.s32 v61, v15  }
0x80: {  	s13 =	simm.s32 $0x20;
	v14 =	vshll.u32 v14, $0x4;
	v12 =	vadd.s32 v62, v63;
	v10 =	vor.u32 v1, v10  }
.LBB2_5:
0x81: {  	p1 =	sne.s32 s13, $0xFF0;
	v14 =	vor.u32 v1, v14;
	v15 =	vperm.xlane v9, v2;
	v16 =	vperm.xlane v7, v2  }
0x82: {  	v13 =	vshll.u32 v13, $0x4;
	v17 =	vperm.xlane v10, v0;
	v18 =	vperm.xlane v14, v0  }
0x83: {  	v11 =	vshll.u32 v11, $0x4;
	v12 =	vshll.u32 v12, $0x4;
	v13 =	vor.u32 v1, v13  }
0x84: {  	s22 =	sadd.s32 $0x10, s22;
	v15 =	vsel vm0, v15, v17;
	v17 =	vmax.u32 v9, v7;
	v16 =	vsel vm0, v16, v18  }
0x85: {  	s1 =	sand.u32 $0xFF0, s13;
	v19 =	vperm.xlane v6, v2;
	v15 =	vmax.u32 v9, v15;
	v18 =	vld [tilespmem:s22+$0x0];
	v16 =	vmax.u32 v7, v16  }
0x86: {  	v21 =	vperm.xlane v13, v0;
	v20 =	vld [tilespmem:s1+$0x1000];
	v22 =	vmax.u32 v15, v16;
	v15 =	vand.u32 $0xFFFFFFF0, v15  }
0x87: {  	v11 =	vor.u32 v1, v11;
	v23 =	vld [tilespmem:s1+$0x2000];
	v15 =	vor.u32 v1, v15;
	v22 =	vand.u32 $0xFFFFFFF0, v22  }
0x88: {  	v12 =	vor.u32 v1, v12;
	v19 =	vsel vm0, v19, v21;
	v24 =	vld [tilespmem:s1+$0x3000];
	v21 =	vor.u32 v1, v22  }
0x89: {  	v25 =	vperm.xlane v5, v2;
	v26 =	vmax.u32 v7, v6;
	v19 =	vmax.u32 v6, v19;
	v22 =	vld [tilespmem:s1+$0x4000]  }
0x8a: {  	v27 =	vperm.xlane v11, v0;
	[tilespmem:v9+s8+$0x0] =	vst.idx.add.s32.msk $0xffff, v3;
	v9 =	vmax.u32 v16, v19;
	v16 =	vand.u32 $0xFFFFFFF0, v16  }
0x8b: {  	[tilespmem:v17+s8+$0x0] =	vst.idx.add.s32.msk $0xffff, v4;
	v16 =	vor.u32 v1, v16;
	v9 =	vand.u32 $0xFFFFFFF0, v9;
	v17 =	vmax.u32 v6, v5  }
0x8c: {  	v25 =	vsel vm0, v25, v27;
	v18 =	vmul.f32 $1.023000000e+03, v18;
	[tilespmem:v15+s8+$0x0] =	vst.idx.add.s32.msk $0xffff, v4;
	v9 =	vor.u32 v1, v9  }
0x8d: {  	v25 =	vmax.u32 v5, v25;
	v15 =	vmul.f32 $1.023000000e+03, v20;
	v20 =	vperm.xlane v8, v2;
	[tilespmem:v21+s8+$0x0] =	vst.idx.add.s32.msk $0xffff, v3  }
0x8e: {  	v27 =	vmax.u32 v19, v25;
	v19 =	vand.u32 $0xFFFFFFF0, v19;
	v21 =	vperm.xlane v12, v0;
	[tilespmem:v7+s8+$0x0] =	vst.idx.add.s32.msk $0xffff, v3  }
0x8f: {  	v19 =	vor.u32 v1, v19;
	v23 =	vmul.f32 $1.023000000e+03, v23;
	v7 =	vmovc v14;
	[tilespmem:v26+s8+$0x0] =	vst.idx.add.s32.msk $0xffff, v4;
	v26 =	vand.u32 $0xFFFFFFF0, v27  }
0x90: {  	v14 =	vmul.f32 $1.023000000e+03, v24;
	v20 =	vsel vm0, v20, v21;
	[tilespmem:v16+s8+$0x0] =	vst.idx.add.s32.msk $0xffff, v4;
	v16 =	vor.u32 v1, v26  }
0x91: {  	v22 =	vmul.f32 $1.023000000e+03, v22;
	v21 =	vtrunc.f32 v18;
	v20 =	vmax.u32 v8, v20;
	[tilespmem:v9+s8+$0x0] =	vst.idx.add.s32.msk $0xffff, v3;
	v9 =	vmovc v10  }
0x92: {  	v26 =	vand.u32 $0xFFFFFFF0, v25;
	v10 =	vmax.u32 v5, v8;
	v24 =	vmax.u32 v25, v20;
	[tilespmem:v6+s8+$0x0] =	vst.idx.add.s32.msk $0xffff, v3  }
0x93: {  	v20 =	vtrunc.f32 v15;
	v25 =	vand.u32 $0xFFFFFFF0, v24;
	v6 =	vmovc v13;
	[tilespmem:v17+s8+$0x0] =	vst.idx.add.s32.msk $0xffff, v4;
	v17 =	vor.u32 v1, v26  }
0x94: {  	v8 =	vmovc v12;
	v13 =	vtrunc.f32 v23;
	v24 =	vtrunc.f32 v14;
	[tilespmem:v19+s8+$0x0] =	vst.idx.add.s32.msk $0xffff, v4;
	v19 =	vor.u32 v1, v25  }
0x95: {  	vm1 =	vgt.f32 v18, v21;
	v18 =	vtrunc.f32 v22;
	v12 =	vcvt.f32.s32 v21;
	[tilespmem:v16+s8+$0x0] =	vst.idx.add.s32.msk $0xffff, v3  }
0x96: {  	vm2 =	vgt.f32 v15, v20;
	v15 =	vcvt.f32.s32 v13;
	v16 =	vcvt.f32.s32 v20;
	[tilespmem:v5+s8+$0x0] =	vst.idx.add.s32.msk $0xffff, v3;
	v5 =	vmovc v11  }
0x97: {  	vm3 =	vgt.f32 v23, v13;
	vm4 =	vgt.f32 v14, v24;
	v11 =	vcvt.f32.s32 v24;
	[tilespmem:v10+s8+$0x0] =	vst.idx.add.s32.msk $0xffff, v4  }
.Ltmp3:
0x98: {  	v20 =	vcvt.f32.s32 v18;
	v10 =	vsel vm1, $0x1, v0;
	vm1 =	vgt.f32 v22, v18;
	[tilespmem:v17+s8+$0x0] =	vst.idx.add.s32.msk $0xffff, v4;
	(pc) =	sbr.rel @p1 .LBB2_5-.Ltmp3, $4  }
0x99: {  	v13 =	vsel vm2, $0x1, v0;
	v14 =	vsel vm3, $0x1, v0;
	v17 =	vsel vm4, $0x1, v0;
	[tilespmem:v19+s8+$0x0] =	vst.idx.add.s32.msk $0xffff, v3  }
0x9a: {  	v10 =	vadd.s32 v12, v10;
	v12 =	vadd.s32 v16, v13;
	v16 =	vsel vm1, $0x1, v0  }
0x9b: {  	v13 =	vadd.s32 v15, v14;
	v10 =	vshll.u32 v10, $0x4;
	v11 =	vadd.s32 v11, v17  }
0x9c: {  	s13 =	sadd.s32 $0x10, s13;
	v14 =	vshll.u32 v12, $0x4;
	v12 =	vadd.s32 v20, v16;
	v10 =	vor.u32 v1, v10  }
0x9d: {  	v14 =	vor.u32 v1, v14;
	v15 =	vperm.xlane v9, v2;
	v16 =	vperm.xlane v7, v2  }
0x9e: {  	v17 =	vperm.xlane v10, v0;
	v18 =	vperm.xlane v14, v0  }
0x9f: {  	v13 =	vshll.u32 v13, $0x4;
	v46 =	vmax.u32 v9, v7;
	v47 =	vperm.xlane v6, v2  }
0xa0: {  	v11 =	vshll.u32 v11, $0x4;
	v15 =	vsel vm0, v15, v17;
	v16 =	vsel vm0, v16, v18  }
0xa1: {  	v13 =	vor.u32 v1, v13;
	v15 =	vmax.u32 v9, v15;
	v16 =	vmax.u32 v7, v16  }
0xa2: {  	v19 =	vperm.xlane v13, v0;
	v20 =	vmax.u32 v15, v16;
	v15 =	vand.u32 $0xFFFFFFF0, v15  }
0xa3: {  	v49 =	vperm.xlane v5, v2;
	v15 =	vor.u32 v1, v15;
	v20 =	vand.u32 $0xFFFFFFF0, v20  }
0xa4: {  	v11 =	vor.u32 v1, v11;
	v18 =	vsel vm0, v47, v19;
	v48 =	vor.u32 v1, v20  }
0xa5: {  	v21 =	vmax.u32 v7, v6;
	v22 =	vperm.xlane v11, v0;
	v18 =	vmax.u32 v6, v18  }
0xa6: {  	[tilespmem:v9+s8+$0x0] =	vst.idx.add.s32.msk $0xffff, v3;
	v51 =	vperm.xlane v8, v2;
	v9 =	vmax.u32 v16, v18;
	v16 =	vand.u32 $0xFFFFFFF0, v16  }
0xa7: {  	v50 =	vsel vm0, v49, v22;
	[tilespmem:v46+s8+$0x0] =	vst.idx.add.s32.msk $0xffff, v4;
	v16 =	vor.u32 v1, v16;
	v9 =	vand.u32 $0xFFFFFFF0, v9  }
0xa8: {  	v12 =	vshll.u32 v12, $0x4;
	v17 =	vmax.u32 v5, v50;
	v9 =	vor.u32 v1, v9;
	[tilespmem:v15+s8+$0x0] =	vst.idx.add.s32.msk $0xffff, v4  }
0xa9: {  	v12 =	vor.u32 v1, v12;
	v52 =	vmax.u32 v18, v17;
	[tilespmem:v48+s8+$0x0] =	vst.idx.add.s32.msk $0xffff, v3  }
0xaa: {  	v18 =	vand.u32 $0xFFFFFFF0, v18;
	v15 =	vmax.u32 v6, v5;
	[tilespmem:v7+s8+$0x0] =	vst.idx.add.s32.msk $0xffff, v3;
	v7 =	vperm.xlane v12, v0  }
0xab: {  	v18 =	vor.u32 v1, v18;
	v20 =	vand.u32 $0xFFFFFFF0, v52;
	[tilespmem:v21+s8+$0x0] =	vst.idx.add.s32.msk $0xffff, v4  }
0xac: {  	v53 =	vor.u32 v1, v20;
	[tilespmem:v16+s8+$0x0] =	vst.idx.add.s32.msk $0xffff, v4;
	v7 =	vsel vm0, v51, v7  }
0xad: {  	[tilespmem:v9+s8+$0x0] =	vst.idx.add.s32.msk $0xffff, v3;
	v7 =	vmax.u32 v8, v7;
	v8 =	vmax.u32 v5, v8  }
0xae: {  	v9 =	vperm.xlane v10, v2;
	[tilespmem:v6+s8+$0x0] =	vst.idx.add.s32.msk $0xffff, v3;
	v6 =	vand.u32 $0xFFFFFFF0, v17;
	v7 =	vmax.u32 v17, v7  }
0xaf: {  	v6 =	vor.u32 v1, v6;
	[tilespmem:v15+s8+$0x0] =	vst.idx.add.s32.msk $0xffff, v4;
	v7 =	vand.u32 $0xFFFFFFF0, v7;
	v15 =	vperm.xlane v14, v2  }
0xb0: {  	[tilespmem:v18+s8+$0x0] =	vst.idx.add.s32.msk $0xffff, v4;
	v7 =	vor.u32 v1, v7  }
0xb1: {  	v9 =	vmax.u32 v10, v9;
	[tilespmem:v53+s8+$0x0] =	vst.idx.add.s32.msk $0xffff, v3;
	v15 =	vmax.u32 v14, v15  }
0xb2: {  	[tilespmem:v5+s8+$0x0] =	vst.idx.add.s32.msk $0xffff, v3;
	v5 =	vmax.u32 v10, v14;
	v54 =	vmax.u32 v9, v15;
	v9 =	vand.u32 $0xFFFFFFF0, v9  }
0xb3: {  	[tilespmem:v8+s8+$0x0] =	vst.idx.add.s32.msk $0xffff, v4;
	v8 =	vperm.xlane v13, v2;
	v9 =	vor.u32 v1, v9;
	v16 =	vand.u32 $0xFFFFFFF0, v54  }
0xb4: {  	[tilespmem:v6+s8+$0x0] =	vst.idx.add.s32.msk $0xffff, v4;
	v6 =	vor.u32 v1, v16  }
0xb5: {  	[tilespmem:v7+s8+$0x0] =	vst.idx.add.s32.msk $0xffff, v3;
	v7 =	vmax.u32 v13, v8  }
0xb6: {  	v8 =	vmax.u32 v14, v13;
	[tilespmem:v10+s8+$0x0] =	vst.idx.add.s32.msk $0xffff, v3;
	v10 =	vmax.u32 v15, v7;
	v15 =	vand.u32 $0xFFFFFFF0, v15  }
0xb7: {  	v55 =	vperm.xlane v11, v2;
	[tilespmem:v5+s8+$0x0] =	vst.idx.add.s32.msk $0xffff, v4;
	v5 =	vor.u32 v1, v15;
	v10 =	vand.u32 $0xFFFFFFF0, v10  }
0xb8: {  	[tilespmem:v9+s8+$0x0] =	vst.idx.add.s32.msk $0x7fff, v4;
	v9 =	vor.u32 v1, v10  }
0xb9: {  	v10 =	vmax.u32 v11, v55;
	[tilespmem:v6+s8+$0x0] =	vst.idx.add.s32.msk $0x7fff, v3  }
0xba: {  	v6 =	vmax.u32 v13, v11;
	[tilespmem:v14+s8+$0x0] =	vst.idx.add.s32.msk $0xffff, v3;
	v14 =	vmax.u32 v7, v10;
	v7 =	vand.u32 $0xFFFFFFF0, v7  }
0xbb: {  	v15 =	vperm.xlane v12, v2;
	[tilespmem:v8+s8+$0x0] =	vst.idx.add.s32.msk $0xffff, v4;
	v7 =	vor.u32 v1, v7;
	v8 =	vand.u32 $0xFFFFFFF0, v14  }
0xbc: {  	[tilespmem:v5+s8+$0x0] =	vst.idx.add.s32.msk $0x7fff, v4;
	v5 =	vor.u32 v1, v8  }
0xbd: {  	v8 =	vmax.u32 v12, v15;
	[tilespmem:v9+s8+$0x0] =	vst.idx.add.s32.msk $0x7fff, v3  }
0xbe: {  	v9 =	vmax.u32 v11, v12;
	v8 =	vmax.u32 v10, v8;
	v10 =	vand.u32 $0xFFFFFFF0, v10;
	[tilespmem:v13+s8+$0x0] =	vst.idx.add.s32.msk $0xffff, v3  }
0xbf: {  	v8 =	vand.u32 $0xFFFFFFF0, v8;
	[tilespmem:v6+s8+$0x0] =	vst.idx.add.s32.msk $0xffff, v4;
	v6 =	vor.u32 v1, v10  }
0xc0: {  	[tilespmem:v7+s8+$0x0] =	vst.idx.add.s32.msk $0x7fff, v4;
	v7 =	vor.u32 v1, v8  }
0xc1: {  	[tilespmem:v5+s8+$0x0] =	vst.idx.add.s32.msk $0x7fff, v3  }
0xc2: {  	[tilespmem:v11+s8+$0x0] =	vst.idx.add.s32.msk $0xffff, v3  }
0xc3: {  	[tilespmem:v9+s8+$0x0] =	vst.idx.add.s32.msk $0xffff, v4  }
0xc4: {  	[tilespmem:v6+s8+$0x0] =	vst.idx.add.s32.msk $0x7fff, v4  }
0xc5: {  	[tilespmem:v7+s8+$0x0] =	vst.idx.add.s32.msk $0x7fff, v3  }
0xc6: {  	v5 =	vld [tilespmem:$0x4000];
	_ =	sdelay $0x1  }
0xc7: {  	v6 =	vld [tilespmem:$0x5000];
	_ =	sdelay $0x1  }
0xc8: {  	s1 =	simm.s32 $0x10;
	v7 =	vld [tilespmem:$0x6000]  }
0xc9: {  	s1 =	sand.u32 $0xFF0, s1;
	v9 =	vld [tilespmem:$0x7000];
	v5 =	vmul.f32 $1.023000000e+03, v5  }
0xca: {  	v15 =	vld [tilespmem:s1+$0x8000]  }
0xcb: {  	v6 =	vmul.f32 $1.023000000e+03, v6;
	v8 =	vtrunc.f32 v5  }
0xcc: {  	v10 =	vcvt.f32.s32 v8;
	vm1 =	vgt.f32 v5, v8  }
0xcd: {  	v7 =	vmul.f32 $1.023000000e+03, v7;
	v8 =	vtrunc.f32 v6;
	v5 =	vsel vm1, $0x1, v0  }
0xce: {  	vm1 =	vgt.f32 v6, v8;
	v6 =	vmul.f32 $1.023000000e+03, v9;
	v5 =	vadd.s32 v10, v5  }
0xcf: {  	v15 =	vmul.f32 $1.023000000e+03, v15;
	v10 =	vcvt.f32.s32 v8;
	v8 =	vld [tilespmem:$0x8000];
	v5 =	vshll.u32 v5, $0x4  }
0xd0: {  	v11 =	vtrunc.f32 v7;
	v12 =	vtrunc.f32 v6;
	v9 =	vor.u32 v1, v5  }
0xd1: {  	v13 =	vld [tilespmem:s1+$0x4000];
	v5 =	vsel vm1, $0x1, v0;
	vm1 =	vgt.f32 v7, v11;
	v7 =	vcvt.f32.s32 v12  }
0xd2: {  	v14 =	vld [tilespmem:s1+$0x6000];
	vm2 =	vgt.f32 v6, v12;
	v5 =	vadd.s32 v10, v5;
	v10 =	vcvt.f32.s32 v11  }
0xd3: {  	v11 =	vld [tilespmem:s1+$0x5000];
	v6 =	vsel vm1, $0x1, v0;
	v12 =	vsel vm2, $0x1, v0;
	v5 =	vshll.u32 v5, $0x4  }
0xd4: {  	v6 =	vadd.s32 v10, v6;
	v10 =	vadd.s32 v7, v12;
	v8 =	vmul.f32 $1.023000000e+03, v8;
	v12 =	vld [tilespmem:s1+$0x7000]  }
0xd5: {  	v7 =	vor.u32 v1, v5;
	v5 =	vshll.u32 v6, $0x4;
	v10 =	vshll.u32 v10, $0x4  }
0xd6: {  	v6 =	vor.u32 v1, v5;
	v5 =	vor.u32 v1, v10;
	v10 =	vtrunc.f32 v8  }
0xd7: {  	v56 =	vcvt.f32.s32 v10;
	vm1 =	vgt.f32 v8, v10;
	v10 =	vmul.f32 $1.023000000e+03, v13  }
0xd8: {  	v11 =	vmul.f32 $1.023000000e+03, v11;
	v13 =	vmul.f32 $1.023000000e+03, v14  }
0xd9: {  	v8 =	vsel vm1, $0x1, v0;
	v12 =	vmul.f32 $1.023000000e+03, v12;
	v14 =	vtrunc.f32 v10  }
0xda: {  	v8 =	vadd.s32 v56, v8;
	v57 =	vtrunc.f32 v11;
	v58 =	vtrunc.f32 v13  }
0xdb: {  	v8 =	vshll.u32 v8, $0x4;
	v60 =	vcvt.f32.s32 v14;
	vm1 =	vgt.f32 v10, v14  }
0xdc: {  	v10 =	vtrunc.f32 v15;
	v14 =	vcvt.f32.s32 v57;
	vm2 =	vgt.f32 v11, v57  }
0xdd: {  	v11 =	vcvt.f32.s32 v58;
	vm3 =	vgt.f32 v13, v58;
	v8 =	vor.u32 v1, v8  }
0xde: {  	v59 =	vtrunc.f32 v12;
	v62 =	vcvt.f32.s32 v10;
	v13 =	vsel vm3, $0x1, v0  }
0xdf: {  	v61 =	vcvt.f32.s32 v59;
	vm4 =	vgt.f32 v12, v59;
	v12 =	vsel vm1, $0x1, v0  }
0xe0: {  	vm1 =	vgt.f32 v15, v10;
	v10 =	vsel vm2, $0x1, v0;
	v13 =	vadd.s32 v11, v13  }
0xe1: {  	v15 =	vsel vm4, $0x1, v0;
	v12 =	vadd.s32 v60, v12;
	v14 =	vadd.s32 v14, v10  }
0xe2: {  	v63 =	vsel vm1, $0x1, v0;
	v10 =	vshll.u32 v12, $0x4;
	v11 =	vadd.s32 v61, v15  }
0xe3: {  	s13 =	simm.s32 $0x20;
	v14 =	vshll.u32 v14, $0x4;
	v12 =	vadd.s32 v62, v63;
	v10 =	vor.u32 v1, v10  }
.LBB2_7:
0xe4: {  	p1 =	sne.s32 s13, $0xFF0;
	v14 =	vor.u32 v1, v14;
	v15 =	vperm.xlane v9, v2;
	v16 =	vperm.xlane v7, v2  }
0xe5: {  	v13 =	vshll.u32 v13, $0x4;
	v17 =	vperm.xlane v10, v0;
	v18 =	vperm.xlane v14, v0  }
0xe6: {  	v11 =	vshll.u32 v11, $0x4;
	v12 =	vshll.u32 v12, $0x4;
	v13 =	vor.u32 v1, v13  }
0xe7: {  	s1 =	sand.u32 $0xFF0, s13;
	v15 =	vsel vm0, v15, v17;
	v17 =	vmax.u32 v9, v7;
	v16 =	vsel vm0, v16, v18  }
0xe8: {  	v19 =	vperm.xlane v6, v2;
	v15 =	vmax.u32 v9, v15;
	v18 =	vld [tilespmem:s1+$0x4000];
	v16 =	vmax.u32 v7, v16  }
0xe9: {  	v21 =	vperm.xlane v13, v0;
	v20 =	vld [tilespmem:s1+$0x5000];
	v22 =	vmax.u32 v15, v16;
	v15 =	vand.u32 $0xFFFFFFF0, v15  }
0xea: {  	v11 =	vor.u32 v1, v11;
	v23 =	vld [tilespmem:s1+$0x6000];
	v15 =	vor.u32 v1, v15;
	v22 =	vand.u32 $0xFFFFFFF0, v22  }
0xeb: {  	v12 =	vor.u32 v1, v12;
	v19 =	vsel vm0, v19, v21;
	v24 =	vld [tilespmem:s1+$0x7000];
	v21 =	vor.u32 v1, v22  }
0xec: {  	v25 =	vperm.xlane v5, v2;
	v26 =	vmax.u32 v7, v6;
	v19 =	vmax.u32 v6, v19;
	v22 =	vld [tilespmem:s1+$0x8000]  }
0xed: {  	v27 =	vperm.xlane v11, v0;
	[tilespmem:v9+s8+$0x0] =	vst.idx.add.s32.msk $0xffff, v3;
	v9 =	vmax.u32 v16, v19;
	v16 =	vand.u32 $0xFFFFFFF0, v16  }
0xee: {  	[tilespmem:v17+s8+$0x0] =	vst.idx.add.s32.msk $0xffff, v4;
	v16 =	vor.u32 v1, v16;
	v9 =	vand.u32 $0xFFFFFFF0, v9;
	v17 =	vmax.u32 v6, v5  }
0xef: {  	v25 =	vsel vm0, v25, v27;
	v18 =	vmul.f32 $1.023000000e+03, v18;
	[tilespmem:v15+s8+$0x0] =	vst.idx.add.s32.msk $0xffff, v4;
	v9 =	vor.u32 v1, v9  }
0xf0: {  	v25 =	vmax.u32 v5, v25;
	v15 =	vmul.f32 $1.023000000e+03, v20;
	v20 =	vperm.xlane v8, v2;
	[tilespmem:v21+s8+$0x0] =	vst.idx.add.s32.msk $0xffff, v3  }
0xf1: {  	v27 =	vmax.u32 v19, v25;
	v19 =	vand.u32 $0xFFFFFFF0, v19;
	v21 =	vperm.xlane v12, v0;
	[tilespmem:v7+s8+$0x0] =	vst.idx.add.s32.msk $0xffff, v3  }
0xf2: {  	v19 =	vor.u32 v1, v19;
	v23 =	vmul.f32 $1.023000000e+03, v23;
	v7 =	vmovc v14;
	[tilespmem:v26+s8+$0x0] =	vst.idx.add.s32.msk $0xffff, v4;
	v26 =	vand.u32 $0xFFFFFFF0, v27  }
0xf3: {  	v14 =	vmul.f32 $1.023000000e+03, v24;
	v20 =	vsel vm0, v20, v21;
	[tilespmem:v16+s8+$0x0] =	vst.idx.add.s32.msk $0xffff, v4;
	v16 =	vor.u32 v1, v26  }
0xf4: {  	v22 =	vmul.f32 $1.023000000e+03, v22;
	v21 =	vtrunc.f32 v18;
	v20 =	vmax.u32 v8, v20;
	[tilespmem:v9+s8+$0x0] =	vst.idx.add.s32.msk $0xffff, v3;
	v9 =	vmovc v10  }
0xf5: {  	v26 =	vand.u32 $0xFFFFFFF0, v25;
	v10 =	vmax.u32 v5, v8;
	v24 =	vmax.u32 v25, v20;
	[tilespmem:v6+s8+$0x0] =	vst.idx.add.s32.msk $0xffff, v3  }
0xf6: {  	v20 =	vtrunc.f32 v15;
	v25 =	vand.u32 $0xFFFFFFF0, v24;
	v6 =	vmovc v13;
	[tilespmem:v17+s8+$0x0] =	vst.idx.add.s32.msk $0xffff, v4;
	v17 =	vor.u32 v1, v26  }
0xf7: {  	v8 =	vmovc v12;
	v13 =	vtrunc.f32 v23;
	v24 =	vtrunc.f32 v14;
	[tilespmem:v19+s8+$0x0] =	vst.idx.add.s32.msk $0xffff, v4;
	v19 =	vor.u32 v1, v25  }
0xf8: {  	vm1 =	vgt.f32 v18, v21;
	v18 =	vtrunc.f32 v22;
	v12 =	vcvt.f32.s32 v21;
	[tilespmem:v16+s8+$0x0] =	vst.idx.add.s32.msk $0xffff, v3  }
0xf9: {  	vm2 =	vgt.f32 v15, v20;
	v15 =	vcvt.f32.s32 v13;
	v16 =	vcvt.f32.s32 v20;
	[tilespmem:v5+s8+$0x0] =	vst.idx.add.s32.msk $0xffff, v3;
	v5 =	vmovc v11  }
0xfa: {  	vm3 =	vgt.f32 v23, v13;
	vm4 =	vgt.f32 v14, v24;
	v11 =	vcvt.f32.s32 v24;
	[tilespmem:v10+s8+$0x0] =	vst.idx.add.s32.msk $0xffff, v4  }
.Ltmp4:
0xfb: {  	v20 =	vcvt.f32.s32 v18;
	v10 =	vsel vm1, $0x1, v0;
	vm1 =	vgt.f32 v22, v18;
	[tilespmem:v17+s8+$0x0] =	vst.idx.add.s32.msk $0xffff, v4;
	(pc) =	sbr.rel @p1 .LBB2_7-.Ltmp4, $4  }
0xfc: {  	v13 =	vsel vm2, $0x1, v0;
	v14 =	vsel vm3, $0x1, v0;
	v17 =	vsel vm4, $0x1, v0;
	[tilespmem:v19+s8+$0x0] =	vst.idx.add.s32.msk $0xffff, v3  }
0xfd: {  	v10 =	vadd.s32 v12, v10;
	v12 =	vadd.s32 v16, v13;
	v16 =	vsel vm1, $0x1, v0  }
0xfe: {  	v13 =	vadd.s32 v15, v14;
	v10 =	vshll.u32 v10, $0x4;
	v11 =	vadd.s32 v11, v17  }
0xff: {  	s13 =	sadd.s32 $0x10, s13;
	v14 =	vshll.u32 v12, $0x4;
	v12 =	vadd.s32 v20, v16;
	v10 =	vor.u32 v1, v10  }
0x100: {  	v14 =	vor.u32 v1, v14;
	v15 =	vperm.xlane v9, v2;
	v16 =	vperm.xlane v7, v2  }
0x101: {  	v17 =	vperm.xlane v10, v0;
	v18 =	vperm.xlane v14, v0  }
0x102: {  	v13 =	vshll.u32 v13, $0x4;
	v39 =	vmax.u32 v9, v7;
	v40 =	vperm.xlane v6, v2  }
0x103: {  	v11 =	vshll.u32 v11, $0x4;
	v15 =	vsel vm0, v15, v17;
	v16 =	vsel vm0, v16, v18  }
0x104: {  	v13 =	vor.u32 v1, v13;
	v15 =	vmax.u32 v9, v15;
	v16 =	vmax.u32 v7, v16  }
0x105: {  	v19 =	vperm.xlane v13, v0;
	v20 =	vmax.u32 v15, v16;
	v15 =	vand.u32 $0xFFFFFFF0, v15  }
0x106: {  	v42 =	vperm.xlane v5, v2;
	v15 =	vor.u32 v1, v15;
	v20 =	vand.u32 $0xFFFFFFF0, v20  }
0x107: {  	v21 =	vmax.u32 v7, v6;
	v18 =	vsel vm0, v40, v19;
	v41 =	vor.u32 v1, v20  }
0x108: {  	v44 =	vmax.u32 v6, v5;
	v11 =	vor.u32 v1, v11;
	v18 =	vmax.u32 v6, v18  }
0x109: {  	[tilespmem:v9+s8+$0x0] =	vst.idx.add.s32.msk $0xffff, v3;
	v22 =	vperm.xlane v11, v0;
	v43 =	vmax.u32 v16, v18;
	v16 =	vand.u32 $0xFFFFFFF0, v16  }
0x10a: {  	v46 =	vperm.xlane v8, v2;
	[tilespmem:v39+s8+$0x0] =	vst.idx.add.s32.msk $0xffff, v4;
	v16 =	vor.u32 v1, v16;
	v9 =	vand.u32 $0xFFFFFFF0, v43  }
0x10b: {  	v12 =	vshll.u32 v12, $0x4;
	v45 =	vsel vm0, v42, v22;
	v9 =	vor.u32 v1, v9;
	[tilespmem:v15+s8+$0x0] =	vst.idx.add.s32.msk $0xffff, v4  }
0x10c: {  	v12 =	vor.u32 v1, v12;
	v17 =	vmax.u32 v5, v45;
	[tilespmem:v41+s8+$0x0] =	vst.idx.add.s32.msk $0xffff, v3  }
0x10d: {  	v47 =	vmax.u32 v18, v17;
	v18 =	vand.u32 $0xFFFFFFF0, v18;
	[tilespmem:v7+s8+$0x0] =	vst.idx.add.s32.msk $0xffff, v3;
	v7 =	vperm.xlane v12, v0  }
0x10e: {  	v18 =	vor.u32 v1, v18;
	v20 =	vand.u32 $0xFFFFFFF0, v47;
	[tilespmem:v21+s8+$0x0] =	vst.idx.add.s32.msk $0xffff, v4  }
0x10f: {  	v48 =	vor.u32 v1, v20;
	[tilespmem:v16+s8+$0x0] =	vst.idx.add.s32.msk $0xffff, v4;
	v7 =	vsel vm0, v46, v7  }
0x110: {  	v49 =	vmax.u32 v5, v8;
	[tilespmem:v9+s8+$0x0] =	vst.idx.add.s32.msk $0xffff, v3;
	v7 =	vmax.u32 v8, v7  }
0x111: {  	v50 =	vperm.xlane v10, v2;
	[tilespmem:v6+s8+$0x0] =	vst.idx.add.s32.msk $0xffff, v3;
	v6 =	vand.u32 $0xFFFFFFF0, v17;
	v7 =	vmax.u32 v17, v7  }
0x112: {  	v51 =	vperm.xlane v14, v2;
	v6 =	vor.u32 v1, v6;
	[tilespmem:v44+s8+$0x0] =	vst.idx.add.s32.msk $0xffff, v4;
	v7 =	vand.u32 $0xFFFFFFF0, v7  }
0x113: {  	[tilespmem:v18+s8+$0x0] =	vst.idx.add.s32.msk $0xffff, v4;
	v7 =	vor.u32 v1, v7  }
0x114: {  	v15 =	vmax.u32 v14, v51;
	v9 =	vmax.u32 v10, v50;
	[tilespmem:v48+s8+$0x0] =	vst.idx.add.s32.msk $0xffff, v3  }
0x115: {  	v52 =	vmax.u32 v9, v15;
	v9 =	vand.u32 $0xFFFFFFF0, v9;
	[tilespmem:v5+s8+$0x0] =	vst.idx.add.s32.msk $0xffff, v3;
	v5 =	vmax.u32 v10, v14  }
0x116: {  	v53 =	vperm.xlane v13, v2;
	v9 =	vor.u32 v1, v9;
	v16 =	vand.u32 $0xFFFFFFF0, v52;
	[tilespmem:v49+s8+$0x0] =	vst.idx.add.s32.msk $0xffff, v4  }
0x117: {  	[tilespmem:v6+s8+$0x0] =	vst.idx.add.s32.msk $0xffff, v4;
	v6 =	vor.u32 v1, v16  }
0x118: {  	[tilespmem:v7+s8+$0x0] =	vst.idx.add.s32.msk $0xffff, v3;
	v7 =	vmax.u32 v13, v53  }
0x119: {  	v54 =	vmax.u32 v14, v13;
	[tilespmem:v10+s8+$0x0] =	vst.idx.add.s32.msk $0xffff, v3;
	v55 =	vmax.u32 v15, v7;
	v15 =	vand.u32 $0xFFFFFFF0, v15  }
0x11a: {  	v56 =	vperm.xlane v11, v2;
	[tilespmem:v5+s8+$0x0] =	vst.idx.add.s32.msk $0xffff, v4;
	v5 =	vor.u32 v1, v15;
	v10 =	vand.u32 $0xFFFFFFF0, v55  }
0x11b: {  	[tilespmem:v9+s8+$0x0] =	vst.idx.add.s32.msk $0x7fff, v4;
	v57 =	vor.u32 v1, v10  }
0x11c: {  	v58 =	vmax.u32 v11, v56;
	[tilespmem:v6+s8+$0x0] =	vst.idx.add.s32.msk $0x7fff, v3  }
0x11d: {  	v59 =	vmax.u32 v7, v58;
	v7 =	vand.u32 $0xFFFFFFF0, v7;
	v6 =	vmax.u32 v13, v11;
	[tilespmem:v14+s8+$0x0] =	vst.idx.add.s32.msk $0xffff, v3  }
0x11e: {  	v60 =	vperm.xlane v12, v2;
	v7 =	vor.u32 v1, v7;
	v61 =	vand.u32 $0xFFFFFFF0, v59;
	[tilespmem:v54+s8+$0x0] =	vst.idx.add.s32.msk $0xffff, v4  }
0x11f: {  	[tilespmem:v5+s8+$0x0] =	vst.idx.add.s32.msk $0x7fff, v4;
	v5 =	vor.u32 v1, v61  }
0x120: {  	v62 =	vmax.u32 v12, v60;
	[tilespmem:v57+s8+$0x0] =	vst.idx.add.s32.msk $0x7fff, v3  }
0x121: {  	v63 =	vmax.u32 v11, v12;
	v8 =	vmax.u32 v58, v62;
	v10 =	vand.u32 $0xFFFFFFF0, v58;
	[tilespmem:v13+s8+$0x0] =	vst.idx.add.s32.msk $0xffff, v3  }
0x122: {  	v8 =	vand.u32 $0xFFFFFFF0, v8;
	[tilespmem:v6+s8+$0x0] =	vst.idx.add.s32.msk $0xffff, v4;
	v6 =	vor.u32 v1, v10  }
0x123: {  	[tilespmem:v7+s8+$0x0] =	vst.idx.add.s32.msk $0x7fff, v4;
	v7 =	vor.u32 v1, v8  }
0x124: {  	[tilespmem:v5+s8+$0x0] =	vst.idx.add.s32.msk $0x7fff, v3  }
0x125: {  	[tilespmem:v11+s8+$0x0] =	vst.idx.add.s32.msk $0xffff, v3  }
0x126: {  	[tilespmem:v63+s8+$0x0] =	vst.idx.add.s32.msk $0xffff, v4  }
0x127: {  	[tilespmem:v6+s8+$0x0] =	vst.idx.add.s32.msk $0x7fff, v4  }
0x128: {  	[tilespmem:v7+s8+$0x0] =	vst.idx.add.s32.msk $0x7fff, v3  }
0x129: {  	_ =	swait.ge [sflag:s10], $0x1000  }
0x12a: {  	[sflag:s10] =	ssyncset.done $0x0  }
0x12b: {  	[sflag:s10] =	ssyncadd.s32 $0xFFFFF000  }
0x12c: {  	_ =	swait.ge [sflag:s10], $0x1000  }
0x12d: {  	[sflag:s10] =	ssyncset.done $0x0  }
0x12e: {  	[sflag:s10] =	ssyncadd.s32 $0xFFFFF000  }
0x12f: {  	_ =	swait.ge [sflag:s10], $0x1000  }
0x130: {  	[sflag:s10] =	ssyncset.done $0x0  }
0x131: {  	[sflag:s10] =	ssyncadd.s32 $0xFFFFF000  }
0x132: {  	_ =	swait.ge [sflag:s10], $0x1000  }
0x133: {  	[sflag:s10] =	ssyncset.done $0x0  }
0x134: {  	[sflag:s10] =	ssyncadd.s32 $0xFFFFF000  }
0x135: {  	_ =	swait.ge [sflag:s10], $0x1000  }
0x136: {  	[sflag:s10] =	ssyncset.done $0x0  }
0x137: {  	[sflag:s10] =	ssyncadd.s32 $0xFFFFF000  }
0x138: {  	_ =	swait.ge [sflag:s10], $0x1000  }
0x139: {  	[sflag:s10] =	ssyncset.done $0x0  }
0x13a: {  	[sflag:s10] =	ssyncadd.s32 $0xFFFFF000  }
0x13b: {  	_ =	swait.ge [sflag:s10], $0x1000  }
0x13c: {  	[sflag:s10] =	ssyncset.done $0x0  }
0x13d: {  	[sflag:s10] =	ssyncadd.s32 $0xFFFFF000  }
0x13e: {  	_ =	swait.ge [sflag:s10], $0x1000  }
0x13f: {  	p1 =	seq.s32 s16, $0x7;
	[sflag:s10] =	ssyncset.done $0x0;
	s0 =	rddreg [dreg:$0xc]  }
0x140: {  	s1 =	simm.s32 @!p0 $0x2;
	[sflag:s10] =	ssyncadd.s32 $0xFFFFF000;
	s13 =	sadd.s32 @!p1 s20, s0  }
0x141: {  	s22 =	simm.s32 @!p1 $0x80;
	_ =	swait.ge @!p0 [sflag:s1], $0x1000;
	s14 =	sshll.u32 @!p1 s13, $0x9  }
0x142: {  	s23 =	simm.s32 @!p1 $0x400;
	[sflag:s1] =	ssyncset.done @!p0 $0x0;
	s20 =	sand.u32 @!p1 $0x1FFFE000, s14  }
0x143: {  	s31 =	simm.s32 @!p1 $0x0;
	[sflag:s1] =	ssyncadd.s32 @!p0 $0xFFFFF000;
	s1 =	sadd.s32 @!p1 s7, s20  }
0x144: {  	[tilespmem:s31], [sflag:$0x1] =	stream.strided.gather @!p1 [hbm4b:s1+s22], $0x1000, s23, s22, $0x38;
	[tilespmem:$0x16500] =	vst v63  }
0x145: {  	s1 =	sadd.s32 @!p1 s20, s5;
	s31 =	simm.s32 @!p1 $0x1000  }
0x146: {  	[tilespmem:s31], [sflag:$0x1] =	stream.strided.gather @!p1 [hbm4b:s1+s22], $0x1000, s23, s22, $0x38;
	[tilespmem:$0x16500] =	vst v63  }
0x147: {  	s1 =	sadd.s32 @!p1 s20, s6;
	s31 =	simm.s32 @!p1 $0x2000  }
0x148: {  	[tilespmem:s31], [sflag:$0x1] =	stream.strided.gather @!p1 [hbm4b:s1+s22], $0x1000, s23, s22, $0x38;
	[tilespmem:$0x16500] =	vst v63  }
0x149: {  	s1 =	sadd.s32 @!p1 s20, s9;
	s31 =	simm.s32 @!p1 $0x3000  }
0x14a: {  	[tilespmem:s31], [sflag:$0x1] =	stream.strided.gather @!p1 [hbm4b:s1+s22], $0x1000, s23, s22, $0x38;
	[tilespmem:$0x16500] =	vst v63  }
0x14b: {  	s1 =	sadd.s32 @!p1 s20, s11;
	s31 =	simm.s32 @!p1 $0x4000  }
0x14c: {  	[tilespmem:s31], [sflag:$0x1] =	stream.strided.gather @!p1 [hbm4b:s1+s22], $0x1000, s23, s22, $0x38;
	[tilespmem:$0x16500] =	vst v63  }
0x14d: {  	s1 =	sadd.s32 @!p1 s20, s12;
	s31 =	simm.s32 @!p1 $0x5000  }
0x14e: {  	[tilespmem:s31], [sflag:$0x1] =	stream.strided.gather @!p1 [hbm4b:s1+s22], $0x1000, s23, s22, $0x38;
	[tilespmem:$0x16500] =	vst v63  }
0x14f: {  	s1 =	sadd.s32 @!p1 s20, s15;
	s31 =	simm.s32 @!p1 $0x6000  }
0x150: {  	[tilespmem:s31], [sflag:$0x1] =	stream.strided.gather @!p1 [hbm4b:s1+s22], $0x1000, s23, s22, $0x38;
	[tilespmem:$0x16500] =	vst v63  }
0x151: {  	p2 =	sgt.u32 @!p1 s13, $0xFFF;
	s13 =	simm.s32 @!p1 $0x7000;
	s1 =	sadd.s32 @!p1 s20, s17  }
0x152: {  	[tilespmem:s13], [sflag:$0x1] =	stream.strided.gather @!p1 [hbm4b:s1+s22], $0x1000, s23, s22, $0x38;
	[tilespmem:$0x16500] =	vst v63  }
0x153: {  	p1 =	por p2, p1  }
.Ltmp5:
0x154: {  	s1 =	sadd.s32 @!p1 s14, s18;
	(pc) =	sbr.rel @p0 .LBB2_9-.Ltmp5, $4  }
0x155: {  	s13 =	simm.s32 @!p1 $0x80;
	s14 =	simm.s32 @!p1 $0x400;
	s20 =	simm.s32 @!p1 $0x8000  }
0x156: {  	[tilespmem:s20], [sflag:$0x1] =	stream.strided.gather @!p1 [hbm4b:s1+s13], $0x1000, s14, s13, $0x38;
	[tilespmem:$0x16500] =	vst v63  }
0x157: {  	[bflag:$0x0] =	sbarrier.arrive $0xFFFF  }
0x158: {  	s24 =	smov.u32 s7  }
0x159: {  	v5 =	vld [tilespmem:$0x9080];
	_ =	sdelay $0x1  }
0x15a: {  	v6 =	vld [tilespmem:$0xA080];
	_ =	sdelay $0x1  }
0x15b: {  	v7 =	vld [tilespmem:$0xB080]  }
0x15c: {  	v9 =	vld [tilespmem:$0xC080];
	s1 =	simm.s32 $0x10;
	v5 =	vmul.f32 $1.023000000e+03, v5  }
0x15d: {  	s1 =	sand.u32 $0xFF0, s1  }
0x15e: {  	v15 =	vld [tilespmem:s1+$0xD080];
	v6 =	vmul.f32 $1.023000000e+03, v6;
	v8 =	vtrunc.f32 v5  }
0x15f: {  	v10 =	vcvt.f32.s32 v8;
	vm1 =	vgt.f32 v5, v8  }
0x160: {  	v7 =	vmul.f32 $1.023000000e+03, v7;
	v8 =	vtrunc.f32 v6;
	v5 =	vsel vm1, $0x1, v0  }
0x161: {  	vm1 =	vgt.f32 v6, v8;
	v6 =	vmul.f32 $1.023000000e+03, v9;
	v5 =	vadd.s32 v10, v5  }
0x162: {  	v11 =	vtrunc.f32 v7;
	v10 =	vcvt.f32.s32 v8;
	v8 =	vld [tilespmem:$0xD080];
	v5 =	vshll.u32 v5, $0x4  }
0x163: {  	s19 =	simm.s32 $0x9090;
	v15 =	vmul.f32 $1.023000000e+03, v15;
	v12 =	vtrunc.f32 v6;
	v9 =	vor.u32 v1, v5  }
0x164: {  	v13 =	vld [tilespmem:s19+$0x0];
	v5 =	vsel vm1, $0x1, v0;
	vm1 =	vgt.f32 v7, v11;
	v7 =	vcvt.f32.s32 v12  }
0x165: {  	v14 =	vld [tilespmem:s1+$0xB080];
	vm2 =	vgt.f32 v6, v12;
	v5 =	vadd.s32 v10, v5;
	v10 =	vcvt.f32.s32 v11  }
0x166: {  	v11 =	vld [tilespmem:s1+$0xA080];
	v6 =	vsel vm1, $0x1, v0;
	v12 =	vsel vm2, $0x1, v0;
	v5 =	vshll.u32 v5, $0x4  }
0x167: {  	v6 =	vadd.s32 v10, v6;
	v10 =	vadd.s32 v7, v12;
	v8 =	vmul.f32 $1.023000000e+03, v8;
	v12 =	vld [tilespmem:s1+$0xC080]  }
0x168: {  	v7 =	vor.u32 v1, v5;
	v5 =	vshll.u32 v6, $0x4;
	v10 =	vshll.u32 v10, $0x4  }
0x169: {  	v6 =	vor.u32 v1, v5;
	v5 =	vor.u32 v1, v10;
	v10 =	vtrunc.f32 v8  }
0x16a: {  	v16 =	vcvt.f32.s32 v10;
	vm1 =	vgt.f32 v8, v10;
	v10 =	vmul.f32 $1.023000000e+03, v13  }
0x16b: {  	v11 =	vmul.f32 $1.023000000e+03, v11;
	v13 =	vmul.f32 $1.023000000e+03, v14  }
0x16c: {  	v8 =	vsel vm1, $0x1, v0;
	v12 =	vmul.f32 $1.023000000e+03, v12;
	v14 =	vtrunc.f32 v10  }
0x16d: {  	v8 =	vadd.s32 v16, v8;
	v60 =	vtrunc.f32 v11;
	v17 =	vtrunc.f32 v13  }
0x16e: {  	v8 =	vshll.u32 v8, $0x4;
	v19 =	vcvt.f32.s32 v14;
	vm1 =	vgt.f32 v10, v14  }
0x16f: {  	v10 =	vtrunc.f32 v15;
	v14 =	vcvt.f32.s32 v60;
	vm2 =	vgt.f32 v11, v60  }
0x170: {  	v11 =	vcvt.f32.s32 v17;
	vm3 =	vgt.f32 v13, v17;
	v8 =	vor.u32 v1, v8  }
0x171: {  	v18 =	vtrunc.f32 v12;
	v62 =	vcvt.f32.s32 v10;
	v13 =	vsel vm3, $0x1, v0  }
0x172: {  	v61 =	vcvt.f32.s32 v18;
	vm4 =	vgt.f32 v12, v18;
	v12 =	vsel vm1, $0x1, v0  }
0x173: {  	vm1 =	vgt.f32 v15, v10;
	v10 =	vsel vm2, $0x1, v0;
	v13 =	vadd.s32 v11, v13  }
0x174: {  	v15 =	vsel vm4, $0x1, v0;
	v12 =	vadd.s32 v19, v12;
	v14 =	vadd.s32 v14, v10  }
0x175: {  	v63 =	vsel vm1, $0x1, v0;
	v10 =	vshll.u32 v12, $0x4;
	v11 =	vadd.s32 v61, v15  }
0x176: {  	s13 =	simm.s32 $0x20;
	v14 =	vshll.u32 v14, $0x4;
	v12 =	vadd.s32 v62, v63;
	v10 =	vor.u32 v1, v10  }
.LBB2_17:
0x177: {  	p0 =	sne.s32 s13, $0xFF0;
	v14 =	vor.u32 v1, v14;
	v15 =	vperm.xlane v9, v2;
	v16 =	vperm.xlane v7, v2  }
0x178: {  	v13 =	vshll.u32 v13, $0x4;
	v17 =	vperm.xlane v10, v0;
	v18 =	vperm.xlane v14, v0  }
0x179: {  	v11 =	vshll.u32 v11, $0x4;
	v12 =	vshll.u32 v12, $0x4;
	v13 =	vor.u32 v1, v13  }
0x17a: {  	s19 =	sadd.s32 $0x10, s19;
	v15 =	vsel vm0, v15, v17;
	v17 =	vmax.u32 v9, v7;
	v16 =	vsel vm0, v16, v18  }
0x17b: {  	s1 =	sand.u32 $0xFF0, s13;
	v19 =	vperm.xlane v6, v2;
	v15 =	vmax.u32 v9, v15;
	v18 =	vld [tilespmem:s19+$0x0];
	v16 =	vmax.u32 v7, v16  }
0x17c: {  	v21 =	vperm.xlane v13, v0;
	v20 =	vld [tilespmem:s1+$0xA080];
	v22 =	vmax.u32 v15, v16;
	v15 =	vand.u32 $0xFFFFFFF0, v15  }
0x17d: {  	v11 =	vor.u32 v1, v11;
	v23 =	vld [tilespmem:s1+$0xB080];
	v15 =	vor.u32 v1, v15;
	v22 =	vand.u32 $0xFFFFFFF0, v22  }
0x17e: {  	v12 =	vor.u32 v1, v12;
	v19 =	vsel vm0, v19, v21;
	v24 =	vld [tilespmem:s1+$0xC080];
	v21 =	vor.u32 v1, v22  }
0x17f: {  	v25 =	vperm.xlane v5, v2;
	v26 =	vmax.u32 v7, v6;
	v19 =	vmax.u32 v6, v19;
	v22 =	vld [tilespmem:s1+$0xD080]  }
0x180: {  	v27 =	vperm.xlane v11, v0;
	[tilespmem:v9+s8+$0x0] =	vst.idx.add.s32.msk $0xffff, v3;
	v9 =	vmax.u32 v16, v19;
	v16 =	vand.u32 $0xFFFFFFF0, v16  }
0x181: {  	[tilespmem:v17+s8+$0x0] =	vst.idx.add.s32.msk $0xffff, v4;
	v16 =	vor.u32 v1, v16;
	v9 =	vand.u32 $0xFFFFFFF0, v9;
	v17 =	vmax.u32 v6, v5  }
0x182: {  	v25 =	vsel vm0, v25, v27;
	v18 =	vmul.f32 $1.023000000e+03, v18;
	[tilespmem:v15+s8+$0x0] =	vst.idx.add.s32.msk $0xffff, v4;
	v9 =	vor.u32 v1, v9  }
0x183: {  	v25 =	vmax.u32 v5, v25;
	v15 =	vmul.f32 $1.023000000e+03, v20;
	v20 =	vperm.xlane v8, v2;
	[tilespmem:v21+s8+$0x0] =	vst.idx.add.s32.msk $0xffff, v3  }
0x184: {  	v27 =	vmax.u32 v19, v25;
	v19 =	vand.u32 $0xFFFFFFF0, v19;
	v21 =	vperm.xlane v12, v0;
	[tilespmem:v7+s8+$0x0] =	vst.idx.add.s32.msk $0xffff, v3  }
0x185: {  	v19 =	vor.u32 v1, v19;
	v23 =	vmul.f32 $1.023000000e+03, v23;
	v7 =	vmovc v14;
	[tilespmem:v26+s8+$0x0] =	vst.idx.add.s32.msk $0xffff, v4;
	v26 =	vand.u32 $0xFFFFFFF0, v27  }
0x186: {  	v14 =	vmul.f32 $1.023000000e+03, v24;
	v20 =	vsel vm0, v20, v21;
	[tilespmem:v16+s8+$0x0] =	vst.idx.add.s32.msk $0xffff, v4;
	v16 =	vor.u32 v1, v26  }
0x187: {  	v22 =	vmul.f32 $1.023000000e+03, v22;
	v21 =	vtrunc.f32 v18;
	v20 =	vmax.u32 v8, v20;
	[tilespmem:v9+s8+$0x0] =	vst.idx.add.s32.msk $0xffff, v3;
	v9 =	vmovc v10  }
0x188: {  	v26 =	vand.u32 $0xFFFFFFF0, v25;
	v10 =	vmax.u32 v5, v8;
	v24 =	vmax.u32 v25, v20;
	[tilespmem:v6+s8+$0x0] =	vst.idx.add.s32.msk $0xffff, v3  }
0x189: {  	v20 =	vtrunc.f32 v15;
	v25 =	vand.u32 $0xFFFFFFF0, v24;
	v6 =	vmovc v13;
	[tilespmem:v17+s8+$0x0] =	vst.idx.add.s32.msk $0xffff, v4;
	v17 =	vor.u32 v1, v26  }
0x18a: {  	v8 =	vmovc v12;
	v13 =	vtrunc.f32 v23;
	v24 =	vtrunc.f32 v14;
	[tilespmem:v19+s8+$0x0] =	vst.idx.add.s32.msk $0xffff, v4;
	v19 =	vor.u32 v1, v25  }
0x18b: {  	vm1 =	vgt.f32 v18, v21;
	v18 =	vtrunc.f32 v22;
	v12 =	vcvt.f32.s32 v21;
	[tilespmem:v16+s8+$0x0] =	vst.idx.add.s32.msk $0xffff, v3  }
0x18c: {  	vm2 =	vgt.f32 v15, v20;
	v15 =	vcvt.f32.s32 v13;
	v16 =	vcvt.f32.s32 v20;
	[tilespmem:v5+s8+$0x0] =	vst.idx.add.s32.msk $0xffff, v3;
	v5 =	vmovc v11  }
0x18d: {  	vm3 =	vgt.f32 v23, v13;
	vm4 =	vgt.f32 v14, v24;
	v11 =	vcvt.f32.s32 v24;
	[tilespmem:v10+s8+$0x0] =	vst.idx.add.s32.msk $0xffff, v4  }
.Ltmp6:
0x18e: {  	v20 =	vcvt.f32.s32 v18;
	v10 =	vsel vm1, $0x1, v0;
	vm1 =	vgt.f32 v22, v18;
	[tilespmem:v17+s8+$0x0] =	vst.idx.add.s32.msk $0xffff, v4;
	(pc) =	sbr.rel @p0 .LBB2_17-.Ltmp6, $4  }
0x18f: {  	v13 =	vsel vm2, $0x1, v0;
	v14 =	vsel vm3, $0x1, v0;
	v17 =	vsel vm4, $0x1, v0;
	[tilespmem:v19+s8+$0x0] =	vst.idx.add.s32.msk $0xffff, v3  }
0x190: {  	v10 =	vadd.s32 v12, v10;
	v12 =	vadd.s32 v16, v13;
	v16 =	vsel vm1, $0x1, v0  }
0x191: {  	v13 =	vadd.s32 v15, v14;
	v10 =	vshll.u32 v10, $0x4;
	v11 =	vadd.s32 v11, v17  }
0x192: {  	s13 =	sadd.s32 $0x10, s13;
	v14 =	vshll.u32 v12, $0x4;
	v12 =	vadd.s32 v20, v16;
	v10 =	vor.u32 v1, v10  }
0x193: {  	v14 =	vor.u32 v1, v14;
	v15 =	vperm.xlane v9, v2;
	v16 =	vperm.xlane v7, v2  }
0x194: {  	v17 =	vperm.xlane v10, v0;
	v18 =	vperm.xlane v14, v0  }
0x195: {  	v13 =	vshll.u32 v13, $0x4;
	v46 =	vmax.u32 v9, v7;
	v47 =	vperm.xlane v6, v2  }
0x196: {  	v11 =	vshll.u32 v11, $0x4;
	v15 =	vsel vm0, v15, v17;
	v16 =	vsel vm0, v16, v18  }
0x197: {  	v13 =	vor.u32 v1, v13;
	v15 =	vmax.u32 v9, v15;
	v16 =	vmax.u32 v7, v16  }
0x198: {  	v19 =	vperm.xlane v13, v0;
	v20 =	vmax.u32 v15, v16;
	v15 =	vand.u32 $0xFFFFFFF0, v15  }
0x199: {  	v49 =	vperm.xlane v5, v2;
	v15 =	vor.u32 v1, v15;
	v20 =	vand.u32 $0xFFFFFFF0, v20  }
0x19a: {  	v11 =	vor.u32 v1, v11;
	v18 =	vsel vm0, v47, v19;
	v48 =	vor.u32 v1, v20  }
0x19b: {  	v21 =	vmax.u32 v7, v6;
	v22 =	vperm.xlane v11, v0;
	v18 =	vmax.u32 v6, v18  }
0x19c: {  	[tilespmem:v9+s8+$0x0] =	vst.idx.add.s32.msk $0xffff, v3;
	v51 =	vperm.xlane v8, v2;
	v9 =	vmax.u32 v16, v18;
	v16 =	vand.u32 $0xFFFFFFF0, v16  }
0x19d: {  	v50 =	vsel vm0, v49, v22;
	[tilespmem:v46+s8+$0x0] =	vst.idx.add.s32.msk $0xffff, v4;
	v16 =	vor.u32 v1, v16;
	v9 =	vand.u32 $0xFFFFFFF0, v9  }
0x19e: {  	v12 =	vshll.u32 v12, $0x4;
	v17 =	vmax.u32 v5, v50;
	v9 =	vor.u32 v1, v9;
	[tilespmem:v15+s8+$0x0] =	vst.idx.add.s32.msk $0xffff, v4  }
0x19f: {  	v12 =	vor.u32 v1, v12;
	v52 =	vmax.u32 v18, v17;
	[tilespmem:v48+s8+$0x0] =	vst.idx.add.s32.msk $0xffff, v3  }
0x1a0: {  	v18 =	vand.u32 $0xFFFFFFF0, v18;
	v15 =	vmax.u32 v6, v5;
	[tilespmem:v7+s8+$0x0] =	vst.idx.add.s32.msk $0xffff, v3;
	v7 =	vperm.xlane v12, v0  }
0x1a1: {  	v18 =	vor.u32 v1, v18;
	v20 =	vand.u32 $0xFFFFFFF0, v52;
	[tilespmem:v21+s8+$0x0] =	vst.idx.add.s32.msk $0xffff, v4  }
0x1a2: {  	v53 =	vor.u32 v1, v20;
	[tilespmem:v16+s8+$0x0] =	vst.idx.add.s32.msk $0xffff, v4;
	v7 =	vsel vm0, v51, v7  }
0x1a3: {  	[tilespmem:v9+s8+$0x0] =	vst.idx.add.s32.msk $0xffff, v3;
	v7 =	vmax.u32 v8, v7;
	v8 =	vmax.u32 v5, v8  }
0x1a4: {  	v9 =	vperm.xlane v10, v2;
	[tilespmem:v6+s8+$0x0] =	vst.idx.add.s32.msk $0xffff, v3;
	v6 =	vand.u32 $0xFFFFFFF0, v17;
	v7 =	vmax.u32 v17, v7  }
0x1a5: {  	v6 =	vor.u32 v1, v6;
	[tilespmem:v15+s8+$0x0] =	vst.idx.add.s32.msk $0xffff, v4;
	v7 =	vand.u32 $0xFFFFFFF0, v7;
	v15 =	vperm.xlane v14, v2  }
0x1a6: {  	[tilespmem:v18+s8+$0x0] =	vst.idx.add.s32.msk $0xffff, v4;
	v7 =	vor.u32 v1, v7  }
0x1a7: {  	v9 =	vmax.u32 v10, v9;
	[tilespmem:v53+s8+$0x0] =	vst.idx.add.s32.msk $0xffff, v3;
	v15 =	vmax.u32 v14, v15  }
0x1a8: {  	[tilespmem:v5+s8+$0x0] =	vst.idx.add.s32.msk $0xffff, v3;
	v5 =	vmax.u32 v10, v14;
	v54 =	vmax.u32 v9, v15;
	v9 =	vand.u32 $0xFFFFFFF0, v9  }
0x1a9: {  	[tilespmem:v8+s8+$0x0] =	vst.idx.add.s32.msk $0xffff, v4;
	v8 =	vperm.xlane v13, v2;
	v9 =	vor.u32 v1, v9;
	v16 =	vand.u32 $0xFFFFFFF0, v54  }
0x1aa: {  	[tilespmem:v6+s8+$0x0] =	vst.idx.add.s32.msk $0xffff, v4;
	v6 =	vor.u32 v1, v16  }
0x1ab: {  	[tilespmem:v7+s8+$0x0] =	vst.idx.add.s32.msk $0xffff, v3;
	v7 =	vmax.u32 v13, v8  }
0x1ac: {  	v8 =	vmax.u32 v14, v13;
	[tilespmem:v10+s8+$0x0] =	vst.idx.add.s32.msk $0xffff, v3;
	v10 =	vmax.u32 v15, v7;
	v15 =	vand.u32 $0xFFFFFFF0, v15  }
0x1ad: {  	v55 =	vperm.xlane v11, v2;
	[tilespmem:v5+s8+$0x0] =	vst.idx.add.s32.msk $0xffff, v4;
	v5 =	vor.u32 v1, v15;
	v10 =	vand.u32 $0xFFFFFFF0, v10  }
0x1ae: {  	[tilespmem:v9+s8+$0x0] =	vst.idx.add.s32.msk $0x7fff, v4;
	v9 =	vor.u32 v1, v10  }
0x1af: {  	v10 =	vmax.u32 v11, v55;
	[tilespmem:v6+s8+$0x0] =	vst.idx.add.s32.msk $0x7fff, v3  }
0x1b0: {  	v6 =	vmax.u32 v13, v11;
	[tilespmem:v14+s8+$0x0] =	vst.idx.add.s32.msk $0xffff, v3;
	v14 =	vmax.u32 v7, v10;
	v7 =	vand.u32 $0xFFFFFFF0, v7  }
0x1b1: {  	v15 =	vperm.xlane v12, v2;
	[tilespmem:v8+s8+$0x0] =	vst.idx.add.s32.msk $0xffff, v4;
	v7 =	vor.u32 v1, v7;
	v8 =	vand.u32 $0xFFFFFFF0, v14  }
0x1b2: {  	[tilespmem:v5+s8+$0x0] =	vst.idx.add.s32.msk $0x7fff, v4;
	v5 =	vor.u32 v1, v8  }
0x1b3: {  	v8 =	vmax.u32 v12, v15;
	[tilespmem:v9+s8+$0x0] =	vst.idx.add.s32.msk $0x7fff, v3  }
0x1b4: {  	v9 =	vmax.u32 v11, v12;
	v8 =	vmax.u32 v10, v8;
	v10 =	vand.u32 $0xFFFFFFF0, v10;
	[tilespmem:v13+s8+$0x0] =	vst.idx.add.s32.msk $0xffff, v3  }
0x1b5: {  	v8 =	vand.u32 $0xFFFFFFF0, v8;
	[tilespmem:v6+s8+$0x0] =	vst.idx.add.s32.msk $0xffff, v4;
	v6 =	vor.u32 v1, v10  }
0x1b6: {  	[tilespmem:v7+s8+$0x0] =	vst.idx.add.s32.msk $0x7fff, v4;
	v7 =	vor.u32 v1, v8  }
0x1b7: {  	[tilespmem:v5+s8+$0x0] =	vst.idx.add.s32.msk $0x7fff, v3  }
0x1b8: {  	[tilespmem:v11+s8+$0x0] =	vst.idx.add.s32.msk $0xffff, v3  }
0x1b9: {  	[tilespmem:v9+s8+$0x0] =	vst.idx.add.s32.msk $0xffff, v4  }
0x1ba: {  	[tilespmem:v6+s8+$0x0] =	vst.idx.add.s32.msk $0x7fff, v4  }
0x1bb: {  	[tilespmem:v7+s8+$0x0] =	vst.idx.add.s32.msk $0x7fff, v3  }
0x1bc: {  	v5 =	vld [tilespmem:$0xD080];
	_ =	sdelay $0x1  }
0x1bd: {  	v6 =	vld [tilespmem:$0xE080];
	_ =	sdelay $0x1  }
0x1be: {  	s1 =	simm.s32 $0x10;
	v7 =	vld [tilespmem:$0xF080]  }
0x1bf: {  	s1 =	sand.u32 $0xFF0, s1;
	v9 =	vld [tilespmem:$0x10080];
	v5 =	vmul.f32 $1.023000000e+03, v5  }
0x1c0: {  	v15 =	vld [tilespmem:s1+$0x11080]  }
0x1c1: {  	v6 =	vmul.f32 $1.023000000e+03, v6;
	v8 =	vtrunc.f32 v5  }
0x1c2: {  	v10 =	vcvt.f32.s32 v8;
	vm1 =	vgt.f32 v5, v8  }
0x1c3: {  	v7 =	vmul.f32 $1.023000000e+03, v7;
	v8 =	vtrunc.f32 v6;
	v5 =	vsel vm1, $0x1, v0  }
0x1c4: {  	vm1 =	vgt.f32 v6, v8;
	v6 =	vmul.f32 $1.023000000e+03, v9;
	v5 =	vadd.s32 v10, v5  }
0x1c5: {  	v15 =	vmul.f32 $1.023000000e+03, v15;
	v10 =	vcvt.f32.s32 v8;
	v8 =	vld [tilespmem:$0x11080];
	v5 =	vshll.u32 v5, $0x4  }
0x1c6: {  	v11 =	vtrunc.f32 v7;
	v12 =	vtrunc.f32 v6;
	v9 =	vor.u32 v1, v5  }
0x1c7: {  	v13 =	vld [tilespmem:s1+$0xD080];
	v5 =	vsel vm1, $0x1, v0;
	vm1 =	vgt.f32 v7, v11;
	v7 =	vcvt.f32.s32 v12  }
0x1c8: {  	v14 =	vld [tilespmem:s1+$0xF080];
	vm2 =	vgt.f32 v6, v12;
	v5 =	vadd.s32 v10, v5;
	v10 =	vcvt.f32.s32 v11  }
0x1c9: {  	v11 =	vld [tilespmem:s1+$0xE080];
	v6 =	vsel vm1, $0x1, v0;
	v12 =	vsel vm2, $0x1, v0;
	v5 =	vshll.u32 v5, $0x4  }
0x1ca: {  	v6 =	vadd.s32 v10, v6;
	v10 =	vadd.s32 v7, v12;
	v8 =	vmul.f32 $1.023000000e+03, v8;
	v12 =	vld [tilespmem:s1+$0x10080]  }
0x1cb: {  	v7 =	vor.u32 v1, v5;
	v5 =	vshll.u32 v6, $0x4;
	v10 =	vshll.u32 v10, $0x4  }
0x1cc: {  	v6 =	vor.u32 v1, v5;
	v5 =	vor.u32 v1, v10;
	v10 =	vtrunc.f32 v8  }
0x1cd: {  	v56 =	vcvt.f32.s32 v10;
	vm1 =	vgt.f32 v8, v10;
	v10 =	vmul.f32 $1.023000000e+03, v13  }
0x1ce: {  	v11 =	vmul.f32 $1.023000000e+03, v11;
	v13 =	vmul.f32 $1.023000000e+03, v14  }
0x1cf: {  	v8 =	vsel vm1, $0x1, v0;
	v12 =	vmul.f32 $1.023000000e+03, v12;
	v14 =	vtrunc.f32 v10  }
0x1d0: {  	v8 =	vadd.s32 v56, v8;
	v57 =	vtrunc.f32 v11;
	v58 =	vtrunc.f32 v13  }
0x1d1: {  	v8 =	vshll.u32 v8, $0x4;
	v60 =	vcvt.f32.s32 v14;
	vm1 =	vgt.f32 v10, v14  }
0x1d2: {  	v10 =	vtrunc.f32 v15;
	v14 =	vcvt.f32.s32 v57;
	vm2 =	vgt.f32 v11, v57  }
0x1d3: {  	v11 =	vcvt.f32.s32 v58;
	vm3 =	vgt.f32 v13, v58;
	v8 =	vor.u32 v1, v8  }
0x1d4: {  	v59 =	vtrunc.f32 v12;
	v62 =	vcvt.f32.s32 v10;
	v13 =	vsel vm3, $0x1, v0  }
0x1d5: {  	v61 =	vcvt.f32.s32 v59;
	vm4 =	vgt.f32 v12, v59;
	v12 =	vsel vm1, $0x1, v0  }
0x1d6: {  	vm1 =	vgt.f32 v15, v10;
	v10 =	vsel vm2, $0x1, v0;
	v13 =	vadd.s32 v11, v13  }
0x1d7: {  	v15 =	vsel vm4, $0x1, v0;
	v12 =	vadd.s32 v60, v12;
	v14 =	vadd.s32 v14, v10  }
0x1d8: {  	v63 =	vsel vm1, $0x1, v0;
	v10 =	vshll.u32 v12, $0x4;
	v11 =	vadd.s32 v61, v15  }
0x1d9: {  	s13 =	simm.s32 $0x20;
	v14 =	vshll.u32 v14, $0x4;
	v12 =	vadd.s32 v62, v63;
	v10 =	vor.u32 v1, v10  }
.LBB2_19:
0x1da: {  	p0 =	sne.s32 s13, $0xFF0;
	v14 =	vor.u32 v1, v14;
	v15 =	vperm.xlane v9, v2;
	v16 =	vperm.xlane v7, v2  }
0x1db: {  	v13 =	vshll.u32 v13, $0x4;
	v17 =	vperm.xlane v10, v0;
	v18 =	vperm.xlane v14, v0  }
0x1dc: {  	v11 =	vshll.u32 v11, $0x4;
	v12 =	vshll.u32 v12, $0x4;
	v13 =	vor.u32 v1, v13  }
0x1dd: {  	s1 =	sand.u32 $0xFF0, s13;
	v15 =	vsel vm0, v15, v17;
	v17 =	vmax.u32 v9, v7;
	v16 =	vsel vm0, v16, v18  }
0x1de: {  	v19 =	vperm.xlane v6, v2;
	v15 =	vmax.u32 v9, v15;
	v18 =	vld [tilespmem:s1+$0xD080];
	v16 =	vmax.u32 v7, v16  }
0x1df: {  	v21 =	vperm.xlane v13, v0;
	v20 =	vld [tilespmem:s1+$0xE080];
	v22 =	vmax.u32 v15, v16;
	v15 =	vand.u32 $0xFFFFFFF0, v15  }
0x1e0: {  	v11 =	vor.u32 v1, v11;
	v23 =	vld [tilespmem:s1+$0xF080];
	v15 =	vor.u32 v1, v15;
	v22 =	vand.u32 $0xFFFFFFF0, v22  }
0x1e1: {  	v12 =	vor.u32 v1, v12;
	v19 =	vsel vm0, v19, v21;
	v24 =	vld [tilespmem:s1+$0x10080];
	v21 =	vor.u32 v1, v22  }
0x1e2: {  	v25 =	vperm.xlane v5, v2;
	v26 =	vmax.u32 v7, v6;
	v19 =	vmax.u32 v6, v19;
	v22 =	vld [tilespmem:s1+$0x11080]  }
0x1e3: {  	v27 =	vperm.xlane v11, v0;
	[tilespmem:v9+s8+$0x0] =	vst.idx.add.s32.msk $0xffff, v3;
	v9 =	vmax.u32 v16, v19;
	v16 =	vand.u32 $0xFFFFFFF0, v16  }
0x1e4: {  	[tilespmem:v17+s8+$0x0] =	vst.idx.add.s32.msk $0xffff, v4;
	v16 =	vor.u32 v1, v16;
	v9 =	vand.u32 $0xFFFFFFF0, v9;
	v17 =	vmax.u32 v6, v5  }
0x1e5: {  	v25 =	vsel vm0, v25, v27;
	v18 =	vmul.f32 $1.023000000e+03, v18;
	[tilespmem:v15+s8+$0x0] =	vst.idx.add.s32.msk $0xffff, v4;
	v9 =	vor.u32 v1, v9  }
0x1e6: {  	v25 =	vmax.u32 v5, v25;
	v15 =	vmul.f32 $1.023000000e+03, v20;
	v20 =	vperm.xlane v8, v2;
	[tilespmem:v21+s8+$0x0] =	vst.idx.add.s32.msk $0xffff, v3  }
0x1e7: {  	v27 =	vmax.u32 v19, v25;
	v19 =	vand.u32 $0xFFFFFFF0, v19;
	v21 =	vperm.xlane v12, v0;
	[tilespmem:v7+s8+$0x0] =	vst.idx.add.s32.msk $0xffff, v3  }
0x1e8: {  	v19 =	vor.u32 v1, v19;
	v23 =	vmul.f32 $1.023000000e+03, v23;
	v7 =	vmovc v14;
	[tilespmem:v26+s8+$0x0] =	vst.idx.add.s32.msk $0xffff, v4;
	v26 =	vand.u32 $0xFFFFFFF0, v27  }
0x1e9: {  	v14 =	vmul.f32 $1.023000000e+03, v24;
	v20 =	vsel vm0, v20, v21;
	[tilespmem:v16+s8+$0x0] =	vst.idx.add.s32.msk $0xffff, v4;
	v16 =	vor.u32 v1, v26  }
0x1ea: {  	v22 =	vmul.f32 $1.023000000e+03, v22;
	v21 =	vtrunc.f32 v18;
	v20 =	vmax.u32 v8, v20;
	[tilespmem:v9+s8+$0x0] =	vst.idx.add.s32.msk $0xffff, v3;
	v9 =	vmovc v10  }
0x1eb: {  	v26 =	vand.u32 $0xFFFFFFF0, v25;
	v10 =	vmax.u32 v5, v8;
	v24 =	vmax.u32 v25, v20;
	[tilespmem:v6+s8+$0x0] =	vst.idx.add.s32.msk $0xffff, v3  }
0x1ec: {  	v20 =	vtrunc.f32 v15;
	v25 =	vand.u32 $0xFFFFFFF0, v24;
	v6 =	vmovc v13;
	[tilespmem:v17+s8+$0x0] =	vst.idx.add.s32.msk $0xffff, v4;
	v17 =	vor.u32 v1, v26  }
0x1ed: {  	v8 =	vmovc v12;
	v13 =	vtrunc.f32 v23;
	v24 =	vtrunc.f32 v14;
	[tilespmem:v19+s8+$0x0] =	vst.idx.add.s32.msk $0xffff, v4;
	v19 =	vor.u32 v1, v25  }
0x1ee: {  	vm1 =	vgt.f32 v18, v21;
	v18 =	vtrunc.f32 v22;
	v12 =	vcvt.f32.s32 v21;
	[tilespmem:v16+s8+$0x0] =	vst.idx.add.s32.msk $0xffff, v3  }
0x1ef: {  	vm2 =	vgt.f32 v15, v20;
	v15 =	vcvt.f32.s32 v13;
	v16 =	vcvt.f32.s32 v20;
	[tilespmem:v5+s8+$0x0] =	vst.idx.add.s32.msk $0xffff, v3;
	v5 =	vmovc v11  }
0x1f0: {  	vm3 =	vgt.f32 v23, v13;
	vm4 =	vgt.f32 v14, v24;
	v11 =	vcvt.f32.s32 v24;
	[tilespmem:v10+s8+$0x0] =	vst.idx.add.s32.msk $0xffff, v4  }
.Ltmp7:
0x1f1: {  	v20 =	vcvt.f32.s32 v18;
	v10 =	vsel vm1, $0x1, v0;
	vm1 =	vgt.f32 v22, v18;
	[tilespmem:v17+s8+$0x0] =	vst.idx.add.s32.msk $0xffff, v4;
	(pc) =	sbr.rel @p0 .LBB2_19-.Ltmp7, $4  }
0x1f2: {  	v13 =	vsel vm2, $0x1, v0;
	v14 =	vsel vm3, $0x1, v0;
	v17 =	vsel vm4, $0x1, v0;
	[tilespmem:v19+s8+$0x0] =	vst.idx.add.s32.msk $0xffff, v3  }
0x1f3: {  	v10 =	vadd.s32 v12, v10;
	v12 =	vadd.s32 v16, v13;
	v16 =	vsel vm1, $0x1, v0  }
0x1f4: {  	v13 =	vadd.s32 v15, v14;
	v10 =	vshll.u32 v10, $0x4;
	v11 =	vadd.s32 v11, v17  }
0x1f5: {  	s13 =	sadd.s32 $0x10, s13;
	v14 =	vshll.u32 v12, $0x4;
	v12 =	vadd.s32 v20, v16;
	v10 =	vor.u32 v1, v10  }
0x1f6: {  	v14 =	vor.u32 v1, v14;
	v15 =	vperm.xlane v9, v2;
	v16 =	vperm.xlane v7, v2  }
0x1f7: {  	v17 =	vperm.xlane v10, v0;
	v18 =	vperm.xlane v14, v0  }
0x1f8: {  	v13 =	vshll.u32 v13, $0x4;
	v39 =	vmax.u32 v9, v7;
	v40 =	vperm.xlane v6, v2  }
0x1f9: {  	v11 =	vshll.u32 v11, $0x4;
	v15 =	vsel vm0, v15, v17;
	v16 =	vsel vm0, v16, v18  }
0x1fa: {  	v13 =	vor.u32 v1, v13;
	v15 =	vmax.u32 v9, v15;
	v16 =	vmax.u32 v7, v16  }
0x1fb: {  	v19 =	vperm.xlane v13, v0;
	v20 =	vmax.u32 v15, v16;
	v15 =	vand.u32 $0xFFFFFFF0, v15  }
0x1fc: {  	v42 =	vperm.xlane v5, v2;
	v15 =	vor.u32 v1, v15;
	v20 =	vand.u32 $0xFFFFFFF0, v20  }
0x1fd: {  	v21 =	vmax.u32 v7, v6;
	v18 =	vsel vm0, v40, v19;
	v41 =	vor.u32 v1, v20  }
0x1fe: {  	v44 =	vmax.u32 v6, v5;
	v11 =	vor.u32 v1, v11;
	v18 =	vmax.u32 v6, v18  }
0x1ff: {  	[tilespmem:v9+s8+$0x0] =	vst.idx.add.s32.msk $0xffff, v3;
	v22 =	vperm.xlane v11, v0;
	v43 =	vmax.u32 v16, v18;
	v16 =	vand.u32 $0xFFFFFFF0, v16  }
0x200: {  	v46 =	vperm.xlane v8, v2;
	[tilespmem:v39+s8+$0x0] =	vst.idx.add.s32.msk $0xffff, v4;
	v16 =	vor.u32 v1, v16;
	v9 =	vand.u32 $0xFFFFFFF0, v43  }
0x201: {  	v12 =	vshll.u32 v12, $0x4;
	v45 =	vsel vm0, v42, v22;
	v9 =	vor.u32 v1, v9;
	[tilespmem:v15+s8+$0x0] =	vst.idx.add.s32.msk $0xffff, v4  }
0x202: {  	v12 =	vor.u32 v1, v12;
	v17 =	vmax.u32 v5, v45;
	[tilespmem:v41+s8+$0x0] =	vst.idx.add.s32.msk $0xffff, v3  }
0x203: {  	v47 =	vmax.u32 v18, v17;
	v18 =	vand.u32 $0xFFFFFFF0, v18;
	[tilespmem:v7+s8+$0x0] =	vst.idx.add.s32.msk $0xffff, v3;
	v7 =	vperm.xlane v12, v0  }
0x204: {  	v18 =	vor.u32 v1, v18;
	v20 =	vand.u32 $0xFFFFFFF0, v47;
	[tilespmem:v21+s8+$0x0] =	vst.idx.add.s32.msk $0xffff, v4  }
0x205: {  	v48 =	vor.u32 v1, v20;
	[tilespmem:v16+s8+$0x0] =	vst.idx.add.s32.msk $0xffff, v4;
	v7 =	vsel vm0, v46, v7  }
0x206: {  	v49 =	vmax.u32 v5, v8;
	[tilespmem:v9+s8+$0x0] =	vst.idx.add.s32.msk $0xffff, v3;
	v7 =	vmax.u32 v8, v7  }
0x207: {  	v50 =	vperm.xlane v10, v2;
	[tilespmem:v6+s8+$0x0] =	vst.idx.add.s32.msk $0xffff, v3;
	v6 =	vand.u32 $0xFFFFFFF0, v17;
	v7 =	vmax.u32 v17, v7  }
0x208: {  	v51 =	vperm.xlane v14, v2;
	v6 =	vor.u32 v1, v6;
	[tilespmem:v44+s8+$0x0] =	vst.idx.add.s32.msk $0xffff, v4;
	v7 =	vand.u32 $0xFFFFFFF0, v7  }
0x209: {  	[tilespmem:v18+s8+$0x0] =	vst.idx.add.s32.msk $0xffff, v4;
	v7 =	vor.u32 v1, v7  }
0x20a: {  	v15 =	vmax.u32 v14, v51;
	v9 =	vmax.u32 v10, v50;
	[tilespmem:v48+s8+$0x0] =	vst.idx.add.s32.msk $0xffff, v3  }
0x20b: {  	v52 =	vmax.u32 v9, v15;
	v9 =	vand.u32 $0xFFFFFFF0, v9;
	[tilespmem:v5+s8+$0x0] =	vst.idx.add.s32.msk $0xffff, v3;
	v5 =	vmax.u32 v10, v14  }
0x20c: {  	v53 =	vperm.xlane v13, v2;
	v9 =	vor.u32 v1, v9;
	v16 =	vand.u32 $0xFFFFFFF0, v52;
	[tilespmem:v49+s8+$0x0] =	vst.idx.add.s32.msk $0xffff, v4  }
0x20d: {  	[tilespmem:v6+s8+$0x0] =	vst.idx.add.s32.msk $0xffff, v4;
	v6 =	vor.u32 v1, v16  }
0x20e: {  	[tilespmem:v7+s8+$0x0] =	vst.idx.add.s32.msk $0xffff, v3;
	v7 =	vmax.u32 v13, v53  }
0x20f: {  	v54 =	vmax.u32 v14, v13;
	[tilespmem:v10+s8+$0x0] =	vst.idx.add.s32.msk $0xffff, v3;
	v55 =	vmax.u32 v15, v7;
	v15 =	vand.u32 $0xFFFFFFF0, v15  }
0x210: {  	v56 =	vperm.xlane v11, v2;
	[tilespmem:v5+s8+$0x0] =	vst.idx.add.s32.msk $0xffff, v4;
	v5 =	vor.u32 v1, v15;
	v10 =	vand.u32 $0xFFFFFFF0, v55  }
0x211: {  	[tilespmem:v9+s8+$0x0] =	vst.idx.add.s32.msk $0x7fff, v4;
	v57 =	vor.u32 v1, v10  }
0x212: {  	v58 =	vmax.u32 v11, v56;
	[tilespmem:v6+s8+$0x0] =	vst.idx.add.s32.msk $0x7fff, v3  }
0x213: {  	v59 =	vmax.u32 v7, v58;
	v7 =	vand.u32 $0xFFFFFFF0, v7;
	v6 =	vmax.u32 v13, v11;
	[tilespmem:v14+s8+$0x0] =	vst.idx.add.s32.msk $0xffff, v3  }
0x214: {  	v60 =	vperm.xlane v12, v2;
	v7 =	vor.u32 v1, v7;
	v61 =	vand.u32 $0xFFFFFFF0, v59;
	[tilespmem:v54+s8+$0x0] =	vst.idx.add.s32.msk $0xffff, v4  }
0x215: {  	[tilespmem:v5+s8+$0x0] =	vst.idx.add.s32.msk $0x7fff, v4;
	v5 =	vor.u32 v1, v61  }
0x216: {  	v62 =	vmax.u32 v12, v60;
	[tilespmem:v57+s8+$0x0] =	vst.idx.add.s32.msk $0x7fff, v3  }
0x217: {  	v63 =	vmax.u32 v11, v12;
	v8 =	vmax.u32 v58, v62;
	v10 =	vand.u32 $0xFFFFFFF0, v58;
	[tilespmem:v13+s8+$0x0] =	vst.idx.add.s32.msk $0xffff, v3  }
0x218: {  	v8 =	vand.u32 $0xFFFFFFF0, v8;
	[tilespmem:v6+s8+$0x0] =	vst.idx.add.s32.msk $0xffff, v4;
	v6 =	vor.u32 v1, v10  }
0x219: {  	[tilespmem:v7+s8+$0x0] =	vst.idx.add.s32.msk $0x7fff, v4;
	v7 =	vor.u32 v1, v8  }
.Ltmp8:
0x21a: {  	[tilespmem:v5+s8+$0x0] =	vst.idx.add.s32.msk $0x7fff, v3;
	(pc) =	sbr.rel .LBB2_26-.Ltmp8, $4  }
0x21b: {  	[tilespmem:v11+s8+$0x0] =	vst.idx.add.s32.msk $0xffff, v3  }
0x21c: {  	[tilespmem:v63+s8+$0x0] =	vst.idx.add.s32.msk $0xffff, v4  }
0x21d: {  	[tilespmem:v6+s8+$0x0] =	vst.idx.add.s32.msk $0x7fff, v4  }
0x21e: {  	[tilespmem:v7+s8+$0x0] =	vst.idx.add.s32.msk $0x7fff, v3  }
.LBB2_9:
0x21f: {  	s13 =	simm.s32 $0x90A0  }
0x220: {  	v5 =	vld [tilespmem:s13+$0x10]  }
0x221: {  	v6 =	vld [tilespmem:s13+$0xFFFFFFF0]  }
0x222: {  	v7 =	vld [tilespmem:s13+$0x0]  }
0x223: {  	v8 =	vld [tilespmem:s13+$0xFFFFFFE0];
	_ =	sdelay $0x2  }
0x224: {  	v10 =	vmul.f32 $1.023000000e+03, v5  }
0x225: {  	v6 =	vmul.f32 $1.023000000e+03, v6;
	v5 =	vmul.f32 $1.023000000e+03, v7  }
0x226: {  	v9 =	vmul.f32 $1.023000000e+03, v8;
	v7 =	vtrunc.f32 v10  }
0x227: {  	v12 =	vcvt.f32.s32 v7;
	vm1 =	vgt.f32 v10, v7  }
0x228: {  	v11 =	vtrunc.f32 v9;
	v10 =	vtrunc.f32 v6;
	v13 =	vsel vm1, $0x1, v0  }
0x229: {  	s1 =	simm.s32 $0x0;
	s14 =	simm.s32 $0x90E0;
	v7 =	vtrunc.f32 v5;
	v8 =	vcvt.f32.s32 v10;
	v12 =	vadd.s32 v12, v13  }
.LBB2_10:
0x22a: {  	v13 =	vld [tilespmem:s14+$0x10];
	s1 =	sadd.s32 $0x4, s1;
	v14 =	vcvt.f32.s32 v11;
	vm1 =	vgt.f32 v9, v11;
	v9 =	vshll.u32 v12, $0x4  }
0x22b: {  	vm2 =	vgt.f32 v6, v10;
	v6 =	vcvt.f32.s32 v7;
	v11 =	vld [tilespmem:s14+$0xFFFFFFF0];
	p0 =	slt.u32 s1, $0x7FC;
	v9 =	vor.u32 v1, v9  }
0x22c: {  	s20 =	simm.s32 $0xA0C1;
	v12 =	vsel vm1, $0x1, v0;
	v15 =	vsel vm2, $0x1, v0;
	vm1 =	vgt.f32 v5, v7;
	v10 =	vld [tilespmem:s14+$0x0];
	[tilespmem:s13+$0x10] =	vst v9  }
0x22d: {  	v5 =	vadd.s32 v14, v12;
	v8 =	vadd.s32 v8, v15;
	v9 =	vsel vm1, $0x1, v0;
	v7 =	vld [tilespmem:s14+$0xFFFFFFE0]  }
0x22e: {  	v5 =	vshll.u32 v5, $0x4;
	v8 =	vshll.u32 v8, $0x4;
	v6 =	vadd.s32 v6, v9  }
0x22f: {  	v5 =	vor.u32 v1, v5;
	v9 =	vshll.u32 v6, $0x4;
	v12 =	vmul.f32 $1.023000000e+03, v13  }
.Ltmp9:
0x230: {  	v8 =	vor.u32 v1, v8;
	v6 =	vmul.f32 $1.023000000e+03, v11;
	[tilespmem:s13+$0xFFFFFFE0] =	vst v5;
	v11 =	vor.u32 v1, v9;
	(pc) =	sbr.rel @p0 .LBB2_10-.Ltmp9, $4  }
0x231: {  	v5 =	vmul.f32 $1.023000000e+03, v10;
	v10 =	vtrunc.f32 v12;
	[tilespmem:s13+$0xFFFFFFF0] =	vst v8  }
0x232: {  	v9 =	vmul.f32 $1.023000000e+03, v7;
	v13 =	vcvt.f32.s32 v10;
	vm1 =	vgt.f32 v12, v10;
	[tilespmem:s13+$0x0] =	vst v11;
	s13 =	smov.u32 s14  }
0x233: {  	v10 =	vtrunc.f32 v6;
	v7 =	vtrunc.f32 v5;
	v12 =	vsel vm1, $0x1, v0  }
0x234: {  	s14 =	sadd.s32 $0x40, s14;
	v8 =	vcvt.f32.s32 v10;
	v11 =	vtrunc.f32 v9;
	v12 =	vadd.s32 v13, v12  }
0x235: {  	v13 =	vcvt.f32.s32 v11  }
0x236: {  	vm1 =	vgt.f32 v9, v11;
	v60 =	vshll.u32 v12, $0x4;
	vm2 =	vgt.f32 v6, v10  }
0x237: {  	v6 =	vcvt.f32.s32 v7;
	v9 =	vor.u32 v1, v60;
	v61 =	vsel vm1, $0x1, v0  }
0x238: {  	v62 =	vsel vm2, $0x1, v0;
	vm1 =	vgt.f32 v5, v7;
	v5 =	vadd.s32 v13, v61  }
.Ltmp10:
0x239: {  	v7 =	vadd.s32 v8, v62;
	v63 =	vsel vm1, $0x1, v0;
	v5 =	vshll.u32 v5, $0x4;
	(pc) =	sbr.rel .LBB2_12-.Ltmp10, $4  }
0x23a: {  	[tilespmem:s13+$0x10] =	vst v9;
	v7 =	vshll.u32 v7, $0x4;
	v6 =	vadd.s32 v6, v63;
	v5 =	vor.u32 v1, v5  }
0x23b: {  	v6 =	vshll.u32 v6, $0x4;
	[tilespmem:s13+$0xFFFFFFE0] =	vst v5;
	v5 =	vor.u32 v1, v7  }
0x23c: {  	v6 =	vor.u32 v1, v6;
	[tilespmem:s13+$0xFFFFFFF0] =	vst v5  }
0x23d: {  	s22 =	simm.s32 $0x0;
	s23 =	simm.s32 $0x0;
	[tilespmem:s13+$0x0] =	vst v6  }
.LBB2_24:
0x23e: {  	_ =	sdelay $0x1  }
0x23f: {  	v8 =	vmax.u32 v5, v8  }
0x240: {  	v10 =	vor.u32 v1, v10;
	v8 =	vand.u32 $0xFFFFFFF0, v8  }
0x241: {  	[tilespmem:v6+s8+$0x0] =	vst.idx.add.s32.msk $0xffff, v3;
	v6 =	vor.u32 v1, v8  }
0x242: {  	[tilespmem:v9+s8+$0x0] =	vst.idx.add.s32.msk $0xffff, v4  }
0x243: {  	[tilespmem:v5+s8+$0x0] =	vst.idx.add.s32.msk $0xffff, v3  }
0x244: {  	[tilespmem:v7+s8+$0x0] =	vst.idx.add.s32.msk $0xffff, v4  }
0x245: {  	[tilespmem:v10+s8+$0x0] =	vst.idx.add.s32.msk $0xffff, v4  }
0x246: {  	s0 =	sand.u32 $0x3FFFF000, s13;
	[tilespmem:v6+s8+$0x0] =	vst.idx.add.s32.msk $0xffff, v4  }
0x247: {  	v5 =	vld [tilespmem:s0+$0xA070]  }
0x248: {  	v6 =	vld [tilespmem:s0+$0xA071];
	_ =	sdelay $0x4  }
0x249: {  	v6 =	vmax.u32 v5, v6  }
0x24a: {  	v6 =	vand.u32 $0xFFFFFFF0, v6  }
0x24b: {  	v6 =	vor.u32 v1, v6;
	_ =	sdelay $0x3  }
0x24c: {  	[tilespmem:v5+s8+$0x0] =	vst.idx.add.s32.msk $0xffff, v3  }
0x24d: {  	[tilespmem:v6+s8+$0x0] =	vst.idx.add.s32.msk $0x7fff, v4  }
.LBB2_25:
0x24e: {  	s23 =	sadd.s32 $0x1, s23  }
0x24f: {  	p0 =	sne.s32 s23, $0x8  }
.Ltmp11:
0x250: {  	_ = 	snop;
	(pc) =	sbr.rel @!p0 .LBB2_26-.Ltmp11, $2  }
0x251: {  	_ =	sdelay $0x2  }
0x252: {  	s22 =	sadd.s32 $0x1000, s22;
	s20 =	sadd.s32 $0x1000, s20  }
.LBB2_12:
0x253: {  	s1 =	sor.u32 s19, s23  }
0x254: {  	p0 =	sgt.u32 s1, $0xFFE  }
.Ltmp12:
0x255: {  	_ = 	snop;
	(pc) =	sbr.rel @p0 .LBB2_21-.Ltmp12, $1  }
0x256: {  	_ =	sdelay $0x3  }
0x257: {  	v5 =	vld [tilespmem:s20+$0xFFFFFFD0]  }
0x258: {  	v6 =	vld [tilespmem:s20+$0xFFFFFFC0]  }
0x259: {  	s1 =	simm.s32 $0x40;
	s13 =	sadd.s32 $0x40, s22;
	v7 =	vld [tilespmem:s20+$0x0]  }
0x25a: {  	v8 =	vld [tilespmem:s20+$0xFFFFFFF0];
	s1 =	sand.u32 $0x70, s1;
	s29 =	sand.u32 $0xFF80, s13  }
0x25b: {  	v20 =	vld [tilespmem:s20+$0xFFFFFFE0];
	s1 =	sor.u32 s1, s29  }
0x25c: {  	s14 =	simm.s32 $0x10;
	s31 =	simm.s32 $0x30;
	s28 =	sadd.s32 $0xFFFFFFF0, s13;
	v9 =	vld [tilespmem:s1+$0x9081]  }
0x25d: {  	s0 =	sadd.s32 $0xFFFFFFD0, s13;
	s31 =	sand.u32 $0x70, s31;
	s28 =	sand.u32 $0xFF80, s28;
	v21 =	vld [tilespmem:s1+$0x9080]  }
0x25e: {  	s14 =	sand.u32 $0x70, s14;
	s0 =	sand.u32 $0xFF80, s0;
	s28 =	sor.u32 s31, s28;
	v24 =	vld [tilespmem:s1+$0xA080]  }
0x25f: {  	s0 =	sor.u32 s14, s0;
	v10 =	vld [tilespmem:s28+$0xA080]  }
0x260: {  	v11 =	vld [tilespmem:s0+$0x9081]  }
0x261: {  	v12 =	vld [tilespmem:s0+$0xA080]  }
0x262: {  	s3 =	sadd.s32 $0xFFFFFFC0, s13;
	s31 =	simm.s32 $0x0;
	v17 =	vld [tilespmem:s28+$0x9081]  }
0x263: {  	s4 =	sand.u32 $0x7F80, s3;
	s7 =	sand.u32 $0x70, s31;
	v18 =	vld [tilespmem:s28+$0x9080]  }
0x264: {  	v55 =	vld [tilespmem:s0+$0x9080];
	s14 =	sor.u32 s7, s4  }
0x265: {  	s13 =	sadd.s32 $0xFFFFFFE0, s13;
	s31 =	simm.s32 $0x20;
	v13 =	vld [tilespmem:s14+$0xA080]  }
0x266: {  	s13 =	sand.u32 $0xFF80, s13;
	s21 =	sand.u32 $0x70, s31;
	v19 =	vld [tilespmem:s14+$0x9080]  }
0x267: {  	s13 =	sor.u32 s21, s13;
	v14 =	vld [tilespmem:s14+$0x9081]  }
0x268: {  	v15 =	vld [tilespmem:s13+$0x9080]  }
0x269: {  	v16 =	vld [tilespmem:s13+$0xA080]  }
0x26a: {  	v22 =	vld [tilespmem:s13+$0x9081];
	v8 =	vmax.u32 v10, v8;
	v17 =	vmax.u32 v18, v17;
	v10 =	vmax.u32 v18, v10  }
0x26b: {  	v5 =	vmax.u32 v12, v5;
	v12 =	vmax.u32 v55, v12;
	[tilespmem:v21+s8+$0x0] =	vst.idx.add.s32.msk $0xffff, v3  }
0x26c: {  	v11 =	vmax.u32 v55, v11;
	v8 =	vmax.u32 v17, v8;
	[tilespmem:v18+s8+$0x0] =	vst.idx.add.s32.msk $0xffff, v3  }
0x26d: {  	v26 =	vand.u32 $0xFFFFFFF0, v17;
	v5 =	vmax.u32 v11, v5;
	v25 =	vmax.u32 v19, v13;
	[tilespmem:v55+s8+$0x0] =	vst.idx.add.s32.msk $0xffff, v3  }
0x26e: {  	v11 =	vand.u32 $0xFFFFFFF0, v11;
	v56 =	vor.u32 v1, v26;
	v14 =	vmax.u32 v19, v14;
	[tilespmem:v19+s8+$0x0] =	vst.idx.add.s32.msk $0xffff, v3  }
0x26f: {  	v8 =	vand.u32 $0xFFFFFFF0, v8;
	v6 =	vmax.u32 v13, v6;
	v11 =	vor.u32 v1, v11;
	[tilespmem:v10+s8+$0x0] =	vst.idx.add.s32.msk $0xffff, v4  }
0x270: {  	v5 =	vand.u32 $0xFFFFFFF0, v5;
	v23 =	vmax.u32 v15, v16;
	v8 =	vor.u32 v1, v8;
	[tilespmem:v12+s8+$0x0] =	vst.idx.add.s32.msk $0xffff, v4  }
0x271: {  	v58 =	vand.u32 $0xFFFFFFF0, v14;
	v6 =	vmax.u32 v14, v6;
	v5 =	vor.u32 v1, v5;
	[tilespmem:v15+s8+$0x0] =	vst.idx.add.s32.msk $0xffff, v3  }
0x272: {  	v57 =	vmax.u32 v15, v22;
	v6 =	vand.u32 $0xFFFFFFF0, v6;
	v15 =	vor.u32 v1, v58;
	[tilespmem:v25+s8+$0x0] =	vst.idx.add.s32.msk $0xffff, v4  }
0x273: {  	v6 =	vor.u32 v1, v6;
	[tilespmem:v56+s8+$0x0] =	vst.idx.add.s32.msk $0xffff, v4  }
0x274: {  	v63 =	vmax.u32 v21, v24;
	v61 =	vmax.u32 v16, v20;
	[tilespmem:v11+s8+$0x0] =	vst.idx.add.s32.msk $0xffff, v4  }
0x275: {  	v9 =	vmax.u32 v21, v9;
	v59 =	vand.u32 $0xFFFFFFF0, v57;
	[tilespmem:v8+s8+$0x0] =	vst.idx.add.s32.msk $0xffff, v3;
	v8 =	vmax.u32 v57, v61  }
0x276: {  	v60 =	vor.u32 v1, v59;
	[tilespmem:v5+s8+$0x0] =	vst.idx.add.s32.msk $0xffff, v3;
	v5 =	vmax.u32 v24, v7;
	v8 =	vand.u32 $0xFFFFFFF0, v8  }
0x277: {  	v62 =	vand.u32 $0xFFFFFFF0, v9;
	v5 =	vmax.u32 v9, v5;
	v8 =	vor.u32 v1, v8;
	[tilespmem:v15+s8+$0x0] =	vst.idx.add.s32.msk $0xffff, v4  }
0x278: {  	v5 =	vand.u32 $0xFFFFFFF0, v5;
	[tilespmem:v6+s8+$0x0] =	vst.idx.add.s32.msk $0xffff, v3;
	v6 =	vor.u32 v1, v62  }
0x279: {  	[tilespmem:v63+s8+$0x0] =	vst.idx.add.s32.msk $0xffff, v4;
	v5 =	vor.u32 v1, v5  }
0x27a: {  	[tilespmem:v23+s8+$0x0] =	vst.idx.add.s32.msk $0xffff, v4  }
0x27b: {  	[tilespmem:v60+s8+$0x0] =	vst.idx.add.s32.msk $0xffff, v4  }
0x27c: {  	[tilespmem:v8+s8+$0x0] =	vst.idx.add.s32.msk $0xffff, v3  }
0x27d: {  	s31 =	sadd.s32 $0x50, s20;
	s14 =	simm.s32 $0x90;
	s13 =	simm.s32 $0x0;
	[tilespmem:v6+s8+$0x0] =	vst.idx.add.s32.msk $0xffff, v4  }
.LBB2_14:
0x27e: {  	s0 =	sadd.s32 s14, s22;
	s1 =	sadd.s32 $0xFFFFFFD0, s14;
	s28 =	sadd.s32 $0xFFFFFFF0, s14;
	[tilespmem:v5+s8+$0x0] =	vst.idx.add.s32.msk $0xffff, v3  }
0x27f: {  	s4 =	sand.u32 $0x70, s14;
	s29 =	sadd.s32 $0xFFFFFFC0, s0;
	s3 =	sadd.s32 $0xFFFFFFD0, s0;
	v5 =	vld [tilespmem:s31+$0xFFFFFFD0]  }
0x280: {  	s7 =	sadd.s32 $0xFFFFFFF0, s0;
	s28 =	sand.u32 $0x70, s28;
	s29 =	sand.u32 $0x7F80, s29;
	v6 =	vld [tilespmem:s31+$0xFFFFFFC0]  }
0x281: {  	s2 =	sand.u32 $0xFF80, s0;
	s3 =	sand.u32 $0xFF80, s3;
	s7 =	sand.u32 $0xFF80, s7;
	v7 =	vld [tilespmem:s31+$0x0]  }
0x282: {  	s0 =	sadd.s32 $0xFFFFFFE0, s0;
	s2 =	sor.u32 s4, s2;
	s7 =	sor.u32 s28, s7;
	v8 =	vld [tilespmem:s31+$0xFFFFFFF0]  }
0x283: {  	s13 =	sadd.s32 $0x5, s13;
	s1 =	sand.u32 $0x70, s1;
	s4 =	sadd.s32 $0xFFFFFFC0, s14;
	v9 =	vld [tilespmem:s2+$0x9081]  }
0x284: {  	p0 =	slt.u32 s13, $0xFA;
	s4 =	sand.u32 $0x70, s4;
	s1 =	sor.u32 s1, s3;
	v10 =	vld [tilespmem:s7+$0xA080]  }
0x285: {  	s3 =	sadd.s32 $0xFFFFFFE0, s14;
	v11 =	vld [tilespmem:s1+$0x9081]  }
0x286: {  	s0 =	sand.u32 $0xFF80, s0;
	s4 =	sor.u32 s4, s29;
	s3 =	sand.u32 $0x70, s3;
	v12 =	vld [tilespmem:s1+$0xA080]  }
0x287: {  	s0 =	sor.u32 s3, s0;
	v13 =	vld [tilespmem:s4+$0xA080]  }
0x288: {  	v14 =	vld [tilespmem:s4+$0x9081]  }
0x289: {  	v15 =	vld [tilespmem:s0+$0x9080];
	v8 =	vmax.u32 v10, v8  }
0x28a: {  	v16 =	vld [tilespmem:s0+$0xA080]  }
0x28b: {  	v17 =	vld [tilespmem:s7+$0x9081]  }
0x28c: {  	v5 =	vmax.u32 v12, v5;
	v6 =	vmax.u32 v13, v6;
	v18 =	vld [tilespmem:s7+$0x9080]  }
0x28d: {  	v19 =	vld [tilespmem:s4+$0x9080]  }
0x28e: {  	v20 =	vld [tilespmem:s31+$0xFFFFFFE0]  }
0x28f: {  	v21 =	vmax.u32 v15, v16;
	v22 =	vld [tilespmem:s2+$0x9080]  }
0x290: {  	v23 =	vld [tilespmem:s0+$0x9081]  }
0x291: {  	[tilespmem:v15+s8+$0x0] =	vst.idx.add.s32.msk $0xffff, v3;
	v17 =	vmax.u32 v18, v17  }
0x292: {  	v10 =	vmax.u32 v18, v10;
	v13 =	vmax.u32 v19, v13;
	v24 =	vand.u32 $0xFFFFFFF0, v17;
	v25 =	vld [tilespmem:s2+$0xA080]  }
0x293: {  	v14 =	vmax.u32 v19, v14;
	v8 =	vmax.u32 v17, v8;
	v26 =	vld [tilespmem:s1+$0x9080];
	v16 =	vmax.u32 v16, v20  }
0x294: {  	v6 =	vmax.u32 v14, v6;
	v17 =	vor.u32 v1, v24;
	v8 =	vand.u32 $0xFFFFFFF0, v8;
	[tilespmem:v18+s8+$0x0] =	vst.idx.add.s32.msk $0xffff, v3  }
0x295: {  	v6 =	vand.u32 $0xFFFFFFF0, v6;
	v8 =	vor.u32 v1, v8;
	[tilespmem:v19+s8+$0x0] =	vst.idx.add.s32.msk $0xffff, v3;
	v15 =	vmax.u32 v15, v23  }
0x296: {  	v14 =	vand.u32 $0xFFFFFFF0, v14;
	v6 =	vor.u32 v1, v6;
	[tilespmem:v21+s8+$0x0] =	vst.idx.add.s32.msk $0xffff, v4;
	v18 =	vand.u32 $0xFFFFFFF0, v15  }
0x297: {  	v14 =	vor.u32 v1, v14;
	v18 =	vor.u32 v1, v18;
	[tilespmem:v10+s8+$0x0] =	vst.idx.add.s32.msk $0xffff, v4  }
0x298: {  	v7 =	vmax.u32 v25, v7;
	[tilespmem:v13+s8+$0x0] =	vst.idx.add.s32.msk $0xffff, v4;
	v10 =	vmax.u32 v26, v12  }
0x299: {  	v9 =	vmax.u32 v22, v9;
	v11 =	vmax.u32 v26, v11;
	[tilespmem:v17+s8+$0x0] =	vst.idx.add.s32.msk $0xffff, v4  }
0x29a: {  	v7 =	vmax.u32 v9, v7;
	v5 =	vmax.u32 v11, v5;
	v11 =	vand.u32 $0xFFFFFFF0, v11;
	[tilespmem:v8+s8+$0x0] =	vst.idx.add.s32.msk $0xffff, v3  }
0x29b: {  	v9 =	vand.u32 $0xFFFFFFF0, v9;
	v8 =	vor.u32 v1, v11;
	v5 =	vand.u32 $0xFFFFFFF0, v5;
	[tilespmem:v26+s8+$0x0] =	vst.idx.add.s32.msk $0xffff, v3  }
0x29c: {  	v7 =	vand.u32 $0xFFFFFFF0, v7;
	v11 =	vmax.u32 v15, v16;
	v5 =	vor.u32 v1, v5;
	[tilespmem:v14+s8+$0x0] =	vst.idx.add.s32.msk $0xffff, v4  }
0x29d: {  	v12 =	vmax.u32 v22, v25;
	v11 =	vand.u32 $0xFFFFFFF0, v11;
	[tilespmem:v18+s8+$0x0] =	vst.idx.add.s32.msk $0xffff, v4  }
0x29e: {  	[tilespmem:v10+s8+$0x0] =	vst.idx.add.s32.msk $0xffff, v4;
	v10 =	vor.u32 v1, v11  }
0x29f: {  	[tilespmem:v6+s8+$0x0] =	vst.idx.add.s32.msk $0xffff, v3  }
0x2a0: {  	v6 =	vor.u32 v1, v9;
	[tilespmem:v8+s8+$0x0] =	vst.idx.add.s32.msk $0xffff, v4  }
.Ltmp13:
0x2a1: {  	[tilespmem:v5+s8+$0x0] =	vst.idx.add.s32.msk $0xffff, v3;
	v5 =	vor.u32 v1, v7;
	(pc) =	sbr.rel @p0 .LBB2_14-.Ltmp13, $4  }
0x2a2: {  	[tilespmem:v22+s8+$0x0] =	vst.idx.add.s32.msk $0xffff, v3  }
0x2a3: {  	[tilespmem:v10+s8+$0x0] =	vst.idx.add.s32.msk $0xffff, v3  }
0x2a4: {  	[tilespmem:v12+s8+$0x0] =	vst.idx.add.s32.msk $0xffff, v4  }
0x2a5: {  	s14 =	sadd.s32 $0x50, s14;
	s31 =	sadd.s32 $0x50, s31;
	[tilespmem:v6+s8+$0x0] =	vst.idx.add.s32.msk $0xffff, v4  }
0x2a6: {  	_ =	sdelay $0x2  }
0x2a7: {  	s0 =	sshll.u32 s23, $0xC  }
0x2a8: {  	[tilespmem:v5+s8+$0x0] =	vst.idx.add.s32.msk $0xffff, v3;
	s0 =	sand.u32 $0x3FFFF000, s0  }
0x2a9: {  	v5 =	vld [tilespmem:s0+$0xA070]  }
0x2aa: {  	v6 =	vld [tilespmem:s0+$0xA071]  }
0x2ab: {  	v7 =	vld [tilespmem:s0+$0xB070]  }
0x2ac: {  	v8 =	vld [tilespmem:s0+$0xB071];
	_ =	sdelay $0x4  }
0x2ad: {  	v6 =	vmax.u32 v5, v6;
	v8 =	vmax.u32 v7, v8  }
0x2ae: {  	v7 =	vmax.u32 v5, v7;
	v8 =	vmax.u32 v6, v8;
	v6 =	vand.u32 $0xFFFFFFF0, v6  }
0x2af: {  	v6 =	vor.u32 v1, v6;
	v8 =	vand.u32 $0xFFFFFFF0, v8  }
0x2b0: {  	v8 =	vor.u32 v1, v8  }
.Ltmp14:
0x2b1: {  	_ = 	snop;
	(pc) =	sbr.rel .LBB2_25-.Ltmp14, $4  }
0x2b2: {  	[tilespmem:v5+s8+$0x0] =	vst.idx.add.s32.msk $0xffff, v3  }
0x2b3: {  	[tilespmem:v7+s8+$0x0] =	vst.idx.add.s32.msk $0xffff, v4  }
0x2b4: {  	[tilespmem:v6+s8+$0x0] =	vst.idx.add.s32.msk $0x7fff, v4  }
0x2b5: {  	[tilespmem:v8+s8+$0x0] =	vst.idx.add.s32.msk $0x7fff, v3  }
.LBB2_21:
0x2b6: {  	p0 =	sne.s32 s1, $0xFFF  }
.Ltmp15:
0x2b7: {  	_ = 	snop;
	(pc) =	sbr.rel @p0 .LBB2_25-.Ltmp15, $1  }
0x2b8: {  	_ =	sdelay $0x3  }
0x2b9: {  	s0 =	sadd.s32 $0x0, s22  }
0x2ba: {  	s1 =	simm.s32 $0x40;
	s13 =	simm.s32 $0x10;
	s21 =	simm.s32 $0x20  }
0x2bb: {  	s29 =	simm.s32 $0x30;
	s2 =	sadd.s32 $0x40, s0;
	s1 =	sand.u32 $0x70, s1  }
0x2bc: {  	s3 =	sadd.s32 $0x10, s0;
	s4 =	sadd.s32 $0x20, s0;
	s2 =	sand.u32 $0xFF80, s2  }
0x2bd: {  	s0 =	sadd.s32 $0x30, s0;
	s14 =	sand.u32 $0xFF80, s3;
	s1 =	sor.u32 s1, s2  }
0x2be: {  	s3 =	sand.u32 $0x70, s21;
	s0 =	sand.u32 $0xFF80, s0;
	s21 =	sand.u32 $0x70, s29;
	v7 =	vld [tilespmem:s1+$0x9080]  }
0x2bf: {  	s2 =	sand.u32 $0x70, s13;
	s0 =	sor.u32 s21, s0;
	v5 =	vld [tilespmem:s1+$0x9081]  }
0x2c0: {  	s1 =	sor.u32 s2, s14;
	v6 =	vld [tilespmem:s0+$0x9080]  }
0x2c1: {  	s28 =	sand.u32 $0xFF80, s4;
	v9 =	vld [tilespmem:s1+$0x9080]  }
0x2c2: {  	s7 =	simm.s32 $0x0;
	s13 =	sshll.u32 s23, $0xC;
	s2 =	sor.u32 s3, s28;
	v10 =	vld [tilespmem:s1+$0x9081]  }
0x2c3: {  	s14 =	sadd.s32 $0x9080, s13;
	s28 =	sand.u32 $0xF80, s7;
	v11 =	vld [tilespmem:s2+$0x9080]  }
0x2c4: {  	v12 =	vld [tilespmem:s2+$0x9081];
	s29 =	sadd.s32 s28, s14;
	s1 =	sand.u32 $0x70, s7  }
0x2c5: {  	v14 =	vld [tilespmem:s0+$0x9081];
	s1 =	sadd.s32 s1, s29;
	v5 =	vmax.u32 v7, v5  }
0x2c6: {  	v8 =	vld [tilespmem:s1+$0x1];
	v5 =	vand.u32 $0xFFFFFFF0, v5  }
0x2c7: {  	v13 =	vor.u32 v1, v5;
	[tilespmem:v7+s8+$0x0] =	vst.idx.add.s32.msk $0xffff, v3;
	v7 =	vmax.u32 v9, v10  }
0x2c8: {  	v5 =	vld [tilespmem:s1+$0x0];
	v7 =	vand.u32 $0xFFFFFFF0, v7  }
0x2c9: {  	v10 =	vmax.u32 v11, v12;
	[tilespmem:v9+s8+$0x0] =	vst.idx.add.s32.msk $0xffff, v3;
	v9 =	vor.u32 v1, v7  }
0x2ca: {  	v10 =	vand.u32 $0xFFFFFFF0, v10  }
0x2cb: {  	v63 =	vmax.u32 v6, v14;
	[tilespmem:v11+s8+$0x0] =	vst.idx.add.s32.msk $0xffff, v3;
	v7 =	vor.u32 v1, v10  }
0x2cc: {  	s31 =	simm.s32 $0x0;
	s1 =	simm.s32 $0x50;
	v10 =	vand.u32 $0xFFFFFFF0, v63;
	[tilespmem:v13+s8+$0x0] =	vst.idx.add.s32.msk $0xffff, v4  }
.LBB2_23:
0x2cd: {  	s0 =	sadd.s32 $0x10, s1;
	s2 =	sadd.s32 s1, s22;
	s3 =	sadd.s32 $0x20, s1;
	v8 =	vmax.u32 v5, v8;
	[tilespmem:v6+s8+$0x0] =	vst.idx.add.s32.msk $0xffff, v3;
	v6 =	vor.u32 v1, v10  }
0x2ce: {  	s4 =	sadd.s32 $0x40, s1;
	s31 =	sadd.s32 $0x5, s31;
	s7 =	sadd.s32 $0x40, s2;
	v8 =	vand.u32 $0xFFFFFFF0, v8;
	[tilespmem:v9+s8+$0x0] =	vst.idx.add.s32.msk $0xffff, v4  }
0x2cf: {  	s4 =	sand.u32 $0x70, s4;
	p0 =	slt.u32 s31, $0xFA;
	s7 =	sand.u32 $0xFF80, s7;
	[tilespmem:v5+s8+$0x0] =	vst.idx.add.s32.msk $0xffff, v3;
	v5 =	vor.u32 v1, v8  }
0x2d0: {  	s28 =	sadd.s32 $0x10, s2;
	s29 =	sadd.s32 $0x20, s2;
	s4 =	sor.u32 s4, s7;
	[tilespmem:v7+s8+$0x0] =	vst.idx.add.s32.msk $0xffff, v4  }
0x2d1: {  	s21 =	sadd.s32 $0x30, s1;
	s2 =	sadd.s32 $0x30, s2;
	s7 =	sand.u32 $0xF80, s1;
	v7 =	vld [tilespmem:s4+$0x9080]  }
0x2d2: {  	s28 =	sand.u32 $0xFF80, s28;
	s29 =	sand.u32 $0xFF80, s29;
	s2 =	sand.u32 $0xFF80, s2;
	v8 =	vld [tilespmem:s4+$0x9081]  }
0x2d3: {  	s0 =	sand.u32 $0x70, s0;
	s3 =	sand.u32 $0x70, s3;
	s4 =	sadd.s32 s7, s14;
	[tilespmem:v6+s8+$0x0] =	vst.idx.add.s32.msk $0xffff, v4  }
0x2d4: {  	s21 =	sand.u32 $0x70, s21;
	s0 =	sor.u32 s0, s28;
	s7 =	sand.u32 $0x70, s1;
	[tilespmem:v5+s8+$0x0] =	vst.idx.add.s32.msk $0xffff, v4  }
0x2d5: {  	s3 =	sor.u32 s3, s29;
	s2 =	sor.u32 s21, s2;
	s4 =	sadd.s32 s7, s4;
	v10 =	vld [tilespmem:s0+$0x9080]  }
0x2d6: {  	v9 =	vld [tilespmem:s0+$0x9081]  }
0x2d7: {  	v11 =	vld [tilespmem:s3+$0x9080];
	v5 =	vmax.u32 v7, v8  }
0x2d8: {  	v12 =	vld [tilespmem:s3+$0x9081];
	v5 =	vand.u32 $0xFFFFFFF0, v5  }
0x2d9: {  	v6 =	vld [tilespmem:s2+$0x9080];
	v13 =	vor.u32 v1, v5  }
0x2da: {  	v14 =	vld [tilespmem:s2+$0x9081]  }
0x2db: {  	v5 =	vld [tilespmem:s4+$0x0];
	v9 =	vmax.u32 v10, v9  }
.Ltmp16:
0x2dc: {  	v8 =	vld [tilespmem:s4+$0x1];
	v9 =	vand.u32 $0xFFFFFFF0, v9;
	(pc) =	sbr.rel @p0 .LBB2_23-.Ltmp16, $4  }
0x2dd: {  	v9 =	vor.u32 v1, v9;
	v12 =	vmax.u32 v11, v12;
	[tilespmem:v7+s8+$0x0] =	vst.idx.add.s32.msk $0xffff, v3  }
0x2de: {  	v7 =	vand.u32 $0xFFFFFFF0, v12;
	[tilespmem:v13+s8+$0x0] =	vst.idx.add.s32.msk $0xffff, v4  }
0x2df: {  	[tilespmem:v10+s8+$0x0] =	vst.idx.add.s32.msk $0xffff, v3;
	v7 =	vor.u32 v1, v7;
	v10 =	vmax.u32 v6, v14  }
0x2e0: {  	s1 =	sadd.s32 $0x50, s1;
	[tilespmem:v11+s8+$0x0] =	vst.idx.add.s32.msk $0xffff, v3;
	v10 =	vand.u32 $0xFFFFFFF0, v10  }
.Ltmp17:
0x2e1: {  	_ = 	snop;
	(pc) =	sbr.rel .LBB2_24-.Ltmp17, $1  }
0x2e2: {  	_ =	sdelay $0x3  }
.LBB2_27:
0x2e3: {  	v5 =	vmul.u32 $0x10, v1  }
0x2e4: {  	s0 =	simm.s32 $0x1  }
0x2e5: {  	s1 =	simm.s32 $0x0;
	v6 =	vor.u32 s0, v5  }
0x2e6: {  	v7 =	vor.u32 s1, v5;
	s1 =	simm.s32 $0x2  }
0x2e7: {  	s2 =	simm.s32 $0x3;
	v8 =	vor.u32 s1, v5  }
0x2e8: {  	s3 =	simm.s32 $0x4;
	v9 =	vor.u32 s2, v5  }
0x2e9: {  	s4 =	simm.s32 $0x5;
	v10 =	vor.u32 s3, v5  }
0x2ea: {  	s13 =	simm.s32 $0x6;
	v11 =	vor.u32 s4, v5;
	v6 =	vld.idx.msk [tilespmem:v6+s8+$0x0], $0xffff  }
0x2eb: {  	s14 =	simm.s32 $0x7;
	v12 =	vor.u32 s13, v5;
	v7 =	vld.idx.msk [tilespmem:v7+s8+$0x0], $0xffff  }
0x2ec: {  	s16 =	simm.s32 $0x8;
	v13 =	vor.u32 s14, v5;
	v8 =	vld.idx.msk [tilespmem:v8+s8+$0x0], $0xffff  }
0x2ed: {  	s19 =	simm.s32 $0x9;
	v14 =	vor.u32 s16, v5;
	v9 =	vld.idx.msk [tilespmem:v9+s8+$0x0], $0xffff  }
0x2ee: {  	s20 =	simm.s32 $0xA;
	v15 =	vor.u32 s19, v5;
	v10 =	vld.idx.msk [tilespmem:v10+s8+$0x0], $0xffff  }
0x2ef: {  	s21 =	simm.s32 $0xB;
	v16 =	vor.u32 s20, v5;
	v11 =	vld.idx.msk [tilespmem:v11+s8+$0x0], $0xffff  }
0x2f0: {  	s22 =	simm.s32 $0xC;
	v17 =	vor.u32 s21, v5;
	v12 =	vld.idx.msk [tilespmem:v12+s8+$0x0], $0xffff;
	v6 =	vadd.s32 v7, v6  }
0x2f1: {  	s23 =	simm.s32 $0xD;
	v50 =	vor.u32 s22, v5;
	v7 =	vld.idx.msk [tilespmem:v13+s8+$0x0], $0xffff;
	v6 =	vadd.s32 v8, v6  }
0x2f2: {  	s24 =	simm.s32 $0xE;
	v51 =	vor.u32 s23, v5;
	v8 =	vld.idx.msk [tilespmem:v14+s8+$0x0], $0xffff;
	v6 =	vadd.s32 v9, v6  }
0x2f3: {  	s28 =	simm.s32 $0xF;
	v52 =	vor.u32 s24, v5;
	v9 =	vld.idx.msk [tilespmem:v15+s8+$0x0], $0xffff;
	v6 =	vadd.s32 v10, v6  }
0x2f4: {  	v53 =	vor.u32 s28, v5;
	v10 =	vld.idx.msk [tilespmem:v16+s8+$0x0], $0xffff;
	v6 =	vadd.s32 v11, v6  }
0x2f5: {  	v11 =	vld.idx.msk [tilespmem:v17+s8+$0x0], $0xffff;
	v6 =	vadd.s32 v12, v6  }
0x2f6: {  	v54 =	vld.idx.msk [tilespmem:v50+s8+$0x0], $0xffff;
	v6 =	vadd.s32 v7, v6  }
0x2f7: {  	v7 =	vld.idx.msk [tilespmem:v51+s8+$0x0], $0xffff;
	v6 =	vadd.s32 v8, v6  }
0x2f8: {  	v8 =	vld.idx.msk [tilespmem:v52+s8+$0x0], $0xffff;
	v6 =	vadd.s32 v9, v6  }
0x2f9: {  	v9 =	vld.idx.msk [tilespmem:v53+s8+$0x0], $0xffff;
	v6 =	vadd.s32 v10, v6  }
0x2fa: {  	s29 =	simm.s32 $0x101;
	v6 =	vadd.s32 v11, v6  }
0x2fb: {  	s31 =	simm.s32 $0x100;
	v10 =	vor.u32 s29, v5;
	v6 =	vadd.s32 v54, v6  }
0x2fc: {  	s2 =	simm.s32 $0x102;
	v11 =	vor.u32 s31, v5;
	v6 =	vadd.s32 v7, v6  }
0x2fd: {  	s3 =	simm.s32 $0x103;
	v7 =	vor.u32 s2, v5;
	v6 =	vadd.s32 v8, v6  }
0x2fe: {  	s16 =	simm.s32 $0x16100;
	s4 =	simm.s32 $0x104;
	v8 =	vor.u32 s3, v5;
	v6 =	vadd.s32 v9, v6  }
0x2ff: {  	s13 =	simm.s32 $0x105;
	v9 =	vor.u32 s4, v5;
	[tilespmem:s16+$0x0] =	vst v6  }
0x300: {  	s14 =	simm.s32 $0x106;
	v6 =	vld.idx.msk [tilespmem:v10+s8+$0x0], $0xffff;
	v10 =	vor.u32 s13, v5  }
0x301: {  	s19 =	simm.s32 $0x107;
	v55 =	vor.u32 s14, v5;
	v11 =	vld.idx.msk [tilespmem:v11+s8+$0x0], $0xffff  }
0x302: {  	s20 =	simm.s32 $0x108;
	v56 =	vor.u32 s19, v5;
	v7 =	vld.idx.msk [tilespmem:v7+s8+$0x0], $0xffff  }
0x303: {  	s21 =	simm.s32 $0x109;
	v57 =	vor.u32 s20, v5;
	v8 =	vld.idx.msk [tilespmem:v8+s8+$0x0], $0xffff  }
0x304: {  	s22 =	simm.s32 $0x10A;
	v58 =	vor.u32 s21, v5;
	v9 =	vld.idx.msk [tilespmem:v9+s8+$0x0], $0xffff  }
0x305: {  	s23 =	simm.s32 $0x10B;
	v59 =	vor.u32 s22, v5;
	v10 =	vld.idx.msk [tilespmem:v10+s8+$0x0], $0xffff  }
0x306: {  	s24 =	simm.s32 $0x10C;
	v60 =	vor.u32 s23, v5;
	v12 =	vld.idx.msk [tilespmem:v55+s8+$0x0], $0xffff;
	v6 =	vadd.s32 v11, v6  }
0x307: {  	s28 =	simm.s32 $0x10D;
	v11 =	vld.idx.msk [tilespmem:v56+s8+$0x0], $0xffff;
	v6 =	vadd.s32 v7, v6;
	v7 =	vor.u32 s24, v5  }
0x308: {  	s29 =	simm.s32 $0x10E;
	v61 =	vld.idx.msk [tilespmem:v57+s8+$0x0], $0xffff;
	v6 =	vadd.s32 v8, v6;
	v8 =	vor.u32 s28, v5  }
0x309: {  	s31 =	simm.s32 $0x10F;
	v63 =	vor.u32 s29, v5;
	v62 =	vld.idx.msk [tilespmem:v58+s8+$0x0], $0xffff;
	v6 =	vadd.s32 v9, v6  }
0x30a: {  	v16 =	vld.idx.msk [tilespmem:v59+s8+$0x0], $0xffff;
	v6 =	vadd.s32 v10, v6;
	v10 =	vor.u32 s31, v5  }
0x30b: {  	v17 =	vld.idx.msk [tilespmem:v60+s8+$0x0], $0xffff;
	v6 =	vadd.s32 v12, v6  }
0x30c: {  	v9 =	vld.idx.msk [tilespmem:v7+s8+$0x0], $0xffff;
	v6 =	vadd.s32 v11, v6  }
0x30d: {  	v8 =	vld.idx.msk [tilespmem:v8+s8+$0x0], $0xffff;
	v6 =	vadd.s32 v61, v6  }
0x30e: {  	v7 =	vld.idx.msk [tilespmem:v63+s8+$0x0], $0xffff;
	v6 =	vadd.s32 v62, v6  }
0x30f: {  	v11 =	vadd.s32 v16, v6;
	v6 =	vld.idx.msk [tilespmem:v10+s8+$0x0], $0xffff  }
0x310: {  	s1 =	simm.s32 $0x201;
	s14 =	simm.s32 $0x30F;
	s13 =	simm.s32 $0x20F;
	v10 =	vadd.s32 v17, v11  }
.LBB2_28:
0x311: {  	p0 =	sne.s32 s14, $0x3F0F;
	s0 =	sadd.s32 $0xFFFFFFF1, s13;
	v11 =	vor.u32 s1, v5;
	v9 =	vadd.s32 v9, v10  }
0x312: {  	v10 =	vor.u32 s0, v5;
	s0 =	sadd.s32 $0xFFFFFFF3, s13;
	v8 =	vadd.s32 v8, v9  }
0x313: {  	v9 =	vor.u32 s0, v5;
	s0 =	sadd.s32 $0xFFFFFFF4, s13;
	v7 =	vadd.s32 v7, v8  }
0x314: {  	s16 =	sadd.s32 $0x10, s16;
	v8 =	vor.u32 s0, v5;
	s0 =	sadd.s32 $0xFFFFFFF5, s13;
	v6 =	vadd.s32 v6, v7  }
0x315: {  	v7 =	vor.u32 s0, v5;
	s0 =	sadd.s32 $0xFFFFFFF6, s13;
	[tilespmem:s16+$0x0] =	vst v6  }
0x316: {  	v6 =	vld.idx.msk [tilespmem:v11+s8+$0x0], $0xffff;
	v11 =	vor.u32 s0, v5;
	s0 =	sadd.s32 $0xFFFFFFF7, s13  }
0x317: {  	v10 =	vld.idx.msk [tilespmem:v10+s8+$0x0], $0xffff;
	v12 =	vor.u32 s0, v5;
	s0 =	sadd.s32 $0xFFFFFFF8, s13  }
0x318: {  	v9 =	vld.idx.msk [tilespmem:v9+s8+$0x0], $0xffff;
	v13 =	vor.u32 s0, v5;
	s0 =	sadd.s32 $0xFFFFFFF9, s13  }
0x319: {  	v8 =	vld.idx.msk [tilespmem:v8+s8+$0x0], $0xffff;
	v14 =	vor.u32 s0, v5;
	s0 =	sadd.s32 $0xFFFFFFFA, s13  }
0x31a: {  	v7 =	vld.idx.msk [tilespmem:v7+s8+$0x0], $0xffff;
	v15 =	vor.u32 s0, v5;
	s0 =	sadd.s32 $0xFFFFFFFB, s13  }
0x31b: {  	v11 =	vld.idx.msk [tilespmem:v11+s8+$0x0], $0xffff;
	v16 =	vor.u32 s0, v5;
	s0 =	sadd.s32 $0xFFFFFFFC, s13  }
0x31c: {  	v12 =	vld.idx.msk [tilespmem:v12+s8+$0x0], $0xffff;
	v17 =	vor.u32 s0, v5;
	s0 =	sadd.s32 $0xFFFFFFFD, s13  }
0x31d: {  	v6 =	vadd.s32 v10, v6;
	v10 =	vld.idx.msk [tilespmem:v13+s8+$0x0], $0xffff;
	v13 =	vor.u32 s0, v5;
	s0 =	sadd.s32 $0xFFFFFFFE, s13  }
0x31e: {  	v6 =	vadd.s32 v9, v6;
	v14 =	vld.idx.msk [tilespmem:v14+s8+$0x0], $0xffff;
	v18 =	vor.u32 s0, v5;
	s0 =	sadd.s32 $0xFFFFFFFF, s13  }
0x31f: {  	v6 =	vadd.s32 v8, v6;
	v15 =	vld.idx.msk [tilespmem:v15+s8+$0x0], $0xffff;
	v19 =	vor.u32 s0, v5  }
0x320: {  	v20 =	vor.u32 s13, v5;
	s13 =	smov.u32 s14;
	v6 =	vadd.s32 v7, v6;
	v16 =	vld.idx.msk [tilespmem:v16+s8+$0x0], $0xffff  }
0x321: {  	v6 =	vadd.s32 v11, v6;
	v11 =	vld.idx.msk [tilespmem:v17+s8+$0x0], $0xffff  }
0x322: {  	v6 =	vadd.s32 v12, v6;
	v9 =	vld.idx.msk [tilespmem:v13+s8+$0x0], $0xffff  }
.Ltmp18:
0x323: {  	v6 =	vadd.s32 v10, v6;
	v8 =	vld.idx.msk [tilespmem:v18+s8+$0x0], $0xffff;
	(pc) =	sbr.rel @p0 .LBB2_28-.Ltmp18, $4  }
0x324: {  	v6 =	vadd.s32 v14, v6;
	v7 =	vld.idx.msk [tilespmem:v19+s8+$0x0], $0xffff  }
0x325: {  	v10 =	vadd.s32 v15, v6;
	v6 =	vld.idx.msk [tilespmem:v20+s8+$0x0], $0xffff  }
0x326: {  	v10 =	vadd.s32 v16, v10  }
0x327: {  	s14 =	sadd.s32 $0x100, s14;
	s1 =	sadd.s32 $0xFFFFFFF2, s13;
	v10 =	vadd.s32 v11, v10  }
0x328: {  	s0 =	sadd.s32 $0xFFFFFFF1, s13;
	v11 =	vor.u32 s1, v5;
	v9 =	vadd.s32 v9, v10  }
0x329: {  	s23 =	sadd.s32 $0xFFFFFFF3, s13;
	v50 =	vor.u32 s0, v5;
	v8 =	vadd.s32 v8, v9  }
0x32a: {  	s24 =	sadd.s32 $0xFFFFFFF4, s13;
	v51 =	vor.u32 s23, v5;
	v7 =	vadd.s32 v7, v8  }
0x32b: {  	s28 =	sadd.s32 $0xFFFFFFF5, s13;
	s29 =	sadd.s32 $0x10, s16;
	v52 =	vor.u32 s24, v5;
	v6 =	vadd.s32 v6, v7  }
0x32c: {  	s31 =	sadd.s32 $0xFFFFFFF6, s13;
	v7 =	vor.u32 s28, v5;
	[tilespmem:s29+$0x0] =	vst v6  }
0x32d: {  	s2 =	sadd.s32 $0xFFFFFFF7, s13;
	v53 =	vor.u32 s31, v5;
	v6 =	vld.idx.msk [tilespmem:v11+s8+$0x0], $0xffff  }
0x32e: {  	s3 =	sadd.s32 $0xFFFFFFF8, s13;
	v12 =	vor.u32 s2, v5;
	v10 =	vld.idx.msk [tilespmem:v50+s8+$0x0], $0xffff  }
0x32f: {  	s4 =	sadd.s32 $0xFFFFFFF9, s13;
	v13 =	vor.u32 s3, v5;
	v9 =	vld.idx.msk [tilespmem:v51+s8+$0x0], $0xffff  }
0x330: {  	s14 =	sadd.s32 $0xFFFFFFFA, s13;
	v14 =	vor.u32 s4, v5;
	v8 =	vld.idx.msk [tilespmem:v52+s8+$0x0], $0xffff  }
0x331: {  	s16 =	sadd.s32 $0xFFFFFFFB, s13;
	v15 =	vor.u32 s14, v5;
	v7 =	vld.idx.msk [tilespmem:v7+s8+$0x0], $0xffff  }
0x332: {  	s19 =	sadd.s32 $0xFFFFFFFC, s13;
	v16 =	vor.u32 s16, v5;
	v11 =	vld.idx.msk [tilespmem:v53+s8+$0x0], $0xffff  }
0x333: {  	s20 =	sadd.s32 $0xFFFFFFFD, s13;
	v17 =	vor.u32 s19, v5;
	v12 =	vld.idx.msk [tilespmem:v12+s8+$0x0], $0xffff;
	v6 =	vadd.s32 v10, v6  }
0x334: {  	s21 =	sadd.s32 $0xFFFFFFFE, s13;
	v55 =	vor.u32 s20, v5;
	v54 =	vld.idx.msk [tilespmem:v13+s8+$0x0], $0xffff;
	v6 =	vadd.s32 v9, v6  }
0x335: {  	s22 =	sadd.s32 $0xFFFFFFFF, s13;
	v57 =	vor.u32 s21, v5;
	v56 =	vld.idx.msk [tilespmem:v14+s8+$0x0], $0xffff;
	v6 =	vadd.s32 v8, v6  }
0x336: {  	v59 =	vor.u32 s22, v5;
	v58 =	vld.idx.msk [tilespmem:v15+s8+$0x0], $0xffff;
	v6 =	vadd.s32 v7, v6  }
0x337: {  	v5 =	vor.u32 s13, v5;
	v7 =	vld.idx.msk [tilespmem:v16+s8+$0x0], $0xffff;
	v6 =	vadd.s32 v11, v6  }
0x338: {  	v60 =	vld.idx.msk [tilespmem:v17+s8+$0x0], $0xffff;
	v6 =	vadd.s32 v12, v6  }
0x339: {  	v61 =	vld.idx.msk [tilespmem:v55+s8+$0x0], $0xffff;
	v6 =	vadd.s32 v54, v6  }
0x33a: {  	v62 =	vld.idx.msk [tilespmem:v57+s8+$0x0], $0xffff;
	v6 =	vadd.s32 v56, v6  }
0x33b: {  	v63 =	vld.idx.msk [tilespmem:v59+s8+$0x0], $0xffff;
	v6 =	vadd.s32 v58, v6  }
0x33c: {  	v5 =	vld.idx.msk [tilespmem:v5+s8+$0x0], $0xffff;
	v6 =	vadd.s32 v7, v6  }
0x33d: {  	v6 =	vadd.s32 v60, v6  }
0x33e: {  	v6 =	vadd.s32 v61, v6  }
0x33f: {  	v6 =	vadd.s32 v62, v6  }
0x340: {  	v6 =	vadd.s32 v63, v6  }
0x341: {  	s23 =	sadd.s32 $0x10, s29;
	v5 =	vadd.s32 v5, v6  }
0x342: {  	s24 =	rddreg [dreg:$0xd];
	s28 =	simm.s32 $0x16100;
	s29 =	simm.s32 $0x3;
	[tilespmem:s23+$0x0] =	vst v5  }
0x343: {  	[hbm4b:s24+s25] =	stream.strided.scatter [tilespmem:s28], [sflag:$0x3], $0x400, s26, s25, $0x38;
	[tilespmem:$0x16500] =	vst v63  }
0x344: {  	_ =	swait.ge [sflag:s29], $0x400  }
0x345: {  	s2 =	rddreg [dreg:$0x10]  }
0x346: {  	s31 =	rddreg [dreg:$0xe];
	s2 =	sadd.s32 $0x1, s2  }
0x347: {  	p0 =	sne.s32 s2, s31  }
.Ltmp19:
0x348: {  	_ = 	snop;
	(pc) =	sbr.rel @p0 .LBB2_1-.Ltmp19, $3  }
0x349: {  	_ =	sdelay $0x1  }
0x34a: {  	[sflag:s29] =	ssyncset.done $0x0  }
0x34b: {  	[sflag:s29] =	ssyncadd.s32 $0xFFFFFC00  }
0x34c: {  	_ =	sfence.sel $0x180000  }
0x34d: {  	[bflag:$0x0] =	sbarrier.arrive $0xFFFF  }
0x34e: {  	_ =	strace $0x90000047  }
0x34f: {  	s0 =	stileid.u32;
	[bflag:$0x2] =	sbarrier.arrive $0xFFFF  }
0x350: {  	p0 =	sne.s32 s0, $0x0;
	s0 =	rddreg [dreg:$0x2]  }
0x351: {  	s0 =	sadd.s32 @!p0 $0x100000, s0  }
0x352: {  	[sflag:s0] =	ssyncadd.tile.s32 @!p0 $0x1;
	_ =	shalt  }
.Lfunc_end2:
_tile_overlayer_lowered:
.L_overlay_start_2:
0x353: {  	(tag) =	ssettag $0x2  }
0x354: {  	s0 =	rddreg [dreg:$0x0];
	s2 =	stileid.u32  }
0x355: {  	s1 =	rddreg [dreg:$0x1];
	p0 =	sne.s32 s2, $0x0  }
0x356: {  	s3 =	rddreg [dreg:$0x2];
	[bflag:$0x3] =	sbarrier.arrive $0xFFFF;
	s2 =	simm.s32 @!p0 $0x1C03  }
0x357: {  	[timem:s3], [sflag:s2] =	dma.local @!p0 [hbm:s0], s1  }
0x358: {  	s0 =	simm.s32 @!p0 $0x3  }
0x359: {  	_ =	swait.ge @!p0 [sflag:s0], s1  }
0x35a: {  	s1 =	ssub.s32 @!p0 $0x0, s1;
	[sflag:s0] =	ssyncset.done @!p0 $0x0  }
0x35b: {  	[sflag:s0] =	ssyncadd.s32 @!p0 s1  }
0x35c: {  	[bflag:$0x3] =	sbarrier.arrive $0xFFFF  }
0x35d: {  	_ =	shalt  }

// kernel: kernel.7.cloned.1.call-start
scs
__scs_entry_jumppad:
0x0: {  	(pc) =	sbr.rel $0x88, $3  }
0x1: {  	(tag) =	ssettag $0x0;
	lr =	simm.s32 $0x1  }
0x2: {  	[smem:$0x3FA0] =	sst lr;
	_ =	strace $0xD0000000  }
0x3: {  	_ = 	snop  }
0x4: {  	_ = 	snop  }
0x5: {  	_ = 	snop  }
0x6: {  	_ = 	snop  }
0x7: {  	_ = 	snop  }
__scs_overlays_trampoline_lowered:
0x8: {  	[smem:$0x3FAF] =	sst s0  }
0x9: {  	[smem:$0x3FB0] =	sst s1  }
0xa: {  	[smem:$0x3FB1] =	sst s2  }
0xb: {  	[smem:$0x3FB2] =	sst s3  }
0xc: {  	[smem:$0x3FB3] =	sst s4  }
0xd: {  	[smem:$0x3FB4] =	sst s5  }
0xe: {  	[smem:$0x3FB5] =	sst s6  }
0xf: {  	[smem:$0x3FB6] =	sst s7  }
0x10: {  	[smem:$0x3FB7] =	sst s8  }
0x11: {  	[smem:$0x3FB8] =	sst s9;
	s0 =	simm.s32 @!p0 $0x0  }
0x12: {  	s1 =	sld [smem:$0x3F9E];
	s0 =	simm.s32 @p0 $0x1  }
0x13: {  	[smem:$0x3FB9] =	sst s0;
	s0 =	simm.s32 @!p1 $0x0  }
0x14: {  	s2 =	sld [smem:$0x3F9D];
	s0 =	simm.s32 @p1 $0x1  }
0x15: {  	[smem:$0x3FBA] =	sst s0;
	s0 =	simm.s32 @!p2 $0x0  }
0x16: {  	s3 =	sld [smem:$0x3FDB];
	s0 =	simm.s32 @p2 $0x1  }
0x17: {  	s4 =	simm.s32 $0x1BF5;
	[smem:$0x3FBC] =	sst s0  }
0x18: {  	s0 =	sld [smem:$0x3F9F];
	_ =	swait.ge [sflag:s4], $0x0  }
0x19: {  	s7 =	sld [smem:$0x3FA0]  }
0x1a: {  	s8 =	sadd.s32 $0xFFFFE003, lr  }
0x1b: {  	s9 =	sadd.s32 $0xFFFFFEF7, lr;
	s5 =	simm.s32 $0xFFFFFFFF;
	p2 =	slt.u32 s8, $0xFFFFF086  }
0x1c: {  	p1 =	slt.u32 s9, $0xF7A;
	s5 =	simm.s32 @!p2 $0x0  }
0x1d: {  	s5 =	simm.s32 @p1 $0x1;
	p0 =	seq.s32 s7, s2  }
0x1e: {  	s7 =	smul.u32 @!p0 $0xF7A, s2;
	p2 =	seq.s32 @!p0 s5, $0x0  }
0x1f: {  	s9 =	smul.u32 $0xF7A, s1;
	s8 =	simm.s32 @!p0 $0x1BF5;
	p2 =	por !p2, p0  }
0x20: {  	[sflag:s8] =	ssyncset.s32 @!p0 $0xFFFFF086;
	s6 =	sadd.s32 @!p0 s3, s7;
	s7 =	simm.s32 @!p0 $0x108  }
0x21: {  	s3 =	sadd.s32 s3, s9;
	s6 =	sadd.s32 @!p0 $0x88, s6;
	s7 =	simm.s32 @p2 $0x1082  }
0x22: {  	[simem:s7], [sflag:s8] =	dma.local @!p0 [hbm:s6], $0xF7A  }
0x23: {  	s9 =	sor.u32 $0xD0000000, s2;
	s6 =	simm.s32 $0x108;
	_ =	swait.ge @!p0 [sflag:s8], $0x0  }
0x24: {  	s3 =	sadd.s32 $0x88, s3;
	s6 =	simm.s32 @!p1 $0x1082;
	[sflag:s4] =	ssyncset.s32 $0xFFFFF086  }
0x25: {  	[simem:s6], [sflag:s4] =	dma.local [hbm:s3], $0xF7A  }
0x26: {  	[smem:$0x3FA0] =	sst s1;
	(tag) =	ssettag s2;
	_ =	strace s9  }
0x27: {  	s1 =	sld [smem:$0x3FB0]  }
0x28: {  	s2 =	sld [smem:$0x3FB1]  }
0x29: {  	s4 =	sld [smem:$0x3FB3]  }
0x2a: {  	p0 =	seq.s32 s5, $0x0;
	s5 =	sld [smem:$0x3FB4]  }
0x2b: {  	s6 =	sld [smem:$0x3FB5]  }
0x2c: {  	s7 =	sld [smem:$0x3FB6]  }
0x2d: {  	s3 =	simm.s32 $0x108;
	s8 =	sld [smem:$0x3FB7]  }
0x2e: {  	s3 =	simm.s32 @!p0 $0x1082;
	s9 =	sld [smem:$0x3FB8]  }
0x2f: {  	lr =	sadd.s32 s0, s3;
	s0 =	sld [smem:$0x3FAF]  }
0x30: {  	s3 =	sld [smem:$0x3FB2]  }
0x31: {  	[smem:$0x3FBB] =	sst s10  }
0x32: {  	s10 =	sld [smem:$0x3FB9];
	_ =	sdelay $0x3  }
0x33: {  	p0 =	seq.s32 s10, $0x1;
	s10 =	sld [smem:$0x3FBB];
	_ =	sdelay $0x3  }
0x34: {  	[smem:$0x3FBB] =	sst s10  }
0x35: {  	s10 =	sld [smem:$0x3FBA];
	_ =	sdelay $0x3  }
0x36: {  	p1 =	seq.s32 s10, $0x1;
	s10 =	sld [smem:$0x3FBB];
	_ =	sdelay $0x3  }
0x37: {  	[smem:$0x3FBB] =	sst s10  }
0x38: {  	s10 =	sld [smem:$0x3FBC]  }
0x39: {  	_ = 	snop;
	(pc) =	sbr.ind lr, $3  }
0x3a: {  	_ = 	snop  }
0x3b: {  	_ = 	snop  }
0x3c: {  	p2 =	seq.s32 s10, $0x1;
	s10 =	sld [smem:$0x3FBB]  }
0x3d: {  	_ =	shalt  }
0x3e: {  	_ =	shalt  }
0x3f: {  	_ =	shalt  }
0x40: {  	_ =	shalt  }
0x41: {  	_ =	shalt  }
0x42: {  	_ =	shalt  }
0x43: {  	_ =	shalt  }
0x44: {  	_ =	shalt  }
0x45: {  	_ =	shalt  }
0x46: {  	_ =	shalt  }
0x47: {  	_ =	shalt  }
0x48: {  	_ =	shalt  }
0x49: {  	_ =	shalt  }
0x4a: {  	_ =	shalt  }
0x4b: {  	_ =	shalt  }
0x4c: {  	_ =	shalt  }
0x4d: {  	_ =	shalt  }
0x4e: {  	_ =	shalt  }
0x4f: {  	_ =	shalt  }
0x50: {  	_ =	shalt  }
0x51: {  	_ =	shalt  }
0x52: {  	_ =	shalt  }
0x53: {  	_ =	shalt  }
0x54: {  	_ =	shalt  }
0x55: {  	_ =	shalt  }
0x56: {  	_ =	shalt  }
0x57: {  	_ =	shalt  }
0x58: {  	_ =	shalt  }
0x59: {  	_ =	shalt  }
0x5a: {  	_ =	shalt  }
0x5b: {  	_ =	shalt  }
0x5c: {  	_ =	shalt  }
0x5d: {  	_ =	shalt  }
0x5e: {  	_ =	shalt  }
0x5f: {  	_ =	shalt  }
0x60: {  	_ =	shalt  }
0x61: {  	_ =	shalt  }
0x62: {  	_ =	shalt  }
0x63: {  	_ =	shalt  }
0x64: {  	_ =	shalt  }
0x65: {  	_ =	shalt  }
0x66: {  	_ =	shalt  }
0x67: {  	_ =	shalt  }
0x68: {  	_ =	shalt  }
0x69: {  	_ =	shalt  }
0x6a: {  	_ =	shalt  }
0x6b: {  	_ =	shalt  }
0x6c: {  	_ =	shalt  }
0x6d: {  	_ =	shalt  }
0x6e: {  	_ =	shalt  }
0x6f: {  	_ =	shalt  }
0x70: {  	_ =	shalt  }
0x71: {  	_ =	shalt  }
0x72: {  	_ =	shalt  }
0x73: {  	_ =	shalt  }
0x74: {  	_ =	shalt  }
0x75: {  	_ =	shalt  }
0x76: {  	_ =	shalt  }
0x77: {  	_ =	shalt  }
0x78: {  	_ =	shalt  }
0x79: {  	_ =	shalt  }
0x7a: {  	_ =	shalt  }
0x7b: {  	_ =	shalt  }
0x7c: {  	_ =	shalt  }
0x7d: {  	_ =	shalt  }
0x7e: {  	_ =	shalt  }
0x7f: {  	_ =	shalt  }
0x80: {  	_ =	shalt  }
0x81: {  	_ =	shalt  }
0x82: {  	_ =	shalt  }
0x83: {  	_ =	shalt  }
0x84: {  	_ =	shalt  }
0x85: {  	_ =	shalt  }
0x86: {  	_ =	shalt  }
0x87: {  	_ =	shalt  }
.Lfunc_end0:
.L_simem_size_0:
called_computation.1_lowered:
.L_overlay_start_0:
0x88: {  	s2 =	sld [smem:$0x3FD9]  }
0x89: {  	s3 =	sld [smem:$0x3FFE];
	_ =	sdelay $0x1  }
0x8a: {  	s1 =	srdreg.scid  }
0x8b: {  	s0 =	sand.u32 $0x1, s1  }
0x8c: {  	s17 =	sshll.u32 s0, $0xA;
	s2 =	sadd.s32 s3, s2  }
0x8d: {  	s2 =	sadd.s32 s2, s17  }
0x8e: {  	[smem:$0x3FC7] =	sst s2  }
0x8f: {  	_ = 	snop  }
0x90: {  	s2 =	sld [smem:$0x3FD0];
	(tm) =	ssettm $0x1  }
0x91: {  	s18 =	sld [smem:$0x3FFB];
	_ =	sdelay $0x3  }
0x92: {  	_ =	strace s18  }
0x93: {  	s3 =	sld [smem:$0x3FFC];
	_ =	sdelay $0x3  }
0x94: {  	_ =	strace s3  }
0x95: {  	s3 =	sld [smem:$0x3FFD];
	_ =	sdelay $0x3  }
0x96: {  	_ =	strace s3  }
0x97: {  	_ =	strace $0x8FFFFFFF  }
0x98: {  	s19 =	sld [smem:$0x3FDB];
	_ =	sdelay $0x1  }
0x99: {  	s4 =	simm.s32 $_scs_section_size  }
0x9a: {  	s5 =	simm.s32 $_size__tile_overlayer_lowered;
	s6 =	simm.s32 $_tile_overlayer_lowered  }
0x9b: {  	s22 =	simm.s32 $0x1BFF;
	s21 =	sshll.u32 s6, $0x1;
	s3 =	sadd.s32 s4, s19  }
0x9c: {  	s7 =	simm.s32 $0x0;
	s20 =	sshll.u32 s5, $0x1;
	s5 =	sadd.s32 s21, s3  }
0x9d: {  	[timem:s7], [sflag:s22] =	dma.local [hbm:s5], s20  }
0x9e: {  	_ =	swait.ge [sflag:s22], s20  }
0x9f: {  	s4 =	ssub.s32 $0x0, s20;
	[sflag:s22] =	ssyncset.done $0x0  }
0xa0: {  	[sflag:s22] =	ssyncadd.s32 s4;
	_ =	sdelay $0x1  }
0xa1: {  	s23 =	simm.s32 $0x1B8B  }
0xa2: {  	_ =	swait.ge [sflag:s23], $0x1  }
0xa3: {  	[sflag:s23] =	ssyncset.done $0x0  }
0xa4: {  	s25 =	simm.s32 $0x1B8E;
	s24 =	sld [smem:$0x3FFE];
	[sflag:s23] =	ssyncadd.s32 $0xFFFFFFFF  }
0xa5: {  	s26 =	simm.s32 $execute0_lowered;
	[smem:$0x3FD2] =	sst s25  }
0xa6: {  	s5 =	sshll.u32 s26, $0x1;
	_ =	strace $0x80000049;
	[dreg:$0x1] =	wrdreg $0xFFFFFFFF  }
0xa7: {  	s28 =	simm.s32 $_size_execute0_lowered;
	s3 =	sadd.s32 s3, s5;
	[dreg:$0x0] =	wrdreg $0x0  }
0xa8: {  	s5 =	sshll.u32 s28, $0x1;
	[dreg:$0x2] =	wrdreg s3  }
0xa9: {  	[dreg:$0x3] =	wrdreg s5  }
0xaa: {  	[dreg:$0x4] =	wrdreg $0xC0  }
0xab: {  	_ =	task [dreg:s7], $0x5FFFF  }
0xac: {  	[dreg:$0x1] =	wrdreg $0xFFFFFFFF  }
0xad: {  	[dreg:$0x0] =	wrdreg $0x60  }
0xae: {  	[dreg:$0x2] =	wrdreg s24  }
0xaf: {  	[dreg:$0x3] =	wrdreg s2  }
0xb0: {  	[dreg:$0x4] =	wrdreg $0x9  }
0xb1: {  	_ =	task.clear_ibuf [dreg:s7], $0x5FFFF;
	_ =	strace $0x90000049  }
0xb2: {  	s29 =	simm.s32 $0x9;
	_ =	strace $0x8000004B  }
0xb3: {  	_ =	swait.ge [sflag:s29], $0x1  }
0xb4: {  	[sflag:s29] =	ssyncadd.s32 $0xFFFFFFFF  }
0xb5: {  	_ =	strace $0x9000004B  }
0xb6: {  	_ =	sfence  }
0xb7: {  	s30 =	sld [smem:$0x0];
	_ =	sdelay $0x2  }
0xb8: {  	s31 =	sshll.u32 s1, $0xD;
	s1 =	sshrl.u32 s1, $0x2  }
0xb9: {  	s3 =	sand.u32 $0x4000, s31;
	s1 =	sadd.s32 s1, s30  }
0xba: {  	s0 =	sor.u32 s3, s0;
	s1 =	sshll.u32 s1, $0x11  }
0xbb: {  	s0 =	sor.u32 s1, s0  }
0xbc: {  	s0 =	sadd.s32 $0x8F2B, s0  }
0xbd: {  	[sflag:s0] =	ssyncadd.remote.s32 $0x1  }
0xbe: {  	_ =	sfence.sel $0xFFFF  }
0xbf: {  	[dreg:$0x0] =	wrdreg $0xFFFFFFFF;
	(pc) =	sbr.abs _section_cstart, $3  }
0xc0: {  	[dreg:$0x1] =	wrdreg $0xFFFFFFFF  }
0xc1: {  	_ =	task.clear_ibuf [dreg:s7], $0x2FFFF;
	_ =	strace $0x9FFFFFFF  }
0xc2: {  	(tm) =	ssettm $0x7FFFFFFF  }
0xc3: {  	_ =	shalt  }
tec
execute0_lowered:
.L_overlay_start_1:
0x0: {  	(tag) =	ssettag $0x1  }
0x1: {  	s0 =	srdreg.scid  }
0x2: {  	s4 =	sand.u32 $0x1, s0;
	s0 =	stileid.u32  }
0x3: {  	s5 =	sshll.u32 s0, $0x1;
	s6 =	ssub.s32 $0x0, s4  }
0x4: {  	p0 =	sne.s32 s5, s6  }
.Ltmp0:
0x5: {  	_ = 	snop;
	(pc) =	sbr.rel @p0 .LBB2_5-.Ltmp0, $4  }
0x6: {  	_ = 	snop  }
0x7: {  	s3 =	rddreg [dreg:$0x0]  }
0x8: {  	s2 =	rddreg [dreg:$0x1]  }
0x9: {  	s1 =	rddreg [dreg:$0x2];
	_ =	strace $0x8000004A  }
0xa: {  	s4 =	ssub.s32 $0x2, s4  }
0xb: {  	s3 =	sadd.s32 $0x800, s3;
	s5 =	sshrl.u32 s4, $0x1  }
0xc: {  	v0 =	vimm.s32 $0x0;
	vm0 =	vcmask $0x300;
	s6 =	simm.s32 $0x1;
	s7 =	simm.s32 $0x8000;
	s4 =	ssub.s32 s4, s5  }
0xd: {  	v2 =	vimm.s32 $0xF;
	s8 =	simm.s32 $0x0;
	v1 =	vsel vm0, $0xFFFFFFFF, v0;
	s5 =	simm.s32 $0x0;
	s4 =	smax.u32 s4, $0x1  }
.LBB2_2:
0xe: {  	[tilespmem:s5], [sflag:$0x1] =	stream.linear.gather [hbm4b:s3+s5], $0x8000, $0x38;
	[tilespmem:$0x8400] =	vst v63  }
0xf: {  	_ =	swait.ge [sflag:s6], $0x8000  }
0x10: {  	s9 =	sand.u32 $0x70, s5;
	s10 =	sand.u32 $0x1C00, s5;
	[sflag:s6] =	ssyncset.done $0x0  }
0x11: {  	s9 =	sor.u32 s9, s10;
	[sflag:s6] =	ssyncadd.s32 $0xFFFF8000  }
0x12: {  	v3 =	vld [tilespmem:s9+$0x0]  }
0x13: {  	v4 =	vld [tilespmem:s9+$0x80]  }
0x14: {  	v5 =	vld [tilespmem:s9+$0x100]  }
0x15: {  	v6 =	vld [tilespmem:s9+$0x180]  }
0x16: {  	v8 =	vand.u32 v1, v0;
	v7 =	vld [tilespmem:s9+$0x200]  }
0x17: {  	v9 =	vld [tilespmem:s9+$0x280];
	v3 =	vadd.s32 v8, v3  }
0x18: {  	v47 =	vld [tilespmem:s9+$0x300];
	v3 =	vadd.s32 v4, v3  }
0x19: {  	v4 =	vld [tilespmem:s9+$0x380];
	v3 =	vadd.s32 v5, v3  }
0x1a: {  	v5 =	vld [tilespmem:s9+$0x2000];
	v3 =	vadd.s32 v6, v3  }
0x1b: {  	v48 =	vld [tilespmem:s9+$0x2080];
	v3 =	vadd.s32 v7, v3  }
0x1c: {  	v49 =	vld [tilespmem:s9+$0x2100];
	v3 =	vadd.s32 v9, v3  }
0x1d: {  	v50 =	vld [tilespmem:s9+$0x2180];
	v3 =	vadd.s32 v47, v3  }
0x1e: {  	v51 =	vld [tilespmem:s9+$0x2200];
	v3 =	vadd.s32 v4, v3  }
0x1f: {  	v4 =	vld [tilespmem:s9+$0x2280];
	v3 =	vadd.s32 v5, v3  }
0x20: {  	v5 =	vld [tilespmem:s9+$0x2300];
	v3 =	vadd.s32 v48, v3  }
0x21: {  	v52 =	vld [tilespmem:s9+$0x2380];
	v3 =	vadd.s32 v49, v3  }
0x22: {  	v53 =	vld [tilespmem:s9+$0x4000];
	v3 =	vadd.s32 v50, v3  }
0x23: {  	v54 =	vld [tilespmem:s9+$0x4080];
	v3 =	vadd.s32 v51, v3  }
0x24: {  	v55 =	vld [tilespmem:s9+$0x4100];
	v3 =	vadd.s32 v4, v3  }
0x25: {  	v4 =	vld [tilespmem:s9+$0x4180];
	v3 =	vadd.s32 v5, v3  }
0x26: {  	v5 =	vld [tilespmem:s9+$0x4200];
	v3 =	vadd.s32 v52, v3  }
0x27: {  	v56 =	vld [tilespmem:s9+$0x4280];
	v3 =	vadd.s32 v53, v3  }
0x28: {  	v57 =	vld [tilespmem:s9+$0x4300];
	v3 =	vadd.s32 v54, v3  }
0x29: {  	v58 =	vld [tilespmem:s9+$0x4380];
	v3 =	vadd.s32 v55, v3  }
0x2a: {  	v59 =	vld [tilespmem:s9+$0x6000];
	v3 =	vadd.s32 v4, v3  }
0x2b: {  	v4 =	vld [tilespmem:s9+$0x6080];
	v3 =	vadd.s32 v5, v3  }
0x2c: {  	v5 =	vld [tilespmem:s9+$0x6100];
	v3 =	vadd.s32 v56, v3  }
0x2d: {  	v60 =	vld [tilespmem:s9+$0x6180];
	v3 =	vadd.s32 v57, v3  }
0x2e: {  	v61 =	vld [tilespmem:s9+$0x6200];
	v3 =	vadd.s32 v58, v3  }
0x2f: {  	v62 =	vld [tilespmem:s9+$0x6280];
	v3 =	vadd.s32 v59, v3  }
0x30: {  	v63 =	vld [tilespmem:s9+$0x6300];
	v3 =	vadd.s32 v4, v3  }
0x31: {  	v4 =	vld [tilespmem:s9+$0x6380];
	v3 =	vadd.s32 v5, v3  }
0x32: {  	v3 =	vadd.s32 v60, v3  }
0x33: {  	v3 =	vadd.s32 v61, v3  }
0x34: {  	v3 =	vadd.s32 v62, v3  }
0x35: {  	v3 =	vadd.s32 v63, v3  }
0x36: {  	v3 =	vadd.s32 v4, v3  }
0x37: {  	(xrf0) =	vadd.scan.msk.s32 $0xffff, v3;
	_ =	sdelay $0x4  }
0x38: {  	s31 =	simm.s32 $0x10;
	s11 =	simm.s32 $0x20;
	s10 =	simm.s32 $0x80  }
0x39: {  	s12 =	sand.u32 $0x70, s31;
	s13 =	sand.u32 $0x1C00, s10;
	s9 =	simm.s32 $0x8000;
	v3, _, _ =	vpop (xrf0)  }
.LBB2_3:
0x3a: {  	p0 =	sne.s32 s11, $0x3F0;
	s12 =	sor.u32 s12, s13;
	[tilespmem:s9+$0x0] =	vst v3;
	v3 =	vperm.xlane v3, v2  }
0x3b: {  	v4 =	vld [tilespmem:s12+$0x0]  }
0x3c: {  	v5 =	vld [tilespmem:s12+$0x80]  }
0x3d: {  	v6 =	vld [tilespmem:s12+$0x100]  }
0x3e: {  	v7 =	vld [tilespmem:s12+$0x180]  }
0x3f: {  	v3 =	vand.u32 v1, v3;
	v8 =	vld [tilespmem:s12+$0x200]  }
0x40: {  	v9 =	vld [tilespmem:s12+$0x280];
	v3 =	vadd.s32 v3, v4  }
0x41: {  	v4 =	vld [tilespmem:s12+$0x300];
	v3 =	vadd.s32 v5, v3  }
0x42: {  	v5 =	vld [tilespmem:s12+$0x380];
	v3 =	vadd.s32 v6, v3  }
0x43: {  	v6 =	vld [tilespmem:s12+$0x2000];
	v3 =	vadd.s32 v7, v3  }
0x44: {  	v7 =	vld [tilespmem:s12+$0x2080];
	v3 =	vadd.s32 v8, v3  }
0x45: {  	v8 =	vld [tilespmem:s12+$0x2100];
	v3 =	vadd.s32 v9, v3  }
0x46: {  	v9 =	vld [tilespmem:s12+$0x2180];
	v3 =	vadd.s32 v4, v3  }
0x47: {  	v4 =	vld [tilespmem:s12+$0x2200];
	v3 =	vadd.s32 v5, v3  }
0x48: {  	v5 =	vld [tilespmem:s12+$0x2280];
	v3 =	vadd.s32 v6, v3  }
0x49: {  	v6 =	vld [tilespmem:s12+$0x2300];
	v3 =	vadd.s32 v7, v3  }
0x4a: {  	v7 =	vld [tilespmem:s12+$0x2380];
	v3 =	vadd.s32 v8, v3  }
0x4b: {  	v8 =	vld [tilespmem:s12+$0x4000];
	v3 =	vadd.s32 v9, v3  }
0x4c: {  	v9 =	vld [tilespmem:s12+$0x4080];
	v3 =	vadd.s32 v4, v3  }
0x4d: {  	v4 =	vld [tilespmem:s12+$0x4100];
	v3 =	vadd.s32 v5, v3  }
0x4e: {  	v5 =	vld [tilespmem:s12+$0x4180];
	v3 =	vadd.s32 v6, v3  }
0x4f: {  	v6 =	vld [tilespmem:s12+$0x4200];
	v3 =	vadd.s32 v7, v3  }
0x50: {  	v7 =	vld [tilespmem:s12+$0x4280];
	v3 =	vadd.s32 v8, v3  }
0x51: {  	v8 =	vld [tilespmem:s12+$0x4300];
	v3 =	vadd.s32 v9, v3  }
0x52: {  	v9 =	vld [tilespmem:s12+$0x4380];
	v3 =	vadd.s32 v4, v3  }
0x53: {  	v4 =	vld [tilespmem:s12+$0x6000];
	v3 =	vadd.s32 v5, v3  }
0x54: {  	v5 =	vld [tilespmem:s12+$0x6080];
	v3 =	vadd.s32 v6, v3  }
0x55: {  	v6 =	vld [tilespmem:s12+$0x6100];
	v3 =	vadd.s32 v7, v3  }
0x56: {  	v7 =	vld [tilespmem:s12+$0x6180];
	v3 =	vadd.s32 v8, v3  }
0x57: {  	v8 =	vld [tilespmem:s12+$0x6200];
	v3 =	vadd.s32 v9, v3  }
0x58: {  	v9 =	vld [tilespmem:s12+$0x6280];
	v3 =	vadd.s32 v4, v3  }
0x59: {  	v4 =	vld [tilespmem:s12+$0x6300];
	v3 =	vadd.s32 v5, v3  }
0x5a: {  	v5 =	vld [tilespmem:s12+$0x6380];
	v3 =	vadd.s32 v6, v3  }
0x5b: {  	v3 =	vadd.s32 v7, v3  }
0x5c: {  	v3 =	vadd.s32 v8, v3  }
0x5d: {  	v3 =	vadd.s32 v9, v3  }
0x5e: {  	v3 =	vadd.s32 v4, v3  }
0x5f: {  	v3 =	vadd.s32 v5, v3  }
0x60: {  	(xrf0) =	vadd.scan.msk.s32 $0xffff, v3;
	_ =	sdelay $0x1  }
.Ltmp1:
0x61: {  	(pc) =	sbr.rel @p0 .LBB2_3-.Ltmp1, $3  }
0x62: {  	_ =	sdelay $0x1  }
0x63: {  	s10 =	sadd.s32 $0x80, s10;
	s9 =	sadd.s32 $0x10, s9  }
0x64: {  	s13 =	sand.u32 $0x1C00, s10;
	s12 =	sand.u32 $0x70, s11;
	s11 =	sadd.s32 $0x10, s11;
	v3, _, _ =	vpop (xrf0)  }
0x65: {  	s10 =	sor.u32 s12, s13;
	[tilespmem:s9+$0x0] =	vst v3  }
0x66: {  	v4 =	vld [tilespmem:s10+$0x0]  }
0x67: {  	v5 =	vld [tilespmem:s10+$0x80]  }
0x68: {  	v3 =	vperm.xlane v3, v2;
	v6 =	vld [tilespmem:s10+$0x100]  }
0x69: {  	v7 =	vld [tilespmem:s10+$0x180]  }
0x6a: {  	v8 =	vld [tilespmem:s10+$0x200];
	v3 =	vand.u32 v1, v3  }
0x6b: {  	v9 =	vld [tilespmem:s10+$0x280];
	v3 =	vadd.s32 v3, v4  }
0x6c: {  	v38 =	vld [tilespmem:s10+$0x300];
	v3 =	vadd.s32 v5, v3  }
0x6d: {  	v39 =	vld [tilespmem:s10+$0x380];
	v3 =	vadd.s32 v6, v3  }
0x6e: {  	v40 =	vld [tilespmem:s10+$0x2000];
	v3 =	vadd.s32 v7, v3  }
0x6f: {  	v41 =	vld [tilespmem:s10+$0x2080];
	v3 =	vadd.s32 v8, v3  }
0x70: {  	v42 =	vld [tilespmem:s10+$0x2100];
	v3 =	vadd.s32 v9, v3  }
0x71: {  	v43 =	vld [tilespmem:s10+$0x2180];
	v3 =	vadd.s32 v38, v3  }
0x72: {  	v44 =	vld [tilespmem:s10+$0x2200];
	v3 =	vadd.s32 v39, v3  }
0x73: {  	v45 =	vld [tilespmem:s10+$0x2280];
	v3 =	vadd.s32 v40, v3  }
0x74: {  	v46 =	vld [tilespmem:s10+$0x2300];
	v3 =	vadd.s32 v41, v3  }
0x75: {  	v47 =	vld [tilespmem:s10+$0x2380];
	v3 =	vadd.s32 v42, v3  }
0x76: {  	v48 =	vld [tilespmem:s10+$0x4000];
	v3 =	vadd.s32 v43, v3  }
0x77: {  	v49 =	vld [tilespmem:s10+$0x4080];
	v3 =	vadd.s32 v44, v3  }
0x78: {  	v50 =	vld [tilespmem:s10+$0x4100];
	v3 =	vadd.s32 v45, v3  }
0x79: {  	v51 =	vld [tilespmem:s10+$0x4180];
	v3 =	vadd.s32 v46, v3  }
0x7a: {  	v52 =	vld [tilespmem:s10+$0x4200];
	v3 =	vadd.s32 v47, v3  }
0x7b: {  	v53 =	vld [tilespmem:s10+$0x4280];
	v3 =	vadd.s32 v48, v3  }
0x7c: {  	v54 =	vld [tilespmem:s10+$0x4300];
	v3 =	vadd.s32 v49, v3  }
0x7d: {  	v55 =	vld [tilespmem:s10+$0x4380];
	v3 =	vadd.s32 v50, v3  }
0x7e: {  	v56 =	vld [tilespmem:s10+$0x6000];
	v3 =	vadd.s32 v51, v3  }
0x7f: {  	v57 =	vld [tilespmem:s10+$0x6080];
	v3 =	vadd.s32 v52, v3  }
0x80: {  	v58 =	vld [tilespmem:s10+$0x6100];
	v3 =	vadd.s32 v53, v3  }
0x81: {  	v59 =	vld [tilespmem:s10+$0x6180];
	v3 =	vadd.s32 v54, v3  }
0x82: {  	v60 =	vld [tilespmem:s10+$0x6200];
	v3 =	vadd.s32 v55, v3  }
0x83: {  	v61 =	vld [tilespmem:s10+$0x6280];
	v3 =	vadd.s32 v56, v3  }
0x84: {  	v62 =	vld [tilespmem:s10+$0x6300];
	v3 =	vadd.s32 v57, v3  }
0x85: {  	v63 =	vld [tilespmem:s10+$0x6380];
	v3 =	vadd.s32 v58, v3  }
0x86: {  	v3 =	vadd.s32 v59, v3  }
0x87: {  	v3 =	vadd.s32 v60, v3  }
0x88: {  	v3 =	vadd.s32 v61, v3  }
0x89: {  	v3 =	vadd.s32 v62, v3  }
0x8a: {  	v3 =	vadd.s32 v63, v3  }
0x8b: {  	(xrf0) =	vadd.scan.msk.s32 $0xffff, v3;
	_ =	sdelay $0x4  }
0x8c: {  	s8 =	sadd.s32 $0x1, s8  }
0x8d: {  	s31 =	sadd.s32 $0x10, s9;
	p0 =	sne.s32 s8, s4;
	v3, _, _ =	vpop (xrf0)  }
.Ltmp2:
0x8e: {  	[tilespmem:s31+$0x0] =	vst v3;
	(pc) =	sbr.rel @p0 .LBB2_2-.Ltmp2, $4  }
0x8f: {  	[hbm4b:s2+s5] =	stream.linear.scatter [tilespmem:s7], [sflag:$0x1], $0x400, $0x38;
	[tilespmem:$0x8400] =	vst v63  }
0x90: {  	_ =	swait.ge [sflag:s6], $0x400  }
0x91: {  	[sflag:s6] =	ssyncset.done $0x0  }
0x92: {  	[sflag:s6] =	ssyncadd.s32 $0xFFFFFC00  }
.LBB2_5:
0x93: {  	_ =	sfence.sel $0x180000  }
0x94: {  	[bflag:$0x0] =	sbarrier.arrive $0xFFFF  }
0x95: {  	p0 =	sne.s32 s0, $0x0;
	_ =	strace $0x9000004A  }
0x96: {  	s0 =	sadd.s32 @!p0 $0x100000, s1;
	[bflag:$0x2] =	sbarrier.arrive $0xFFFF  }
0x97: {  	[sflag:s0] =	ssyncadd.tile.s32 @!p0 $0x1;
	_ =	shalt  }
.Lfunc_end2:
_tile_overlayer_lowered:
.L_overlay_start_2:
0x98: {  	(tag) =	ssettag $0x2  }
0x99: {  	s0 =	rddreg [dreg:$0x0];
	s2 =	stileid.u32  }
0x9a: {  	s1 =	rddreg [dreg:$0x1];
	p0 =	sne.s32 s2, $0x0  }
0x9b: {  	s3 =	rddreg [dreg:$0x2];
	[bflag:$0x3] =	sbarrier.arrive $0xFFFF;
	s2 =	simm.s32 @!p0 $0x1C01  }
0x9c: {  	[timem:s3], [sflag:s2] =	dma.local @!p0 [hbm:s0], s1  }
0x9d: {  	s0 =	simm.s32 @!p0 $0x1  }
0x9e: {  	_ =	swait.ge @!p0 [sflag:s0], s1  }
0x9f: {  	s1 =	ssub.s32 @!p0 $0x0, s1;
	[sflag:s0] =	ssyncset.done @!p0 $0x0  }
0xa0: {  	[sflag:s0] =	ssyncadd.s32 @!p0 s1  }
0xa1: {  	[bflag:$0x3] =	sbarrier.arrive $0xFFFF  }
0xa2: {  	_ =	shalt  }

</sc_bundles>
